<compile_context>
chip_gen: v7x
topology: tpu7x:2x2x1
jax: 0.10.2.dev20260603
libtpu: 0.0.44.dev20260713+nightly
codegen_flags: <defaults>
</compile_context>

<pallas_src>
import functools

import jax
import jax.numpy as jnp
from jax import lax
from jax.experimental import pallas as pl
from jax.experimental.pallas import tpu as pltpu
from jax.experimental.pallas import tpu_sc as plsc

N_ROWS = 16384
N_COLS = 1000
LANES = 16
NUM_CORES = 2
NUM_SUBCORES = 16
NUM_WORKERS = NUM_CORES * NUM_SUBCORES
ROWS_PER_W = N_ROWS // NUM_WORKERS
BLK_ROWS = 32
N_BLKS = ROWS_PER_W // BLK_ROWS
VROW = 2 * N_COLS
VROWS_PER_BLK = BLK_ROWS // 2
LAB_PAD = 1024
N_CHUNKS = N_COLS // LANES
TAIL0 = N_COLS - LANES
SUB = 4
PITCH = LANES + 1


def _wtac_body(dist_hbm, labels_hbm, theta_hbm, out_hbm,
               labels_v, theta_v, buf0, buf1, outb, mvs_s, mis_s,
               sem0, sem1):
    wid = lax.axis_index("s") * NUM_CORES + lax.axis_index("c")

    pltpu.sync_copy(labels_hbm, labels_v)
    pltpu.sync_copy(theta_hbm, theta_v)
    theta_vec = theta_v[...]

    lmax = labels_v[pl.ds(0, LANES)]
    for i in range(1, LAB_PAD // LANES):
        lmax = jnp.maximum(lmax, labels_v[pl.ds(i * LANES, LANES)])
    lane = lax.iota(jnp.int32, LANES)
    dnums = lax.GatherDimensionNumbers(
        offset_dims=(), collapsed_slice_dims=(0,), start_index_map=(0,))
    for sh in (8, 4, 2, 1):
        perm = jnp.bitwise_and(lane + sh, LANES - 1)
        shuffled = lax.gather(
            lmax, perm[:, None], dnums, slice_sizes=(1,),
            mode=lax.GatherScatterMode.PROMISE_IN_BOUNDS)
        lmax = jnp.maximum(lmax, shuffled)
    outlier_vec = lmax + 1

    lane17 = lane * PITCH
    inf16 = jnp.full((LANES,), jnp.inf, jnp.float32)
    cid_tail = lane + TAIL0
    row_base = wid * ROWS_PER_W

    def start(blk, par):
        return pltpu.async_copy(
            dist_hbm.at[pl.ds(row_base + blk * BLK_ROWS, BLK_ROWS)],
            (buf0, buf1)[par], (sem0, sem1)[par])

    def wait(par):
        buf = (buf0, buf1)[par]
        sem = (sem0, sem1)[par]
        pltpu.make_async_copy(dist_hbm.at[pl.ds(0, BLK_ROWS)], buf,
                              sem).wait()

    def compute_block(buf, blk):
        for grp in range(2):
            for sb in range(LANES // SUB):
                rows = [grp * LANES + sb * SUB + r for r in range(SUB)]

                def body(k, carry, _rows=tuple(rows)):
                    mvs = list(carry[0])
                    mis = list(carry[1])
                    cid = carry[2]
                    koff = k * LANES
                    for r in range(SUB):
                        v = buf[_rows[r], pl.ds(koff, LANES)]
                        pred = v < mvs[r]
                        mvs[r] = jnp.where(pred, v, mvs[r])
                        mis[r] = jnp.where(pred, cid, mis[r])
                    return (tuple(mvs), tuple(mis), cid + LANES)

                mvs, mis, _ = lax.fori_loop(
                    0, N_CHUNKS, body,
                    ((inf16,) * SUB, (lane,) * SUB, lane), unroll=2)
                mvs, mis = list(mvs), list(mis)
                for r in range(SUB):
                    v = buf[rows[r], pl.ds(TAIL0, LANES)]
                    pred = v < mvs[r]
                    mvs[r] = jnp.where(pred, v, mvs[r])
                    mis[r] = jnp.where(pred, cid_tail, mis[r])
                    sl = sb * SUB + r
                    plsc.store_scatter(mvs_s, [lane + sl * PITCH], mvs[r])
                    plsc.store_scatter(mis_s, [lane + sl * PITCH], mis[r])

            bm = plsc.load_gather(mvs_s, [lane17])
            bmi = plsc.load_gather(mis_s, [lane17])
            for k in range(1, LANES):
                v = plsc.load_gather(mvs_s, [lane17 + k])
                vi = plsc.load_gather(mis_s, [lane17 + k])
                better = (v < bm) | ((v == bm) & (vi < bmi))
                bm = jnp.where(better, v, bm)
                bmi = jnp.where(better, vi, bmi)
            lab = plsc.load_gather(labels_v, [bmi])
            res = jnp.where(bm < theta_vec, lab, outlier_vec)
            outb[pl.ds(blk * BLK_ROWS + grp * LANES, LANES)] = res

    start(0, 0)
    start(1, 1)

    def pair(p, carry):
        blk = p * 2
        wait(0)
        compute_block(buf0, blk)

        @pl.when(p < (N_BLKS // 2) - 1)
        def _():
            start(blk + 2, 0)

        wait(1)
        compute_block(buf1, blk + 1)

        @pl.when(p < (N_BLKS // 2) - 1)
        def _():
            start(blk + 3, 1)

        return carry

    lax.fori_loop(0, N_BLKS // 2, pair, 0)

    pltpu.sync_copy(outb, out_hbm.at[pl.ds(wid * ROWS_PER_W, ROWS_PER_W)])


_wtac = functools.partial(
    pl.kernel,
    mesh=plsc.VectorSubcoreMesh(core_axis_name="c", subcore_axis_name="s"),
    out_type=jax.ShapeDtypeStruct((N_ROWS,), jnp.int32),
    compiler_params=pltpu.CompilerParams(
        needs_layout_passes=False, use_tc_tiling_on_sc=True),
    scratch_types=[
        pltpu.VMEM((LAB_PAD,), jnp.int32),
        pltpu.VMEM((LANES,), jnp.float32),
        pltpu.VMEM((BLK_ROWS, N_COLS), jnp.float32),
        pltpu.VMEM((BLK_ROWS, N_COLS), jnp.float32),
        pltpu.VMEM((ROWS_PER_W,), jnp.int32),
        pltpu.VMEM((LANES * PITCH,), jnp.float32),
        pltpu.VMEM((LANES * PITCH,), jnp.int32),
        pltpu.SemaphoreType.DMA,
        pltpu.SemaphoreType.DMA,
    ],
)(_wtac_body)


def kernel(distances, labels, theta_boundary):
    labels32 = labels.astype(jnp.int32)
    labels_p = jnp.concatenate(
        [labels32, jnp.broadcast_to(labels32[:1], (LAB_PAD - N_COLS,))])
    theta_vec = jnp.broadcast_to(
        jnp.asarray(theta_boundary, jnp.float32), (LANES,))
    return _wtac(distances, labels_p, theta_vec)

# --- scband reference (transcript-rebuilt; emitter-appended) ---
"""Pipeline reference for scband-wtac-thresh-4432406249608 (READ-ONLY COPY).

The authoritative reference and input builder live on the scoring server;
editing this copy changes nothing except your own understanding.
"""

import jax, jax.numpy as jnp
import numpy as np


def setup_inputs(seed: int = 0) -> dict:
    key = jax.random.key(seed)
    k1, k2 = jax.random.split(key)
    distances = jax.random.uniform(k1, (16384, 1000), dtype=jnp.float32)
    labels = jax.random.randint(k2, (1000,), 0, 10, dtype=jnp.int64)
    theta_boundary = jnp.float32(0.5)
    return {"distances": distances, "labels": labels, "theta_boundary": theta_boundary}


def reference(distances, labels, theta_boundary):
    # winning_indices = torch.min(distances, dim=1).indices
    winning_indices = jnp.argmin(distances, axis=1)
    # winning_labels = labels[winning_indices].squeeze()
    winning_labels = jnp.take(labels, winning_indices, axis=0)
    # in_boundary = theta_boundary - distances; gather winning column
    in_boundary = theta_boundary - distances
    ib_win = jnp.take_along_axis(in_boundary, winning_indices[:, None], axis=1).squeeze(1)
    # reject (assign outlier class max(labels)+1) if outside Voronoi boundary
    outlier = jnp.max(labels) + 1
    winning_labels = jnp.where(ib_win > 0.0, winning_labels, outlier)
    return winning_labels

if __name__ == "__main__":
    import jax
    _d = setup_inputs()
    print(jax.jit(kernel)(*tuple(_d.values())))

</pallas_src>

<mosaic_0001>
#map = affine_map<(d0, d1) -> (0, 0)>
#map1 = affine_map<(d0, d1) -> (0)>
module attributes {stable_mosaic.version = 14 : i64} {
  func.func @_wtac_body(%arg0: i32, %arg1: i32, %arg2: memref<16384x1000xf32, #tpu.memory_space<hbm>>, %arg3: memref<1024xi32, #tpu.memory_space<hbm>>, %arg4: memref<16xf32, #tpu.memory_space<hbm>>, %arg5: memref<16384xi32, #tpu.memory_space<hbm>>, %arg6: memref<1024xi32, #tpu.memory_space<vmem>>, %arg7: memref<16xf32, #tpu.memory_space<vmem>>, %arg8: memref<32x1000xf32, #tpu.memory_space<vmem>>, %arg9: memref<32x1000xf32, #tpu.memory_space<vmem>>, %arg10: memref<512xi32, #tpu.memory_space<vmem>>, %arg11: memref<272xf32, #tpu.memory_space<vmem>>, %arg12: memref<272xi32, #tpu.memory_space<vmem>>, %arg13: memref<!tpu.dma_semaphore, #tpu.memory_space<semaphore_mem>>, %arg14: memref<!tpu.dma_semaphore, #tpu.memory_space<semaphore_mem>>) attributes {dimension_semantics = [#tpu.dimension_semantics<core_parallel>, #tpu.dimension_semantics<subcore_parallel>], iteration_bounds = array<i64: 2, 16>, scalar_prefetch = 0 : i64, scratch_operands = 9 : i64, tpu.core_type = #tpu.core_type<sc_vector_subcore>, window_params = [{transform_indices = #map}, {transform_indices = #map1}, {transform_indices = #map1}, {transform_indices = #map1}]} {
    %mul3A = arith.constant 2 : i32
    %mul3A_0 = arith.muli %arg1, %mul3A : i32
    %add3A = arith.addi %mul3A_0, %arg0 : i32
    "tpu.region"() ({
      %run_scoped3A = tpu.sem_alloc : memref<!tpu.dma_semaphore, #tpu.memory_space<semaphore_mem>>
      tpu.enqueue_dma source(%arg3 : memref<1024xi32, #tpu.memory_space<hbm>>) target(%arg6 : memref<1024xi32, #tpu.memory_space<vmem>>) target_semaphore(%run_scoped3A : memref<!tpu.dma_semaphore, #tpu.memory_space<semaphore_mem>>)
      tpu.wait_dma2 semaphore(%run_scoped3A : memref<!tpu.dma_semaphore, #tpu.memory_space<semaphore_mem>>) src(%arg3 : memref<1024xi32, #tpu.memory_space<hbm>>) dst(%arg6 : memref<1024xi32, #tpu.memory_space<vmem>>)
      tpu.yield
    }) : () -> ()
    "tpu.region"() ({
      %run_scoped3A = tpu.sem_alloc : memref<!tpu.dma_semaphore, #tpu.memory_space<semaphore_mem>>
      tpu.enqueue_dma source(%arg4 : memref<16xf32, #tpu.memory_space<hbm>>) target(%arg7 : memref<16xf32, #tpu.memory_space<vmem>>) target_semaphore(%run_scoped3A : memref<!tpu.dma_semaphore, #tpu.memory_space<semaphore_mem>>)
      tpu.wait_dma2 semaphore(%run_scoped3A : memref<!tpu.dma_semaphore, #tpu.memory_space<semaphore_mem>>) src(%arg4 : memref<16xf32, #tpu.memory_space<hbm>>) dst(%arg7 : memref<16xf32, #tpu.memory_space<vmem>>)
      tpu.yield
    }) : () -> ()
    %get3A = arith.constant 0 : index
    %get3A_1 = tpu.vector_load %arg7[%get3A] {strides = array<i32>} : memref<16xf32, #tpu.memory_space<vmem>>, vector<16xf32>,
    %get3A_2 = arith.constant 0 : index
    %get3A_3 = tpu.vector_load %arg6[%get3A_2] {strides = array<i32>} : memref<1024xi32, #tpu.memory_space<vmem>>, vector<16xi32>,
    %get3A_4 = arith.constant 16 : index
    %get3A_5 = tpu.vector_load %arg6[%get3A_4] {strides = array<i32>} : memref<1024xi32, #tpu.memory_space<vmem>>, vector<16xi32>,
    %max3A = arith.maxsi %get3A_3, %get3A_5 : vector<16xi32>
    %get3A_6 = arith.constant 32 : index
    %get3A_7 = tpu.vector_load %arg6[%get3A_6] {strides = array<i32>} : memref<1024xi32, #tpu.memory_space<vmem>>, vector<16xi32>,
    %max3A_8 = arith.maxsi %max3A, %get3A_7 : vector<16xi32>
    %get3A_9 = arith.constant 48 : index
    %get3A_10 = tpu.vector_load %arg6[%get3A_9] {strides = array<i32>} : memref<1024xi32, #tpu.memory_space<vmem>>, vector<16xi32>,
    %max3A_11 = arith.maxsi %max3A_8, %get3A_10 : vector<16xi32>
    %get3A_12 = arith.constant 64 : index
    %get3A_13 = tpu.vector_load %arg6[%get3A_12] {strides = array<i32>} : memref<1024xi32, #tpu.memory_space<vmem>>, vector<16xi32>,
    %max3A_14 = arith.maxsi %max3A_11, %get3A_13 : vector<16xi32>
    %get3A_15 = arith.constant 80 : index
    %get3A_16 = tpu.vector_load %arg6[%get3A_15] {strides = array<i32>} : memref<1024xi32, #tpu.memory_space<vmem>>, vector<16xi32>,
    %max3A_17 = arith.maxsi %max3A_14, %get3A_16 : vector<16xi32>
    %get3A_18 = arith.constant 96 : index
    %get3A_19 = tpu.vector_load %arg6[%get3A_18] {strides = array<i32>} : memref<1024xi32, #tpu.memory_space<vmem>>, vector<16xi32>,
    %max3A_20 = arith.maxsi %max3A_17, %get3A_19 : vector<16xi32>
    %get3A_21 = arith.constant 112 : index
    %get3A_22 = tpu.vector_load %arg6[%get3A_21] {strides = array<i32>} : memref<1024xi32, #tpu.memory_space<vmem>>, vector<16xi32>,
    %max3A_23 = arith.maxsi %max3A_20, %get3A_22 : vector<16xi32>
    %get3A_24 = arith.constant 128 : index
    %get3A_25 = tpu.vector_load %arg6[%get3A_24] {strides = array<i32>} : memref<1024xi32, #tpu.memory_space<vmem>>, vector<16xi32>,
    %max3A_26 = arith.maxsi %max3A_23, %get3A_25 : vector<16xi32>
    %get3A_27 = arith.constant 144 : index
    %get3A_28 = tpu.vector_load %arg6[%get3A_27] {strides = array<i32>} : memref<1024xi32, #tpu.memory_space<vmem>>, vector<16xi32>,
    %max3A_29 = arith.maxsi %max3A_26, %get3A_28 : vector<16xi32>
    %get3A_30 = arith.constant 160 : index
    %get3A_31 = tpu.vector_load %arg6[%get3A_30] {strides = array<i32>} : memref<1024xi32, #tpu.memory_space<vmem>>, vector<16xi32>,
    %max3A_32 = arith.maxsi %max3A_29, %get3A_31 : vector<16xi32>
    %get3A_33 = arith.constant 176 : index
    %get3A_34 = tpu.vector_load %arg6[%get3A_33] {strides = array<i32>} : memref<1024xi32, #tpu.memory_space<vmem>>, vector<16xi32>,
    %max3A_35 = arith.maxsi %max3A_32, %get3A_34 : vector<16xi32>
    %get3A_36 = arith.constant 192 : index
    %get3A_37 = tpu.vector_load %arg6[%get3A_36] {strides = array<i32>} : memref<1024xi32, #tpu.memory_space<vmem>>, vector<16xi32>,
    %max3A_38 = arith.maxsi %max3A_35, %get3A_37 : vector<16xi32>
    %get3A_39 = arith.constant 208 : index
    %get3A_40 = tpu.vector_load %arg6[%get3A_39] {strides = array<i32>} : memref<1024xi32, #tpu.memory_space<vmem>>, vector<16xi32>,
    %max3A_41 = arith.maxsi %max3A_38, %get3A_40 : vector<16xi32>
    %get3A_42 = arith.constant 224 : index
    %get3A_43 = tpu.vector_load %arg6[%get3A_42] {strides = array<i32>} : memref<1024xi32, #tpu.memory_space<vmem>>, vector<16xi32>,
    %max3A_44 = arith.maxsi %max3A_41, %get3A_43 : vector<16xi32>
    %get3A_45 = arith.constant 240 : index
    %get3A_46 = tpu.vector_load %arg6[%get3A_45] {strides = array<i32>} : memref<1024xi32, #tpu.memory_space<vmem>>, vector<16xi32>,
    %max3A_47 = arith.maxsi %max3A_44, %get3A_46 : vector<16xi32>
    %get3A_48 = arith.constant 256 : index
    %get3A_49 = tpu.vector_load %arg6[%get3A_48] {strides = array<i32>} : memref<1024xi32, #tpu.memory_space<vmem>>, vector<16xi32>,
    %max3A_50 = arith.maxsi %max3A_47, %get3A_49 : vector<16xi32>
    %get3A_51 = arith.constant 272 : index
    %get3A_52 = tpu.vector_load %arg6[%get3A_51] {strides = array<i32>} : memref<1024xi32, #tpu.memory_space<vmem>>, vector<16xi32>,
    %max3A_53 = arith.maxsi %max3A_50, %get3A_52 : vector<16xi32>
    %get3A_54 = arith.constant 288 : index
    %get3A_55 = tpu.vector_load %arg6[%get3A_54] {strides = array<i32>} : memref<1024xi32, #tpu.memory_space<vmem>>, vector<16xi32>,
    %max3A_56 = arith.maxsi %max3A_53, %get3A_55 : vector<16xi32>
    %get3A_57 = arith.constant 304 : index
    %get3A_58 = tpu.vector_load %arg6[%get3A_57] {strides = array<i32>} : memref<1024xi32, #tpu.memory_space<vmem>>, vector<16xi32>,
    %max3A_59 = arith.maxsi %max3A_56, %get3A_58 : vector<16xi32>
    %get3A_60 = arith.constant 320 : index
    %get3A_61 = tpu.vector_load %arg6[%get3A_60] {strides = array<i32>} : memref<1024xi32, #tpu.memory_space<vmem>>, vector<16xi32>,
    %max3A_62 = arith.maxsi %max3A_59, %get3A_61 : vector<16xi32>
    %get3A_63 = arith.constant 336 : index
    %get3A_64 = tpu.vector_load %arg6[%get3A_63] {strides = array<i32>} : memref<1024xi32, #tpu.memory_space<vmem>>, vector<16xi32>,
    %max3A_65 = arith.maxsi %max3A_62, %get3A_64 : vector<16xi32>
    %get3A_66 = arith.constant 352 : index
    %get3A_67 = tpu.vector_load %arg6[%get3A_66] {strides = array<i32>} : memref<1024xi32, #tpu.memory_space<vmem>>, vector<16xi32>,
    %max3A_68 = arith.maxsi %max3A_65, %get3A_67 : vector<16xi32>
    %get3A_69 = arith.constant 368 : index
    %get3A_70 = tpu.vector_load %arg6[%get3A_69] {strides = array<i32>} : memref<1024xi32, #tpu.memory_space<vmem>>, vector<16xi32>,
    %max3A_71 = arith.maxsi %max3A_68, %get3A_70 : vector<16xi32>
    %get3A_72 = arith.constant 384 : index
    %get3A_73 = tpu.vector_load %arg6[%get3A_72] {strides = array<i32>} : memref<1024xi32, #tpu.memory_space<vmem>>, vector<16xi32>,
    %max3A_74 = arith.maxsi %max3A_71, %get3A_73 : vector<16xi32>
    %get3A_75 = arith.constant 400 : index
    %get3A_76 = tpu.vector_load %arg6[%get3A_75] {strides = array<i32>} : memref<1024xi32, #tpu.memory_space<vmem>>, vector<16xi32>,
    %max3A_77 = arith.maxsi %max3A_74, %get3A_76 : vector<16xi32>
    %get3A_78 = arith.constant 416 : index
    %get3A_79 = tpu.vector_load %arg6[%get3A_78] {strides = array<i32>} : memref<1024xi32, #tpu.memory_space<vmem>>, vector<16xi32>,
    %max3A_80 = arith.maxsi %max3A_77, %get3A_79 : vector<16xi32>
    %get3A_81 = arith.constant 432 : index
    %get3A_82 = tpu.vector_load %arg6[%get3A_81] {strides = array<i32>} : memref<1024xi32, #tpu.memory_space<vmem>>, vector<16xi32>,
    %max3A_83 = arith.maxsi %max3A_80, %get3A_82 : vector<16xi32>
    %get3A_84 = arith.constant 448 : index
    %get3A_85 = tpu.vector_load %arg6[%get3A_84] {strides = array<i32>} : memref<1024xi32, #tpu.memory_space<vmem>>, vector<16xi32>,
    %max3A_86 = arith.maxsi %max3A_83, %get3A_85 : vector<16xi32>
    %get3A_87 = arith.constant 464 : index
    %get3A_88 = tpu.vector_load %arg6[%get3A_87] {strides = array<i32>} : memref<1024xi32, #tpu.memory_space<vmem>>, vector<16xi32>,
    %max3A_89 = arith.maxsi %max3A_86, %get3A_88 : vector<16xi32>
    %get3A_90 = arith.constant 480 : index
    %get3A_91 = tpu.vector_load %arg6[%get3A_90] {strides = array<i32>} : memref<1024xi32, #tpu.memory_space<vmem>>, vector<16xi32>,
    %max3A_92 = arith.maxsi %max3A_89, %get3A_91 : vector<16xi32>
    %get3A_93 = arith.constant 496 : index
    %get3A_94 = tpu.vector_load %arg6[%get3A_93] {strides = array<i32>} : memref<1024xi32, #tpu.memory_space<vmem>>, vector<16xi32>,
    %max3A_95 = arith.maxsi %max3A_92, %get3A_94 : vector<16xi32>
    %get3A_96 = arith.constant 512 : index
    %get3A_97 = tpu.vector_load %arg6[%get3A_96] {strides = array<i32>} : memref<1024xi32, #tpu.memory_space<vmem>>, vector<16xi32>,
    %max3A_98 = arith.maxsi %max3A_95, %get3A_97 : vector<16xi32>
    %get3A_99 = arith.constant 528 : index
    %get3A_100 = tpu.vector_load %arg6[%get3A_99] {strides = array<i32>} : memref<1024xi32, #tpu.memory_space<vmem>>, vector<16xi32>,
    %max3A_101 = arith.maxsi %max3A_98, %get3A_100 : vector<16xi32>
    %get3A_102 = arith.constant 544 : index
    %get3A_103 = tpu.vector_load %arg6[%get3A_102] {strides = array<i32>} : memref<1024xi32, #tpu.memory_space<vmem>>, vector<16xi32>,
    %max3A_104 = arith.maxsi %max3A_101, %get3A_103 : vector<16xi32>
    %get3A_105 = arith.constant 560 : index
    %get3A_106 = tpu.vector_load %arg6[%get3A_105] {strides = array<i32>} : memref<1024xi32, #tpu.memory_space<vmem>>, vector<16xi32>,
    %max3A_107 = arith.maxsi %max3A_104, %get3A_106 : vector<16xi32>
    %get3A_108 = arith.constant 576 : index
    %get3A_109 = tpu.vector_load %arg6[%get3A_108] {strides = array<i32>} : memref<1024xi32, #tpu.memory_space<vmem>>, vector<16xi32>,
    %max3A_110 = arith.maxsi %max3A_107, %get3A_109 : vector<16xi32>
    %get3A_111 = arith.constant 592 : index
    %get3A_112 = tpu.vector_load %arg6[%get3A_111] {strides = array<i32>} : memref<1024xi32, #tpu.memory_space<vmem>>, vector<16xi32>,
    %max3A_113 = arith.maxsi %max3A_110, %get3A_112 : vector<16xi32>
    %get3A_114 = arith.constant 608 : index
    %get3A_115 = tpu.vector_load %arg6[%get3A_114] {strides = array<i32>} : memref<1024xi32, #tpu.memory_space<vmem>>, vector<16xi32>,
    %max3A_116 = arith.maxsi %max3A_113, %get3A_115 : vector<16xi32>
    %get3A_117 = arith.constant 624 : index
    %get3A_118 = tpu.vector_load %arg6[%get3A_117] {strides = array<i32>} : memref<1024xi32, #tpu.memory_space<vmem>>, vector<16xi32>,
    %max3A_119 = arith.maxsi %max3A_116, %get3A_118 : vector<16xi32>
    %get3A_120 = arith.constant 640 : index
    %get3A_121 = tpu.vector_load %arg6[%get3A_120] {strides = array<i32>} : memref<1024xi32, #tpu.memory_space<vmem>>, vector<16xi32>,
    %max3A_122 = arith.maxsi %max3A_119, %get3A_121 : vector<16xi32>
    %get3A_123 = arith.constant 656 : index
    %get3A_124 = tpu.vector_load %arg6[%get3A_123] {strides = array<i32>} : memref<1024xi32, #tpu.memory_space<vmem>>, vector<16xi32>,
    %max3A_125 = arith.maxsi %max3A_122, %get3A_124 : vector<16xi32>
    %get3A_126 = arith.constant 672 : index
    %get3A_127 = tpu.vector_load %arg6[%get3A_126] {strides = array<i32>} : memref<1024xi32, #tpu.memory_space<vmem>>, vector<16xi32>,
    %max3A_128 = arith.maxsi %max3A_125, %get3A_127 : vector<16xi32>
    %get3A_129 = arith.constant 688 : index
    %get3A_130 = tpu.vector_load %arg6[%get3A_129] {strides = array<i32>} : memref<1024xi32, #tpu.memory_space<vmem>>, vector<16xi32>,
    %max3A_131 = arith.maxsi %max3A_128, %get3A_130 : vector<16xi32>
    %get3A_132 = arith.constant 704 : index
    %get3A_133 = tpu.vector_load %arg6[%get3A_132] {strides = array<i32>} : memref<1024xi32, #tpu.memory_space<vmem>>, vector<16xi32>,
    %max3A_134 = arith.maxsi %max3A_131, %get3A_133 : vector<16xi32>
    %get3A_135 = arith.constant 720 : index
    %get3A_136 = tpu.vector_load %arg6[%get3A_135] {strides = array<i32>} : memref<1024xi32, #tpu.memory_space<vmem>>, vector<16xi32>,
    %max3A_137 = arith.maxsi %max3A_134, %get3A_136 : vector<16xi32>
    %get3A_138 = arith.constant 736 : index
    %get3A_139 = tpu.vector_load %arg6[%get3A_138] {strides = array<i32>} : memref<1024xi32, #tpu.memory_space<vmem>>, vector<16xi32>,
    %max3A_140 = arith.maxsi %max3A_137, %get3A_139 : vector<16xi32>
    %get3A_141 = arith.constant 752 : index
    %get3A_142 = tpu.vector_load %arg6[%get3A_141] {strides = array<i32>} : memref<1024xi32, #tpu.memory_space<vmem>>, vector<16xi32>,
    %max3A_143 = arith.maxsi %max3A_140, %get3A_142 : vector<16xi32>
    %get3A_144 = arith.constant 768 : index
    %get3A_145 = tpu.vector_load %arg6[%get3A_144] {strides = array<i32>} : memref<1024xi32, #tpu.memory_space<vmem>>, vector<16xi32>,
    %max3A_146 = arith.maxsi %max3A_143, %get3A_145 : vector<16xi32>
    %get3A_147 = arith.constant 784 : index
    %get3A_148 = tpu.vector_load %arg6[%get3A_147] {strides = array<i32>} : memref<1024xi32, #tpu.memory_space<vmem>>, vector<16xi32>,
    %max3A_149 = arith.maxsi %max3A_146, %get3A_148 : vector<16xi32>
    %get3A_150 = arith.constant 800 : index
    %get3A_151 = tpu.vector_load %arg6[%get3A_150] {strides = array<i32>} : memref<1024xi32, #tpu.memory_space<vmem>>, vector<16xi32>,
    %max3A_152 = arith.maxsi %max3A_149, %get3A_151 : vector<16xi32>
    %get3A_153 = arith.constant 816 : index
    %get3A_154 = tpu.vector_load %arg6[%get3A_153] {strides = array<i32>} : memref<1024xi32, #tpu.memory_space<vmem>>, vector<16xi32>,
    %max3A_155 = arith.maxsi %max3A_152, %get3A_154 : vector<16xi32>
    %get3A_156 = arith.constant 832 : index
    %get3A_157 = tpu.vector_load %arg6[%get3A_156] {strides = array<i32>} : memref<1024xi32, #tpu.memory_space<vmem>>, vector<16xi32>,
    %max3A_158 = arith.maxsi %max3A_155, %get3A_157 : vector<16xi32>
    %get3A_159 = arith.constant 848 : index
    %get3A_160 = tpu.vector_load %arg6[%get3A_159] {strides = array<i32>} : memref<1024xi32, #tpu.memory_space<vmem>>, vector<16xi32>,
    %max3A_161 = arith.maxsi %max3A_158, %get3A_160 : vector<16xi32>
    %get3A_162 = arith.constant 864 : index
    %get3A_163 = tpu.vector_load %arg6[%get3A_162] {strides = array<i32>} : memref<1024xi32, #tpu.memory_space<vmem>>, vector<16xi32>,
    %max3A_164 = arith.maxsi %max3A_161, %get3A_163 : vector<16xi32>
    %get3A_165 = arith.constant 880 : index
    %get3A_166 = tpu.vector_load %arg6[%get3A_165] {strides = array<i32>} : memref<1024xi32, #tpu.memory_space<vmem>>, vector<16xi32>,
    %max3A_167 = arith.maxsi %max3A_164, %get3A_166 : vector<16xi32>
    %get3A_168 = arith.constant 896 : index
    %get3A_169 = tpu.vector_load %arg6[%get3A_168] {strides = array<i32>} : memref<1024xi32, #tpu.memory_space<vmem>>, vector<16xi32>,
    %max3A_170 = arith.maxsi %max3A_167, %get3A_169 : vector<16xi32>
    %get3A_171 = arith.constant 912 : index
    %get3A_172 = tpu.vector_load %arg6[%get3A_171] {strides = array<i32>} : memref<1024xi32, #tpu.memory_space<vmem>>, vector<16xi32>,
    %max3A_173 = arith.maxsi %max3A_170, %get3A_172 : vector<16xi32>
    %get3A_174 = arith.constant 928 : index
    %get3A_175 = tpu.vector_load %arg6[%get3A_174] {strides = array<i32>} : memref<1024xi32, #tpu.memory_space<vmem>>, vector<16xi32>,
    %max3A_176 = arith.maxsi %max3A_173, %get3A_175 : vector<16xi32>
    %get3A_177 = arith.constant 944 : index
    %get3A_178 = tpu.vector_load %arg6[%get3A_177] {strides = array<i32>} : memref<1024xi32, #tpu.memory_space<vmem>>, vector<16xi32>,
    %max3A_179 = arith.maxsi %max3A_176, %get3A_178 : vector<16xi32>
    %get3A_180 = arith.constant 960 : index
    %get3A_181 = tpu.vector_load %arg6[%get3A_180] {strides = array<i32>} : memref<1024xi32, #tpu.memory_space<vmem>>, vector<16xi32>,
    %max3A_182 = arith.maxsi %max3A_179, %get3A_181 : vector<16xi32>
    %get3A_183 = arith.constant 976 : index
    %get3A_184 = tpu.vector_load %arg6[%get3A_183] {strides = array<i32>} : memref<1024xi32, #tpu.memory_space<vmem>>, vector<16xi32>,
    %max3A_185 = arith.maxsi %max3A_182, %get3A_184 : vector<16xi32>
    %get3A_186 = arith.constant 992 : index
    %get3A_187 = tpu.vector_load %arg6[%get3A_186] {strides = array<i32>} : memref<1024xi32, #tpu.memory_space<vmem>>, vector<16xi32>,
    %max3A_188 = arith.maxsi %max3A_185, %get3A_187 : vector<16xi32>
    %get3A_189 = arith.constant 1008 : index
    %get3A_190 = tpu.vector_load %arg6[%get3A_189] {strides = array<i32>} : memref<1024xi32, #tpu.memory_space<vmem>>, vector<16xi32>,
    %max3A_191 = arith.maxsi %max3A_188, %get3A_190 : vector<16xi32>
    %iota3A = tpu.iota {dimensions = array<i32: 0>} : vector<16xi32>
    %add3A_192 = arith.constant 8 : i32
    %add3A_193 = vector.broadcast %add3A_192 : i32 to vector<16xi32>
    %add3A_194 = arith.addi %iota3A, %add3A_193 : vector<16xi32>
    %and3A = arith.constant 15 : i32
    %and3A_195 = vector.broadcast %and3A : i32 to vector<16xi32>
    %and3A_196 = arith.andi %add3A_194, %and3A_195 : vector<16xi32>
    %broadcast_in_dim3A = vector.shape_cast %and3A_196 : vector<16xi32> to vector<16x1xi32>
    %gather3A = vector.shape_cast %broadcast_in_dim3A : vector<16x1xi32> to vector<16xi32>
    %gather3A_197 = tpu.dynamic_gather %max3A_191[%gather3A] in [0] : vector<16xi32>, vector<16xi32> -> vector<16xi32>
    %max3A_198 = arith.maxsi %max3A_191, %gather3A_197 : vector<16xi32>
    %add3A_199 = arith.constant 4 : i32
    %add3A_200 = vector.broadcast %add3A_199 : i32 to vector<16xi32>
    %add3A_201 = arith.addi %iota3A, %add3A_200 : vector<16xi32>
    %and3A_202 = arith.constant 15 : i32
    %and3A_203 = vector.broadcast %and3A_202 : i32 to vector<16xi32>
    %and3A_204 = arith.andi %add3A_201, %and3A_203 : vector<16xi32>
    %broadcast_in_dim3A_205 = vector.shape_cast %and3A_204 : vector<16xi32> to vector<16x1xi32>
    %gather3A_206 = vector.shape_cast %broadcast_in_dim3A_205 : vector<16x1xi32> to vector<16xi32>
    %gather3A_207 = tpu.dynamic_gather %max3A_198[%gather3A_206] in [0] : vector<16xi32>, vector<16xi32> -> vector<16xi32>
    %max3A_208 = arith.maxsi %max3A_198, %gather3A_207 : vector<16xi32>
    %add3A_209 = arith.constant 2 : i32
    %add3A_210 = vector.broadcast %add3A_209 : i32 to vector<16xi32>
    %add3A_211 = arith.addi %iota3A, %add3A_210 : vector<16xi32>
    %and3A_212 = arith.constant 15 : i32
    %and3A_213 = vector.broadcast %and3A_212 : i32 to vector<16xi32>
    %and3A_214 = arith.andi %add3A_211, %and3A_213 : vector<16xi32>
    %broadcast_in_dim3A_215 = vector.shape_cast %and3A_214 : vector<16xi32> to vector<16x1xi32>
    %gather3A_216 = vector.shape_cast %broadcast_in_dim3A_215 : vector<16x1xi32> to vector<16xi32>
    %gather3A_217 = tpu.dynamic_gather %max3A_208[%gather3A_216] in [0] : vector<16xi32>, vector<16xi32> -> vector<16xi32>
    %max3A_218 = arith.maxsi %max3A_208, %gather3A_217 : vector<16xi32>
    %add3A_219 = arith.constant 1 : i32
    %add3A_220 = vector.broadcast %add3A_219 : i32 to vector<16xi32>
    %add3A_221 = arith.addi %iota3A, %add3A_220 : vector<16xi32>
    %and3A_222 = arith.constant 15 : i32
    %and3A_223 = vector.broadcast %and3A_222 : i32 to vector<16xi32>
    %and3A_224 = arith.andi %add3A_221, %and3A_223 : vector<16xi32>
    %broadcast_in_dim3A_225 = vector.shape_cast %and3A_224 : vector<16xi32> to vector<16x1xi32>
    %gather3A_226 = vector.shape_cast %broadcast_in_dim3A_225 : vector<16x1xi32> to vector<16xi32>
    %gather3A_227 = tpu.dynamic_gather %max3A_218[%gather3A_226] in [0] : vector<16xi32>, vector<16xi32> -> vector<16xi32>
    %max3A_228 = arith.maxsi %max3A_218, %gather3A_227 : vector<16xi32>
    %add3A_229 = arith.constant 1 : i32
    %add3A_230 = vector.broadcast %add3A_229 : i32 to vector<16xi32>
    %add3A_231 = arith.addi %max3A_228, %add3A_230 : vector<16xi32>
    %mul3A_232 = arith.constant 17 : i32
    %mul3A_233 = vector.broadcast %mul3A_232 : i32 to vector<16xi32>
    %mul3A_234 = arith.muli %iota3A, %mul3A_233 : vector<16xi32>
    %broadcast_in_dim3A_235 = arith.constant 0x7F800000 : f32
    %broadcast_in_dim3A_236 = vector.broadcast %broadcast_in_dim3A_235 : f32 to vector<16xf32>
    %add3A_237 = arith.constant 984 : i32
    %add3A_238 = vector.broadcast %add3A_237 : i32 to vector<16xi32>
    %add3A_239 = arith.addi %iota3A, %add3A_238 : vector<16xi32>
    %mul3A_240 = arith.constant 512 : i32
    %mul3A_241 = arith.muli %add3A, %mul3A_240 : i32
    %add3A_242 = arith.constant 0 : i32
    %add3A_243 = arith.addi %mul3A_241, %add3A_242 : i32
    %dma_start3A = arith.constant 0 : i32
    %dma_start3A_244 = tpu.memref_slice %arg2[%add3A_243, %dma_start3A] : memref<16384x1000xf32, #tpu.memory_space<hbm>> -> memref<32x1000xf32, #tpu.memory_space<hbm>>
    %dma_start3A_245 = arith.constant 0 : i32
    %dma_start3A_246 = tpu.memref_slice %arg2[%add3A_243, %dma_start3A_245] : memref<16384x1000xf32, #tpu.memory_space<hbm>> -> memref<32x1000xf32, #tpu.memory_space<hbm>>
    tpu.enqueue_dma source(%dma_start3A_246 : memref<32x1000xf32, #tpu.memory_space<hbm>>) target(%arg8 : memref<32x1000xf32, #tpu.memory_space<vmem>>) target_semaphore(%arg13 : memref<!tpu.dma_semaphore, #tpu.memory_space<semaphore_mem>>)
    %add3A_247 = arith.constant 32 : i32
    %add3A_248 = arith.addi %mul3A_241, %add3A_247 : i32
    %dma_start3A_249 = arith.constant 0 : i32
    %dma_start3A_250 = tpu.memref_slice %arg2[%add3A_248, %dma_start3A_249] : memref<16384x1000xf32, #tpu.memory_space<hbm>> -> memref<32x1000xf32, #tpu.memory_space<hbm>>
    %dma_start3A_251 = arith.constant 0 : i32
    %dma_start3A_252 = tpu.memref_slice %arg2[%add3A_248, %dma_start3A_251] : memref<16384x1000xf32, #tpu.memory_space<hbm>> -> memref<32x1000xf32, #tpu.memory_space<hbm>>
    tpu.enqueue_dma source(%dma_start3A_252 : memref<32x1000xf32, #tpu.memory_space<hbm>>) target(%arg9 : memref<32x1000xf32, #tpu.memory_space<vmem>>) target_semaphore(%arg14 : memref<!tpu.dma_semaphore, #tpu.memory_space<semaphore_mem>>)
    %scan3A = arith.constant 0 : i32
    %scan3A_253 = arith.constant 0 : i32
    %scan3A_254 = arith.constant 8 : i32
    %scan3A_255 = arith.addi %scan3A_253, %scan3A_254 : i32
    %scan3A_256 = arith.constant 1 : i32
    scf.for %scan3A_260 = %scan3A_253 to %scan3A_255 step %scan3A_256  : i32 {
      %mul3A_261 = arith.constant 2 : i32
      %mul3A_262 = arith.muli %scan3A_260, %mul3A_261 : i32
      %dma_wait3A = arith.constant 0 : i32
      %dma_wait3A_263 = arith.constant 0 : i32
      %dma_wait3A_264 = tpu.memref_slice %arg2[%dma_wait3A, %dma_wait3A_263] : memref<16384x1000xf32, #tpu.memory_space<hbm>> -> memref<32x1000xf32, #tpu.memory_space<hbm>>
      %dma_wait3A_265 = arith.constant 0 : i32
      %dma_wait3A_266 = arith.constant 0 : i32
      %dma_wait3A_267 = tpu.memref_slice %arg2[%dma_wait3A_265, %dma_wait3A_266] : memref<16384x1000xf32, #tpu.memory_space<hbm>> -> memref<32x1000xf32, #tpu.memory_space<hbm>>
      tpu.wait_dma2 semaphore(%arg13 : memref<!tpu.dma_semaphore, #tpu.memory_space<semaphore_mem>>) src(%dma_wait3A_267 : memref<32x1000xf32, #tpu.memory_space<hbm>>) dst(%arg8 : memref<32x1000xf32, #tpu.memory_space<vmem>>)
      %scan3A_268 = arith.constant 0 : i32
      %scan3A_269 = arith.constant 62 : i32
      %scan3A_270 = arith.addi %scan3A_268, %scan3A_269 : i32
      %scan3A_271 = arith.constant 2 : i32
      %scan3A_272:9 = scf.for %scan3A_2151 = %scan3A_268 to %scan3A_270 step %scan3A_271 iter_args(%scan3A_2152 = %broadcast_in_dim3A_236, %scan3A_2153 = %broadcast_in_dim3A_236, %scan3A_2154 = %broadcast_in_dim3A_236, %scan3A_2155 = %broadcast_in_dim3A_236, %scan3A_2156 = %iota3A, %scan3A_2157 = %iota3A, %scan3A_2158 = %iota3A, %scan3A_2159 = %iota3A, %scan3A_2160 = %iota3A) -> (vector<16xf32>, vector<16xf32>, vector<16xf32>, vector<16xf32>, vector<16xi32>, vector<16xi32>, vector<16xi32>, vector<16xi32>, vector<16xi32>)  : i32 {
        %mul3A_2161 = arith.constant 16 : i32
        %mul3A_2162 = arith.muli %scan3A_2151, %mul3A_2161 : i32
        %get3A_2163 = arith.constant 0 : i32
        %get3A_2164 = arith.index_cast %get3A_2163 : i32 to index
        %get3A_2165 = arith.index_cast %mul3A_2162 : i32 to index
        %get3A_2166 = tpu.vector_load %arg8[%get3A_2164, %get3A_2165] {strides = array<i32>} : memref<32x1000xf32, #tpu.memory_space<vmem>>, vector<16xf32>,
        %lt3A_2167 = arith.cmpf olt, %get3A_2166, %scan3A_2152 : vector<16xf32>
        %select_n3A_2168 = arith.select %lt3A_2167, %get3A_2166, %scan3A_2152 : vector<16xi1>, vector<16xf32>
        %select_n3A_2169 = arith.select %lt3A_2167, %scan3A_2160, %scan3A_2156 : vector<16xi1>, vector<16xi32>
        %get3A_2170 = arith.constant 1 : i32
        %get3A_2171 = arith.index_cast %get3A_2170 : i32 to index
        %get3A_2172 = arith.index_cast %mul3A_2162 : i32 to index
        %get3A_2173 = tpu.vector_load %arg8[%get3A_2171, %get3A_2172] {strides = array<i32>} : memref<32x1000xf32, #tpu.memory_space<vmem>>, vector<16xf32>,
        %lt3A_2174 = arith.cmpf olt, %get3A_2173, %scan3A_2153 : vector<16xf32>
        %select_n3A_2175 = arith.select %lt3A_2174, %get3A_2173, %scan3A_2153 : vector<16xi1>, vector<16xf32>
        %select_n3A_2176 = arith.select %lt3A_2174, %scan3A_2160, %scan3A_2157 : vector<16xi1>, vector<16xi32>
        %get3A_2177 = arith.constant 2 : i32
        %get3A_2178 = arith.index_cast %get3A_2177 : i32 to index
        %get3A_2179 = arith.index_cast %mul3A_2162 : i32 to index
        %get3A_2180 = tpu.vector_load %arg8[%get3A_2178, %get3A_2179] {strides = array<i32>} : memref<32x1000xf32, #tpu.memory_space<vmem>>, vector<16xf32>,
        %lt3A_2181 = arith.cmpf olt, %get3A_2180, %scan3A_2154 : vector<16xf32>
        %select_n3A_2182 = arith.select %lt3A_2181, %get3A_2180, %scan3A_2154 : vector<16xi1>, vector<16xf32>
        %select_n3A_2183 = arith.select %lt3A_2181, %scan3A_2160, %scan3A_2158 : vector<16xi1>, vector<16xi32>
        %get3A_2184 = arith.constant 3 : i32
        %get3A_2185 = arith.index_cast %get3A_2184 : i32 to index
        %get3A_2186 = arith.index_cast %mul3A_2162 : i32 to index
        %get3A_2187 = tpu.vector_load %arg8[%get3A_2185, %get3A_2186] {strides = array<i32>} : memref<32x1000xf32, #tpu.memory_space<vmem>>, vector<16xf32>,
        %lt3A_2188 = arith.cmpf olt, %get3A_2187, %scan3A_2155 : vector<16xf32>
        %select_n3A_2189 = arith.select %lt3A_2188, %get3A_2187, %scan3A_2155 : vector<16xi1>, vector<16xf32>
        %select_n3A_2190 = arith.select %lt3A_2188, %scan3A_2160, %scan3A_2159 : vector<16xi1>, vector<16xi32>
        %add3A_2191 = arith.constant 16 : i32
        %add3A_2192 = vector.broadcast %add3A_2191 : i32 to vector<16xi32>
        %add3A_2193 = arith.addi %scan3A_2160, %add3A_2192 : vector<16xi32>
        %scan3A_2194 = arith.constant 1 : i32
        %scan3A_2195 = arith.addi %scan3A_2151, %scan3A_2194 : i32
        %mul3A_2196 = arith.constant 16 : i32
        %mul3A_2197 = arith.muli %scan3A_2195, %mul3A_2196 : i32
        %get3A_2198 = arith.constant 0 : i32
        %get3A_2199 = arith.index_cast %get3A_2198 : i32 to index
        %get3A_2200 = arith.index_cast %mul3A_2197 : i32 to index
        %get3A_2201 = tpu.vector_load %arg8[%get3A_2199, %get3A_2200] {strides = array<i32>} : memref<32x1000xf32, #tpu.memory_space<vmem>>, vector<16xf32>,
        %lt3A_2202 = arith.cmpf olt, %get3A_2201, %select_n3A_2168 : vector<16xf32>
        %select_n3A_2203 = arith.select %lt3A_2202, %get3A_2201, %select_n3A_2168 : vector<16xi1>, vector<16xf32>
        %select_n3A_2204 = arith.select %lt3A_2202, %add3A_2193, %select_n3A_2169 : vector<16xi1>, vector<16xi32>
        %get3A_2205 = arith.constant 1 : i32
        %get3A_2206 = arith.index_cast %get3A_2205 : i32 to index
        %get3A_2207 = arith.index_cast %mul3A_2197 : i32 to index
        %get3A_2208 = tpu.vector_load %arg8[%get3A_2206, %get3A_2207] {strides = array<i32>} : memref<32x1000xf32, #tpu.memory_space<vmem>>, vector<16xf32>,
        %lt3A_2209 = arith.cmpf olt, %get3A_2208, %select_n3A_2175 : vector<16xf32>
        %select_n3A_2210 = arith.select %lt3A_2209, %get3A_2208, %select_n3A_2175 : vector<16xi1>, vector<16xf32>
        %select_n3A_2211 = arith.select %lt3A_2209, %add3A_2193, %select_n3A_2176 : vector<16xi1>, vector<16xi32>
        %get3A_2212 = arith.constant 2 : i32
        %get3A_2213 = arith.index_cast %get3A_2212 : i32 to index
        %get3A_2214 = arith.index_cast %mul3A_2197 : i32 to index
        %get3A_2215 = tpu.vector_load %arg8[%get3A_2213, %get3A_2214] {strides = array<i32>} : memref<32x1000xf32, #tpu.memory_space<vmem>>, vector<16xf32>,
        %lt3A_2216 = arith.cmpf olt, %get3A_2215, %select_n3A_2182 : vector<16xf32>
        %select_n3A_2217 = arith.select %lt3A_2216, %get3A_2215, %select_n3A_2182 : vector<16xi1>, vector<16xf32>
        %select_n3A_2218 = arith.select %lt3A_2216, %add3A_2193, %select_n3A_2183 : vector<16xi1>, vector<16xi32>
        %get3A_2219 = arith.constant 3 : i32
        %get3A_2220 = arith.index_cast %get3A_2219 : i32 to index
        %get3A_2221 = arith.index_cast %mul3A_2197 : i32 to index
        %get3A_2222 = tpu.vector_load %arg8[%get3A_2220, %get3A_2221] {strides = array<i32>} : memref<32x1000xf32, #tpu.memory_space<vmem>>, vector<16xf32>,
        %lt3A_2223 = arith.cmpf olt, %get3A_2222, %select_n3A_2189 : vector<16xf32>
        %select_n3A_2224 = arith.select %lt3A_2223, %get3A_2222, %select_n3A_2189 : vector<16xi1>, vector<16xf32>
        %select_n3A_2225 = arith.select %lt3A_2223, %add3A_2193, %select_n3A_2190 : vector<16xi1>, vector<16xi32>
        %add3A_2226 = arith.constant 16 : i32
        %add3A_2227 = vector.broadcast %add3A_2226 : i32 to vector<16xi32>
        %add3A_2228 = arith.addi %add3A_2193, %add3A_2227 : vector<16xi32>
        scf.yield %select_n3A_2203, %select_n3A_2210, %select_n3A_2217, %select_n3A_2224, %select_n3A_2204, %select_n3A_2211, %select_n3A_2218, %select_n3A_2225, %add3A_2228 : vector<16xf32>, vector<16xf32>, vector<16xf32>, vector<16xf32>, vector<16xi32>, vector<16xi32>, vector<16xi32>, vector<16xi32>, vector<16xi32>
      }
      %scan3A_273 = arith.constant 62 : i32
      %get3A_274 = arith.constant 0 : i32
      %get3A_275 = arith.index_cast %get3A_274 : i32 to index
      %get3A_276 = arith.constant 984 : index
      %get3A_277 = tpu.vector_load %arg8[%get3A_275, %get3A_276] {strides = array<i32>} : memref<32x1000xf32, #tpu.memory_space<vmem>>, vector<16xf32>,
      %lt3A = arith.cmpf olt, %get3A_277, %scan3A_272#0 : vector<16xf32>
      %select_n3A = arith.select %lt3A, %get3A_277, %scan3A_272#0 : vector<16xi1>, vector<16xf32>
      %select_n3A_278 = arith.select %lt3A, %add3A_239, %scan3A_272#4 : vector<16xi1>, vector<16xi32>
      %add3A_279 = arith.constant 0 : i32
      %add3A_280 = vector.broadcast %add3A_279 : i32 to vector<16xi32>
      %add3A_281 = arith.addi %iota3A, %add3A_280 : vector<16xi32>
      tpu.vector_store_idx %arg11[%add3A_281], %select_n3A : memref<272xf32, #tpu.memory_space<vmem>>[vector<16xi32>], vector<16xf32>,
      %add3A_282 = arith.constant 0 : i32
      %add3A_283 = vector.broadcast %add3A_282 : i32 to vector<16xi32>
      %add3A_284 = arith.addi %iota3A, %add3A_283 : vector<16xi32>
      tpu.vector_store_idx %arg12[%add3A_284], %select_n3A_278 : memref<272xi32, #tpu.memory_space<vmem>>[vector<16xi32>], vector<16xi32>,
      %get3A_285 = arith.constant 1 : i32
      %get3A_286 = arith.index_cast %get3A_285 : i32 to index
      %get3A_287 = arith.constant 984 : index
      %get3A_288 = tpu.vector_load %arg8[%get3A_286, %get3A_287] {strides = array<i32>} : memref<32x1000xf32, #tpu.memory_space<vmem>>, vector<16xf32>,
      %lt3A_289 = arith.cmpf olt, %get3A_288, %scan3A_272#1 : vector<16xf32>
      %select_n3A_290 = arith.select %lt3A_289, %get3A_288, %scan3A_272#1 : vector<16xi1>, vector<16xf32>
      %select_n3A_291 = arith.select %lt3A_289, %add3A_239, %scan3A_272#5 : vector<16xi1>, vector<16xi32>
      %add3A_292 = arith.constant 17 : i32
      %add3A_293 = vector.broadcast %add3A_292 : i32 to vector<16xi32>
      %add3A_294 = arith.addi %iota3A, %add3A_293 : vector<16xi32>
      tpu.vector_store_idx %arg11[%add3A_294], %select_n3A_290 : memref<272xf32, #tpu.memory_space<vmem>>[vector<16xi32>], vector<16xf32>,
      %add3A_295 = arith.constant 17 : i32
      %add3A_296 = vector.broadcast %add3A_295 : i32 to vector<16xi32>
      %add3A_297 = arith.addi %iota3A, %add3A_296 : vector<16xi32>
      tpu.vector_store_idx %arg12[%add3A_297], %select_n3A_291 : memref<272xi32, #tpu.memory_space<vmem>>[vector<16xi32>], vector<16xi32>,
      %get3A_298 = arith.constant 2 : i32
      %get3A_299 = arith.index_cast %get3A_298 : i32 to index
      %get3A_300 = arith.constant 984 : index
      %get3A_301 = tpu.vector_load %arg8[%get3A_299, %get3A_300] {strides = array<i32>} : memref<32x1000xf32, #tpu.memory_space<vmem>>, vector<16xf32>,
      %lt3A_302 = arith.cmpf olt, %get3A_301, %scan3A_272#2 : vector<16xf32>
      %select_n3A_303 = arith.select %lt3A_302, %get3A_301, %scan3A_272#2 : vector<16xi1>, vector<16xf32>
      %select_n3A_304 = arith.select %lt3A_302, %add3A_239, %scan3A_272#6 : vector<16xi1>, vector<16xi32>
      %add3A_305 = arith.constant 34 : i32
      %add3A_306 = vector.broadcast %add3A_305 : i32 to vector<16xi32>
      %add3A_307 = arith.addi %iota3A, %add3A_306 : vector<16xi32>
      tpu.vector_store_idx %arg11[%add3A_307], %select_n3A_303 : memref<272xf32, #tpu.memory_space<vmem>>[vector<16xi32>], vector<16xf32>,
      %add3A_308 = arith.constant 34 : i32
      %add3A_309 = vector.broadcast %add3A_308 : i32 to vector<16xi32>
      %add3A_310 = arith.addi %iota3A, %add3A_309 : vector<16xi32>
      tpu.vector_store_idx %arg12[%add3A_310], %select_n3A_304 : memref<272xi32, #tpu.memory_space<vmem>>[vector<16xi32>], vector<16xi32>,
      %get3A_311 = arith.constant 3 : i32
      %get3A_312 = arith.index_cast %get3A_311 : i32 to index
      %get3A_313 = arith.constant 984 : index
      %get3A_314 = tpu.vector_load %arg8[%get3A_312, %get3A_313] {strides = array<i32>} : memref<32x1000xf32, #tpu.memory_space<vmem>>, vector<16xf32>,
      %lt3A_315 = arith.cmpf olt, %get3A_314, %scan3A_272#3 : vector<16xf32>
      %select_n3A_316 = arith.select %lt3A_315, %get3A_314, %scan3A_272#3 : vector<16xi1>, vector<16xf32>
      %select_n3A_317 = arith.select %lt3A_315, %add3A_239, %scan3A_272#7 : vector<16xi1>, vector<16xi32>
      %add3A_318 = arith.constant 51 : i32
      %add3A_319 = vector.broadcast %add3A_318 : i32 to vector<16xi32>
      %add3A_320 = arith.addi %iota3A, %add3A_319 : vector<16xi32>
      tpu.vector_store_idx %arg11[%add3A_320], %select_n3A_316 : memref<272xf32, #tpu.memory_space<vmem>>[vector<16xi32>], vector<16xf32>,
      %add3A_321 = arith.constant 51 : i32
      %add3A_322 = vector.broadcast %add3A_321 : i32 to vector<16xi32>
      %add3A_323 = arith.addi %iota3A, %add3A_322 : vector<16xi32>
      tpu.vector_store_idx %arg12[%add3A_323], %select_n3A_317 : memref<272xi32, #tpu.memory_space<vmem>>[vector<16xi32>], vector<16xi32>,
      %scan3A_324 = arith.constant 0 : i32
      %scan3A_325 = arith.constant 62 : i32
      %scan3A_326 = arith.addi %scan3A_324, %scan3A_325 : i32
      %scan3A_327 = arith.constant 2 : i32
      %scan3A_328:9 = scf.for %scan3A_2151 = %scan3A_324 to %scan3A_326 step %scan3A_327 iter_args(%scan3A_2152 = %broadcast_in_dim3A_236, %scan3A_2153 = %broadcast_in_dim3A_236, %scan3A_2154 = %broadcast_in_dim3A_236, %scan3A_2155 = %broadcast_in_dim3A_236, %scan3A_2156 = %iota3A, %scan3A_2157 = %iota3A, %scan3A_2158 = %iota3A, %scan3A_2159 = %iota3A, %scan3A_2160 = %iota3A) -> (vector<16xf32>, vector<16xf32>, vector<16xf32>, vector<16xf32>, vector<16xi32>, vector<16xi32>, vector<16xi32>, vector<16xi32>, vector<16xi32>)  : i32 {
        %mul3A_2161 = arith.constant 16 : i32
        %mul3A_2162 = arith.muli %scan3A_2151, %mul3A_2161 : i32
        %get3A_2163 = arith.constant 4 : i32
        %get3A_2164 = arith.index_cast %get3A_2163 : i32 to index
        %get3A_2165 = arith.index_cast %mul3A_2162 : i32 to index
        %get3A_2166 = tpu.vector_load %arg8[%get3A_2164, %get3A_2165] {strides = array<i32>} : memref<32x1000xf32, #tpu.memory_space<vmem>>, vector<16xf32>,
        %lt3A_2167 = arith.cmpf olt, %get3A_2166, %scan3A_2152 : vector<16xf32>
        %select_n3A_2168 = arith.select %lt3A_2167, %get3A_2166, %scan3A_2152 : vector<16xi1>, vector<16xf32>
        %select_n3A_2169 = arith.select %lt3A_2167, %scan3A_2160, %scan3A_2156 : vector<16xi1>, vector<16xi32>
        %get3A_2170 = arith.constant 5 : i32
        %get3A_2171 = arith.index_cast %get3A_2170 : i32 to index
        %get3A_2172 = arith.index_cast %mul3A_2162 : i32 to index
        %get3A_2173 = tpu.vector_load %arg8[%get3A_2171, %get3A_2172] {strides = array<i32>} : memref<32x1000xf32, #tpu.memory_space<vmem>>, vector<16xf32>,
        %lt3A_2174 = arith.cmpf olt, %get3A_2173, %scan3A_2153 : vector<16xf32>
        %select_n3A_2175 = arith.select %lt3A_2174, %get3A_2173, %scan3A_2153 : vector<16xi1>, vector<16xf32>
        %select_n3A_2176 = arith.select %lt3A_2174, %scan3A_2160, %scan3A_2157 : vector<16xi1>, vector<16xi32>
        %get3A_2177 = arith.constant 6 : i32
        %get3A_2178 = arith.index_cast %get3A_2177 : i32 to index
        %get3A_2179 = arith.index_cast %mul3A_2162 : i32 to index
        %get3A_2180 = tpu.vector_load %arg8[%get3A_2178, %get3A_2179] {strides = array<i32>} : memref<32x1000xf32, #tpu.memory_space<vmem>>, vector<16xf32>,
        %lt3A_2181 = arith.cmpf olt, %get3A_2180, %scan3A_2154 : vector<16xf32>
        %select_n3A_2182 = arith.select %lt3A_2181, %get3A_2180, %scan3A_2154 : vector<16xi1>, vector<16xf32>
        %select_n3A_2183 = arith.select %lt3A_2181, %scan3A_2160, %scan3A_2158 : vector<16xi1>, vector<16xi32>
        %get3A_2184 = arith.constant 7 : i32
        %get3A_2185 = arith.index_cast %get3A_2184 : i32 to index
        %get3A_2186 = arith.index_cast %mul3A_2162 : i32 to index
        %get3A_2187 = tpu.vector_load %arg8[%get3A_2185, %get3A_2186] {strides = array<i32>} : memref<32x1000xf32, #tpu.memory_space<vmem>>, vector<16xf32>,
        %lt3A_2188 = arith.cmpf olt, %get3A_2187, %scan3A_2155 : vector<16xf32>
        %select_n3A_2189 = arith.select %lt3A_2188, %get3A_2187, %scan3A_2155 : vector<16xi1>, vector<16xf32>
        %select_n3A_2190 = arith.select %lt3A_2188, %scan3A_2160, %scan3A_2159 : vector<16xi1>, vector<16xi32>
        %add3A_2191 = arith.constant 16 : i32
        %add3A_2192 = vector.broadcast %add3A_2191 : i32 to vector<16xi32>
        %add3A_2193 = arith.addi %scan3A_2160, %add3A_2192 : vector<16xi32>
        %scan3A_2194 = arith.constant 1 : i32
        %scan3A_2195 = arith.addi %scan3A_2151, %scan3A_2194 : i32
        %mul3A_2196 = arith.constant 16 : i32
        %mul3A_2197 = arith.muli %scan3A_2195, %mul3A_2196 : i32
        %get3A_2198 = arith.constant 4 : i32
        %get3A_2199 = arith.index_cast %get3A_2198 : i32 to index
        %get3A_2200 = arith.index_cast %mul3A_2197 : i32 to index
        %get3A_2201 = tpu.vector_load %arg8[%get3A_2199, %get3A_2200] {strides = array<i32>} : memref<32x1000xf32, #tpu.memory_space<vmem>>, vector<16xf32>,
        %lt3A_2202 = arith.cmpf olt, %get3A_2201, %select_n3A_2168 : vector<16xf32>
        %select_n3A_2203 = arith.select %lt3A_2202, %get3A_2201, %select_n3A_2168 : vector<16xi1>, vector<16xf32>
        %select_n3A_2204 = arith.select %lt3A_2202, %add3A_2193, %select_n3A_2169 : vector<16xi1>, vector<16xi32>
        %get3A_2205 = arith.constant 5 : i32
        %get3A_2206 = arith.index_cast %get3A_2205 : i32 to index
        %get3A_2207 = arith.index_cast %mul3A_2197 : i32 to index
        %get3A_2208 = tpu.vector_load %arg8[%get3A_2206, %get3A_2207] {strides = array<i32>} : memref<32x1000xf32, #tpu.memory_space<vmem>>, vector<16xf32>,
        %lt3A_2209 = arith.cmpf olt, %get3A_2208, %select_n3A_2175 : vector<16xf32>
        %select_n3A_2210 = arith.select %lt3A_2209, %get3A_2208, %select_n3A_2175 : vector<16xi1>, vector<16xf32>
        %select_n3A_2211 = arith.select %lt3A_2209, %add3A_2193, %select_n3A_2176 : vector<16xi1>, vector<16xi32>
        %get3A_2212 = arith.constant 6 : i32
        %get3A_2213 = arith.index_cast %get3A_2212 : i32 to index
        %get3A_2214 = arith.index_cast %mul3A_2197 : i32 to index
        %get3A_2215 = tpu.vector_load %arg8[%get3A_2213, %get3A_2214] {strides = array<i32>} : memref<32x1000xf32, #tpu.memory_space<vmem>>, vector<16xf32>,
        %lt3A_2216 = arith.cmpf olt, %get3A_2215, %select_n3A_2182 : vector<16xf32>
        %select_n3A_2217 = arith.select %lt3A_2216, %get3A_2215, %select_n3A_2182 : vector<16xi1>, vector<16xf32>
        %select_n3A_2218 = arith.select %lt3A_2216, %add3A_2193, %select_n3A_2183 : vector<16xi1>, vector<16xi32>
        %get3A_2219 = arith.constant 7 : i32
        %get3A_2220 = arith.index_cast %get3A_2219 : i32 to index
        %get3A_2221 = arith.index_cast %mul3A_2197 : i32 to index
        %get3A_2222 = tpu.vector_load %arg8[%get3A_2220, %get3A_2221] {strides = array<i32>} : memref<32x1000xf32, #tpu.memory_space<vmem>>, vector<16xf32>,
        %lt3A_2223 = arith.cmpf olt, %get3A_2222, %select_n3A_2189 : vector<16xf32>
        %select_n3A_2224 = arith.select %lt3A_2223, %get3A_2222, %select_n3A_2189 : vector<16xi1>, vector<16xf32>
        %select_n3A_2225 = arith.select %lt3A_2223, %add3A_2193, %select_n3A_2190 : vector<16xi1>, vector<16xi32>
        %add3A_2226 = arith.constant 16 : i32
        %add3A_2227 = vector.broadcast %add3A_2226 : i32 to vector<16xi32>
        %add3A_2228 = arith.addi %add3A_2193, %add3A_2227 : vector<16xi32>
        scf.yield %select_n3A_2203, %select_n3A_2210, %select_n3A_2217, %select_n3A_2224, %select_n3A_2204, %select_n3A_2211, %select_n3A_2218, %select_n3A_2225, %add3A_2228 : vector<16xf32>, vector<16xf32>, vector<16xf32>, vector<16xf32>, vector<16xi32>, vector<16xi32>, vector<16xi32>, vector<16xi32>, vector<16xi32>
      }
      %scan3A_329 = arith.constant 62 : i32
      %get3A_330 = arith.constant 4 : i32
      %get3A_331 = arith.index_cast %get3A_330 : i32 to index
      %get3A_332 = arith.constant 984 : index
      %get3A_333 = tpu.vector_load %arg8[%get3A_331, %get3A_332] {strides = array<i32>} : memref<32x1000xf32, #tpu.memory_space<vmem>>, vector<16xf32>,
      %lt3A_334 = arith.cmpf olt, %get3A_333, %scan3A_328#0 : vector<16xf32>
      %select_n3A_335 = arith.select %lt3A_334, %get3A_333, %scan3A_328#0 : vector<16xi1>, vector<16xf32>
      %select_n3A_336 = arith.select %lt3A_334, %add3A_239, %scan3A_328#4 : vector<16xi1>, vector<16xi32>
      %add3A_337 = arith.constant 68 : i32
      %add3A_338 = vector.broadcast %add3A_337 : i32 to vector<16xi32>
      %add3A_339 = arith.addi %iota3A, %add3A_338 : vector<16xi32>
      tpu.vector_store_idx %arg11[%add3A_339], %select_n3A_335 : memref<272xf32, #tpu.memory_space<vmem>>[vector<16xi32>], vector<16xf32>,
      %add3A_340 = arith.constant 68 : i32
      %add3A_341 = vector.broadcast %add3A_340 : i32 to vector<16xi32>
      %add3A_342 = arith.addi %iota3A, %add3A_341 : vector<16xi32>
      tpu.vector_store_idx %arg12[%add3A_342], %select_n3A_336 : memref<272xi32, #tpu.memory_space<vmem>>[vector<16xi32>], vector<16xi32>,
      %get3A_343 = arith.constant 5 : i32
      %get3A_344 = arith.index_cast %get3A_343 : i32 to index
      %get3A_345 = arith.constant 984 : index
      %get3A_346 = tpu.vector_load %arg8[%get3A_344, %get3A_345] {strides = array<i32>} : memref<32x1000xf32, #tpu.memory_space<vmem>>, vector<16xf32>,
      %lt3A_347 = arith.cmpf olt, %get3A_346, %scan3A_328#1 : vector<16xf32>
      %select_n3A_348 = arith.select %lt3A_347, %get3A_346, %scan3A_328#1 : vector<16xi1>, vector<16xf32>
      %select_n3A_349 = arith.select %lt3A_347, %add3A_239, %scan3A_328#5 : vector<16xi1>, vector<16xi32>
      %add3A_350 = arith.constant 85 : i32
      %add3A_351 = vector.broadcast %add3A_350 : i32 to vector<16xi32>
      %add3A_352 = arith.addi %iota3A, %add3A_351 : vector<16xi32>
      tpu.vector_store_idx %arg11[%add3A_352], %select_n3A_348 : memref<272xf32, #tpu.memory_space<vmem>>[vector<16xi32>], vector<16xf32>,
      %add3A_353 = arith.constant 85 : i32
      %add3A_354 = vector.broadcast %add3A_353 : i32 to vector<16xi32>
      %add3A_355 = arith.addi %iota3A, %add3A_354 : vector<16xi32>
      tpu.vector_store_idx %arg12[%add3A_355], %select_n3A_349 : memref<272xi32, #tpu.memory_space<vmem>>[vector<16xi32>], vector<16xi32>,
      %get3A_356 = arith.constant 6 : i32
      %get3A_357 = arith.index_cast %get3A_356 : i32 to index
      %get3A_358 = arith.constant 984 : index
      %get3A_359 = tpu.vector_load %arg8[%get3A_357, %get3A_358] {strides = array<i32>} : memref<32x1000xf32, #tpu.memory_space<vmem>>, vector<16xf32>,
      %lt3A_360 = arith.cmpf olt, %get3A_359, %scan3A_328#2 : vector<16xf32>
      %select_n3A_361 = arith.select %lt3A_360, %get3A_359, %scan3A_328#2 : vector<16xi1>, vector<16xf32>
      %select_n3A_362 = arith.select %lt3A_360, %add3A_239, %scan3A_328#6 : vector<16xi1>, vector<16xi32>
      %add3A_363 = arith.constant 102 : i32
      %add3A_364 = vector.broadcast %add3A_363 : i32 to vector<16xi32>
      %add3A_365 = arith.addi %iota3A, %add3A_364 : vector<16xi32>
      tpu.vector_store_idx %arg11[%add3A_365], %select_n3A_361 : memref<272xf32, #tpu.memory_space<vmem>>[vector<16xi32>], vector<16xf32>,
      %add3A_366 = arith.constant 102 : i32
      %add3A_367 = vector.broadcast %add3A_366 : i32 to vector<16xi32>
      %add3A_368 = arith.addi %iota3A, %add3A_367 : vector<16xi32>
      tpu.vector_store_idx %arg12[%add3A_368], %select_n3A_362 : memref<272xi32, #tpu.memory_space<vmem>>[vector<16xi32>], vector<16xi32>,
      %get3A_369 = arith.constant 7 : i32
      %get3A_370 = arith.index_cast %get3A_369 : i32 to index
      %get3A_371 = arith.constant 984 : index
      %get3A_372 = tpu.vector_load %arg8[%get3A_370, %get3A_371] {strides = array<i32>} : memref<32x1000xf32, #tpu.memory_space<vmem>>, vector<16xf32>,
      %lt3A_373 = arith.cmpf olt, %get3A_372, %scan3A_328#3 : vector<16xf32>
      %select_n3A_374 = arith.select %lt3A_373, %get3A_372, %scan3A_328#3 : vector<16xi1>, vector<16xf32>
      %select_n3A_375 = arith.select %lt3A_373, %add3A_239, %scan3A_328#7 : vector<16xi1>, vector<16xi32>
      %add3A_376 = arith.constant 119 : i32
      %add3A_377 = vector.broadcast %add3A_376 : i32 to vector<16xi32>
      %add3A_378 = arith.addi %iota3A, %add3A_377 : vector<16xi32>
      tpu.vector_store_idx %arg11[%add3A_378], %select_n3A_374 : memref<272xf32, #tpu.memory_space<vmem>>[vector<16xi32>], vector<16xf32>,
      %add3A_379 = arith.constant 119 : i32
      %add3A_380 = vector.broadcast %add3A_379 : i32 to vector<16xi32>
      %add3A_381 = arith.addi %iota3A, %add3A_380 : vector<16xi32>
      tpu.vector_store_idx %arg12[%add3A_381], %select_n3A_375 : memref<272xi32, #tpu.memory_space<vmem>>[vector<16xi32>], vector<16xi32>,
      %scan3A_382 = arith.constant 0 : i32
      %scan3A_383 = arith.constant 62 : i32
      %scan3A_384 = arith.addi %scan3A_382, %scan3A_383 : i32
      %scan3A_385 = arith.constant 2 : i32
      %scan3A_386:9 = scf.for %scan3A_2151 = %scan3A_382 to %scan3A_384 step %scan3A_385 iter_args(%scan3A_2152 = %broadcast_in_dim3A_236, %scan3A_2153 = %broadcast_in_dim3A_236, %scan3A_2154 = %broadcast_in_dim3A_236, %scan3A_2155 = %broadcast_in_dim3A_236, %scan3A_2156 = %iota3A, %scan3A_2157 = %iota3A, %scan3A_2158 = %iota3A, %scan3A_2159 = %iota3A, %scan3A_2160 = %iota3A) -> (vector<16xf32>, vector<16xf32>, vector<16xf32>, vector<16xf32>, vector<16xi32>, vector<16xi32>, vector<16xi32>, vector<16xi32>, vector<16xi32>)  : i32 {
        %mul3A_2161 = arith.constant 16 : i32
        %mul3A_2162 = arith.muli %scan3A_2151, %mul3A_2161 : i32
        %get3A_2163 = arith.constant 8 : i32
        %get3A_2164 = arith.index_cast %get3A_2163 : i32 to index
        %get3A_2165 = arith.index_cast %mul3A_2162 : i32 to index
        %get3A_2166 = tpu.vector_load %arg8[%get3A_2164, %get3A_2165] {strides = array<i32>} : memref<32x1000xf32, #tpu.memory_space<vmem>>, vector<16xf32>,
        %lt3A_2167 = arith.cmpf olt, %get3A_2166, %scan3A_2152 : vector<16xf32>
        %select_n3A_2168 = arith.select %lt3A_2167, %get3A_2166, %scan3A_2152 : vector<16xi1>, vector<16xf32>
        %select_n3A_2169 = arith.select %lt3A_2167, %scan3A_2160, %scan3A_2156 : vector<16xi1>, vector<16xi32>
        %get3A_2170 = arith.constant 9 : i32
        %get3A_2171 = arith.index_cast %get3A_2170 : i32 to index
        %get3A_2172 = arith.index_cast %mul3A_2162 : i32 to index
        %get3A_2173 = tpu.vector_load %arg8[%get3A_2171, %get3A_2172] {strides = array<i32>} : memref<32x1000xf32, #tpu.memory_space<vmem>>, vector<16xf32>,
        %lt3A_2174 = arith.cmpf olt, %get3A_2173, %scan3A_2153 : vector<16xf32>
        %select_n3A_2175 = arith.select %lt3A_2174, %get3A_2173, %scan3A_2153 : vector<16xi1>, vector<16xf32>
        %select_n3A_2176 = arith.select %lt3A_2174, %scan3A_2160, %scan3A_2157 : vector<16xi1>, vector<16xi32>
        %get3A_2177 = arith.constant 10 : i32
        %get3A_2178 = arith.index_cast %get3A_2177 : i32 to index
        %get3A_2179 = arith.index_cast %mul3A_2162 : i32 to index
        %get3A_2180 = tpu.vector_load %arg8[%get3A_2178, %get3A_2179] {strides = array<i32>} : memref<32x1000xf32, #tpu.memory_space<vmem>>, vector<16xf32>,
        %lt3A_2181 = arith.cmpf olt, %get3A_2180, %scan3A_2154 : vector<16xf32>
        %select_n3A_2182 = arith.select %lt3A_2181, %get3A_2180, %scan3A_2154 : vector<16xi1>, vector<16xf32>
        %select_n3A_2183 = arith.select %lt3A_2181, %scan3A_2160, %scan3A_2158 : vector<16xi1>, vector<16xi32>
        %get3A_2184 = arith.constant 11 : i32
        %get3A_2185 = arith.index_cast %get3A_2184 : i32 to index
        %get3A_2186 = arith.index_cast %mul3A_2162 : i32 to index
        %get3A_2187 = tpu.vector_load %arg8[%get3A_2185, %get3A_2186] {strides = array<i32>} : memref<32x1000xf32, #tpu.memory_space<vmem>>, vector<16xf32>,
        %lt3A_2188 = arith.cmpf olt, %get3A_2187, %scan3A_2155 : vector<16xf32>
        %select_n3A_2189 = arith.select %lt3A_2188, %get3A_2187, %scan3A_2155 : vector<16xi1>, vector<16xf32>
        %select_n3A_2190 = arith.select %lt3A_2188, %scan3A_2160, %scan3A_2159 : vector<16xi1>, vector<16xi32>
        %add3A_2191 = arith.constant 16 : i32
        %add3A_2192 = vector.broadcast %add3A_2191 : i32 to vector<16xi32>
        %add3A_2193 = arith.addi %scan3A_2160, %add3A_2192 : vector<16xi32>
        %scan3A_2194 = arith.constant 1 : i32
        %scan3A_2195 = arith.addi %scan3A_2151, %scan3A_2194 : i32
        %mul3A_2196 = arith.constant 16 : i32
        %mul3A_2197 = arith.muli %scan3A_2195, %mul3A_2196 : i32
        %get3A_2198 = arith.constant 8 : i32
        %get3A_2199 = arith.index_cast %get3A_2198 : i32 to index
        %get3A_2200 = arith.index_cast %mul3A_2197 : i32 to index
        %get3A_2201 = tpu.vector_load %arg8[%get3A_2199, %get3A_2200] {strides = array<i32>} : memref<32x1000xf32, #tpu.memory_space<vmem>>, vector<16xf32>,
        %lt3A_2202 = arith.cmpf olt, %get3A_2201, %select_n3A_2168 : vector<16xf32>
        %select_n3A_2203 = arith.select %lt3A_2202, %get3A_2201, %select_n3A_2168 : vector<16xi1>, vector<16xf32>
        %select_n3A_2204 = arith.select %lt3A_2202, %add3A_2193, %select_n3A_2169 : vector<16xi1>, vector<16xi32>
        %get3A_2205 = arith.constant 9 : i32
        %get3A_2206 = arith.index_cast %get3A_2205 : i32 to index
        %get3A_2207 = arith.index_cast %mul3A_2197 : i32 to index
        %get3A_2208 = tpu.vector_load %arg8[%get3A_2206, %get3A_2207] {strides = array<i32>} : memref<32x1000xf32, #tpu.memory_space<vmem>>, vector<16xf32>,
        %lt3A_2209 = arith.cmpf olt, %get3A_2208, %select_n3A_2175 : vector<16xf32>
        %select_n3A_2210 = arith.select %lt3A_2209, %get3A_2208, %select_n3A_2175 : vector<16xi1>, vector<16xf32>
        %select_n3A_2211 = arith.select %lt3A_2209, %add3A_2193, %select_n3A_2176 : vector<16xi1>, vector<16xi32>
        %get3A_2212 = arith.constant 10 : i32
        %get3A_2213 = arith.index_cast %get3A_2212 : i32 to index
        %get3A_2214 = arith.index_cast %mul3A_2197 : i32 to index
        %get3A_2215 = tpu.vector_load %arg8[%get3A_2213, %get3A_2214] {strides = array<i32>} : memref<32x1000xf32, #tpu.memory_space<vmem>>, vector<16xf32>,
        %lt3A_2216 = arith.cmpf olt, %get3A_2215, %select_n3A_2182 : vector<16xf32>
        %select_n3A_2217 = arith.select %lt3A_2216, %get3A_2215, %select_n3A_2182 : vector<16xi1>, vector<16xf32>
        %select_n3A_2218 = arith.select %lt3A_2216, %add3A_2193, %select_n3A_2183 : vector<16xi1>, vector<16xi32>
        %get3A_2219 = arith.constant 11 : i32
        %get3A_2220 = arith.index_cast %get3A_2219 : i32 to index
        %get3A_2221 = arith.index_cast %mul3A_2197 : i32 to index
        %get3A_2222 = tpu.vector_load %arg8[%get3A_2220, %get3A_2221] {strides = array<i32>} : memref<32x1000xf32, #tpu.memory_space<vmem>>, vector<16xf32>,
        %lt3A_2223 = arith.cmpf olt, %get3A_2222, %select_n3A_2189 : vector<16xf32>
        %select_n3A_2224 = arith.select %lt3A_2223, %get3A_2222, %select_n3A_2189 : vector<16xi1>, vector<16xf32>
        %select_n3A_2225 = arith.select %lt3A_2223, %add3A_2193, %select_n3A_2190 : vector<16xi1>, vector<16xi32>
        %add3A_2226 = arith.constant 16 : i32
        %add3A_2227 = vector.broadcast %add3A_2226 : i32 to vector<16xi32>
        %add3A_2228 = arith.addi %add3A_2193, %add3A_2227 : vector<16xi32>
        scf.yield %select_n3A_2203, %select_n3A_2210, %select_n3A_2217, %select_n3A_2224, %select_n3A_2204, %select_n3A_2211, %select_n3A_2218, %select_n3A_2225, %add3A_2228 : vector<16xf32>, vector<16xf32>, vector<16xf32>, vector<16xf32>, vector<16xi32>, vector<16xi32>, vector<16xi32>, vector<16xi32>, vector<16xi32>
      }
      %scan3A_387 = arith.constant 62 : i32
      %get3A_388 = arith.constant 8 : i32
      %get3A_389 = arith.index_cast %get3A_388 : i32 to index
      %get3A_390 = arith.constant 984 : index
      %get3A_391 = tpu.vector_load %arg8[%get3A_389, %get3A_390] {strides = array<i32>} : memref<32x1000xf32, #tpu.memory_space<vmem>>, vector<16xf32>,
      %lt3A_392 = arith.cmpf olt, %get3A_391, %scan3A_386#0 : vector<16xf32>
      %select_n3A_393 = arith.select %lt3A_392, %get3A_391, %scan3A_386#0 : vector<16xi1>, vector<16xf32>
      %select_n3A_394 = arith.select %lt3A_392, %add3A_239, %scan3A_386#4 : vector<16xi1>, vector<16xi32>
      %add3A_395 = arith.constant 136 : i32
      %add3A_396 = vector.broadcast %add3A_395 : i32 to vector<16xi32>
      %add3A_397 = arith.addi %iota3A, %add3A_396 : vector<16xi32>
      tpu.vector_store_idx %arg11[%add3A_397], %select_n3A_393 : memref<272xf32, #tpu.memory_space<vmem>>[vector<16xi32>], vector<16xf32>,
      %add3A_398 = arith.constant 136 : i32
      %add3A_399 = vector.broadcast %add3A_398 : i32 to vector<16xi32>
      %add3A_400 = arith.addi %iota3A, %add3A_399 : vector<16xi32>
      tpu.vector_store_idx %arg12[%add3A_400], %select_n3A_394 : memref<272xi32, #tpu.memory_space<vmem>>[vector<16xi32>], vector<16xi32>,
      %get3A_401 = arith.constant 9 : i32
      %get3A_402 = arith.index_cast %get3A_401 : i32 to index
      %get3A_403 = arith.constant 984 : index
      %get3A_404 = tpu.vector_load %arg8[%get3A_402, %get3A_403] {strides = array<i32>} : memref<32x1000xf32, #tpu.memory_space<vmem>>, vector<16xf32>,
      %lt3A_405 = arith.cmpf olt, %get3A_404, %scan3A_386#1 : vector<16xf32>
      %select_n3A_406 = arith.select %lt3A_405, %get3A_404, %scan3A_386#1 : vector<16xi1>, vector<16xf32>
      %select_n3A_407 = arith.select %lt3A_405, %add3A_239, %scan3A_386#5 : vector<16xi1>, vector<16xi32>
      %add3A_408 = arith.constant 153 : i32
      %add3A_409 = vector.broadcast %add3A_408 : i32 to vector<16xi32>
      %add3A_410 = arith.addi %iota3A, %add3A_409 : vector<16xi32>
      tpu.vector_store_idx %arg11[%add3A_410], %select_n3A_406 : memref<272xf32, #tpu.memory_space<vmem>>[vector<16xi32>], vector<16xf32>,
      %add3A_411 = arith.constant 153 : i32
      %add3A_412 = vector.broadcast %add3A_411 : i32 to vector<16xi32>
      %add3A_413 = arith.addi %iota3A, %add3A_412 : vector<16xi32>
      tpu.vector_store_idx %arg12[%add3A_413], %select_n3A_407 : memref<272xi32, #tpu.memory_space<vmem>>[vector<16xi32>], vector<16xi32>,
      %get3A_414 = arith.constant 10 : i32
      %get3A_415 = arith.index_cast %get3A_414 : i32 to index
      %get3A_416 = arith.constant 984 : index
      %get3A_417 = tpu.vector_load %arg8[%get3A_415, %get3A_416] {strides = array<i32>} : memref<32x1000xf32, #tpu.memory_space<vmem>>, vector<16xf32>,
      %lt3A_418 = arith.cmpf olt, %get3A_417, %scan3A_386#2 : vector<16xf32>
      %select_n3A_419 = arith.select %lt3A_418, %get3A_417, %scan3A_386#2 : vector<16xi1>, vector<16xf32>
      %select_n3A_420 = arith.select %lt3A_418, %add3A_239, %scan3A_386#6 : vector<16xi1>, vector<16xi32>
      %add3A_421 = arith.constant 170 : i32
      %add3A_422 = vector.broadcast %add3A_421 : i32 to vector<16xi32>
      %add3A_423 = arith.addi %iota3A, %add3A_422 : vector<16xi32>
      tpu.vector_store_idx %arg11[%add3A_423], %select_n3A_419 : memref<272xf32, #tpu.memory_space<vmem>>[vector<16xi32>], vector<16xf32>,
      %add3A_424 = arith.constant 170 : i32
      %add3A_425 = vector.broadcast %add3A_424 : i32 to vector<16xi32>
      %add3A_426 = arith.addi %iota3A, %add3A_425 : vector<16xi32>
      tpu.vector_store_idx %arg12[%add3A_426], %select_n3A_420 : memref<272xi32, #tpu.memory_space<vmem>>[vector<16xi32>], vector<16xi32>,
      %get3A_427 = arith.constant 11 : i32
      %get3A_428 = arith.index_cast %get3A_427 : i32 to index
      %get3A_429 = arith.constant 984 : index
      %get3A_430 = tpu.vector_load %arg8[%get3A_428, %get3A_429] {strides = array<i32>} : memref<32x1000xf32, #tpu.memory_space<vmem>>, vector<16xf32>,
      %lt3A_431 = arith.cmpf olt, %get3A_430, %scan3A_386#3 : vector<16xf32>
      %select_n3A_432 = arith.select %lt3A_431, %get3A_430, %scan3A_386#3 : vector<16xi1>, vector<16xf32>
      %select_n3A_433 = arith.select %lt3A_431, %add3A_239, %scan3A_386#7 : vector<16xi1>, vector<16xi32>
      %add3A_434 = arith.constant 187 : i32
      %add3A_435 = vector.broadcast %add3A_434 : i32 to vector<16xi32>
      %add3A_436 = arith.addi %iota3A, %add3A_435 : vector<16xi32>
      tpu.vector_store_idx %arg11[%add3A_436], %select_n3A_432 : memref<272xf32, #tpu.memory_space<vmem>>[vector<16xi32>], vector<16xf32>,
      %add3A_437 = arith.constant 187 : i32
      %add3A_438 = vector.broadcast %add3A_437 : i32 to vector<16xi32>
      %add3A_439 = arith.addi %iota3A, %add3A_438 : vector<16xi32>
      tpu.vector_store_idx %arg12[%add3A_439], %select_n3A_433 : memref<272xi32, #tpu.memory_space<vmem>>[vector<16xi32>], vector<16xi32>,
      %scan3A_440 = arith.constant 0 : i32
      %scan3A_441 = arith.constant 62 : i32
      %scan3A_442 = arith.addi %scan3A_440, %scan3A_441 : i32
      %scan3A_443 = arith.constant 2 : i32
      %scan3A_444:9 = scf.for %scan3A_2151 = %scan3A_440 to %scan3A_442 step %scan3A_443 iter_args(%scan3A_2152 = %broadcast_in_dim3A_236, %scan3A_2153 = %broadcast_in_dim3A_236, %scan3A_2154 = %broadcast_in_dim3A_236, %scan3A_2155 = %broadcast_in_dim3A_236, %scan3A_2156 = %iota3A, %scan3A_2157 = %iota3A, %scan3A_2158 = %iota3A, %scan3A_2159 = %iota3A, %scan3A_2160 = %iota3A) -> (vector<16xf32>, vector<16xf32>, vector<16xf32>, vector<16xf32>, vector<16xi32>, vector<16xi32>, vector<16xi32>, vector<16xi32>, vector<16xi32>)  : i32 {
        %mul3A_2161 = arith.constant 16 : i32
        %mul3A_2162 = arith.muli %scan3A_2151, %mul3A_2161 : i32
        %get3A_2163 = arith.constant 12 : i32
        %get3A_2164 = arith.index_cast %get3A_2163 : i32 to index
        %get3A_2165 = arith.index_cast %mul3A_2162 : i32 to index
        %get3A_2166 = tpu.vector_load %arg8[%get3A_2164, %get3A_2165] {strides = array<i32>} : memref<32x1000xf32, #tpu.memory_space<vmem>>, vector<16xf32>,
        %lt3A_2167 = arith.cmpf olt, %get3A_2166, %scan3A_2152 : vector<16xf32>
        %select_n3A_2168 = arith.select %lt3A_2167, %get3A_2166, %scan3A_2152 : vector<16xi1>, vector<16xf32>
        %select_n3A_2169 = arith.select %lt3A_2167, %scan3A_2160, %scan3A_2156 : vector<16xi1>, vector<16xi32>
        %get3A_2170 = arith.constant 13 : i32
        %get3A_2171 = arith.index_cast %get3A_2170 : i32 to index
        %get3A_2172 = arith.index_cast %mul3A_2162 : i32 to index
        %get3A_2173 = tpu.vector_load %arg8[%get3A_2171, %get3A_2172] {strides = array<i32>} : memref<32x1000xf32, #tpu.memory_space<vmem>>, vector<16xf32>,
        %lt3A_2174 = arith.cmpf olt, %get3A_2173, %scan3A_2153 : vector<16xf32>
        %select_n3A_2175 = arith.select %lt3A_2174, %get3A_2173, %scan3A_2153 : vector<16xi1>, vector<16xf32>
        %select_n3A_2176 = arith.select %lt3A_2174, %scan3A_2160, %scan3A_2157 : vector<16xi1>, vector<16xi32>
        %get3A_2177 = arith.constant 14 : i32
        %get3A_2178 = arith.index_cast %get3A_2177 : i32 to index
        %get3A_2179 = arith.index_cast %mul3A_2162 : i32 to index
        %get3A_2180 = tpu.vector_load %arg8[%get3A_2178, %get3A_2179] {strides = array<i32>} : memref<32x1000xf32, #tpu.memory_space<vmem>>, vector<16xf32>,
        %lt3A_2181 = arith.cmpf olt, %get3A_2180, %scan3A_2154 : vector<16xf32>
        %select_n3A_2182 = arith.select %lt3A_2181, %get3A_2180, %scan3A_2154 : vector<16xi1>, vector<16xf32>
        %select_n3A_2183 = arith.select %lt3A_2181, %scan3A_2160, %scan3A_2158 : vector<16xi1>, vector<16xi32>
        %get3A_2184 = arith.constant 15 : i32
        %get3A_2185 = arith.index_cast %get3A_2184 : i32 to index
        %get3A_2186 = arith.index_cast %mul3A_2162 : i32 to index
        %get3A_2187 = tpu.vector_load %arg8[%get3A_2185, %get3A_2186] {strides = array<i32>} : memref<32x1000xf32, #tpu.memory_space<vmem>>, vector<16xf32>,
        %lt3A_2188 = arith.cmpf olt, %get3A_2187, %scan3A_2155 : vector<16xf32>
        %select_n3A_2189 = arith.select %lt3A_2188, %get3A_2187, %scan3A_2155 : vector<16xi1>, vector<16xf32>
        %select_n3A_2190 = arith.select %lt3A_2188, %scan3A_2160, %scan3A_2159 : vector<16xi1>, vector<16xi32>
        %add3A_2191 = arith.constant 16 : i32
        %add3A_2192 = vector.broadcast %add3A_2191 : i32 to vector<16xi32>
        %add3A_2193 = arith.addi %scan3A_2160, %add3A_2192 : vector<16xi32>
        %scan3A_2194 = arith.constant 1 : i32
        %scan3A_2195 = arith.addi %scan3A_2151, %scan3A_2194 : i32
        %mul3A_2196 = arith.constant 16 : i32
        %mul3A_2197 = arith.muli %scan3A_2195, %mul3A_2196 : i32
        %get3A_2198 = arith.constant 12 : i32
        %get3A_2199 = arith.index_cast %get3A_2198 : i32 to index
        %get3A_2200 = arith.index_cast %mul3A_2197 : i32 to index
        %get3A_2201 = tpu.vector_load %arg8[%get3A_2199, %get3A_2200] {strides = array<i32>} : memref<32x1000xf32, #tpu.memory_space<vmem>>, vector<16xf32>,
        %lt3A_2202 = arith.cmpf olt, %get3A_2201, %select_n3A_2168 : vector<16xf32>
        %select_n3A_2203 = arith.select %lt3A_2202, %get3A_2201, %select_n3A_2168 : vector<16xi1>, vector<16xf32>
        %select_n3A_2204 = arith.select %lt3A_2202, %add3A_2193, %select_n3A_2169 : vector<16xi1>, vector<16xi32>
        %get3A_2205 = arith.constant 13 : i32
        %get3A_2206 = arith.index_cast %get3A_2205 : i32 to index
        %get3A_2207 = arith.index_cast %mul3A_2197 : i32 to index
        %get3A_2208 = tpu.vector_load %arg8[%get3A_2206, %get3A_2207] {strides = array<i32>} : memref<32x1000xf32, #tpu.memory_space<vmem>>, vector<16xf32>,
        %lt3A_2209 = arith.cmpf olt, %get3A_2208, %select_n3A_2175 : vector<16xf32>
        %select_n3A_2210 = arith.select %lt3A_2209, %get3A_2208, %select_n3A_2175 : vector<16xi1>, vector<16xf32>
        %select_n3A_2211 = arith.select %lt3A_2209, %add3A_2193, %select_n3A_2176 : vector<16xi1>, vector<16xi32>
        %get3A_2212 = arith.constant 14 : i32
        %get3A_2213 = arith.index_cast %get3A_2212 : i32 to index
        %get3A_2214 = arith.index_cast %mul3A_2197 : i32 to index
        %get3A_2215 = tpu.vector_load %arg8[%get3A_2213, %get3A_2214] {strides = array<i32>} : memref<32x1000xf32, #tpu.memory_space<vmem>>, vector<16xf32>,
        %lt3A_2216 = arith.cmpf olt, %get3A_2215, %select_n3A_2182 : vector<16xf32>
        %select_n3A_2217 = arith.select %lt3A_2216, %get3A_2215, %select_n3A_2182 : vector<16xi1>, vector<16xf32>
        %select_n3A_2218 = arith.select %lt3A_2216, %add3A_2193, %select_n3A_2183 : vector<16xi1>, vector<16xi32>
        %get3A_2219 = arith.constant 15 : i32
        %get3A_2220 = arith.index_cast %get3A_2219 : i32 to index
        %get3A_2221 = arith.index_cast %mul3A_2197 : i32 to index
        %get3A_2222 = tpu.vector_load %arg8[%get3A_2220, %get3A_2221] {strides = array<i32>} : memref<32x1000xf32, #tpu.memory_space<vmem>>, vector<16xf32>,
        %lt3A_2223 = arith.cmpf olt, %get3A_2222, %select_n3A_2189 : vector<16xf32>
        %select_n3A_2224 = arith.select %lt3A_2223, %get3A_2222, %select_n3A_2189 : vector<16xi1>, vector<16xf32>
        %select_n3A_2225 = arith.select %lt3A_2223, %add3A_2193, %select_n3A_2190 : vector<16xi1>, vector<16xi32>
        %add3A_2226 = arith.constant 16 : i32
        %add3A_2227 = vector.broadcast %add3A_2226 : i32 to vector<16xi32>
        %add3A_2228 = arith.addi %add3A_2193, %add3A_2227 : vector<16xi32>
        scf.yield %select_n3A_2203, %select_n3A_2210, %select_n3A_2217, %select_n3A_2224, %select_n3A_2204, %select_n3A_2211, %select_n3A_2218, %select_n3A_2225, %add3A_2228 : vector<16xf32>, vector<16xf32>, vector<16xf32>, vector<16xf32>, vector<16xi32>, vector<16xi32>, vector<16xi32>, vector<16xi32>, vector<16xi32>
      }
      %scan3A_445 = arith.constant 62 : i32
      %get3A_446 = arith.constant 12 : i32
      %get3A_447 = arith.index_cast %get3A_446 : i32 to index
      %get3A_448 = arith.constant 984 : index
      %get3A_449 = tpu.vector_load %arg8[%get3A_447, %get3A_448] {strides = array<i32>} : memref<32x1000xf32, #tpu.memory_space<vmem>>, vector<16xf32>,
      %lt3A_450 = arith.cmpf olt, %get3A_449, %scan3A_444#0 : vector<16xf32>
      %select_n3A_451 = arith.select %lt3A_450, %get3A_449, %scan3A_444#0 : vector<16xi1>, vector<16xf32>
      %select_n3A_452 = arith.select %lt3A_450, %add3A_239, %scan3A_444#4 : vector<16xi1>, vector<16xi32>
      %add3A_453 = arith.constant 204 : i32
      %add3A_454 = vector.broadcast %add3A_453 : i32 to vector<16xi32>
      %add3A_455 = arith.addi %iota3A, %add3A_454 : vector<16xi32>
      tpu.vector_store_idx %arg11[%add3A_455], %select_n3A_451 : memref<272xf32, #tpu.memory_space<vmem>>[vector<16xi32>], vector<16xf32>,
      %add3A_456 = arith.constant 204 : i32
      %add3A_457 = vector.broadcast %add3A_456 : i32 to vector<16xi32>
      %add3A_458 = arith.addi %iota3A, %add3A_457 : vector<16xi32>
      tpu.vector_store_idx %arg12[%add3A_458], %select_n3A_452 : memref<272xi32, #tpu.memory_space<vmem>>[vector<16xi32>], vector<16xi32>,
      %get3A_459 = arith.constant 13 : i32
      %get3A_460 = arith.index_cast %get3A_459 : i32 to index
      %get3A_461 = arith.constant 984 : index
      %get3A_462 = tpu.vector_load %arg8[%get3A_460, %get3A_461] {strides = array<i32>} : memref<32x1000xf32, #tpu.memory_space<vmem>>, vector<16xf32>,
      %lt3A_463 = arith.cmpf olt, %get3A_462, %scan3A_444#1 : vector<16xf32>
      %select_n3A_464 = arith.select %lt3A_463, %get3A_462, %scan3A_444#1 : vector<16xi1>, vector<16xf32>
      %select_n3A_465 = arith.select %lt3A_463, %add3A_239, %scan3A_444#5 : vector<16xi1>, vector<16xi32>
      %add3A_466 = arith.constant 221 : i32
      %add3A_467 = vector.broadcast %add3A_466 : i32 to vector<16xi32>
      %add3A_468 = arith.addi %iota3A, %add3A_467 : vector<16xi32>
      tpu.vector_store_idx %arg11[%add3A_468], %select_n3A_464 : memref<272xf32, #tpu.memory_space<vmem>>[vector<16xi32>], vector<16xf32>,
      %add3A_469 = arith.constant 221 : i32
      %add3A_470 = vector.broadcast %add3A_469 : i32 to vector<16xi32>
      %add3A_471 = arith.addi %iota3A, %add3A_470 : vector<16xi32>
      tpu.vector_store_idx %arg12[%add3A_471], %select_n3A_465 : memref<272xi32, #tpu.memory_space<vmem>>[vector<16xi32>], vector<16xi32>,
      %get3A_472 = arith.constant 14 : i32
      %get3A_473 = arith.index_cast %get3A_472 : i32 to index
      %get3A_474 = arith.constant 984 : index
      %get3A_475 = tpu.vector_load %arg8[%get3A_473, %get3A_474] {strides = array<i32>} : memref<32x1000xf32, #tpu.memory_space<vmem>>, vector<16xf32>,
      %lt3A_476 = arith.cmpf olt, %get3A_475, %scan3A_444#2 : vector<16xf32>
      %select_n3A_477 = arith.select %lt3A_476, %get3A_475, %scan3A_444#2 : vector<16xi1>, vector<16xf32>
      %select_n3A_478 = arith.select %lt3A_476, %add3A_239, %scan3A_444#6 : vector<16xi1>, vector<16xi32>
      %add3A_479 = arith.constant 238 : i32
      %add3A_480 = vector.broadcast %add3A_479 : i32 to vector<16xi32>
      %add3A_481 = arith.addi %iota3A, %add3A_480 : vector<16xi32>
      tpu.vector_store_idx %arg11[%add3A_481], %select_n3A_477 : memref<272xf32, #tpu.memory_space<vmem>>[vector<16xi32>], vector<16xf32>,
      %add3A_482 = arith.constant 238 : i32
      %add3A_483 = vector.broadcast %add3A_482 : i32 to vector<16xi32>
      %add3A_484 = arith.addi %iota3A, %add3A_483 : vector<16xi32>
      tpu.vector_store_idx %arg12[%add3A_484], %select_n3A_478 : memref<272xi32, #tpu.memory_space<vmem>>[vector<16xi32>], vector<16xi32>,
      %get3A_485 = arith.constant 15 : i32
      %get3A_486 = arith.index_cast %get3A_485 : i32 to index
      %get3A_487 = arith.constant 984 : index
      %get3A_488 = tpu.vector_load %arg8[%get3A_486, %get3A_487] {strides = array<i32>} : memref<32x1000xf32, #tpu.memory_space<vmem>>, vector<16xf32>,
      %lt3A_489 = arith.cmpf olt, %get3A_488, %scan3A_444#3 : vector<16xf32>
      %select_n3A_490 = arith.select %lt3A_489, %get3A_488, %scan3A_444#3 : vector<16xi1>, vector<16xf32>
      %select_n3A_491 = arith.select %lt3A_489, %add3A_239, %scan3A_444#7 : vector<16xi1>, vector<16xi32>
      %add3A_492 = arith.constant 255 : i32
      %add3A_493 = vector.broadcast %add3A_492 : i32 to vector<16xi32>
      %add3A_494 = arith.addi %iota3A, %add3A_493 : vector<16xi32>
      tpu.vector_store_idx %arg11[%add3A_494], %select_n3A_490 : memref<272xf32, #tpu.memory_space<vmem>>[vector<16xi32>], vector<16xf32>,
      %add3A_495 = arith.constant 255 : i32
      %add3A_496 = vector.broadcast %add3A_495 : i32 to vector<16xi32>
      %add3A_497 = arith.addi %iota3A, %add3A_496 : vector<16xi32>
      tpu.vector_store_idx %arg12[%add3A_497], %select_n3A_491 : memref<272xi32, #tpu.memory_space<vmem>>[vector<16xi32>], vector<16xi32>,
      %gather3A_498 = tpu.vector_load_idx %arg11[%mul3A_234] : memref<272xf32, #tpu.memory_space<vmem>>[vector<16xi32>], vector<16xf32>,
      %gather3A_499 = tpu.vector_load_idx %arg12[%mul3A_234] : memref<272xi32, #tpu.memory_space<vmem>>[vector<16xi32>], vector<16xi32>,
      %add3A_500 = arith.constant 1 : i32
      %add3A_501 = vector.broadcast %add3A_500 : i32 to vector<16xi32>
      %add3A_502 = arith.addi %mul3A_234, %add3A_501 : vector<16xi32>
      %gather3A_503 = tpu.vector_load_idx %arg11[%add3A_502] : memref<272xf32, #tpu.memory_space<vmem>>[vector<16xi32>], vector<16xf32>,
      %add3A_504 = arith.constant 1 : i32
      %add3A_505 = vector.broadcast %add3A_504 : i32 to vector<16xi32>
      %add3A_506 = arith.addi %mul3A_234, %add3A_505 : vector<16xi32>
      %gather3A_507 = tpu.vector_load_idx %arg12[%add3A_506] : memref<272xi32, #tpu.memory_space<vmem>>[vector<16xi32>], vector<16xi32>,
      %lt3A_508 = arith.cmpf olt, %gather3A_503, %gather3A_498 : vector<16xf32>
      %eq3A = arith.cmpf oeq, %gather3A_503, %gather3A_498 : vector<16xf32>
      %lt3A_509 = arith.cmpi slt, %gather3A_507, %gather3A_499 : vector<16xi32>
      %and3A_510 = arith.andi %eq3A, %lt3A_509 : vector<16xi1>
      %or3A = arith.ori %lt3A_508, %and3A_510 : vector<16xi1>
      %select_n3A_511 = arith.select %or3A, %gather3A_503, %gather3A_498 : vector<16xi1>, vector<16xf32>
      %select_n3A_512 = arith.select %or3A, %gather3A_507, %gather3A_499 : vector<16xi1>, vector<16xi32>
      %add3A_513 = arith.constant 2 : i32
      %add3A_514 = vector.broadcast %add3A_513 : i32 to vector<16xi32>
      %add3A_515 = arith.addi %mul3A_234, %add3A_514 : vector<16xi32>
      %gather3A_516 = tpu.vector_load_idx %arg11[%add3A_515] : memref<272xf32, #tpu.memory_space<vmem>>[vector<16xi32>], vector<16xf32>,
      %add3A_517 = arith.constant 2 : i32
      %add3A_518 = vector.broadcast %add3A_517 : i32 to vector<16xi32>
      %add3A_519 = arith.addi %mul3A_234, %add3A_518 : vector<16xi32>
      %gather3A_520 = tpu.vector_load_idx %arg12[%add3A_519] : memref<272xi32, #tpu.memory_space<vmem>>[vector<16xi32>], vector<16xi32>,
      %lt3A_521 = arith.cmpf olt, %gather3A_516, %select_n3A_511 : vector<16xf32>
      %eq3A_522 = arith.cmpf oeq, %gather3A_516, %select_n3A_511 : vector<16xf32>
      %lt3A_523 = arith.cmpi slt, %gather3A_520, %select_n3A_512 : vector<16xi32>
      %and3A_524 = arith.andi %eq3A_522, %lt3A_523 : vector<16xi1>
      %or3A_525 = arith.ori %lt3A_521, %and3A_524 : vector<16xi1>
      %select_n3A_526 = arith.select %or3A_525, %gather3A_516, %select_n3A_511 : vector<16xi1>, vector<16xf32>
      %select_n3A_527 = arith.select %or3A_525, %gather3A_520, %select_n3A_512 : vector<16xi1>, vector<16xi32>
      %add3A_528 = arith.constant 3 : i32
      %add3A_529 = vector.broadcast %add3A_528 : i32 to vector<16xi32>
      %add3A_530 = arith.addi %mul3A_234, %add3A_529 : vector<16xi32>
      %gather3A_531 = tpu.vector_load_idx %arg11[%add3A_530] : memref<272xf32, #tpu.memory_space<vmem>>[vector<16xi32>], vector<16xf32>,
      %add3A_532 = arith.constant 3 : i32
      %add3A_533 = vector.broadcast %add3A_532 : i32 to vector<16xi32>
      %add3A_534 = arith.addi %mul3A_234, %add3A_533 : vector<16xi32>
      %gather3A_535 = tpu.vector_load_idx %arg12[%add3A_534] : memref<272xi32, #tpu.memory_space<vmem>>[vector<16xi32>], vector<16xi32>,
      %lt3A_536 = arith.cmpf olt, %gather3A_531, %select_n3A_526 : vector<16xf32>
      %eq3A_537 = arith.cmpf oeq, %gather3A_531, %select_n3A_526 : vector<16xf32>
      %lt3A_538 = arith.cmpi slt, %gather3A_535, %select_n3A_527 : vector<16xi32>
      %and3A_539 = arith.andi %eq3A_537, %lt3A_538 : vector<16xi1>
      %or3A_540 = arith.ori %lt3A_536, %and3A_539 : vector<16xi1>
      %select_n3A_541 = arith.select %or3A_540, %gather3A_531, %select_n3A_526 : vector<16xi1>, vector<16xf32>
      %select_n3A_542 = arith.select %or3A_540, %gather3A_535, %select_n3A_527 : vector<16xi1>, vector<16xi32>
      %add3A_543 = arith.constant 4 : i32
      %add3A_544 = vector.broadcast %add3A_543 : i32 to vector<16xi32>
      %add3A_545 = arith.addi %mul3A_234, %add3A_544 : vector<16xi32>
      %gather3A_546 = tpu.vector_load_idx %arg11[%add3A_545] : memref<272xf32, #tpu.memory_space<vmem>>[vector<16xi32>], vector<16xf32>,
      %add3A_547 = arith.constant 4 : i32
      %add3A_548 = vector.broadcast %add3A_547 : i32 to vector<16xi32>
      %add3A_549 = arith.addi %mul3A_234, %add3A_548 : vector<16xi32>
      %gather3A_550 = tpu.vector_load_idx %arg12[%add3A_549] : memref<272xi32, #tpu.memory_space<vmem>>[vector<16xi32>], vector<16xi32>,
      %lt3A_551 = arith.cmpf olt, %gather3A_546, %select_n3A_541 : vector<16xf32>
      %eq3A_552 = arith.cmpf oeq, %gather3A_546, %select_n3A_541 : vector<16xf32>
      %lt3A_553 = arith.cmpi slt, %gather3A_550, %select_n3A_542 : vector<16xi32>
      %and3A_554 = arith.andi %eq3A_552, %lt3A_553 : vector<16xi1>
      %or3A_555 = arith.ori %lt3A_551, %and3A_554 : vector<16xi1>
      %select_n3A_556 = arith.select %or3A_555, %gather3A_546, %select_n3A_541 : vector<16xi1>, vector<16xf32>
      %select_n3A_557 = arith.select %or3A_555, %gather3A_550, %select_n3A_542 : vector<16xi1>, vector<16xi32>
      %add3A_558 = arith.constant 5 : i32
      %add3A_559 = vector.broadcast %add3A_558 : i32 to vector<16xi32>
      %add3A_560 = arith.addi %mul3A_234, %add3A_559 : vector<16xi32>
      %gather3A_561 = tpu.vector_load_idx %arg11[%add3A_560] : memref<272xf32, #tpu.memory_space<vmem>>[vector<16xi32>], vector<16xf32>,
      %add3A_562 = arith.constant 5 : i32
      %add3A_563 = vector.broadcast %add3A_562 : i32 to vector<16xi32>
      %add3A_564 = arith.addi %mul3A_234, %add3A_563 : vector<16xi32>
      %gather3A_565 = tpu.vector_load_idx %arg12[%add3A_564] : memref<272xi32, #tpu.memory_space<vmem>>[vector<16xi32>], vector<16xi32>,
      %lt3A_566 = arith.cmpf olt, %gather3A_561, %select_n3A_556 : vector<16xf32>
      %eq3A_567 = arith.cmpf oeq, %gather3A_561, %select_n3A_556 : vector<16xf32>
      %lt3A_568 = arith.cmpi slt, %gather3A_565, %select_n3A_557 : vector<16xi32>
      %and3A_569 = arith.andi %eq3A_567, %lt3A_568 : vector<16xi1>
      %or3A_570 = arith.ori %lt3A_566, %and3A_569 : vector<16xi1>
      %select_n3A_571 = arith.select %or3A_570, %gather3A_561, %select_n3A_556 : vector<16xi1>, vector<16xf32>
      %select_n3A_572 = arith.select %or3A_570, %gather3A_565, %select_n3A_557 : vector<16xi1>, vector<16xi32>
      %add3A_573 = arith.constant 6 : i32
      %add3A_574 = vector.broadcast %add3A_573 : i32 to vector<16xi32>
      %add3A_575 = arith.addi %mul3A_234, %add3A_574 : vector<16xi32>
      %gather3A_576 = tpu.vector_load_idx %arg11[%add3A_575] : memref<272xf32, #tpu.memory_space<vmem>>[vector<16xi32>], vector<16xf32>,
      %add3A_577 = arith.constant 6 : i32
      %add3A_578 = vector.broadcast %add3A_577 : i32 to vector<16xi32>
      %add3A_579 = arith.addi %mul3A_234, %add3A_578 : vector<16xi32>
      %gather3A_580 = tpu.vector_load_idx %arg12[%add3A_579] : memref<272xi32, #tpu.memory_space<vmem>>[vector<16xi32>], vector<16xi32>,
      %lt3A_581 = arith.cmpf olt, %gather3A_576, %select_n3A_571 : vector<16xf32>
      %eq3A_582 = arith.cmpf oeq, %gather3A_576, %select_n3A_571 : vector<16xf32>
      %lt3A_583 = arith.cmpi slt, %gather3A_580, %select_n3A_572 : vector<16xi32>
      %and3A_584 = arith.andi %eq3A_582, %lt3A_583 : vector<16xi1>
      %or3A_585 = arith.ori %lt3A_581, %and3A_584 : vector<16xi1>
      %select_n3A_586 = arith.select %or3A_585, %gather3A_576, %select_n3A_571 : vector<16xi1>, vector<16xf32>
      %select_n3A_587 = arith.select %or3A_585, %gather3A_580, %select_n3A_572 : vector<16xi1>, vector<16xi32>
      %add3A_588 = arith.constant 7 : i32
      %add3A_589 = vector.broadcast %add3A_588 : i32 to vector<16xi32>
      %add3A_590 = arith.addi %mul3A_234, %add3A_589 : vector<16xi32>
      %gather3A_591 = tpu.vector_load_idx %arg11[%add3A_590] : memref<272xf32, #tpu.memory_space<vmem>>[vector<16xi32>], vector<16xf32>,
      %add3A_592 = arith.constant 7 : i32
      %add3A_593 = vector.broadcast %add3A_592 : i32 to vector<16xi32>
      %add3A_594 = arith.addi %mul3A_234, %add3A_593 : vector<16xi32>
      %gather3A_595 = tpu.vector_load_idx %arg12[%add3A_594] : memref<272xi32, #tpu.memory_space<vmem>>[vector<16xi32>], vector<16xi32>,
      %lt3A_596 = arith.cmpf olt, %gather3A_591, %select_n3A_586 : vector<16xf32>
      %eq3A_597 = arith.cmpf oeq, %gather3A_591, %select_n3A_586 : vector<16xf32>
      %lt3A_598 = arith.cmpi slt, %gather3A_595, %select_n3A_587 : vector<16xi32>
      %and3A_599 = arith.andi %eq3A_597, %lt3A_598 : vector<16xi1>
      %or3A_600 = arith.ori %lt3A_596, %and3A_599 : vector<16xi1>
      %select_n3A_601 = arith.select %or3A_600, %gather3A_591, %select_n3A_586 : vector<16xi1>, vector<16xf32>
      %select_n3A_602 = arith.select %or3A_600, %gather3A_595, %select_n3A_587 : vector<16xi1>, vector<16xi32>
      %add3A_603 = arith.constant 8 : i32
      %add3A_604 = vector.broadcast %add3A_603 : i32 to vector<16xi32>
      %add3A_605 = arith.addi %mul3A_234, %add3A_604 : vector<16xi32>
      %gather3A_606 = tpu.vector_load_idx %arg11[%add3A_605] : memref<272xf32, #tpu.memory_space<vmem>>[vector<16xi32>], vector<16xf32>,
      %add3A_607 = arith.constant 8 : i32
      %add3A_608 = vector.broadcast %add3A_607 : i32 to vector<16xi32>
      %add3A_609 = arith.addi %mul3A_234, %add3A_608 : vector<16xi32>
      %gather3A_610 = tpu.vector_load_idx %arg12[%add3A_609] : memref<272xi32, #tpu.memory_space<vmem>>[vector<16xi32>], vector<16xi32>,
      %lt3A_611 = arith.cmpf olt, %gather3A_606, %select_n3A_601 : vector<16xf32>
      %eq3A_612 = arith.cmpf oeq, %gather3A_606, %select_n3A_601 : vector<16xf32>
      %lt3A_613 = arith.cmpi slt, %gather3A_610, %select_n3A_602 : vector<16xi32>
      %and3A_614 = arith.andi %eq3A_612, %lt3A_613 : vector<16xi1>
      %or3A_615 = arith.ori %lt3A_611, %and3A_614 : vector<16xi1>
      %select_n3A_616 = arith.select %or3A_615, %gather3A_606, %select_n3A_601 : vector<16xi1>, vector<16xf32>
      %select_n3A_617 = arith.select %or3A_615, %gather3A_610, %select_n3A_602 : vector<16xi1>, vector<16xi32>
      %add3A_618 = arith.constant 9 : i32
      %add3A_619 = vector.broadcast %add3A_618 : i32 to vector<16xi32>
      %add3A_620 = arith.addi %mul3A_234, %add3A_619 : vector<16xi32>
      %gather3A_621 = tpu.vector_load_idx %arg11[%add3A_620] : memref<272xf32, #tpu.memory_space<vmem>>[vector<16xi32>], vector<16xf32>,
      %add3A_622 = arith.constant 9 : i32
      %add3A_623 = vector.broadcast %add3A_622 : i32 to vector<16xi32>
      %add3A_624 = arith.addi %mul3A_234, %add3A_623 : vector<16xi32>
      %gather3A_625 = tpu.vector_load_idx %arg12[%add3A_624] : memref<272xi32, #tpu.memory_space<vmem>>[vector<16xi32>], vector<16xi32>,
      %lt3A_626 = arith.cmpf olt, %gather3A_621, %select_n3A_616 : vector<16xf32>
      %eq3A_627 = arith.cmpf oeq, %gather3A_621, %select_n3A_616 : vector<16xf32>
      %lt3A_628 = arith.cmpi slt, %gather3A_625, %select_n3A_617 : vector<16xi32>
      %and3A_629 = arith.andi %eq3A_627, %lt3A_628 : vector<16xi1>
      %or3A_630 = arith.ori %lt3A_626, %and3A_629 : vector<16xi1>
      %select_n3A_631 = arith.select %or3A_630, %gather3A_621, %select_n3A_616 : vector<16xi1>, vector<16xf32>
      %select_n3A_632 = arith.select %or3A_630, %gather3A_625, %select_n3A_617 : vector<16xi1>, vector<16xi32>
      %add3A_633 = arith.constant 10 : i32
      %add3A_634 = vector.broadcast %add3A_633 : i32 to vector<16xi32>
      %add3A_635 = arith.addi %mul3A_234, %add3A_634 : vector<16xi32>
      %gather3A_636 = tpu.vector_load_idx %arg11[%add3A_635] : memref<272xf32, #tpu.memory_space<vmem>>[vector<16xi32>], vector<16xf32>,
      %add3A_637 = arith.constant 10 : i32
      %add3A_638 = vector.broadcast %add3A_637 : i32 to vector<16xi32>
      %add3A_639 = arith.addi %mul3A_234, %add3A_638 : vector<16xi32>
      %gather3A_640 = tpu.vector_load_idx %arg12[%add3A_639] : memref<272xi32, #tpu.memory_space<vmem>>[vector<16xi32>], vector<16xi32>,
      %lt3A_641 = arith.cmpf olt, %gather3A_636, %select_n3A_631 : vector<16xf32>
      %eq3A_642 = arith.cmpf oeq, %gather3A_636, %select_n3A_631 : vector<16xf32>
      %lt3A_643 = arith.cmpi slt, %gather3A_640, %select_n3A_632 : vector<16xi32>
      %and3A_644 = arith.andi %eq3A_642, %lt3A_643 : vector<16xi1>
      %or3A_645 = arith.ori %lt3A_641, %and3A_644 : vector<16xi1>
      %select_n3A_646 = arith.select %or3A_645, %gather3A_636, %select_n3A_631 : vector<16xi1>, vector<16xf32>
      %select_n3A_647 = arith.select %or3A_645, %gather3A_640, %select_n3A_632 : vector<16xi1>, vector<16xi32>
      %add3A_648 = arith.constant 11 : i32
      %add3A_649 = vector.broadcast %add3A_648 : i32 to vector<16xi32>
      %add3A_650 = arith.addi %mul3A_234, %add3A_649 : vector<16xi32>
      %gather3A_651 = tpu.vector_load_idx %arg11[%add3A_650] : memref<272xf32, #tpu.memory_space<vmem>>[vector<16xi32>], vector<16xf32>,
      %add3A_652 = arith.constant 11 : i32
      %add3A_653 = vector.broadcast %add3A_652 : i32 to vector<16xi32>
      %add3A_654 = arith.addi %mul3A_234, %add3A_653 : vector<16xi32>
      %gather3A_655 = tpu.vector_load_idx %arg12[%add3A_654] : memref<272xi32, #tpu.memory_space<vmem>>[vector<16xi32>], vector<16xi32>,
      %lt3A_656 = arith.cmpf olt, %gather3A_651, %select_n3A_646 : vector<16xf32>
      %eq3A_657 = arith.cmpf oeq, %gather3A_651, %select_n3A_646 : vector<16xf32>
      %lt3A_658 = arith.cmpi slt, %gather3A_655, %select_n3A_647 : vector<16xi32>
      %and3A_659 = arith.andi %eq3A_657, %lt3A_658 : vector<16xi1>
      %or3A_660 = arith.ori %lt3A_656, %and3A_659 : vector<16xi1>
      %select_n3A_661 = arith.select %or3A_660, %gather3A_651, %select_n3A_646 : vector<16xi1>, vector<16xf32>
      %select_n3A_662 = arith.select %or3A_660, %gather3A_655, %select_n3A_647 : vector<16xi1>, vector<16xi32>
      %add3A_663 = arith.constant 12 : i32
      %add3A_664 = vector.broadcast %add3A_663 : i32 to vector<16xi32>
      %add3A_665 = arith.addi %mul3A_234, %add3A_664 : vector<16xi32>
      %gather3A_666 = tpu.vector_load_idx %arg11[%add3A_665] : memref<272xf32, #tpu.memory_space<vmem>>[vector<16xi32>], vector<16xf32>,
      %add3A_667 = arith.constant 12 : i32
      %add3A_668 = vector.broadcast %add3A_667 : i32 to vector<16xi32>
      %add3A_669 = arith.addi %mul3A_234, %add3A_668 : vector<16xi32>
      %gather3A_670 = tpu.vector_load_idx %arg12[%add3A_669] : memref<272xi32, #tpu.memory_space<vmem>>[vector<16xi32>], vector<16xi32>,
      %lt3A_671 = arith.cmpf olt, %gather3A_666, %select_n3A_661 : vector<16xf32>
      %eq3A_672 = arith.cmpf oeq, %gather3A_666, %select_n3A_661 : vector<16xf32>
      %lt3A_673 = arith.cmpi slt, %gather3A_670, %select_n3A_662 : vector<16xi32>
      %and3A_674 = arith.andi %eq3A_672, %lt3A_673 : vector<16xi1>
      %or3A_675 = arith.ori %lt3A_671, %and3A_674 : vector<16xi1>
      %select_n3A_676 = arith.select %or3A_675, %gather3A_666, %select_n3A_661 : vector<16xi1>, vector<16xf32>
      %select_n3A_677 = arith.select %or3A_675, %gather3A_670, %select_n3A_662 : vector<16xi1>, vector<16xi32>
      %add3A_678 = arith.constant 13 : i32
      %add3A_679 = vector.broadcast %add3A_678 : i32 to vector<16xi32>
      %add3A_680 = arith.addi %mul3A_234, %add3A_679 : vector<16xi32>
      %gather3A_681 = tpu.vector_load_idx %arg11[%add3A_680] : memref<272xf32, #tpu.memory_space<vmem>>[vector<16xi32>], vector<16xf32>,
      %add3A_682 = arith.constant 13 : i32
      %add3A_683 = vector.broadcast %add3A_682 : i32 to vector<16xi32>
      %add3A_684 = arith.addi %mul3A_234, %add3A_683 : vector<16xi32>
      %gather3A_685 = tpu.vector_load_idx %arg12[%add3A_684] : memref<272xi32, #tpu.memory_space<vmem>>[vector<16xi32>], vector<16xi32>,
      %lt3A_686 = arith.cmpf olt, %gather3A_681, %select_n3A_676 : vector<16xf32>
      %eq3A_687 = arith.cmpf oeq, %gather3A_681, %select_n3A_676 : vector<16xf32>
      %lt3A_688 = arith.cmpi slt, %gather3A_685, %select_n3A_677 : vector<16xi32>
      %and3A_689 = arith.andi %eq3A_687, %lt3A_688 : vector<16xi1>
      %or3A_690 = arith.ori %lt3A_686, %and3A_689 : vector<16xi1>
      %select_n3A_691 = arith.select %or3A_690, %gather3A_681, %select_n3A_676 : vector<16xi1>, vector<16xf32>
      %select_n3A_692 = arith.select %or3A_690, %gather3A_685, %select_n3A_677 : vector<16xi1>, vector<16xi32>
      %add3A_693 = arith.constant 14 : i32
      %add3A_694 = vector.broadcast %add3A_693 : i32 to vector<16xi32>
      %add3A_695 = arith.addi %mul3A_234, %add3A_694 : vector<16xi32>
      %gather3A_696 = tpu.vector_load_idx %arg11[%add3A_695] : memref<272xf32, #tpu.memory_space<vmem>>[vector<16xi32>], vector<16xf32>,
      %add3A_697 = arith.constant 14 : i32
      %add3A_698 = vector.broadcast %add3A_697 : i32 to vector<16xi32>
      %add3A_699 = arith.addi %mul3A_234, %add3A_698 : vector<16xi32>
      %gather3A_700 = tpu.vector_load_idx %arg12[%add3A_699] : memref<272xi32, #tpu.memory_space<vmem>>[vector<16xi32>], vector<16xi32>,
      %lt3A_701 = arith.cmpf olt, %gather3A_696, %select_n3A_691 : vector<16xf32>
      %eq3A_702 = arith.cmpf oeq, %gather3A_696, %select_n3A_691 : vector<16xf32>
      %lt3A_703 = arith.cmpi slt, %gather3A_700, %select_n3A_692 : vector<16xi32>
      %and3A_704 = arith.andi %eq3A_702, %lt3A_703 : vector<16xi1>
      %or3A_705 = arith.ori %lt3A_701, %and3A_704 : vector<16xi1>
      %select_n3A_706 = arith.select %or3A_705, %gather3A_696, %select_n3A_691 : vector<16xi1>, vector<16xf32>
      %select_n3A_707 = arith.select %or3A_705, %gather3A_700, %select_n3A_692 : vector<16xi1>, vector<16xi32>
      %add3A_708 = arith.constant 15 : i32
      %add3A_709 = vector.broadcast %add3A_708 : i32 to vector<16xi32>
      %add3A_710 = arith.addi %mul3A_234, %add3A_709 : vector<16xi32>
      %gather3A_711 = tpu.vector_load_idx %arg11[%add3A_710] : memref<272xf32, #tpu.memory_space<vmem>>[vector<16xi32>], vector<16xf32>,
      %add3A_712 = arith.constant 15 : i32
      %add3A_713 = vector.broadcast %add3A_712 : i32 to vector<16xi32>
      %add3A_714 = arith.addi %mul3A_234, %add3A_713 : vector<16xi32>
      %gather3A_715 = tpu.vector_load_idx %arg12[%add3A_714] : memref<272xi32, #tpu.memory_space<vmem>>[vector<16xi32>], vector<16xi32>,
      %lt3A_716 = arith.cmpf olt, %gather3A_711, %select_n3A_706 : vector<16xf32>
      %eq3A_717 = arith.cmpf oeq, %gather3A_711, %select_n3A_706 : vector<16xf32>
      %lt3A_718 = arith.cmpi slt, %gather3A_715, %select_n3A_707 : vector<16xi32>
      %and3A_719 = arith.andi %eq3A_717, %lt3A_718 : vector<16xi1>
      %or3A_720 = arith.ori %lt3A_716, %and3A_719 : vector<16xi1>
      %select_n3A_721 = arith.select %or3A_720, %gather3A_711, %select_n3A_706 : vector<16xi1>, vector<16xf32>
      %select_n3A_722 = arith.select %or3A_720, %gather3A_715, %select_n3A_707 : vector<16xi1>, vector<16xi32>
      %gather3A_723 = tpu.vector_load_idx %arg6[%select_n3A_722] : memref<1024xi32, #tpu.memory_space<vmem>>[vector<16xi32>], vector<16xi32>,
      %lt3A_724 = arith.cmpf olt, %select_n3A_721, %get3A_1 : vector<16xf32>
      %select_n3A_725 = arith.select %lt3A_724, %gather3A_723, %add3A_231 : vector<16xi1>, vector<16xi32>
      %mul3A_726 = arith.constant 32 : i32
      %mul3A_727 = arith.muli %mul3A_262, %mul3A_726 : i32
      %add3A_728 = arith.constant 0 : i32
      %add3A_729 = arith.addi %mul3A_727, %add3A_728 : i32
      %swap3A = arith.index_cast %add3A_729 : i32 to index
      %swap3A_730 = tpu.vector_load %arg10[%swap3A] {strides = array<i32>} : memref<512xi32, #tpu.memory_space<vmem>>, vector<16xi32>,
      tpu.vector_store %arg10[%swap3A], %select_n3A_725 {strides = array<i32>} : memref<512xi32, #tpu.memory_space<vmem>>, vector<16xi32>,
      %scan3A_731 = arith.constant 0 : i32
      %scan3A_732 = arith.constant 62 : i32
      %scan3A_733 = arith.addi %scan3A_731, %scan3A_732 : i32
      %scan3A_734 = arith.constant 2 : i32
      %scan3A_735:9 = scf.for %scan3A_2151 = %scan3A_731 to %scan3A_733 step %scan3A_734 iter_args(%scan3A_2152 = %broadcast_in_dim3A_236, %scan3A_2153 = %broadcast_in_dim3A_236, %scan3A_2154 = %broadcast_in_dim3A_236, %scan3A_2155 = %broadcast_in_dim3A_236, %scan3A_2156 = %iota3A, %scan3A_2157 = %iota3A, %scan3A_2158 = %iota3A, %scan3A_2159 = %iota3A, %scan3A_2160 = %iota3A) -> (vector<16xf32>, vector<16xf32>, vector<16xf32>, vector<16xf32>, vector<16xi32>, vector<16xi32>, vector<16xi32>, vector<16xi32>, vector<16xi32>)  : i32 {
        %mul3A_2161 = arith.constant 16 : i32
        %mul3A_2162 = arith.muli %scan3A_2151, %mul3A_2161 : i32
        %get3A_2163 = arith.constant 16 : i32
        %get3A_2164 = arith.index_cast %get3A_2163 : i32 to index
        %get3A_2165 = arith.index_cast %mul3A_2162 : i32 to index
        %get3A_2166 = tpu.vector_load %arg8[%get3A_2164, %get3A_2165] {strides = array<i32>} : memref<32x1000xf32, #tpu.memory_space<vmem>>, vector<16xf32>,
        %lt3A_2167 = arith.cmpf olt, %get3A_2166, %scan3A_2152 : vector<16xf32>
        %select_n3A_2168 = arith.select %lt3A_2167, %get3A_2166, %scan3A_2152 : vector<16xi1>, vector<16xf32>
        %select_n3A_2169 = arith.select %lt3A_2167, %scan3A_2160, %scan3A_2156 : vector<16xi1>, vector<16xi32>
        %get3A_2170 = arith.constant 17 : i32
        %get3A_2171 = arith.index_cast %get3A_2170 : i32 to index
        %get3A_2172 = arith.index_cast %mul3A_2162 : i32 to index
        %get3A_2173 = tpu.vector_load %arg8[%get3A_2171, %get3A_2172] {strides = array<i32>} : memref<32x1000xf32, #tpu.memory_space<vmem>>, vector<16xf32>,
        %lt3A_2174 = arith.cmpf olt, %get3A_2173, %scan3A_2153 : vector<16xf32>
        %select_n3A_2175 = arith.select %lt3A_2174, %get3A_2173, %scan3A_2153 : vector<16xi1>, vector<16xf32>
        %select_n3A_2176 = arith.select %lt3A_2174, %scan3A_2160, %scan3A_2157 : vector<16xi1>, vector<16xi32>
        %get3A_2177 = arith.constant 18 : i32
        %get3A_2178 = arith.index_cast %get3A_2177 : i32 to index
        %get3A_2179 = arith.index_cast %mul3A_2162 : i32 to index
        %get3A_2180 = tpu.vector_load %arg8[%get3A_2178, %get3A_2179] {strides = array<i32>} : memref<32x1000xf32, #tpu.memory_space<vmem>>, vector<16xf32>,
        %lt3A_2181 = arith.cmpf olt, %get3A_2180, %scan3A_2154 : vector<16xf32>
        %select_n3A_2182 = arith.select %lt3A_2181, %get3A_2180, %scan3A_2154 : vector<16xi1>, vector<16xf32>
        %select_n3A_2183 = arith.select %lt3A_2181, %scan3A_2160, %scan3A_2158 : vector<16xi1>, vector<16xi32>
        %get3A_2184 = arith.constant 19 : i32
        %get3A_2185 = arith.index_cast %get3A_2184 : i32 to index
        %get3A_2186 = arith.index_cast %mul3A_2162 : i32 to index
        %get3A_2187 = tpu.vector_load %arg8[%get3A_2185, %get3A_2186] {strides = array<i32>} : memref<32x1000xf32, #tpu.memory_space<vmem>>, vector<16xf32>,
        %lt3A_2188 = arith.cmpf olt, %get3A_2187, %scan3A_2155 : vector<16xf32>
        %select_n3A_2189 = arith.select %lt3A_2188, %get3A_2187, %scan3A_2155 : vector<16xi1>, vector<16xf32>
        %select_n3A_2190 = arith.select %lt3A_2188, %scan3A_2160, %scan3A_2159 : vector<16xi1>, vector<16xi32>
        %add3A_2191 = arith.constant 16 : i32
        %add3A_2192 = vector.broadcast %add3A_2191 : i32 to vector<16xi32>
        %add3A_2193 = arith.addi %scan3A_2160, %add3A_2192 : vector<16xi32>
        %scan3A_2194 = arith.constant 1 : i32
        %scan3A_2195 = arith.addi %scan3A_2151, %scan3A_2194 : i32
        %mul3A_2196 = arith.constant 16 : i32
        %mul3A_2197 = arith.muli %scan3A_2195, %mul3A_2196 : i32
        %get3A_2198 = arith.constant 16 : i32
        %get3A_2199 = arith.index_cast %get3A_2198 : i32 to index
        %get3A_2200 = arith.index_cast %mul3A_2197 : i32 to index
        %get3A_2201 = tpu.vector_load %arg8[%get3A_2199, %get3A_2200] {strides = array<i32>} : memref<32x1000xf32, #tpu.memory_space<vmem>>, vector<16xf32>,
        %lt3A_2202 = arith.cmpf olt, %get3A_2201, %select_n3A_2168 : vector<16xf32>
        %select_n3A_2203 = arith.select %lt3A_2202, %get3A_2201, %select_n3A_2168 : vector<16xi1>, vector<16xf32>
        %select_n3A_2204 = arith.select %lt3A_2202, %add3A_2193, %select_n3A_2169 : vector<16xi1>, vector<16xi32>
        %get3A_2205 = arith.constant 17 : i32
        %get3A_2206 = arith.index_cast %get3A_2205 : i32 to index
        %get3A_2207 = arith.index_cast %mul3A_2197 : i32 to index
        %get3A_2208 = tpu.vector_load %arg8[%get3A_2206, %get3A_2207] {strides = array<i32>} : memref<32x1000xf32, #tpu.memory_space<vmem>>, vector<16xf32>,
        %lt3A_2209 = arith.cmpf olt, %get3A_2208, %select_n3A_2175 : vector<16xf32>
        %select_n3A_2210 = arith.select %lt3A_2209, %get3A_2208, %select_n3A_2175 : vector<16xi1>, vector<16xf32>
        %select_n3A_2211 = arith.select %lt3A_2209, %add3A_2193, %select_n3A_2176 : vector<16xi1>, vector<16xi32>
        %get3A_2212 = arith.constant 18 : i32
        %get3A_2213 = arith.index_cast %get3A_2212 : i32 to index
        %get3A_2214 = arith.index_cast %mul3A_2197 : i32 to index
        %get3A_2215 = tpu.vector_load %arg8[%get3A_2213, %get3A_2214] {strides = array<i32>} : memref<32x1000xf32, #tpu.memory_space<vmem>>, vector<16xf32>,
        %lt3A_2216 = arith.cmpf olt, %get3A_2215, %select_n3A_2182 : vector<16xf32>
        %select_n3A_2217 = arith.select %lt3A_2216, %get3A_2215, %select_n3A_2182 : vector<16xi1>, vector<16xf32>
        %select_n3A_2218 = arith.select %lt3A_2216, %add3A_2193, %select_n3A_2183 : vector<16xi1>, vector<16xi32>
        %get3A_2219 = arith.constant 19 : i32
        %get3A_2220 = arith.index_cast %get3A_2219 : i32 to index
        %get3A_2221 = arith.index_cast %mul3A_2197 : i32 to index
        %get3A_2222 = tpu.vector_load %arg8[%get3A_2220, %get3A_2221] {strides = array<i32>} : memref<32x1000xf32, #tpu.memory_space<vmem>>, vector<16xf32>,
        %lt3A_2223 = arith.cmpf olt, %get3A_2222, %select_n3A_2189 : vector<16xf32>
        %select_n3A_2224 = arith.select %lt3A_2223, %get3A_2222, %select_n3A_2189 : vector<16xi1>, vector<16xf32>
        %select_n3A_2225 = arith.select %lt3A_2223, %add3A_2193, %select_n3A_2190 : vector<16xi1>, vector<16xi32>
        %add3A_2226 = arith.constant 16 : i32
        %add3A_2227 = vector.broadcast %add3A_2226 : i32 to vector<16xi32>
        %add3A_2228 = arith.addi %add3A_2193, %add3A_2227 : vector<16xi32>
        scf.yield %select_n3A_2203, %select_n3A_2210, %select_n3A_2217, %select_n3A_2224, %select_n3A_2204, %select_n3A_2211, %select_n3A_2218, %select_n3A_2225, %add3A_2228 : vector<16xf32>, vector<16xf32>, vector<16xf32>, vector<16xf32>, vector<16xi32>, vector<16xi32>, vector<16xi32>, vector<16xi32>, vector<16xi32>
      }
      %scan3A_736 = arith.constant 62 : i32
      %get3A_737 = arith.constant 16 : i32
      %get3A_738 = arith.index_cast %get3A_737 : i32 to index
      %get3A_739 = arith.constant 984 : index
      %get3A_740 = tpu.vector_load %arg8[%get3A_738, %get3A_739] {strides = array<i32>} : memref<32x1000xf32, #tpu.memory_space<vmem>>, vector<16xf32>,
      %lt3A_741 = arith.cmpf olt, %get3A_740, %scan3A_735#0 : vector<16xf32>
      %select_n3A_742 = arith.select %lt3A_741, %get3A_740, %scan3A_735#0 : vector<16xi1>, vector<16xf32>
      %select_n3A_743 = arith.select %lt3A_741, %add3A_239, %scan3A_735#4 : vector<16xi1>, vector<16xi32>
      %add3A_744 = arith.constant 0 : i32
      %add3A_745 = vector.broadcast %add3A_744 : i32 to vector<16xi32>
      %add3A_746 = arith.addi %iota3A, %add3A_745 : vector<16xi32>
      tpu.vector_store_idx %arg11[%add3A_746], %select_n3A_742 : memref<272xf32, #tpu.memory_space<vmem>>[vector<16xi32>], vector<16xf32>,
      %add3A_747 = arith.constant 0 : i32
      %add3A_748 = vector.broadcast %add3A_747 : i32 to vector<16xi32>
      %add3A_749 = arith.addi %iota3A, %add3A_748 : vector<16xi32>
      tpu.vector_store_idx %arg12[%add3A_749], %select_n3A_743 : memref<272xi32, #tpu.memory_space<vmem>>[vector<16xi32>], vector<16xi32>,
      %get3A_750 = arith.constant 17 : i32
      %get3A_751 = arith.index_cast %get3A_750 : i32 to index
      %get3A_752 = arith.constant 984 : index
      %get3A_753 = tpu.vector_load %arg8[%get3A_751, %get3A_752] {strides = array<i32>} : memref<32x1000xf32, #tpu.memory_space<vmem>>, vector<16xf32>,
      %lt3A_754 = arith.cmpf olt, %get3A_753, %scan3A_735#1 : vector<16xf32>
      %select_n3A_755 = arith.select %lt3A_754, %get3A_753, %scan3A_735#1 : vector<16xi1>, vector<16xf32>
      %select_n3A_756 = arith.select %lt3A_754, %add3A_239, %scan3A_735#5 : vector<16xi1>, vector<16xi32>
      %add3A_757 = arith.constant 17 : i32
      %add3A_758 = vector.broadcast %add3A_757 : i32 to vector<16xi32>
      %add3A_759 = arith.addi %iota3A, %add3A_758 : vector<16xi32>
      tpu.vector_store_idx %arg11[%add3A_759], %select_n3A_755 : memref<272xf32, #tpu.memory_space<vmem>>[vector<16xi32>], vector<16xf32>,
      %add3A_760 = arith.constant 17 : i32
      %add3A_761 = vector.broadcast %add3A_760 : i32 to vector<16xi32>
      %add3A_762 = arith.addi %iota3A, %add3A_761 : vector<16xi32>
      tpu.vector_store_idx %arg12[%add3A_762], %select_n3A_756 : memref<272xi32, #tpu.memory_space<vmem>>[vector<16xi32>], vector<16xi32>,
      %get3A_763 = arith.constant 18 : i32
      %get3A_764 = arith.index_cast %get3A_763 : i32 to index
      %get3A_765 = arith.constant 984 : index
      %get3A_766 = tpu.vector_load %arg8[%get3A_764, %get3A_765] {strides = array<i32>} : memref<32x1000xf32, #tpu.memory_space<vmem>>, vector<16xf32>,
      %lt3A_767 = arith.cmpf olt, %get3A_766, %scan3A_735#2 : vector<16xf32>
      %select_n3A_768 = arith.select %lt3A_767, %get3A_766, %scan3A_735#2 : vector<16xi1>, vector<16xf32>
      %select_n3A_769 = arith.select %lt3A_767, %add3A_239, %scan3A_735#6 : vector<16xi1>, vector<16xi32>
      %add3A_770 = arith.constant 34 : i32
      %add3A_771 = vector.broadcast %add3A_770 : i32 to vector<16xi32>
      %add3A_772 = arith.addi %iota3A, %add3A_771 : vector<16xi32>
      tpu.vector_store_idx %arg11[%add3A_772], %select_n3A_768 : memref<272xf32, #tpu.memory_space<vmem>>[vector<16xi32>], vector<16xf32>,
      %add3A_773 = arith.constant 34 : i32
      %add3A_774 = vector.broadcast %add3A_773 : i32 to vector<16xi32>
      %add3A_775 = arith.addi %iota3A, %add3A_774 : vector<16xi32>
      tpu.vector_store_idx %arg12[%add3A_775], %select_n3A_769 : memref<272xi32, #tpu.memory_space<vmem>>[vector<16xi32>], vector<16xi32>,
      %get3A_776 = arith.constant 19 : i32
      %get3A_777 = arith.index_cast %get3A_776 : i32 to index
      %get3A_778 = arith.constant 984 : index
      %get3A_779 = tpu.vector_load %arg8[%get3A_777, %get3A_778] {strides = array<i32>} : memref<32x1000xf32, #tpu.memory_space<vmem>>, vector<16xf32>,
      %lt3A_780 = arith.cmpf olt, %get3A_779, %scan3A_735#3 : vector<16xf32>
      %select_n3A_781 = arith.select %lt3A_780, %get3A_779, %scan3A_735#3 : vector<16xi1>, vector<16xf32>
      %select_n3A_782 = arith.select %lt3A_780, %add3A_239, %scan3A_735#7 : vector<16xi1>, vector<16xi32>
      %add3A_783 = arith.constant 51 : i32
      %add3A_784 = vector.broadcast %add3A_783 : i32 to vector<16xi32>
      %add3A_785 = arith.addi %iota3A, %add3A_784 : vector<16xi32>
      tpu.vector_store_idx %arg11[%add3A_785], %select_n3A_781 : memref<272xf32, #tpu.memory_space<vmem>>[vector<16xi32>], vector<16xf32>,
      %add3A_786 = arith.constant 51 : i32
      %add3A_787 = vector.broadcast %add3A_786 : i32 to vector<16xi32>
      %add3A_788 = arith.addi %iota3A, %add3A_787 : vector<16xi32>
      tpu.vector_store_idx %arg12[%add3A_788], %select_n3A_782 : memref<272xi32, #tpu.memory_space<vmem>>[vector<16xi32>], vector<16xi32>,
      %scan3A_789 = arith.constant 0 : i32
      %scan3A_790 = arith.constant 62 : i32
      %scan3A_791 = arith.addi %scan3A_789, %scan3A_790 : i32
      %scan3A_792 = arith.constant 2 : i32
      %scan3A_793:9 = scf.for %scan3A_2151 = %scan3A_789 to %scan3A_791 step %scan3A_792 iter_args(%scan3A_2152 = %broadcast_in_dim3A_236, %scan3A_2153 = %broadcast_in_dim3A_236, %scan3A_2154 = %broadcast_in_dim3A_236, %scan3A_2155 = %broadcast_in_dim3A_236, %scan3A_2156 = %iota3A, %scan3A_2157 = %iota3A, %scan3A_2158 = %iota3A, %scan3A_2159 = %iota3A, %scan3A_2160 = %iota3A) -> (vector<16xf32>, vector<16xf32>, vector<16xf32>, vector<16xf32>, vector<16xi32>, vector<16xi32>, vector<16xi32>, vector<16xi32>, vector<16xi32>)  : i32 {
        %mul3A_2161 = arith.constant 16 : i32
        %mul3A_2162 = arith.muli %scan3A_2151, %mul3A_2161 : i32
        %get3A_2163 = arith.constant 20 : i32
        %get3A_2164 = arith.index_cast %get3A_2163 : i32 to index
        %get3A_2165 = arith.index_cast %mul3A_2162 : i32 to index
        %get3A_2166 = tpu.vector_load %arg8[%get3A_2164, %get3A_2165] {strides = array<i32>} : memref<32x1000xf32, #tpu.memory_space<vmem>>, vector<16xf32>,
        %lt3A_2167 = arith.cmpf olt, %get3A_2166, %scan3A_2152 : vector<16xf32>
        %select_n3A_2168 = arith.select %lt3A_2167, %get3A_2166, %scan3A_2152 : vector<16xi1>, vector<16xf32>
        %select_n3A_2169 = arith.select %lt3A_2167, %scan3A_2160, %scan3A_2156 : vector<16xi1>, vector<16xi32>
        %get3A_2170 = arith.constant 21 : i32
        %get3A_2171 = arith.index_cast %get3A_2170 : i32 to index
        %get3A_2172 = arith.index_cast %mul3A_2162 : i32 to index
        %get3A_2173 = tpu.vector_load %arg8[%get3A_2171, %get3A_2172] {strides = array<i32>} : memref<32x1000xf32, #tpu.memory_space<vmem>>, vector<16xf32>,
        %lt3A_2174 = arith.cmpf olt, %get3A_2173, %scan3A_2153 : vector<16xf32>
        %select_n3A_2175 = arith.select %lt3A_2174, %get3A_2173, %scan3A_2153 : vector<16xi1>, vector<16xf32>
        %select_n3A_2176 = arith.select %lt3A_2174, %scan3A_2160, %scan3A_2157 : vector<16xi1>, vector<16xi32>
        %get3A_2177 = arith.constant 22 : i32
        %get3A_2178 = arith.index_cast %get3A_2177 : i32 to index
        %get3A_2179 = arith.index_cast %mul3A_2162 : i32 to index
        %get3A_2180 = tpu.vector_load %arg8[%get3A_2178, %get3A_2179] {strides = array<i32>} : memref<32x1000xf32, #tpu.memory_space<vmem>>, vector<16xf32>,
        %lt3A_2181 = arith.cmpf olt, %get3A_2180, %scan3A_2154 : vector<16xf32>
        %select_n3A_2182 = arith.select %lt3A_2181, %get3A_2180, %scan3A_2154 : vector<16xi1>, vector<16xf32>
        %select_n3A_2183 = arith.select %lt3A_2181, %scan3A_2160, %scan3A_2158 : vector<16xi1>, vector<16xi32>
        %get3A_2184 = arith.constant 23 : i32
        %get3A_2185 = arith.index_cast %get3A_2184 : i32 to index
        %get3A_2186 = arith.index_cast %mul3A_2162 : i32 to index
        %get3A_2187 = tpu.vector_load %arg8[%get3A_2185, %get3A_2186] {strides = array<i32>} : memref<32x1000xf32, #tpu.memory_space<vmem>>, vector<16xf32>,
        %lt3A_2188 = arith.cmpf olt, %get3A_2187, %scan3A_2155 : vector<16xf32>
        %select_n3A_2189 = arith.select %lt3A_2188, %get3A_2187, %scan3A_2155 : vector<16xi1>, vector<16xf32>
        %select_n3A_2190 = arith.select %lt3A_2188, %scan3A_2160, %scan3A_2159 : vector<16xi1>, vector<16xi32>
        %add3A_2191 = arith.constant 16 : i32
        %add3A_2192 = vector.broadcast %add3A_2191 : i32 to vector<16xi32>
        %add3A_2193 = arith.addi %scan3A_2160, %add3A_2192 : vector<16xi32>
        %scan3A_2194 = arith.constant 1 : i32
        %scan3A_2195 = arith.addi %scan3A_2151, %scan3A_2194 : i32
        %mul3A_2196 = arith.constant 16 : i32
        %mul3A_2197 = arith.muli %scan3A_2195, %mul3A_2196 : i32
        %get3A_2198 = arith.constant 20 : i32
        %get3A_2199 = arith.index_cast %get3A_2198 : i32 to index
        %get3A_2200 = arith.index_cast %mul3A_2197 : i32 to index
        %get3A_2201 = tpu.vector_load %arg8[%get3A_2199, %get3A_2200] {strides = array<i32>} : memref<32x1000xf32, #tpu.memory_space<vmem>>, vector<16xf32>,
        %lt3A_2202 = arith.cmpf olt, %get3A_2201, %select_n3A_2168 : vector<16xf32>
        %select_n3A_2203 = arith.select %lt3A_2202, %get3A_2201, %select_n3A_2168 : vector<16xi1>, vector<16xf32>
        %select_n3A_2204 = arith.select %lt3A_2202, %add3A_2193, %select_n3A_2169 : vector<16xi1>, vector<16xi32>
        %get3A_2205 = arith.constant 21 : i32
        %get3A_2206 = arith.index_cast %get3A_2205 : i32 to index
        %get3A_2207 = arith.index_cast %mul3A_2197 : i32 to index
        %get3A_2208 = tpu.vector_load %arg8[%get3A_2206, %get3A_2207] {strides = array<i32>} : memref<32x1000xf32, #tpu.memory_space<vmem>>, vector<16xf32>,
        %lt3A_2209 = arith.cmpf olt, %get3A_2208, %select_n3A_2175 : vector<16xf32>
        %select_n3A_2210 = arith.select %lt3A_2209, %get3A_2208, %select_n3A_2175 : vector<16xi1>, vector<16xf32>
        %select_n3A_2211 = arith.select %lt3A_2209, %add3A_2193, %select_n3A_2176 : vector<16xi1>, vector<16xi32>
        %get3A_2212 = arith.constant 22 : i32
        %get3A_2213 = arith.index_cast %get3A_2212 : i32 to index
        %get3A_2214 = arith.index_cast %mul3A_2197 : i32 to index
        %get3A_2215 = tpu.vector_load %arg8[%get3A_2213, %get3A_2214] {strides = array<i32>} : memref<32x1000xf32, #tpu.memory_space<vmem>>, vector<16xf32>,
        %lt3A_2216 = arith.cmpf olt, %get3A_2215, %select_n3A_2182 : vector<16xf32>
        %select_n3A_2217 = arith.select %lt3A_2216, %get3A_2215, %select_n3A_2182 : vector<16xi1>, vector<16xf32>
        %select_n3A_2218 = arith.select %lt3A_2216, %add3A_2193, %select_n3A_2183 : vector<16xi1>, vector<16xi32>
        %get3A_2219 = arith.constant 23 : i32
        %get3A_2220 = arith.index_cast %get3A_2219 : i32 to index
        %get3A_2221 = arith.index_cast %mul3A_2197 : i32 to index
        %get3A_2222 = tpu.vector_load %arg8[%get3A_2220, %get3A_2221] {strides = array<i32>} : memref<32x1000xf32, #tpu.memory_space<vmem>>, vector<16xf32>,
        %lt3A_2223 = arith.cmpf olt, %get3A_2222, %select_n3A_2189 : vector<16xf32>
        %select_n3A_2224 = arith.select %lt3A_2223, %get3A_2222, %select_n3A_2189 : vector<16xi1>, vector<16xf32>
        %select_n3A_2225 = arith.select %lt3A_2223, %add3A_2193, %select_n3A_2190 : vector<16xi1>, vector<16xi32>
        %add3A_2226 = arith.constant 16 : i32
        %add3A_2227 = vector.broadcast %add3A_2226 : i32 to vector<16xi32>
        %add3A_2228 = arith.addi %add3A_2193, %add3A_2227 : vector<16xi32>
        scf.yield %select_n3A_2203, %select_n3A_2210, %select_n3A_2217, %select_n3A_2224, %select_n3A_2204, %select_n3A_2211, %select_n3A_2218, %select_n3A_2225, %add3A_2228 : vector<16xf32>, vector<16xf32>, vector<16xf32>, vector<16xf32>, vector<16xi32>, vector<16xi32>, vector<16xi32>, vector<16xi32>, vector<16xi32>
      }
      %scan3A_794 = arith.constant 62 : i32
      %get3A_795 = arith.constant 20 : i32
      %get3A_796 = arith.index_cast %get3A_795 : i32 to index
      %get3A_797 = arith.constant 984 : index
      %get3A_798 = tpu.vector_load %arg8[%get3A_796, %get3A_797] {strides = array<i32>} : memref<32x1000xf32, #tpu.memory_space<vmem>>, vector<16xf32>,
      %lt3A_799 = arith.cmpf olt, %get3A_798, %scan3A_793#0 : vector<16xf32>
      %select_n3A_800 = arith.select %lt3A_799, %get3A_798, %scan3A_793#0 : vector<16xi1>, vector<16xf32>
      %select_n3A_801 = arith.select %lt3A_799, %add3A_239, %scan3A_793#4 : vector<16xi1>, vector<16xi32>
      %add3A_802 = arith.constant 68 : i32
      %add3A_803 = vector.broadcast %add3A_802 : i32 to vector<16xi32>
      %add3A_804 = arith.addi %iota3A, %add3A_803 : vector<16xi32>
      tpu.vector_store_idx %arg11[%add3A_804], %select_n3A_800 : memref<272xf32, #tpu.memory_space<vmem>>[vector<16xi32>], vector<16xf32>,
      %add3A_805 = arith.constant 68 : i32
      %add3A_806 = vector.broadcast %add3A_805 : i32 to vector<16xi32>
      %add3A_807 = arith.addi %iota3A, %add3A_806 : vector<16xi32>
      tpu.vector_store_idx %arg12[%add3A_807], %select_n3A_801 : memref<272xi32, #tpu.memory_space<vmem>>[vector<16xi32>], vector<16xi32>,
      %get3A_808 = arith.constant 21 : i32
      %get3A_809 = arith.index_cast %get3A_808 : i32 to index
      %get3A_810 = arith.constant 984 : index
      %get3A_811 = tpu.vector_load %arg8[%get3A_809, %get3A_810] {strides = array<i32>} : memref<32x1000xf32, #tpu.memory_space<vmem>>, vector<16xf32>,
      %lt3A_812 = arith.cmpf olt, %get3A_811, %scan3A_793#1 : vector<16xf32>
      %select_n3A_813 = arith.select %lt3A_812, %get3A_811, %scan3A_793#1 : vector<16xi1>, vector<16xf32>
      %select_n3A_814 = arith.select %lt3A_812, %add3A_239, %scan3A_793#5 : vector<16xi1>, vector<16xi32>
      %add3A_815 = arith.constant 85 : i32
      %add3A_816 = vector.broadcast %add3A_815 : i32 to vector<16xi32>
      %add3A_817 = arith.addi %iota3A, %add3A_816 : vector<16xi32>
      tpu.vector_store_idx %arg11[%add3A_817], %select_n3A_813 : memref<272xf32, #tpu.memory_space<vmem>>[vector<16xi32>], vector<16xf32>,
      %add3A_818 = arith.constant 85 : i32
      %add3A_819 = vector.broadcast %add3A_818 : i32 to vector<16xi32>
      %add3A_820 = arith.addi %iota3A, %add3A_819 : vector<16xi32>
      tpu.vector_store_idx %arg12[%add3A_820], %select_n3A_814 : memref<272xi32, #tpu.memory_space<vmem>>[vector<16xi32>], vector<16xi32>,
      %get3A_821 = arith.constant 22 : i32
      %get3A_822 = arith.index_cast %get3A_821 : i32 to index
      %get3A_823 = arith.constant 984 : index
      %get3A_824 = tpu.vector_load %arg8[%get3A_822, %get3A_823] {strides = array<i32>} : memref<32x1000xf32, #tpu.memory_space<vmem>>, vector<16xf32>,
      %lt3A_825 = arith.cmpf olt, %get3A_824, %scan3A_793#2 : vector<16xf32>
      %select_n3A_826 = arith.select %lt3A_825, %get3A_824, %scan3A_793#2 : vector<16xi1>, vector<16xf32>
      %select_n3A_827 = arith.select %lt3A_825, %add3A_239, %scan3A_793#6 : vector<16xi1>, vector<16xi32>
      %add3A_828 = arith.constant 102 : i32
      %add3A_829 = vector.broadcast %add3A_828 : i32 to vector<16xi32>
      %add3A_830 = arith.addi %iota3A, %add3A_829 : vector<16xi32>
      tpu.vector_store_idx %arg11[%add3A_830], %select_n3A_826 : memref<272xf32, #tpu.memory_space<vmem>>[vector<16xi32>], vector<16xf32>,
      %add3A_831 = arith.constant 102 : i32
      %add3A_832 = vector.broadcast %add3A_831 : i32 to vector<16xi32>
      %add3A_833 = arith.addi %iota3A, %add3A_832 : vector<16xi32>
      tpu.vector_store_idx %arg12[%add3A_833], %select_n3A_827 : memref<272xi32, #tpu.memory_space<vmem>>[vector<16xi32>], vector<16xi32>,
      %get3A_834 = arith.constant 23 : i32
      %get3A_835 = arith.index_cast %get3A_834 : i32 to index
      %get3A_836 = arith.constant 984 : index
      %get3A_837 = tpu.vector_load %arg8[%get3A_835, %get3A_836] {strides = array<i32>} : memref<32x1000xf32, #tpu.memory_space<vmem>>, vector<16xf32>,
      %lt3A_838 = arith.cmpf olt, %get3A_837, %scan3A_793#3 : vector<16xf32>
      %select_n3A_839 = arith.select %lt3A_838, %get3A_837, %scan3A_793#3 : vector<16xi1>, vector<16xf32>
      %select_n3A_840 = arith.select %lt3A_838, %add3A_239, %scan3A_793#7 : vector<16xi1>, vector<16xi32>
      %add3A_841 = arith.constant 119 : i32
      %add3A_842 = vector.broadcast %add3A_841 : i32 to vector<16xi32>
      %add3A_843 = arith.addi %iota3A, %add3A_842 : vector<16xi32>
      tpu.vector_store_idx %arg11[%add3A_843], %select_n3A_839 : memref<272xf32, #tpu.memory_space<vmem>>[vector<16xi32>], vector<16xf32>,
      %add3A_844 = arith.constant 119 : i32
      %add3A_845 = vector.broadcast %add3A_844 : i32 to vector<16xi32>
      %add3A_846 = arith.addi %iota3A, %add3A_845 : vector<16xi32>
      tpu.vector_store_idx %arg12[%add3A_846], %select_n3A_840 : memref<272xi32, #tpu.memory_space<vmem>>[vector<16xi32>], vector<16xi32>,
      %scan3A_847 = arith.constant 0 : i32
      %scan3A_848 = arith.constant 62 : i32
      %scan3A_849 = arith.addi %scan3A_847, %scan3A_848 : i32
      %scan3A_850 = arith.constant 2 : i32
      %scan3A_851:9 = scf.for %scan3A_2151 = %scan3A_847 to %scan3A_849 step %scan3A_850 iter_args(%scan3A_2152 = %broadcast_in_dim3A_236, %scan3A_2153 = %broadcast_in_dim3A_236, %scan3A_2154 = %broadcast_in_dim3A_236, %scan3A_2155 = %broadcast_in_dim3A_236, %scan3A_2156 = %iota3A, %scan3A_2157 = %iota3A, %scan3A_2158 = %iota3A, %scan3A_2159 = %iota3A, %scan3A_2160 = %iota3A) -> (vector<16xf32>, vector<16xf32>, vector<16xf32>, vector<16xf32>, vector<16xi32>, vector<16xi32>, vector<16xi32>, vector<16xi32>, vector<16xi32>)  : i32 {
        %mul3A_2161 = arith.constant 16 : i32
        %mul3A_2162 = arith.muli %scan3A_2151, %mul3A_2161 : i32
        %get3A_2163 = arith.constant 24 : i32
        %get3A_2164 = arith.index_cast %get3A_2163 : i32 to index
        %get3A_2165 = arith.index_cast %mul3A_2162 : i32 to index
        %get3A_2166 = tpu.vector_load %arg8[%get3A_2164, %get3A_2165] {strides = array<i32>} : memref<32x1000xf32, #tpu.memory_space<vmem>>, vector<16xf32>,
        %lt3A_2167 = arith.cmpf olt, %get3A_2166, %scan3A_2152 : vector<16xf32>
        %select_n3A_2168 = arith.select %lt3A_2167, %get3A_2166, %scan3A_2152 : vector<16xi1>, vector<16xf32>
        %select_n3A_2169 = arith.select %lt3A_2167, %scan3A_2160, %scan3A_2156 : vector<16xi1>, vector<16xi32>
        %get3A_2170 = arith.constant 25 : i32
        %get3A_2171 = arith.index_cast %get3A_2170 : i32 to index
        %get3A_2172 = arith.index_cast %mul3A_2162 : i32 to index
        %get3A_2173 = tpu.vector_load %arg8[%get3A_2171, %get3A_2172] {strides = array<i32>} : memref<32x1000xf32, #tpu.memory_space<vmem>>, vector<16xf32>,
        %lt3A_2174 = arith.cmpf olt, %get3A_2173, %scan3A_2153 : vector<16xf32>
        %select_n3A_2175 = arith.select %lt3A_2174, %get3A_2173, %scan3A_2153 : vector<16xi1>, vector<16xf32>
        %select_n3A_2176 = arith.select %lt3A_2174, %scan3A_2160, %scan3A_2157 : vector<16xi1>, vector<16xi32>
        %get3A_2177 = arith.constant 26 : i32
        %get3A_2178 = arith.index_cast %get3A_2177 : i32 to index
        %get3A_2179 = arith.index_cast %mul3A_2162 : i32 to index
        %get3A_2180 = tpu.vector_load %arg8[%get3A_2178, %get3A_2179] {strides = array<i32>} : memref<32x1000xf32, #tpu.memory_space<vmem>>, vector<16xf32>,
        %lt3A_2181 = arith.cmpf olt, %get3A_2180, %scan3A_2154 : vector<16xf32>
        %select_n3A_2182 = arith.select %lt3A_2181, %get3A_2180, %scan3A_2154 : vector<16xi1>, vector<16xf32>
        %select_n3A_2183 = arith.select %lt3A_2181, %scan3A_2160, %scan3A_2158 : vector<16xi1>, vector<16xi32>
        %get3A_2184 = arith.constant 27 : i32
        %get3A_2185 = arith.index_cast %get3A_2184 : i32 to index
        %get3A_2186 = arith.index_cast %mul3A_2162 : i32 to index
        %get3A_2187 = tpu.vector_load %arg8[%get3A_2185, %get3A_2186] {strides = array<i32>} : memref<32x1000xf32, #tpu.memory_space<vmem>>, vector<16xf32>,
        %lt3A_2188 = arith.cmpf olt, %get3A_2187, %scan3A_2155 : vector<16xf32>
        %select_n3A_2189 = arith.select %lt3A_2188, %get3A_2187, %scan3A_2155 : vector<16xi1>, vector<16xf32>
        %select_n3A_2190 = arith.select %lt3A_2188, %scan3A_2160, %scan3A_2159 : vector<16xi1>, vector<16xi32>
        %add3A_2191 = arith.constant 16 : i32
        %add3A_2192 = vector.broadcast %add3A_2191 : i32 to vector<16xi32>
        %add3A_2193 = arith.addi %scan3A_2160, %add3A_2192 : vector<16xi32>
        %scan3A_2194 = arith.constant 1 : i32
        %scan3A_2195 = arith.addi %scan3A_2151, %scan3A_2194 : i32
        %mul3A_2196 = arith.constant 16 : i32
        %mul3A_2197 = arith.muli %scan3A_2195, %mul3A_2196 : i32
        %get3A_2198 = arith.constant 24 : i32
        %get3A_2199 = arith.index_cast %get3A_2198 : i32 to index
        %get3A_2200 = arith.index_cast %mul3A_2197 : i32 to index
        %get3A_2201 = tpu.vector_load %arg8[%get3A_2199, %get3A_2200] {strides = array<i32>} : memref<32x1000xf32, #tpu.memory_space<vmem>>, vector<16xf32>,
        %lt3A_2202 = arith.cmpf olt, %get3A_2201, %select_n3A_2168 : vector<16xf32>
        %select_n3A_2203 = arith.select %lt3A_2202, %get3A_2201, %select_n3A_2168 : vector<16xi1>, vector<16xf32>
        %select_n3A_2204 = arith.select %lt3A_2202, %add3A_2193, %select_n3A_2169 : vector<16xi1>, vector<16xi32>
        %get3A_2205 = arith.constant 25 : i32
        %get3A_2206 = arith.index_cast %get3A_2205 : i32 to index
        %get3A_2207 = arith.index_cast %mul3A_2197 : i32 to index
        %get3A_2208 = tpu.vector_load %arg8[%get3A_2206, %get3A_2207] {strides = array<i32>} : memref<32x1000xf32, #tpu.memory_space<vmem>>, vector<16xf32>,
        %lt3A_2209 = arith.cmpf olt, %get3A_2208, %select_n3A_2175 : vector<16xf32>
        %select_n3A_2210 = arith.select %lt3A_2209, %get3A_2208, %select_n3A_2175 : vector<16xi1>, vector<16xf32>
        %select_n3A_2211 = arith.select %lt3A_2209, %add3A_2193, %select_n3A_2176 : vector<16xi1>, vector<16xi32>
        %get3A_2212 = arith.constant 26 : i32
        %get3A_2213 = arith.index_cast %get3A_2212 : i32 to index
        %get3A_2214 = arith.index_cast %mul3A_2197 : i32 to index
        %get3A_2215 = tpu.vector_load %arg8[%get3A_2213, %get3A_2214] {strides = array<i32>} : memref<32x1000xf32, #tpu.memory_space<vmem>>, vector<16xf32>,
        %lt3A_2216 = arith.cmpf olt, %get3A_2215, %select_n3A_2182 : vector<16xf32>
        %select_n3A_2217 = arith.select %lt3A_2216, %get3A_2215, %select_n3A_2182 : vector<16xi1>, vector<16xf32>
        %select_n3A_2218 = arith.select %lt3A_2216, %add3A_2193, %select_n3A_2183 : vector<16xi1>, vector<16xi32>
        %get3A_2219 = arith.constant 27 : i32
        %get3A_2220 = arith.index_cast %get3A_2219 : i32 to index
        %get3A_2221 = arith.index_cast %mul3A_2197 : i32 to index
        %get3A_2222 = tpu.vector_load %arg8[%get3A_2220, %get3A_2221] {strides = array<i32>} : memref<32x1000xf32, #tpu.memory_space<vmem>>, vector<16xf32>,
        %lt3A_2223 = arith.cmpf olt, %get3A_2222, %select_n3A_2189 : vector<16xf32>
        %select_n3A_2224 = arith.select %lt3A_2223, %get3A_2222, %select_n3A_2189 : vector<16xi1>, vector<16xf32>
        %select_n3A_2225 = arith.select %lt3A_2223, %add3A_2193, %select_n3A_2190 : vector<16xi1>, vector<16xi32>
        %add3A_2226 = arith.constant 16 : i32
        %add3A_2227 = vector.broadcast %add3A_2226 : i32 to vector<16xi32>
        %add3A_2228 = arith.addi %add3A_2193, %add3A_2227 : vector<16xi32>
        scf.yield %select_n3A_2203, %select_n3A_2210, %select_n3A_2217, %select_n3A_2224, %select_n3A_2204, %select_n3A_2211, %select_n3A_2218, %select_n3A_2225, %add3A_2228 : vector<16xf32>, vector<16xf32>, vector<16xf32>, vector<16xf32>, vector<16xi32>, vector<16xi32>, vector<16xi32>, vector<16xi32>, vector<16xi32>
      }
      %scan3A_852 = arith.constant 62 : i32
      %get3A_853 = arith.constant 24 : i32
      %get3A_854 = arith.index_cast %get3A_853 : i32 to index
      %get3A_855 = arith.constant 984 : index
      %get3A_856 = tpu.vector_load %arg8[%get3A_854, %get3A_855] {strides = array<i32>} : memref<32x1000xf32, #tpu.memory_space<vmem>>, vector<16xf32>,
      %lt3A_857 = arith.cmpf olt, %get3A_856, %scan3A_851#0 : vector<16xf32>
      %select_n3A_858 = arith.select %lt3A_857, %get3A_856, %scan3A_851#0 : vector<16xi1>, vector<16xf32>
      %select_n3A_859 = arith.select %lt3A_857, %add3A_239, %scan3A_851#4 : vector<16xi1>, vector<16xi32>
      %add3A_860 = arith.constant 136 : i32
      %add3A_861 = vector.broadcast %add3A_860 : i32 to vector<16xi32>
      %add3A_862 = arith.addi %iota3A, %add3A_861 : vector<16xi32>
      tpu.vector_store_idx %arg11[%add3A_862], %select_n3A_858 : memref<272xf32, #tpu.memory_space<vmem>>[vector<16xi32>], vector<16xf32>,
      %add3A_863 = arith.constant 136 : i32
      %add3A_864 = vector.broadcast %add3A_863 : i32 to vector<16xi32>
      %add3A_865 = arith.addi %iota3A, %add3A_864 : vector<16xi32>
      tpu.vector_store_idx %arg12[%add3A_865], %select_n3A_859 : memref<272xi32, #tpu.memory_space<vmem>>[vector<16xi32>], vector<16xi32>,
      %get3A_866 = arith.constant 25 : i32
      %get3A_867 = arith.index_cast %get3A_866 : i32 to index
      %get3A_868 = arith.constant 984 : index
      %get3A_869 = tpu.vector_load %arg8[%get3A_867, %get3A_868] {strides = array<i32>} : memref<32x1000xf32, #tpu.memory_space<vmem>>, vector<16xf32>,
      %lt3A_870 = arith.cmpf olt, %get3A_869, %scan3A_851#1 : vector<16xf32>
      %select_n3A_871 = arith.select %lt3A_870, %get3A_869, %scan3A_851#1 : vector<16xi1>, vector<16xf32>
      %select_n3A_872 = arith.select %lt3A_870, %add3A_239, %scan3A_851#5 : vector<16xi1>, vector<16xi32>
      %add3A_873 = arith.constant 153 : i32
      %add3A_874 = vector.broadcast %add3A_873 : i32 to vector<16xi32>
      %add3A_875 = arith.addi %iota3A, %add3A_874 : vector<16xi32>
      tpu.vector_store_idx %arg11[%add3A_875], %select_n3A_871 : memref<272xf32, #tpu.memory_space<vmem>>[vector<16xi32>], vector<16xf32>,
      %add3A_876 = arith.constant 153 : i32
      %add3A_877 = vector.broadcast %add3A_876 : i32 to vector<16xi32>
      %add3A_878 = arith.addi %iota3A, %add3A_877 : vector<16xi32>
      tpu.vector_store_idx %arg12[%add3A_878], %select_n3A_872 : memref<272xi32, #tpu.memory_space<vmem>>[vector<16xi32>], vector<16xi32>,
      %get3A_879 = arith.constant 26 : i32
      %get3A_880 = arith.index_cast %get3A_879 : i32 to index
      %get3A_881 = arith.constant 984 : index
      %get3A_882 = tpu.vector_load %arg8[%get3A_880, %get3A_881] {strides = array<i32>} : memref<32x1000xf32, #tpu.memory_space<vmem>>, vector<16xf32>,
      %lt3A_883 = arith.cmpf olt, %get3A_882, %scan3A_851#2 : vector<16xf32>
      %select_n3A_884 = arith.select %lt3A_883, %get3A_882, %scan3A_851#2 : vector<16xi1>, vector<16xf32>
      %select_n3A_885 = arith.select %lt3A_883, %add3A_239, %scan3A_851#6 : vector<16xi1>, vector<16xi32>
      %add3A_886 = arith.constant 170 : i32
      %add3A_887 = vector.broadcast %add3A_886 : i32 to vector<16xi32>
      %add3A_888 = arith.addi %iota3A, %add3A_887 : vector<16xi32>
      tpu.vector_store_idx %arg11[%add3A_888], %select_n3A_884 : memref<272xf32, #tpu.memory_space<vmem>>[vector<16xi32>], vector<16xf32>,
      %add3A_889 = arith.constant 170 : i32
      %add3A_890 = vector.broadcast %add3A_889 : i32 to vector<16xi32>
      %add3A_891 = arith.addi %iota3A, %add3A_890 : vector<16xi32>
      tpu.vector_store_idx %arg12[%add3A_891], %select_n3A_885 : memref<272xi32, #tpu.memory_space<vmem>>[vector<16xi32>], vector<16xi32>,
      %get3A_892 = arith.constant 27 : i32
      %get3A_893 = arith.index_cast %get3A_892 : i32 to index
      %get3A_894 = arith.constant 984 : index
      %get3A_895 = tpu.vector_load %arg8[%get3A_893, %get3A_894] {strides = array<i32>} : memref<32x1000xf32, #tpu.memory_space<vmem>>, vector<16xf32>,
      %lt3A_896 = arith.cmpf olt, %get3A_895, %scan3A_851#3 : vector<16xf32>
      %select_n3A_897 = arith.select %lt3A_896, %get3A_895, %scan3A_851#3 : vector<16xi1>, vector<16xf32>
      %select_n3A_898 = arith.select %lt3A_896, %add3A_239, %scan3A_851#7 : vector<16xi1>, vector<16xi32>
      %add3A_899 = arith.constant 187 : i32
      %add3A_900 = vector.broadcast %add3A_899 : i32 to vector<16xi32>
      %add3A_901 = arith.addi %iota3A, %add3A_900 : vector<16xi32>
      tpu.vector_store_idx %arg11[%add3A_901], %select_n3A_897 : memref<272xf32, #tpu.memory_space<vmem>>[vector<16xi32>], vector<16xf32>,
      %add3A_902 = arith.constant 187 : i32
      %add3A_903 = vector.broadcast %add3A_902 : i32 to vector<16xi32>
      %add3A_904 = arith.addi %iota3A, %add3A_903 : vector<16xi32>
      tpu.vector_store_idx %arg12[%add3A_904], %select_n3A_898 : memref<272xi32, #tpu.memory_space<vmem>>[vector<16xi32>], vector<16xi32>,
      %scan3A_905 = arith.constant 0 : i32
      %scan3A_906 = arith.constant 62 : i32
      %scan3A_907 = arith.addi %scan3A_905, %scan3A_906 : i32
      %scan3A_908 = arith.constant 2 : i32
      %scan3A_909:9 = scf.for %scan3A_2151 = %scan3A_905 to %scan3A_907 step %scan3A_908 iter_args(%scan3A_2152 = %broadcast_in_dim3A_236, %scan3A_2153 = %broadcast_in_dim3A_236, %scan3A_2154 = %broadcast_in_dim3A_236, %scan3A_2155 = %broadcast_in_dim3A_236, %scan3A_2156 = %iota3A, %scan3A_2157 = %iota3A, %scan3A_2158 = %iota3A, %scan3A_2159 = %iota3A, %scan3A_2160 = %iota3A) -> (vector<16xf32>, vector<16xf32>, vector<16xf32>, vector<16xf32>, vector<16xi32>, vector<16xi32>, vector<16xi32>, vector<16xi32>, vector<16xi32>)  : i32 {
        %mul3A_2161 = arith.constant 16 : i32
        %mul3A_2162 = arith.muli %scan3A_2151, %mul3A_2161 : i32
        %get3A_2163 = arith.constant 28 : i32
        %get3A_2164 = arith.index_cast %get3A_2163 : i32 to index
        %get3A_2165 = arith.index_cast %mul3A_2162 : i32 to index
        %get3A_2166 = tpu.vector_load %arg8[%get3A_2164, %get3A_2165] {strides = array<i32>} : memref<32x1000xf32, #tpu.memory_space<vmem>>, vector<16xf32>,
        %lt3A_2167 = arith.cmpf olt, %get3A_2166, %scan3A_2152 : vector<16xf32>
        %select_n3A_2168 = arith.select %lt3A_2167, %get3A_2166, %scan3A_2152 : vector<16xi1>, vector<16xf32>
        %select_n3A_2169 = arith.select %lt3A_2167, %scan3A_2160, %scan3A_2156 : vector<16xi1>, vector<16xi32>
        %get3A_2170 = arith.constant 29 : i32
        %get3A_2171 = arith.index_cast %get3A_2170 : i32 to index
        %get3A_2172 = arith.index_cast %mul3A_2162 : i32 to index
        %get3A_2173 = tpu.vector_load %arg8[%get3A_2171, %get3A_2172] {strides = array<i32>} : memref<32x1000xf32, #tpu.memory_space<vmem>>, vector<16xf32>,
        %lt3A_2174 = arith.cmpf olt, %get3A_2173, %scan3A_2153 : vector<16xf32>
        %select_n3A_2175 = arith.select %lt3A_2174, %get3A_2173, %scan3A_2153 : vector<16xi1>, vector<16xf32>
        %select_n3A_2176 = arith.select %lt3A_2174, %scan3A_2160, %scan3A_2157 : vector<16xi1>, vector<16xi32>
        %get3A_2177 = arith.constant 30 : i32
        %get3A_2178 = arith.index_cast %get3A_2177 : i32 to index
        %get3A_2179 = arith.index_cast %mul3A_2162 : i32 to index
        %get3A_2180 = tpu.vector_load %arg8[%get3A_2178, %get3A_2179] {strides = array<i32>} : memref<32x1000xf32, #tpu.memory_space<vmem>>, vector<16xf32>,
        %lt3A_2181 = arith.cmpf olt, %get3A_2180, %scan3A_2154 : vector<16xf32>
        %select_n3A_2182 = arith.select %lt3A_2181, %get3A_2180, %scan3A_2154 : vector<16xi1>, vector<16xf32>
        %select_n3A_2183 = arith.select %lt3A_2181, %scan3A_2160, %scan3A_2158 : vector<16xi1>, vector<16xi32>
        %get3A_2184 = arith.constant 31 : i32
        %get3A_2185 = arith.index_cast %get3A_2184 : i32 to index
        %get3A_2186 = arith.index_cast %mul3A_2162 : i32 to index
        %get3A_2187 = tpu.vector_load %arg8[%get3A_2185, %get3A_2186] {strides = array<i32>} : memref<32x1000xf32, #tpu.memory_space<vmem>>, vector<16xf32>,
        %lt3A_2188 = arith.cmpf olt, %get3A_2187, %scan3A_2155 : vector<16xf32>
        %select_n3A_2189 = arith.select %lt3A_2188, %get3A_2187, %scan3A_2155 : vector<16xi1>, vector<16xf32>
        %select_n3A_2190 = arith.select %lt3A_2188, %scan3A_2160, %scan3A_2159 : vector<16xi1>, vector<16xi32>
        %add3A_2191 = arith.constant 16 : i32
        %add3A_2192 = vector.broadcast %add3A_2191 : i32 to vector<16xi32>
        %add3A_2193 = arith.addi %scan3A_2160, %add3A_2192 : vector<16xi32>
        %scan3A_2194 = arith.constant 1 : i32
        %scan3A_2195 = arith.addi %scan3A_2151, %scan3A_2194 : i32
        %mul3A_2196 = arith.constant 16 : i32
        %mul3A_2197 = arith.muli %scan3A_2195, %mul3A_2196 : i32
        %get3A_2198 = arith.constant 28 : i32
        %get3A_2199 = arith.index_cast %get3A_2198 : i32 to index
        %get3A_2200 = arith.index_cast %mul3A_2197 : i32 to index
        %get3A_2201 = tpu.vector_load %arg8[%get3A_2199, %get3A_2200] {strides = array<i32>} : memref<32x1000xf32, #tpu.memory_space<vmem>>, vector<16xf32>,
        %lt3A_2202 = arith.cmpf olt, %get3A_2201, %select_n3A_2168 : vector<16xf32>
        %select_n3A_2203 = arith.select %lt3A_2202, %get3A_2201, %select_n3A_2168 : vector<16xi1>, vector<16xf32>
        %select_n3A_2204 = arith.select %lt3A_2202, %add3A_2193, %select_n3A_2169 : vector<16xi1>, vector<16xi32>
        %get3A_2205 = arith.constant 29 : i32
        %get3A_2206 = arith.index_cast %get3A_2205 : i32 to index
        %get3A_2207 = arith.index_cast %mul3A_2197 : i32 to index
        %get3A_2208 = tpu.vector_load %arg8[%get3A_2206, %get3A_2207] {strides = array<i32>} : memref<32x1000xf32, #tpu.memory_space<vmem>>, vector<16xf32>,
        %lt3A_2209 = arith.cmpf olt, %get3A_2208, %select_n3A_2175 : vector<16xf32>
        %select_n3A_2210 = arith.select %lt3A_2209, %get3A_2208, %select_n3A_2175 : vector<16xi1>, vector<16xf32>
        %select_n3A_2211 = arith.select %lt3A_2209, %add3A_2193, %select_n3A_2176 : vector<16xi1>, vector<16xi32>
        %get3A_2212 = arith.constant 30 : i32
        %get3A_2213 = arith.index_cast %get3A_2212 : i32 to index
        %get3A_2214 = arith.index_cast %mul3A_2197 : i32 to index
        %get3A_2215 = tpu.vector_load %arg8[%get3A_2213, %get3A_2214] {strides = array<i32>} : memref<32x1000xf32, #tpu.memory_space<vmem>>, vector<16xf32>,
        %lt3A_2216 = arith.cmpf olt, %get3A_2215, %select_n3A_2182 : vector<16xf32>
        %select_n3A_2217 = arith.select %lt3A_2216, %get3A_2215, %select_n3A_2182 : vector<16xi1>, vector<16xf32>
        %select_n3A_2218 = arith.select %lt3A_2216, %add3A_2193, %select_n3A_2183 : vector<16xi1>, vector<16xi32>
        %get3A_2219 = arith.constant 31 : i32
        %get3A_2220 = arith.index_cast %get3A_2219 : i32 to index
        %get3A_2221 = arith.index_cast %mul3A_2197 : i32 to index
        %get3A_2222 = tpu.vector_load %arg8[%get3A_2220, %get3A_2221] {strides = array<i32>} : memref<32x1000xf32, #tpu.memory_space<vmem>>, vector<16xf32>,
        %lt3A_2223 = arith.cmpf olt, %get3A_2222, %select_n3A_2189 : vector<16xf32>
        %select_n3A_2224 = arith.select %lt3A_2223, %get3A_2222, %select_n3A_2189 : vector<16xi1>, vector<16xf32>
        %select_n3A_2225 = arith.select %lt3A_2223, %add3A_2193, %select_n3A_2190 : vector<16xi1>, vector<16xi32>
        %add3A_2226 = arith.constant 16 : i32
        %add3A_2227 = vector.broadcast %add3A_2226 : i32 to vector<16xi32>
        %add3A_2228 = arith.addi %add3A_2193, %add3A_2227 : vector<16xi32>
        scf.yield %select_n3A_2203, %select_n3A_2210, %select_n3A_2217, %select_n3A_2224, %select_n3A_2204, %select_n3A_2211, %select_n3A_2218, %select_n3A_2225, %add3A_2228 : vector<16xf32>, vector<16xf32>, vector<16xf32>, vector<16xf32>, vector<16xi32>, vector<16xi32>, vector<16xi32>, vector<16xi32>, vector<16xi32>
      }
      %scan3A_910 = arith.constant 62 : i32
      %get3A_911 = arith.constant 28 : i32
      %get3A_912 = arith.index_cast %get3A_911 : i32 to index
      %get3A_913 = arith.constant 984 : index
      %get3A_914 = tpu.vector_load %arg8[%get3A_912, %get3A_913] {strides = array<i32>} : memref<32x1000xf32, #tpu.memory_space<vmem>>, vector<16xf32>,
      %lt3A_915 = arith.cmpf olt, %get3A_914, %scan3A_909#0 : vector<16xf32>
      %select_n3A_916 = arith.select %lt3A_915, %get3A_914, %scan3A_909#0 : vector<16xi1>, vector<16xf32>
      %select_n3A_917 = arith.select %lt3A_915, %add3A_239, %scan3A_909#4 : vector<16xi1>, vector<16xi32>
      %add3A_918 = arith.constant 204 : i32
      %add3A_919 = vector.broadcast %add3A_918 : i32 to vector<16xi32>
      %add3A_920 = arith.addi %iota3A, %add3A_919 : vector<16xi32>
      tpu.vector_store_idx %arg11[%add3A_920], %select_n3A_916 : memref<272xf32, #tpu.memory_space<vmem>>[vector<16xi32>], vector<16xf32>,
      %add3A_921 = arith.constant 204 : i32
      %add3A_922 = vector.broadcast %add3A_921 : i32 to vector<16xi32>
      %add3A_923 = arith.addi %iota3A, %add3A_922 : vector<16xi32>
      tpu.vector_store_idx %arg12[%add3A_923], %select_n3A_917 : memref<272xi32, #tpu.memory_space<vmem>>[vector<16xi32>], vector<16xi32>,
      %get3A_924 = arith.constant 29 : i32
      %get3A_925 = arith.index_cast %get3A_924 : i32 to index
      %get3A_926 = arith.constant 984 : index
      %get3A_927 = tpu.vector_load %arg8[%get3A_925, %get3A_926] {strides = array<i32>} : memref<32x1000xf32, #tpu.memory_space<vmem>>, vector<16xf32>,
      %lt3A_928 = arith.cmpf olt, %get3A_927, %scan3A_909#1 : vector<16xf32>
      %select_n3A_929 = arith.select %lt3A_928, %get3A_927, %scan3A_909#1 : vector<16xi1>, vector<16xf32>
      %select_n3A_930 = arith.select %lt3A_928, %add3A_239, %scan3A_909#5 : vector<16xi1>, vector<16xi32>
      %add3A_931 = arith.constant 221 : i32
      %add3A_932 = vector.broadcast %add3A_931 : i32 to vector<16xi32>
      %add3A_933 = arith.addi %iota3A, %add3A_932 : vector<16xi32>
      tpu.vector_store_idx %arg11[%add3A_933], %select_n3A_929 : memref<272xf32, #tpu.memory_space<vmem>>[vector<16xi32>], vector<16xf32>,
      %add3A_934 = arith.constant 221 : i32
      %add3A_935 = vector.broadcast %add3A_934 : i32 to vector<16xi32>
      %add3A_936 = arith.addi %iota3A, %add3A_935 : vector<16xi32>
      tpu.vector_store_idx %arg12[%add3A_936], %select_n3A_930 : memref<272xi32, #tpu.memory_space<vmem>>[vector<16xi32>], vector<16xi32>,
      %get3A_937 = arith.constant 30 : i32
      %get3A_938 = arith.index_cast %get3A_937 : i32 to index
      %get3A_939 = arith.constant 984 : index
      %get3A_940 = tpu.vector_load %arg8[%get3A_938, %get3A_939] {strides = array<i32>} : memref<32x1000xf32, #tpu.memory_space<vmem>>, vector<16xf32>,
      %lt3A_941 = arith.cmpf olt, %get3A_940, %scan3A_909#2 : vector<16xf32>
      %select_n3A_942 = arith.select %lt3A_941, %get3A_940, %scan3A_909#2 : vector<16xi1>, vector<16xf32>
      %select_n3A_943 = arith.select %lt3A_941, %add3A_239, %scan3A_909#6 : vector<16xi1>, vector<16xi32>
      %add3A_944 = arith.constant 238 : i32
      %add3A_945 = vector.broadcast %add3A_944 : i32 to vector<16xi32>
      %add3A_946 = arith.addi %iota3A, %add3A_945 : vector<16xi32>
      tpu.vector_store_idx %arg11[%add3A_946], %select_n3A_942 : memref<272xf32, #tpu.memory_space<vmem>>[vector<16xi32>], vector<16xf32>,
      %add3A_947 = arith.constant 238 : i32
      %add3A_948 = vector.broadcast %add3A_947 : i32 to vector<16xi32>
      %add3A_949 = arith.addi %iota3A, %add3A_948 : vector<16xi32>
      tpu.vector_store_idx %arg12[%add3A_949], %select_n3A_943 : memref<272xi32, #tpu.memory_space<vmem>>[vector<16xi32>], vector<16xi32>,
      %get3A_950 = arith.constant 31 : i32
      %get3A_951 = arith.index_cast %get3A_950 : i32 to index
      %get3A_952 = arith.constant 984 : index
      %get3A_953 = tpu.vector_load %arg8[%get3A_951, %get3A_952] {strides = array<i32>} : memref<32x1000xf32, #tpu.memory_space<vmem>>, vector<16xf32>,
      %lt3A_954 = arith.cmpf olt, %get3A_953, %scan3A_909#3 : vector<16xf32>
      %select_n3A_955 = arith.select %lt3A_954, %get3A_953, %scan3A_909#3 : vector<16xi1>, vector<16xf32>
      %select_n3A_956 = arith.select %lt3A_954, %add3A_239, %scan3A_909#7 : vector<16xi1>, vector<16xi32>
      %add3A_957 = arith.constant 255 : i32
      %add3A_958 = vector.broadcast %add3A_957 : i32 to vector<16xi32>
      %add3A_959 = arith.addi %iota3A, %add3A_958 : vector<16xi32>
      tpu.vector_store_idx %arg11[%add3A_959], %select_n3A_955 : memref<272xf32, #tpu.memory_space<vmem>>[vector<16xi32>], vector<16xf32>,
      %add3A_960 = arith.constant 255 : i32
      %add3A_961 = vector.broadcast %add3A_960 : i32 to vector<16xi32>
      %add3A_962 = arith.addi %iota3A, %add3A_961 : vector<16xi32>
      tpu.vector_store_idx %arg12[%add3A_962], %select_n3A_956 : memref<272xi32, #tpu.memory_space<vmem>>[vector<16xi32>], vector<16xi32>,
      %gather3A_963 = tpu.vector_load_idx %arg11[%mul3A_234] : memref<272xf32, #tpu.memory_space<vmem>>[vector<16xi32>], vector<16xf32>,
      %gather3A_964 = tpu.vector_load_idx %arg12[%mul3A_234] : memref<272xi32, #tpu.memory_space<vmem>>[vector<16xi32>], vector<16xi32>,
      %add3A_965 = arith.constant 1 : i32
      %add3A_966 = vector.broadcast %add3A_965 : i32 to vector<16xi32>
      %add3A_967 = arith.addi %mul3A_234, %add3A_966 : vector<16xi32>
      %gather3A_968 = tpu.vector_load_idx %arg11[%add3A_967] : memref<272xf32, #tpu.memory_space<vmem>>[vector<16xi32>], vector<16xf32>,
      %add3A_969 = arith.constant 1 : i32
      %add3A_970 = vector.broadcast %add3A_969 : i32 to vector<16xi32>
      %add3A_971 = arith.addi %mul3A_234, %add3A_970 : vector<16xi32>
      %gather3A_972 = tpu.vector_load_idx %arg12[%add3A_971] : memref<272xi32, #tpu.memory_space<vmem>>[vector<16xi32>], vector<16xi32>,
      %lt3A_973 = arith.cmpf olt, %gather3A_968, %gather3A_963 : vector<16xf32>
      %eq3A_974 = arith.cmpf oeq, %gather3A_968, %gather3A_963 : vector<16xf32>
      %lt3A_975 = arith.cmpi slt, %gather3A_972, %gather3A_964 : vector<16xi32>
      %and3A_976 = arith.andi %eq3A_974, %lt3A_975 : vector<16xi1>
      %or3A_977 = arith.ori %lt3A_973, %and3A_976 : vector<16xi1>
      %select_n3A_978 = arith.select %or3A_977, %gather3A_968, %gather3A_963 : vector<16xi1>, vector<16xf32>
      %select_n3A_979 = arith.select %or3A_977, %gather3A_972, %gather3A_964 : vector<16xi1>, vector<16xi32>
      %add3A_980 = arith.constant 2 : i32
      %add3A_981 = vector.broadcast %add3A_980 : i32 to vector<16xi32>
      %add3A_982 = arith.addi %mul3A_234, %add3A_981 : vector<16xi32>
      %gather3A_983 = tpu.vector_load_idx %arg11[%add3A_982] : memref<272xf32, #tpu.memory_space<vmem>>[vector<16xi32>], vector<16xf32>,
      %add3A_984 = arith.constant 2 : i32
      %add3A_985 = vector.broadcast %add3A_984 : i32 to vector<16xi32>
      %add3A_986 = arith.addi %mul3A_234, %add3A_985 : vector<16xi32>
      %gather3A_987 = tpu.vector_load_idx %arg12[%add3A_986] : memref<272xi32, #tpu.memory_space<vmem>>[vector<16xi32>], vector<16xi32>,
      %lt3A_988 = arith.cmpf olt, %gather3A_983, %select_n3A_978 : vector<16xf32>
      %eq3A_989 = arith.cmpf oeq, %gather3A_983, %select_n3A_978 : vector<16xf32>
      %lt3A_990 = arith.cmpi slt, %gather3A_987, %select_n3A_979 : vector<16xi32>
      %and3A_991 = arith.andi %eq3A_989, %lt3A_990 : vector<16xi1>
      %or3A_992 = arith.ori %lt3A_988, %and3A_991 : vector<16xi1>
      %select_n3A_993 = arith.select %or3A_992, %gather3A_983, %select_n3A_978 : vector<16xi1>, vector<16xf32>
      %select_n3A_994 = arith.select %or3A_992, %gather3A_987, %select_n3A_979 : vector<16xi1>, vector<16xi32>
      %add3A_995 = arith.constant 3 : i32
      %add3A_996 = vector.broadcast %add3A_995 : i32 to vector<16xi32>
      %add3A_997 = arith.addi %mul3A_234, %add3A_996 : vector<16xi32>
      %gather3A_998 = tpu.vector_load_idx %arg11[%add3A_997] : memref<272xf32, #tpu.memory_space<vmem>>[vector<16xi32>], vector<16xf32>,
      %add3A_999 = arith.constant 3 : i32
      %add3A_1000 = vector.broadcast %add3A_999 : i32 to vector<16xi32>
      %add3A_1001 = arith.addi %mul3A_234, %add3A_1000 : vector<16xi32>
      %gather3A_1002 = tpu.vector_load_idx %arg12[%add3A_1001] : memref<272xi32, #tpu.memory_space<vmem>>[vector<16xi32>], vector<16xi32>,
      %lt3A_1003 = arith.cmpf olt, %gather3A_998, %select_n3A_993 : vector<16xf32>
      %eq3A_1004 = arith.cmpf oeq, %gather3A_998, %select_n3A_993 : vector<16xf32>
      %lt3A_1005 = arith.cmpi slt, %gather3A_1002, %select_n3A_994 : vector<16xi32>
      %and3A_1006 = arith.andi %eq3A_1004, %lt3A_1005 : vector<16xi1>
      %or3A_1007 = arith.ori %lt3A_1003, %and3A_1006 : vector<16xi1>
      %select_n3A_1008 = arith.select %or3A_1007, %gather3A_998, %select_n3A_993 : vector<16xi1>, vector<16xf32>
      %select_n3A_1009 = arith.select %or3A_1007, %gather3A_1002, %select_n3A_994 : vector<16xi1>, vector<16xi32>
      %add3A_1010 = arith.constant 4 : i32
      %add3A_1011 = vector.broadcast %add3A_1010 : i32 to vector<16xi32>
      %add3A_1012 = arith.addi %mul3A_234, %add3A_1011 : vector<16xi32>
      %gather3A_1013 = tpu.vector_load_idx %arg11[%add3A_1012] : memref<272xf32, #tpu.memory_space<vmem>>[vector<16xi32>], vector<16xf32>,
      %add3A_1014 = arith.constant 4 : i32
      %add3A_1015 = vector.broadcast %add3A_1014 : i32 to vector<16xi32>
      %add3A_1016 = arith.addi %mul3A_234, %add3A_1015 : vector<16xi32>
      %gather3A_1017 = tpu.vector_load_idx %arg12[%add3A_1016] : memref<272xi32, #tpu.memory_space<vmem>>[vector<16xi32>], vector<16xi32>,
      %lt3A_1018 = arith.cmpf olt, %gather3A_1013, %select_n3A_1008 : vector<16xf32>
      %eq3A_1019 = arith.cmpf oeq, %gather3A_1013, %select_n3A_1008 : vector<16xf32>
      %lt3A_1020 = arith.cmpi slt, %gather3A_1017, %select_n3A_1009 : vector<16xi32>
      %and3A_1021 = arith.andi %eq3A_1019, %lt3A_1020 : vector<16xi1>
      %or3A_1022 = arith.ori %lt3A_1018, %and3A_1021 : vector<16xi1>
      %select_n3A_1023 = arith.select %or3A_1022, %gather3A_1013, %select_n3A_1008 : vector<16xi1>, vector<16xf32>
      %select_n3A_1024 = arith.select %or3A_1022, %gather3A_1017, %select_n3A_1009 : vector<16xi1>, vector<16xi32>
      %add3A_1025 = arith.constant 5 : i32
      %add3A_1026 = vector.broadcast %add3A_1025 : i32 to vector<16xi32>
      %add3A_1027 = arith.addi %mul3A_234, %add3A_1026 : vector<16xi32>
      %gather3A_1028 = tpu.vector_load_idx %arg11[%add3A_1027] : memref<272xf32, #tpu.memory_space<vmem>>[vector<16xi32>], vector<16xf32>,
      %add3A_1029 = arith.constant 5 : i32
      %add3A_1030 = vector.broadcast %add3A_1029 : i32 to vector<16xi32>
      %add3A_1031 = arith.addi %mul3A_234, %add3A_1030 : vector<16xi32>
      %gather3A_1032 = tpu.vector_load_idx %arg12[%add3A_1031] : memref<272xi32, #tpu.memory_space<vmem>>[vector<16xi32>], vector<16xi32>,
      %lt3A_1033 = arith.cmpf olt, %gather3A_1028, %select_n3A_1023 : vector<16xf32>
      %eq3A_1034 = arith.cmpf oeq, %gather3A_1028, %select_n3A_1023 : vector<16xf32>
      %lt3A_1035 = arith.cmpi slt, %gather3A_1032, %select_n3A_1024 : vector<16xi32>
      %and3A_1036 = arith.andi %eq3A_1034, %lt3A_1035 : vector<16xi1>
      %or3A_1037 = arith.ori %lt3A_1033, %and3A_1036 : vector<16xi1>
      %select_n3A_1038 = arith.select %or3A_1037, %gather3A_1028, %select_n3A_1023 : vector<16xi1>, vector<16xf32>
      %select_n3A_1039 = arith.select %or3A_1037, %gather3A_1032, %select_n3A_1024 : vector<16xi1>, vector<16xi32>
      %add3A_1040 = arith.constant 6 : i32
      %add3A_1041 = vector.broadcast %add3A_1040 : i32 to vector<16xi32>
      %add3A_1042 = arith.addi %mul3A_234, %add3A_1041 : vector<16xi32>
      %gather3A_1043 = tpu.vector_load_idx %arg11[%add3A_1042] : memref<272xf32, #tpu.memory_space<vmem>>[vector<16xi32>], vector<16xf32>,
      %add3A_1044 = arith.constant 6 : i32
      %add3A_1045 = vector.broadcast %add3A_1044 : i32 to vector<16xi32>
      %add3A_1046 = arith.addi %mul3A_234, %add3A_1045 : vector<16xi32>
      %gather3A_1047 = tpu.vector_load_idx %arg12[%add3A_1046] : memref<272xi32, #tpu.memory_space<vmem>>[vector<16xi32>], vector<16xi32>,
      %lt3A_1048 = arith.cmpf olt, %gather3A_1043, %select_n3A_1038 : vector<16xf32>
      %eq3A_1049 = arith.cmpf oeq, %gather3A_1043, %select_n3A_1038 : vector<16xf32>
      %lt3A_1050 = arith.cmpi slt, %gather3A_1047, %select_n3A_1039 : vector<16xi32>
      %and3A_1051 = arith.andi %eq3A_1049, %lt3A_1050 : vector<16xi1>
      %or3A_1052 = arith.ori %lt3A_1048, %and3A_1051 : vector<16xi1>
      %select_n3A_1053 = arith.select %or3A_1052, %gather3A_1043, %select_n3A_1038 : vector<16xi1>, vector<16xf32>
      %select_n3A_1054 = arith.select %or3A_1052, %gather3A_1047, %select_n3A_1039 : vector<16xi1>, vector<16xi32>
      %add3A_1055 = arith.constant 7 : i32
      %add3A_1056 = vector.broadcast %add3A_1055 : i32 to vector<16xi32>
      %add3A_1057 = arith.addi %mul3A_234, %add3A_1056 : vector<16xi32>
      %gather3A_1058 = tpu.vector_load_idx %arg11[%add3A_1057] : memref<272xf32, #tpu.memory_space<vmem>>[vector<16xi32>], vector<16xf32>,
      %add3A_1059 = arith.constant 7 : i32
      %add3A_1060 = vector.broadcast %add3A_1059 : i32 to vector<16xi32>
      %add3A_1061 = arith.addi %mul3A_234, %add3A_1060 : vector<16xi32>
      %gather3A_1062 = tpu.vector_load_idx %arg12[%add3A_1061] : memref<272xi32, #tpu.memory_space<vmem>>[vector<16xi32>], vector<16xi32>,
      %lt3A_1063 = arith.cmpf olt, %gather3A_1058, %select_n3A_1053 : vector<16xf32>
      %eq3A_1064 = arith.cmpf oeq, %gather3A_1058, %select_n3A_1053 : vector<16xf32>
      %lt3A_1065 = arith.cmpi slt, %gather3A_1062, %select_n3A_1054 : vector<16xi32>
      %and3A_1066 = arith.andi %eq3A_1064, %lt3A_1065 : vector<16xi1>
      %or3A_1067 = arith.ori %lt3A_1063, %and3A_1066 : vector<16xi1>
      %select_n3A_1068 = arith.select %or3A_1067, %gather3A_1058, %select_n3A_1053 : vector<16xi1>, vector<16xf32>
      %select_n3A_1069 = arith.select %or3A_1067, %gather3A_1062, %select_n3A_1054 : vector<16xi1>, vector<16xi32>
      %add3A_1070 = arith.constant 8 : i32
      %add3A_1071 = vector.broadcast %add3A_1070 : i32 to vector<16xi32>
      %add3A_1072 = arith.addi %mul3A_234, %add3A_1071 : vector<16xi32>
      %gather3A_1073 = tpu.vector_load_idx %arg11[%add3A_1072] : memref<272xf32, #tpu.memory_space<vmem>>[vector<16xi32>], vector<16xf32>,
      %add3A_1074 = arith.constant 8 : i32
      %add3A_1075 = vector.broadcast %add3A_1074 : i32 to vector<16xi32>
      %add3A_1076 = arith.addi %mul3A_234, %add3A_1075 : vector<16xi32>
      %gather3A_1077 = tpu.vector_load_idx %arg12[%add3A_1076] : memref<272xi32, #tpu.memory_space<vmem>>[vector<16xi32>], vector<16xi32>,
      %lt3A_1078 = arith.cmpf olt, %gather3A_1073, %select_n3A_1068 : vector<16xf32>
      %eq3A_1079 = arith.cmpf oeq, %gather3A_1073, %select_n3A_1068 : vector<16xf32>
      %lt3A_1080 = arith.cmpi slt, %gather3A_1077, %select_n3A_1069 : vector<16xi32>
      %and3A_1081 = arith.andi %eq3A_1079, %lt3A_1080 : vector<16xi1>
      %or3A_1082 = arith.ori %lt3A_1078, %and3A_1081 : vector<16xi1>
      %select_n3A_1083 = arith.select %or3A_1082, %gather3A_1073, %select_n3A_1068 : vector<16xi1>, vector<16xf32>
      %select_n3A_1084 = arith.select %or3A_1082, %gather3A_1077, %select_n3A_1069 : vector<16xi1>, vector<16xi32>
      %add3A_1085 = arith.constant 9 : i32
      %add3A_1086 = vector.broadcast %add3A_1085 : i32 to vector<16xi32>
      %add3A_1087 = arith.addi %mul3A_234, %add3A_1086 : vector<16xi32>
      %gather3A_1088 = tpu.vector_load_idx %arg11[%add3A_1087] : memref<272xf32, #tpu.memory_space<vmem>>[vector<16xi32>], vector<16xf32>,
      %add3A_1089 = arith.constant 9 : i32
      %add3A_1090 = vector.broadcast %add3A_1089 : i32 to vector<16xi32>
      %add3A_1091 = arith.addi %mul3A_234, %add3A_1090 : vector<16xi32>
      %gather3A_1092 = tpu.vector_load_idx %arg12[%add3A_1091] : memref<272xi32, #tpu.memory_space<vmem>>[vector<16xi32>], vector<16xi32>,
      %lt3A_1093 = arith.cmpf olt, %gather3A_1088, %select_n3A_1083 : vector<16xf32>
      %eq3A_1094 = arith.cmpf oeq, %gather3A_1088, %select_n3A_1083 : vector<16xf32>
      %lt3A_1095 = arith.cmpi slt, %gather3A_1092, %select_n3A_1084 : vector<16xi32>
      %and3A_1096 = arith.andi %eq3A_1094, %lt3A_1095 : vector<16xi1>
      %or3A_1097 = arith.ori %lt3A_1093, %and3A_1096 : vector<16xi1>
      %select_n3A_1098 = arith.select %or3A_1097, %gather3A_1088, %select_n3A_1083 : vector<16xi1>, vector<16xf32>
      %select_n3A_1099 = arith.select %or3A_1097, %gather3A_1092, %select_n3A_1084 : vector<16xi1>, vector<16xi32>
      %add3A_1100 = arith.constant 10 : i32
      %add3A_1101 = vector.broadcast %add3A_1100 : i32 to vector<16xi32>
      %add3A_1102 = arith.addi %mul3A_234, %add3A_1101 : vector<16xi32>
      %gather3A_1103 = tpu.vector_load_idx %arg11[%add3A_1102] : memref<272xf32, #tpu.memory_space<vmem>>[vector<16xi32>], vector<16xf32>,
      %add3A_1104 = arith.constant 10 : i32
      %add3A_1105 = vector.broadcast %add3A_1104 : i32 to vector<16xi32>
      %add3A_1106 = arith.addi %mul3A_234, %add3A_1105 : vector<16xi32>
      %gather3A_1107 = tpu.vector_load_idx %arg12[%add3A_1106] : memref<272xi32, #tpu.memory_space<vmem>>[vector<16xi32>], vector<16xi32>,
      %lt3A_1108 = arith.cmpf olt, %gather3A_1103, %select_n3A_1098 : vector<16xf32>
      %eq3A_1109 = arith.cmpf oeq, %gather3A_1103, %select_n3A_1098 : vector<16xf32>
      %lt3A_1110 = arith.cmpi slt, %gather3A_1107, %select_n3A_1099 : vector<16xi32>
      %and3A_1111 = arith.andi %eq3A_1109, %lt3A_1110 : vector<16xi1>
      %or3A_1112 = arith.ori %lt3A_1108, %and3A_1111 : vector<16xi1>
      %select_n3A_1113 = arith.select %or3A_1112, %gather3A_1103, %select_n3A_1098 : vector<16xi1>, vector<16xf32>
      %select_n3A_1114 = arith.select %or3A_1112, %gather3A_1107, %select_n3A_1099 : vector<16xi1>, vector<16xi32>
      %add3A_1115 = arith.constant 11 : i32
      %add3A_1116 = vector.broadcast %add3A_1115 : i32 to vector<16xi32>
      %add3A_1117 = arith.addi %mul3A_234, %add3A_1116 : vector<16xi32>
      %gather3A_1118 = tpu.vector_load_idx %arg11[%add3A_1117] : memref<272xf32, #tpu.memory_space<vmem>>[vector<16xi32>], vector<16xf32>,
      %add3A_1119 = arith.constant 11 : i32
      %add3A_1120 = vector.broadcast %add3A_1119 : i32 to vector<16xi32>
      %add3A_1121 = arith.addi %mul3A_234, %add3A_1120 : vector<16xi32>
      %gather3A_1122 = tpu.vector_load_idx %arg12[%add3A_1121] : memref<272xi32, #tpu.memory_space<vmem>>[vector<16xi32>], vector<16xi32>,
      %lt3A_1123 = arith.cmpf olt, %gather3A_1118, %select_n3A_1113 : vector<16xf32>
      %eq3A_1124 = arith.cmpf oeq, %gather3A_1118, %select_n3A_1113 : vector<16xf32>
      %lt3A_1125 = arith.cmpi slt, %gather3A_1122, %select_n3A_1114 : vector<16xi32>
      %and3A_1126 = arith.andi %eq3A_1124, %lt3A_1125 : vector<16xi1>
      %or3A_1127 = arith.ori %lt3A_1123, %and3A_1126 : vector<16xi1>
      %select_n3A_1128 = arith.select %or3A_1127, %gather3A_1118, %select_n3A_1113 : vector<16xi1>, vector<16xf32>
      %select_n3A_1129 = arith.select %or3A_1127, %gather3A_1122, %select_n3A_1114 : vector<16xi1>, vector<16xi32>
      %add3A_1130 = arith.constant 12 : i32
      %add3A_1131 = vector.broadcast %add3A_1130 : i32 to vector<16xi32>
      %add3A_1132 = arith.addi %mul3A_234, %add3A_1131 : vector<16xi32>
      %gather3A_1133 = tpu.vector_load_idx %arg11[%add3A_1132] : memref<272xf32, #tpu.memory_space<vmem>>[vector<16xi32>], vector<16xf32>,
      %add3A_1134 = arith.constant 12 : i32
      %add3A_1135 = vector.broadcast %add3A_1134 : i32 to vector<16xi32>
      %add3A_1136 = arith.addi %mul3A_234, %add3A_1135 : vector<16xi32>
      %gather3A_1137 = tpu.vector_load_idx %arg12[%add3A_1136] : memref<272xi32, #tpu.memory_space<vmem>>[vector<16xi32>], vector<16xi32>,
      %lt3A_1138 = arith.cmpf olt, %gather3A_1133, %select_n3A_1128 : vector<16xf32>
      %eq3A_1139 = arith.cmpf oeq, %gather3A_1133, %select_n3A_1128 : vector<16xf32>
      %lt3A_1140 = arith.cmpi slt, %gather3A_1137, %select_n3A_1129 : vector<16xi32>
      %and3A_1141 = arith.andi %eq3A_1139, %lt3A_1140 : vector<16xi1>
      %or3A_1142 = arith.ori %lt3A_1138, %and3A_1141 : vector<16xi1>
      %select_n3A_1143 = arith.select %or3A_1142, %gather3A_1133, %select_n3A_1128 : vector<16xi1>, vector<16xf32>
      %select_n3A_1144 = arith.select %or3A_1142, %gather3A_1137, %select_n3A_1129 : vector<16xi1>, vector<16xi32>
      %add3A_1145 = arith.constant 13 : i32
      %add3A_1146 = vector.broadcast %add3A_1145 : i32 to vector<16xi32>
      %add3A_1147 = arith.addi %mul3A_234, %add3A_1146 : vector<16xi32>
      %gather3A_1148 = tpu.vector_load_idx %arg11[%add3A_1147] : memref<272xf32, #tpu.memory_space<vmem>>[vector<16xi32>], vector<16xf32>,
      %add3A_1149 = arith.constant 13 : i32
      %add3A_1150 = vector.broadcast %add3A_1149 : i32 to vector<16xi32>
      %add3A_1151 = arith.addi %mul3A_234, %add3A_1150 : vector<16xi32>
      %gather3A_1152 = tpu.vector_load_idx %arg12[%add3A_1151] : memref<272xi32, #tpu.memory_space<vmem>>[vector<16xi32>], vector<16xi32>,
      %lt3A_1153 = arith.cmpf olt, %gather3A_1148, %select_n3A_1143 : vector<16xf32>
      %eq3A_1154 = arith.cmpf oeq, %gather3A_1148, %select_n3A_1143 : vector<16xf32>
      %lt3A_1155 = arith.cmpi slt, %gather3A_1152, %select_n3A_1144 : vector<16xi32>
      %and3A_1156 = arith.andi %eq3A_1154, %lt3A_1155 : vector<16xi1>
      %or3A_1157 = arith.ori %lt3A_1153, %and3A_1156 : vector<16xi1>
      %select_n3A_1158 = arith.select %or3A_1157, %gather3A_1148, %select_n3A_1143 : vector<16xi1>, vector<16xf32>
      %select_n3A_1159 = arith.select %or3A_1157, %gather3A_1152, %select_n3A_1144 : vector<16xi1>, vector<16xi32>
      %add3A_1160 = arith.constant 14 : i32
      %add3A_1161 = vector.broadcast %add3A_1160 : i32 to vector<16xi32>
      %add3A_1162 = arith.addi %mul3A_234, %add3A_1161 : vector<16xi32>
      %gather3A_1163 = tpu.vector_load_idx %arg11[%add3A_1162] : memref<272xf32, #tpu.memory_space<vmem>>[vector<16xi32>], vector<16xf32>,
      %add3A_1164 = arith.constant 14 : i32
      %add3A_1165 = vector.broadcast %add3A_1164 : i32 to vector<16xi32>
      %add3A_1166 = arith.addi %mul3A_234, %add3A_1165 : vector<16xi32>
      %gather3A_1167 = tpu.vector_load_idx %arg12[%add3A_1166] : memref<272xi32, #tpu.memory_space<vmem>>[vector<16xi32>], vector<16xi32>,
      %lt3A_1168 = arith.cmpf olt, %gather3A_1163, %select_n3A_1158 : vector<16xf32>
      %eq3A_1169 = arith.cmpf oeq, %gather3A_1163, %select_n3A_1158 : vector<16xf32>
      %lt3A_1170 = arith.cmpi slt, %gather3A_1167, %select_n3A_1159 : vector<16xi32>
      %and3A_1171 = arith.andi %eq3A_1169, %lt3A_1170 : vector<16xi1>
      %or3A_1172 = arith.ori %lt3A_1168, %and3A_1171 : vector<16xi1>
      %select_n3A_1173 = arith.select %or3A_1172, %gather3A_1163, %select_n3A_1158 : vector<16xi1>, vector<16xf32>
      %select_n3A_1174 = arith.select %or3A_1172, %gather3A_1167, %select_n3A_1159 : vector<16xi1>, vector<16xi32>
      %add3A_1175 = arith.constant 15 : i32
      %add3A_1176 = vector.broadcast %add3A_1175 : i32 to vector<16xi32>
      %add3A_1177 = arith.addi %mul3A_234, %add3A_1176 : vector<16xi32>
      %gather3A_1178 = tpu.vector_load_idx %arg11[%add3A_1177] : memref<272xf32, #tpu.memory_space<vmem>>[vector<16xi32>], vector<16xf32>,
      %add3A_1179 = arith.constant 15 : i32
      %add3A_1180 = vector.broadcast %add3A_1179 : i32 to vector<16xi32>
      %add3A_1181 = arith.addi %mul3A_234, %add3A_1180 : vector<16xi32>
      %gather3A_1182 = tpu.vector_load_idx %arg12[%add3A_1181] : memref<272xi32, #tpu.memory_space<vmem>>[vector<16xi32>], vector<16xi32>,
      %lt3A_1183 = arith.cmpf olt, %gather3A_1178, %select_n3A_1173 : vector<16xf32>
      %eq3A_1184 = arith.cmpf oeq, %gather3A_1178, %select_n3A_1173 : vector<16xf32>
      %lt3A_1185 = arith.cmpi slt, %gather3A_1182, %select_n3A_1174 : vector<16xi32>
      %and3A_1186 = arith.andi %eq3A_1184, %lt3A_1185 : vector<16xi1>
      %or3A_1187 = arith.ori %lt3A_1183, %and3A_1186 : vector<16xi1>
      %select_n3A_1188 = arith.select %or3A_1187, %gather3A_1178, %select_n3A_1173 : vector<16xi1>, vector<16xf32>
      %select_n3A_1189 = arith.select %or3A_1187, %gather3A_1182, %select_n3A_1174 : vector<16xi1>, vector<16xi32>
      %gather3A_1190 = tpu.vector_load_idx %arg6[%select_n3A_1189] : memref<1024xi32, #tpu.memory_space<vmem>>[vector<16xi32>], vector<16xi32>,
      %lt3A_1191 = arith.cmpf olt, %select_n3A_1188, %get3A_1 : vector<16xf32>
      %select_n3A_1192 = arith.select %lt3A_1191, %gather3A_1190, %add3A_231 : vector<16xi1>, vector<16xi32>
      %mul3A_1193 = arith.constant 32 : i32
      %mul3A_1194 = arith.muli %mul3A_262, %mul3A_1193 : i32
      %add3A_1195 = arith.constant 16 : i32
      %add3A_1196 = arith.addi %mul3A_1194, %add3A_1195 : i32
      %swap3A_1197 = arith.index_cast %add3A_1196 : i32 to index
      %swap3A_1198 = tpu.vector_load %arg10[%swap3A_1197] {strides = array<i32>} : memref<512xi32, #tpu.memory_space<vmem>>, vector<16xi32>,
      tpu.vector_store %arg10[%swap3A_1197], %select_n3A_1192 {strides = array<i32>} : memref<512xi32, #tpu.memory_space<vmem>>, vector<16xi32>,
      %lt3A_1199 = arith.constant 7 : i32
      %lt3A_1200 = arith.cmpi slt, %scan3A_260, %lt3A_1199 : i32
      %convert_element_type3A = arith.extui %lt3A_1200 : i1 to i32
      %cond3A = arith.constant 0 : i32
      %cond3A_1201 = arith.cmpi ne, %convert_element_type3A, %cond3A : i32
      scf.if %cond3A_1201 {
        %add3A_2151 = arith.constant 2 : i32
        %add3A_2152 = arith.addi %mul3A_262, %add3A_2151 : i32
        %mul3A_2153 = arith.constant 32 : i32
        %mul3A_2154 = arith.muli %add3A_2152, %mul3A_2153 : i32
        %add3A_2155 = arith.addi %mul3A_241, %mul3A_2154 : i32
        %dma_start3A_2156 = arith.constant 0 : i32
        %dma_start3A_2157 = tpu.memref_slice %arg2[%add3A_2155, %dma_start3A_2156] : memref<16384x1000xf32, #tpu.memory_space<hbm>> -> memref<32x1000xf32, #tpu.memory_space<hbm>>
        %dma_start3A_2158 = arith.constant 0 : i32
        %dma_start3A_2159 = tpu.memref_slice %arg2[%add3A_2155, %dma_start3A_2158] : memref<16384x1000xf32, #tpu.memory_space<hbm>> -> memref<32x1000xf32, #tpu.memory_space<hbm>>
        tpu.enqueue_dma source(%dma_start3A_2159 : memref<32x1000xf32, #tpu.memory_space<hbm>>) target(%arg8 : memref<32x1000xf32, #tpu.memory_space<vmem>>) target_semaphore(%arg13 : memref<!tpu.dma_semaphore, #tpu.memory_space<semaphore_mem>>)
      } else {
      }
      %dma_wait3A_1202 = arith.constant 0 : i32
      %dma_wait3A_1203 = arith.constant 0 : i32
      %dma_wait3A_1204 = tpu.memref_slice %arg2[%dma_wait3A_1202, %dma_wait3A_1203] : memref<16384x1000xf32, #tpu.memory_space<hbm>> -> memref<32x1000xf32, #tpu.memory_space<hbm>>
      %dma_wait3A_1205 = arith.constant 0 : i32
      %dma_wait3A_1206 = arith.constant 0 : i32
      %dma_wait3A_1207 = tpu.memref_slice %arg2[%dma_wait3A_1205, %dma_wait3A_1206] : memref<16384x1000xf32, #tpu.memory_space<hbm>> -> memref<32x1000xf32, #tpu.memory_space<hbm>>
      tpu.wait_dma2 semaphore(%arg14 : memref<!tpu.dma_semaphore, #tpu.memory_space<semaphore_mem>>) src(%dma_wait3A_1207 : memref<32x1000xf32, #tpu.memory_space<hbm>>) dst(%arg9 : memref<32x1000xf32, #tpu.memory_space<vmem>>)
      %add3A_1208 = arith.constant 1 : i32
      %add3A_1209 = arith.addi %mul3A_262, %add3A_1208 : i32
      %scan3A_1210 = arith.constant 0 : i32
      %scan3A_1211 = arith.constant 62 : i32
      %scan3A_1212 = arith.addi %scan3A_1210, %scan3A_1211 : i32
      %scan3A_1213 = arith.constant 2 : i32
      %scan3A_1214:9 = scf.for %scan3A_2151 = %scan3A_1210 to %scan3A_1212 step %scan3A_1213 iter_args(%scan3A_2152 = %broadcast_in_dim3A_236, %scan3A_2153 = %broadcast_in_dim3A_236, %scan3A_2154 = %broadcast_in_dim3A_236, %scan3A_2155 = %broadcast_in_dim3A_236, %scan3A_2156 = %iota3A, %scan3A_2157 = %iota3A, %scan3A_2158 = %iota3A, %scan3A_2159 = %iota3A, %scan3A_2160 = %iota3A) -> (vector<16xf32>, vector<16xf32>, vector<16xf32>, vector<16xf32>, vector<16xi32>, vector<16xi32>, vector<16xi32>, vector<16xi32>, vector<16xi32>)  : i32 {
        %mul3A_2161 = arith.constant 16 : i32
        %mul3A_2162 = arith.muli %scan3A_2151, %mul3A_2161 : i32
        %get3A_2163 = arith.constant 0 : i32
        %get3A_2164 = arith.index_cast %get3A_2163 : i32 to index
        %get3A_2165 = arith.index_cast %mul3A_2162 : i32 to index
        %get3A_2166 = tpu.vector_load %arg9[%get3A_2164, %get3A_2165] {strides = array<i32>} : memref<32x1000xf32, #tpu.memory_space<vmem>>, vector<16xf32>,
        %lt3A_2167 = arith.cmpf olt, %get3A_2166, %scan3A_2152 : vector<16xf32>
        %select_n3A_2168 = arith.select %lt3A_2167, %get3A_2166, %scan3A_2152 : vector<16xi1>, vector<16xf32>
        %select_n3A_2169 = arith.select %lt3A_2167, %scan3A_2160, %scan3A_2156 : vector<16xi1>, vector<16xi32>
        %get3A_2170 = arith.constant 1 : i32
        %get3A_2171 = arith.index_cast %get3A_2170 : i32 to index
        %get3A_2172 = arith.index_cast %mul3A_2162 : i32 to index
        %get3A_2173 = tpu.vector_load %arg9[%get3A_2171, %get3A_2172] {strides = array<i32>} : memref<32x1000xf32, #tpu.memory_space<vmem>>, vector<16xf32>,
        %lt3A_2174 = arith.cmpf olt, %get3A_2173, %scan3A_2153 : vector<16xf32>
        %select_n3A_2175 = arith.select %lt3A_2174, %get3A_2173, %scan3A_2153 : vector<16xi1>, vector<16xf32>
        %select_n3A_2176 = arith.select %lt3A_2174, %scan3A_2160, %scan3A_2157 : vector<16xi1>, vector<16xi32>
        %get3A_2177 = arith.constant 2 : i32
        %get3A_2178 = arith.index_cast %get3A_2177 : i32 to index
        %get3A_2179 = arith.index_cast %mul3A_2162 : i32 to index
        %get3A_2180 = tpu.vector_load %arg9[%get3A_2178, %get3A_2179] {strides = array<i32>} : memref<32x1000xf32, #tpu.memory_space<vmem>>, vector<16xf32>,
        %lt3A_2181 = arith.cmpf olt, %get3A_2180, %scan3A_2154 : vector<16xf32>
        %select_n3A_2182 = arith.select %lt3A_2181, %get3A_2180, %scan3A_2154 : vector<16xi1>, vector<16xf32>
        %select_n3A_2183 = arith.select %lt3A_2181, %scan3A_2160, %scan3A_2158 : vector<16xi1>, vector<16xi32>
        %get3A_2184 = arith.constant 3 : i32
        %get3A_2185 = arith.index_cast %get3A_2184 : i32 to index
        %get3A_2186 = arith.index_cast %mul3A_2162 : i32 to index
        %get3A_2187 = tpu.vector_load %arg9[%get3A_2185, %get3A_2186] {strides = array<i32>} : memref<32x1000xf32, #tpu.memory_space<vmem>>, vector<16xf32>,
        %lt3A_2188 = arith.cmpf olt, %get3A_2187, %scan3A_2155 : vector<16xf32>
        %select_n3A_2189 = arith.select %lt3A_2188, %get3A_2187, %scan3A_2155 : vector<16xi1>, vector<16xf32>
        %select_n3A_2190 = arith.select %lt3A_2188, %scan3A_2160, %scan3A_2159 : vector<16xi1>, vector<16xi32>
        %add3A_2191 = arith.constant 16 : i32
        %add3A_2192 = vector.broadcast %add3A_2191 : i32 to vector<16xi32>
        %add3A_2193 = arith.addi %scan3A_2160, %add3A_2192 : vector<16xi32>
        %scan3A_2194 = arith.constant 1 : i32
        %scan3A_2195 = arith.addi %scan3A_2151, %scan3A_2194 : i32
        %mul3A_2196 = arith.constant 16 : i32
        %mul3A_2197 = arith.muli %scan3A_2195, %mul3A_2196 : i32
        %get3A_2198 = arith.constant 0 : i32
        %get3A_2199 = arith.index_cast %get3A_2198 : i32 to index
        %get3A_2200 = arith.index_cast %mul3A_2197 : i32 to index
        %get3A_2201 = tpu.vector_load %arg9[%get3A_2199, %get3A_2200] {strides = array<i32>} : memref<32x1000xf32, #tpu.memory_space<vmem>>, vector<16xf32>,
        %lt3A_2202 = arith.cmpf olt, %get3A_2201, %select_n3A_2168 : vector<16xf32>
        %select_n3A_2203 = arith.select %lt3A_2202, %get3A_2201, %select_n3A_2168 : vector<16xi1>, vector<16xf32>
        %select_n3A_2204 = arith.select %lt3A_2202, %add3A_2193, %select_n3A_2169 : vector<16xi1>, vector<16xi32>
        %get3A_2205 = arith.constant 1 : i32
        %get3A_2206 = arith.index_cast %get3A_2205 : i32 to index
        %get3A_2207 = arith.index_cast %mul3A_2197 : i32 to index
        %get3A_2208 = tpu.vector_load %arg9[%get3A_2206, %get3A_2207] {strides = array<i32>} : memref<32x1000xf32, #tpu.memory_space<vmem>>, vector<16xf32>,
        %lt3A_2209 = arith.cmpf olt, %get3A_2208, %select_n3A_2175 : vector<16xf32>
        %select_n3A_2210 = arith.select %lt3A_2209, %get3A_2208, %select_n3A_2175 : vector<16xi1>, vector<16xf32>
        %select_n3A_2211 = arith.select %lt3A_2209, %add3A_2193, %select_n3A_2176 : vector<16xi1>, vector<16xi32>
        %get3A_2212 = arith.constant 2 : i32
        %get3A_2213 = arith.index_cast %get3A_2212 : i32 to index
        %get3A_2214 = arith.index_cast %mul3A_2197 : i32 to index
        %get3A_2215 = tpu.vector_load %arg9[%get3A_2213, %get3A_2214] {strides = array<i32>} : memref<32x1000xf32, #tpu.memory_space<vmem>>, vector<16xf32>,
        %lt3A_2216 = arith.cmpf olt, %get3A_2215, %select_n3A_2182 : vector<16xf32>
        %select_n3A_2217 = arith.select %lt3A_2216, %get3A_2215, %select_n3A_2182 : vector<16xi1>, vector<16xf32>
        %select_n3A_2218 = arith.select %lt3A_2216, %add3A_2193, %select_n3A_2183 : vector<16xi1>, vector<16xi32>
        %get3A_2219 = arith.constant 3 : i32
        %get3A_2220 = arith.index_cast %get3A_2219 : i32 to index
        %get3A_2221 = arith.index_cast %mul3A_2197 : i32 to index
        %get3A_2222 = tpu.vector_load %arg9[%get3A_2220, %get3A_2221] {strides = array<i32>} : memref<32x1000xf32, #tpu.memory_space<vmem>>, vector<16xf32>,
        %lt3A_2223 = arith.cmpf olt, %get3A_2222, %select_n3A_2189 : vector<16xf32>
        %select_n3A_2224 = arith.select %lt3A_2223, %get3A_2222, %select_n3A_2189 : vector<16xi1>, vector<16xf32>
        %select_n3A_2225 = arith.select %lt3A_2223, %add3A_2193, %select_n3A_2190 : vector<16xi1>, vector<16xi32>
        %add3A_2226 = arith.constant 16 : i32
        %add3A_2227 = vector.broadcast %add3A_2226 : i32 to vector<16xi32>
        %add3A_2228 = arith.addi %add3A_2193, %add3A_2227 : vector<16xi32>
        scf.yield %select_n3A_2203, %select_n3A_2210, %select_n3A_2217, %select_n3A_2224, %select_n3A_2204, %select_n3A_2211, %select_n3A_2218, %select_n3A_2225, %add3A_2228 : vector<16xf32>, vector<16xf32>, vector<16xf32>, vector<16xf32>, vector<16xi32>, vector<16xi32>, vector<16xi32>, vector<16xi32>, vector<16xi32>
      }
      %scan3A_1215 = arith.constant 62 : i32
      %get3A_1216 = arith.constant 0 : i32
      %get3A_1217 = arith.index_cast %get3A_1216 : i32 to index
      %get3A_1218 = arith.constant 984 : index
      %get3A_1219 = tpu.vector_load %arg9[%get3A_1217, %get3A_1218] {strides = array<i32>} : memref<32x1000xf32, #tpu.memory_space<vmem>>, vector<16xf32>,
      %lt3A_1220 = arith.cmpf olt, %get3A_1219, %scan3A_1214#0 : vector<16xf32>
      %select_n3A_1221 = arith.select %lt3A_1220, %get3A_1219, %scan3A_1214#0 : vector<16xi1>, vector<16xf32>
      %select_n3A_1222 = arith.select %lt3A_1220, %add3A_239, %scan3A_1214#4 : vector<16xi1>, vector<16xi32>
      %add3A_1223 = arith.constant 0 : i32
      %add3A_1224 = vector.broadcast %add3A_1223 : i32 to vector<16xi32>
      %add3A_1225 = arith.addi %iota3A, %add3A_1224 : vector<16xi32>
      tpu.vector_store_idx %arg11[%add3A_1225], %select_n3A_1221 : memref<272xf32, #tpu.memory_space<vmem>>[vector<16xi32>], vector<16xf32>,
      %add3A_1226 = arith.constant 0 : i32
      %add3A_1227 = vector.broadcast %add3A_1226 : i32 to vector<16xi32>
      %add3A_1228 = arith.addi %iota3A, %add3A_1227 : vector<16xi32>
      tpu.vector_store_idx %arg12[%add3A_1228], %select_n3A_1222 : memref<272xi32, #tpu.memory_space<vmem>>[vector<16xi32>], vector<16xi32>,
      %get3A_1229 = arith.constant 1 : i32
      %get3A_1230 = arith.index_cast %get3A_1229 : i32 to index
      %get3A_1231 = arith.constant 984 : index
      %get3A_1232 = tpu.vector_load %arg9[%get3A_1230, %get3A_1231] {strides = array<i32>} : memref<32x1000xf32, #tpu.memory_space<vmem>>, vector<16xf32>,
      %lt3A_1233 = arith.cmpf olt, %get3A_1232, %scan3A_1214#1 : vector<16xf32>
      %select_n3A_1234 = arith.select %lt3A_1233, %get3A_1232, %scan3A_1214#1 : vector<16xi1>, vector<16xf32>
      %select_n3A_1235 = arith.select %lt3A_1233, %add3A_239, %scan3A_1214#5 : vector<16xi1>, vector<16xi32>
      %add3A_1236 = arith.constant 17 : i32
      %add3A_1237 = vector.broadcast %add3A_1236 : i32 to vector<16xi32>
      %add3A_1238 = arith.addi %iota3A, %add3A_1237 : vector<16xi32>
      tpu.vector_store_idx %arg11[%add3A_1238], %select_n3A_1234 : memref<272xf32, #tpu.memory_space<vmem>>[vector<16xi32>], vector<16xf32>,
      %add3A_1239 = arith.constant 17 : i32
      %add3A_1240 = vector.broadcast %add3A_1239 : i32 to vector<16xi32>
      %add3A_1241 = arith.addi %iota3A, %add3A_1240 : vector<16xi32>
      tpu.vector_store_idx %arg12[%add3A_1241], %select_n3A_1235 : memref<272xi32, #tpu.memory_space<vmem>>[vector<16xi32>], vector<16xi32>,
      %get3A_1242 = arith.constant 2 : i32
      %get3A_1243 = arith.index_cast %get3A_1242 : i32 to index
      %get3A_1244 = arith.constant 984 : index
      %get3A_1245 = tpu.vector_load %arg9[%get3A_1243, %get3A_1244] {strides = array<i32>} : memref<32x1000xf32, #tpu.memory_space<vmem>>, vector<16xf32>,
      %lt3A_1246 = arith.cmpf olt, %get3A_1245, %scan3A_1214#2 : vector<16xf32>
      %select_n3A_1247 = arith.select %lt3A_1246, %get3A_1245, %scan3A_1214#2 : vector<16xi1>, vector<16xf32>
      %select_n3A_1248 = arith.select %lt3A_1246, %add3A_239, %scan3A_1214#6 : vector<16xi1>, vector<16xi32>
      %add3A_1249 = arith.constant 34 : i32
      %add3A_1250 = vector.broadcast %add3A_1249 : i32 to vector<16xi32>
      %add3A_1251 = arith.addi %iota3A, %add3A_1250 : vector<16xi32>
      tpu.vector_store_idx %arg11[%add3A_1251], %select_n3A_1247 : memref<272xf32, #tpu.memory_space<vmem>>[vector<16xi32>], vector<16xf32>,
      %add3A_1252 = arith.constant 34 : i32
      %add3A_1253 = vector.broadcast %add3A_1252 : i32 to vector<16xi32>
      %add3A_1254 = arith.addi %iota3A, %add3A_1253 : vector<16xi32>
      tpu.vector_store_idx %arg12[%add3A_1254], %select_n3A_1248 : memref<272xi32, #tpu.memory_space<vmem>>[vector<16xi32>], vector<16xi32>,
      %get3A_1255 = arith.constant 3 : i32
      %get3A_1256 = arith.index_cast %get3A_1255 : i32 to index
      %get3A_1257 = arith.constant 984 : index
      %get3A_1258 = tpu.vector_load %arg9[%get3A_1256, %get3A_1257] {strides = array<i32>} : memref<32x1000xf32, #tpu.memory_space<vmem>>, vector<16xf32>,
      %lt3A_1259 = arith.cmpf olt, %get3A_1258, %scan3A_1214#3 : vector<16xf32>
      %select_n3A_1260 = arith.select %lt3A_1259, %get3A_1258, %scan3A_1214#3 : vector<16xi1>, vector<16xf32>
      %select_n3A_1261 = arith.select %lt3A_1259, %add3A_239, %scan3A_1214#7 : vector<16xi1>, vector<16xi32>
      %add3A_1262 = arith.constant 51 : i32
      %add3A_1263 = vector.broadcast %add3A_1262 : i32 to vector<16xi32>
      %add3A_1264 = arith.addi %iota3A, %add3A_1263 : vector<16xi32>
      tpu.vector_store_idx %arg11[%add3A_1264], %select_n3A_1260 : memref<272xf32, #tpu.memory_space<vmem>>[vector<16xi32>], vector<16xf32>,
      %add3A_1265 = arith.constant 51 : i32
      %add3A_1266 = vector.broadcast %add3A_1265 : i32 to vector<16xi32>
      %add3A_1267 = arith.addi %iota3A, %add3A_1266 : vector<16xi32>
      tpu.vector_store_idx %arg12[%add3A_1267], %select_n3A_1261 : memref<272xi32, #tpu.memory_space<vmem>>[vector<16xi32>], vector<16xi32>,
      %scan3A_1268 = arith.constant 0 : i32
      %scan3A_1269 = arith.constant 62 : i32
      %scan3A_1270 = arith.addi %scan3A_1268, %scan3A_1269 : i32
      %scan3A_1271 = arith.constant 2 : i32
      %scan3A_1272:9 = scf.for %scan3A_2151 = %scan3A_1268 to %scan3A_1270 step %scan3A_1271 iter_args(%scan3A_2152 = %broadcast_in_dim3A_236, %scan3A_2153 = %broadcast_in_dim3A_236, %scan3A_2154 = %broadcast_in_dim3A_236, %scan3A_2155 = %broadcast_in_dim3A_236, %scan3A_2156 = %iota3A, %scan3A_2157 = %iota3A, %scan3A_2158 = %iota3A, %scan3A_2159 = %iota3A, %scan3A_2160 = %iota3A) -> (vector<16xf32>, vector<16xf32>, vector<16xf32>, vector<16xf32>, vector<16xi32>, vector<16xi32>, vector<16xi32>, vector<16xi32>, vector<16xi32>)  : i32 {
        %mul3A_2161 = arith.constant 16 : i32
        %mul3A_2162 = arith.muli %scan3A_2151, %mul3A_2161 : i32
        %get3A_2163 = arith.constant 4 : i32
        %get3A_2164 = arith.index_cast %get3A_2163 : i32 to index
        %get3A_2165 = arith.index_cast %mul3A_2162 : i32 to index
        %get3A_2166 = tpu.vector_load %arg9[%get3A_2164, %get3A_2165] {strides = array<i32>} : memref<32x1000xf32, #tpu.memory_space<vmem>>, vector<16xf32>,
        %lt3A_2167 = arith.cmpf olt, %get3A_2166, %scan3A_2152 : vector<16xf32>
        %select_n3A_2168 = arith.select %lt3A_2167, %get3A_2166, %scan3A_2152 : vector<16xi1>, vector<16xf32>
        %select_n3A_2169 = arith.select %lt3A_2167, %scan3A_2160, %scan3A_2156 : vector<16xi1>, vector<16xi32>
        %get3A_2170 = arith.constant 5 : i32
        %get3A_2171 = arith.index_cast %get3A_2170 : i32 to index
        %get3A_2172 = arith.index_cast %mul3A_2162 : i32 to index
        %get3A_2173 = tpu.vector_load %arg9[%get3A_2171, %get3A_2172] {strides = array<i32>} : memref<32x1000xf32, #tpu.memory_space<vmem>>, vector<16xf32>,
        %lt3A_2174 = arith.cmpf olt, %get3A_2173, %scan3A_2153 : vector<16xf32>
        %select_n3A_2175 = arith.select %lt3A_2174, %get3A_2173, %scan3A_2153 : vector<16xi1>, vector<16xf32>
        %select_n3A_2176 = arith.select %lt3A_2174, %scan3A_2160, %scan3A_2157 : vector<16xi1>, vector<16xi32>
        %get3A_2177 = arith.constant 6 : i32
        %get3A_2178 = arith.index_cast %get3A_2177 : i32 to index
        %get3A_2179 = arith.index_cast %mul3A_2162 : i32 to index
        %get3A_2180 = tpu.vector_load %arg9[%get3A_2178, %get3A_2179] {strides = array<i32>} : memref<32x1000xf32, #tpu.memory_space<vmem>>, vector<16xf32>,
        %lt3A_2181 = arith.cmpf olt, %get3A_2180, %scan3A_2154 : vector<16xf32>
        %select_n3A_2182 = arith.select %lt3A_2181, %get3A_2180, %scan3A_2154 : vector<16xi1>, vector<16xf32>
        %select_n3A_2183 = arith.select %lt3A_2181, %scan3A_2160, %scan3A_2158 : vector<16xi1>, vector<16xi32>
        %get3A_2184 = arith.constant 7 : i32
        %get3A_2185 = arith.index_cast %get3A_2184 : i32 to index
        %get3A_2186 = arith.index_cast %mul3A_2162 : i32 to index
        %get3A_2187 = tpu.vector_load %arg9[%get3A_2185, %get3A_2186] {strides = array<i32>} : memref<32x1000xf32, #tpu.memory_space<vmem>>, vector<16xf32>,
        %lt3A_2188 = arith.cmpf olt, %get3A_2187, %scan3A_2155 : vector<16xf32>
        %select_n3A_2189 = arith.select %lt3A_2188, %get3A_2187, %scan3A_2155 : vector<16xi1>, vector<16xf32>
        %select_n3A_2190 = arith.select %lt3A_2188, %scan3A_2160, %scan3A_2159 : vector<16xi1>, vector<16xi32>
        %add3A_2191 = arith.constant 16 : i32
        %add3A_2192 = vector.broadcast %add3A_2191 : i32 to vector<16xi32>
        %add3A_2193 = arith.addi %scan3A_2160, %add3A_2192 : vector<16xi32>
        %scan3A_2194 = arith.constant 1 : i32
        %scan3A_2195 = arith.addi %scan3A_2151, %scan3A_2194 : i32
        %mul3A_2196 = arith.constant 16 : i32
        %mul3A_2197 = arith.muli %scan3A_2195, %mul3A_2196 : i32
        %get3A_2198 = arith.constant 4 : i32
        %get3A_2199 = arith.index_cast %get3A_2198 : i32 to index
        %get3A_2200 = arith.index_cast %mul3A_2197 : i32 to index
        %get3A_2201 = tpu.vector_load %arg9[%get3A_2199, %get3A_2200] {strides = array<i32>} : memref<32x1000xf32, #tpu.memory_space<vmem>>, vector<16xf32>,
        %lt3A_2202 = arith.cmpf olt, %get3A_2201, %select_n3A_2168 : vector<16xf32>
        %select_n3A_2203 = arith.select %lt3A_2202, %get3A_2201, %select_n3A_2168 : vector<16xi1>, vector<16xf32>
        %select_n3A_2204 = arith.select %lt3A_2202, %add3A_2193, %select_n3A_2169 : vector<16xi1>, vector<16xi32>
        %get3A_2205 = arith.constant 5 : i32
        %get3A_2206 = arith.index_cast %get3A_2205 : i32 to index
        %get3A_2207 = arith.index_cast %mul3A_2197 : i32 to index
        %get3A_2208 = tpu.vector_load %arg9[%get3A_2206, %get3A_2207] {strides = array<i32>} : memref<32x1000xf32, #tpu.memory_space<vmem>>, vector<16xf32>,
        %lt3A_2209 = arith.cmpf olt, %get3A_2208, %select_n3A_2175 : vector<16xf32>
        %select_n3A_2210 = arith.select %lt3A_2209, %get3A_2208, %select_n3A_2175 : vector<16xi1>, vector<16xf32>
        %select_n3A_2211 = arith.select %lt3A_2209, %add3A_2193, %select_n3A_2176 : vector<16xi1>, vector<16xi32>
        %get3A_2212 = arith.constant 6 : i32
        %get3A_2213 = arith.index_cast %get3A_2212 : i32 to index
        %get3A_2214 = arith.index_cast %mul3A_2197 : i32 to index
        %get3A_2215 = tpu.vector_load %arg9[%get3A_2213, %get3A_2214] {strides = array<i32>} : memref<32x1000xf32, #tpu.memory_space<vmem>>, vector<16xf32>,
        %lt3A_2216 = arith.cmpf olt, %get3A_2215, %select_n3A_2182 : vector<16xf32>
        %select_n3A_2217 = arith.select %lt3A_2216, %get3A_2215, %select_n3A_2182 : vector<16xi1>, vector<16xf32>
        %select_n3A_2218 = arith.select %lt3A_2216, %add3A_2193, %select_n3A_2183 : vector<16xi1>, vector<16xi32>
        %get3A_2219 = arith.constant 7 : i32
        %get3A_2220 = arith.index_cast %get3A_2219 : i32 to index
        %get3A_2221 = arith.index_cast %mul3A_2197 : i32 to index
        %get3A_2222 = tpu.vector_load %arg9[%get3A_2220, %get3A_2221] {strides = array<i32>} : memref<32x1000xf32, #tpu.memory_space<vmem>>, vector<16xf32>,
        %lt3A_2223 = arith.cmpf olt, %get3A_2222, %select_n3A_2189 : vector<16xf32>
        %select_n3A_2224 = arith.select %lt3A_2223, %get3A_2222, %select_n3A_2189 : vector<16xi1>, vector<16xf32>
        %select_n3A_2225 = arith.select %lt3A_2223, %add3A_2193, %select_n3A_2190 : vector<16xi1>, vector<16xi32>
        %add3A_2226 = arith.constant 16 : i32
        %add3A_2227 = vector.broadcast %add3A_2226 : i32 to vector<16xi32>
        %add3A_2228 = arith.addi %add3A_2193, %add3A_2227 : vector<16xi32>
        scf.yield %select_n3A_2203, %select_n3A_2210, %select_n3A_2217, %select_n3A_2224, %select_n3A_2204, %select_n3A_2211, %select_n3A_2218, %select_n3A_2225, %add3A_2228 : vector<16xf32>, vector<16xf32>, vector<16xf32>, vector<16xf32>, vector<16xi32>, vector<16xi32>, vector<16xi32>, vector<16xi32>, vector<16xi32>
      }
      %scan3A_1273 = arith.constant 62 : i32
      %get3A_1274 = arith.constant 4 : i32
      %get3A_1275 = arith.index_cast %get3A_1274 : i32 to index
      %get3A_1276 = arith.constant 984 : index
      %get3A_1277 = tpu.vector_load %arg9[%get3A_1275, %get3A_1276] {strides = array<i32>} : memref<32x1000xf32, #tpu.memory_space<vmem>>, vector<16xf32>,
      %lt3A_1278 = arith.cmpf olt, %get3A_1277, %scan3A_1272#0 : vector<16xf32>
      %select_n3A_1279 = arith.select %lt3A_1278, %get3A_1277, %scan3A_1272#0 : vector<16xi1>, vector<16xf32>
      %select_n3A_1280 = arith.select %lt3A_1278, %add3A_239, %scan3A_1272#4 : vector<16xi1>, vector<16xi32>
      %add3A_1281 = arith.constant 68 : i32
      %add3A_1282 = vector.broadcast %add3A_1281 : i32 to vector<16xi32>
      %add3A_1283 = arith.addi %iota3A, %add3A_1282 : vector<16xi32>
      tpu.vector_store_idx %arg11[%add3A_1283], %select_n3A_1279 : memref<272xf32, #tpu.memory_space<vmem>>[vector<16xi32>], vector<16xf32>,
      %add3A_1284 = arith.constant 68 : i32
      %add3A_1285 = vector.broadcast %add3A_1284 : i32 to vector<16xi32>
      %add3A_1286 = arith.addi %iota3A, %add3A_1285 : vector<16xi32>
      tpu.vector_store_idx %arg12[%add3A_1286], %select_n3A_1280 : memref<272xi32, #tpu.memory_space<vmem>>[vector<16xi32>], vector<16xi32>,
      %get3A_1287 = arith.constant 5 : i32
      %get3A_1288 = arith.index_cast %get3A_1287 : i32 to index
      %get3A_1289 = arith.constant 984 : index
      %get3A_1290 = tpu.vector_load %arg9[%get3A_1288, %get3A_1289] {strides = array<i32>} : memref<32x1000xf32, #tpu.memory_space<vmem>>, vector<16xf32>,
      %lt3A_1291 = arith.cmpf olt, %get3A_1290, %scan3A_1272#1 : vector<16xf32>
      %select_n3A_1292 = arith.select %lt3A_1291, %get3A_1290, %scan3A_1272#1 : vector<16xi1>, vector<16xf32>
      %select_n3A_1293 = arith.select %lt3A_1291, %add3A_239, %scan3A_1272#5 : vector<16xi1>, vector<16xi32>
      %add3A_1294 = arith.constant 85 : i32
      %add3A_1295 = vector.broadcast %add3A_1294 : i32 to vector<16xi32>
      %add3A_1296 = arith.addi %iota3A, %add3A_1295 : vector<16xi32>
      tpu.vector_store_idx %arg11[%add3A_1296], %select_n3A_1292 : memref<272xf32, #tpu.memory_space<vmem>>[vector<16xi32>], vector<16xf32>,
      %add3A_1297 = arith.constant 85 : i32
      %add3A_1298 = vector.broadcast %add3A_1297 : i32 to vector<16xi32>
      %add3A_1299 = arith.addi %iota3A, %add3A_1298 : vector<16xi32>
      tpu.vector_store_idx %arg12[%add3A_1299], %select_n3A_1293 : memref<272xi32, #tpu.memory_space<vmem>>[vector<16xi32>], vector<16xi32>,
      %get3A_1300 = arith.constant 6 : i32
      %get3A_1301 = arith.index_cast %get3A_1300 : i32 to index
      %get3A_1302 = arith.constant 984 : index
      %get3A_1303 = tpu.vector_load %arg9[%get3A_1301, %get3A_1302] {strides = array<i32>} : memref<32x1000xf32, #tpu.memory_space<vmem>>, vector<16xf32>,
      %lt3A_1304 = arith.cmpf olt, %get3A_1303, %scan3A_1272#2 : vector<16xf32>
      %select_n3A_1305 = arith.select %lt3A_1304, %get3A_1303, %scan3A_1272#2 : vector<16xi1>, vector<16xf32>
      %select_n3A_1306 = arith.select %lt3A_1304, %add3A_239, %scan3A_1272#6 : vector<16xi1>, vector<16xi32>
      %add3A_1307 = arith.constant 102 : i32
      %add3A_1308 = vector.broadcast %add3A_1307 : i32 to vector<16xi32>
      %add3A_1309 = arith.addi %iota3A, %add3A_1308 : vector<16xi32>
      tpu.vector_store_idx %arg11[%add3A_1309], %select_n3A_1305 : memref<272xf32, #tpu.memory_space<vmem>>[vector<16xi32>], vector<16xf32>,
      %add3A_1310 = arith.constant 102 : i32
      %add3A_1311 = vector.broadcast %add3A_1310 : i32 to vector<16xi32>
      %add3A_1312 = arith.addi %iota3A, %add3A_1311 : vector<16xi32>
      tpu.vector_store_idx %arg12[%add3A_1312], %select_n3A_1306 : memref<272xi32, #tpu.memory_space<vmem>>[vector<16xi32>], vector<16xi32>,
      %get3A_1313 = arith.constant 7 : i32
      %get3A_1314 = arith.index_cast %get3A_1313 : i32 to index
      %get3A_1315 = arith.constant 984 : index
      %get3A_1316 = tpu.vector_load %arg9[%get3A_1314, %get3A_1315] {strides = array<i32>} : memref<32x1000xf32, #tpu.memory_space<vmem>>, vector<16xf32>,
      %lt3A_1317 = arith.cmpf olt, %get3A_1316, %scan3A_1272#3 : vector<16xf32>
      %select_n3A_1318 = arith.select %lt3A_1317, %get3A_1316, %scan3A_1272#3 : vector<16xi1>, vector<16xf32>
      %select_n3A_1319 = arith.select %lt3A_1317, %add3A_239, %scan3A_1272#7 : vector<16xi1>, vector<16xi32>
      %add3A_1320 = arith.constant 119 : i32
      %add3A_1321 = vector.broadcast %add3A_1320 : i32 to vector<16xi32>
      %add3A_1322 = arith.addi %iota3A, %add3A_1321 : vector<16xi32>
      tpu.vector_store_idx %arg11[%add3A_1322], %select_n3A_1318 : memref<272xf32, #tpu.memory_space<vmem>>[vector<16xi32>], vector<16xf32>,
      %add3A_1323 = arith.constant 119 : i32
      %add3A_1324 = vector.broadcast %add3A_1323 : i32 to vector<16xi32>
      %add3A_1325 = arith.addi %iota3A, %add3A_1324 : vector<16xi32>
      tpu.vector_store_idx %arg12[%add3A_1325], %select_n3A_1319 : memref<272xi32, #tpu.memory_space<vmem>>[vector<16xi32>], vector<16xi32>,
      %scan3A_1326 = arith.constant 0 : i32
      %scan3A_1327 = arith.constant 62 : i32
      %scan3A_1328 = arith.addi %scan3A_1326, %scan3A_1327 : i32
      %scan3A_1329 = arith.constant 2 : i32
      %scan3A_1330:9 = scf.for %scan3A_2151 = %scan3A_1326 to %scan3A_1328 step %scan3A_1329 iter_args(%scan3A_2152 = %broadcast_in_dim3A_236, %scan3A_2153 = %broadcast_in_dim3A_236, %scan3A_2154 = %broadcast_in_dim3A_236, %scan3A_2155 = %broadcast_in_dim3A_236, %scan3A_2156 = %iota3A, %scan3A_2157 = %iota3A, %scan3A_2158 = %iota3A, %scan3A_2159 = %iota3A, %scan3A_2160 = %iota3A) -> (vector<16xf32>, vector<16xf32>, vector<16xf32>, vector<16xf32>, vector<16xi32>, vector<16xi32>, vector<16xi32>, vector<16xi32>, vector<16xi32>)  : i32 {
        %mul3A_2161 = arith.constant 16 : i32
        %mul3A_2162 = arith.muli %scan3A_2151, %mul3A_2161 : i32
        %get3A_2163 = arith.constant 8 : i32
        %get3A_2164 = arith.index_cast %get3A_2163 : i32 to index
        %get3A_2165 = arith.index_cast %mul3A_2162 : i32 to index
        %get3A_2166 = tpu.vector_load %arg9[%get3A_2164, %get3A_2165] {strides = array<i32>} : memref<32x1000xf32, #tpu.memory_space<vmem>>, vector<16xf32>,
        %lt3A_2167 = arith.cmpf olt, %get3A_2166, %scan3A_2152 : vector<16xf32>
        %select_n3A_2168 = arith.select %lt3A_2167, %get3A_2166, %scan3A_2152 : vector<16xi1>, vector<16xf32>
        %select_n3A_2169 = arith.select %lt3A_2167, %scan3A_2160, %scan3A_2156 : vector<16xi1>, vector<16xi32>
        %get3A_2170 = arith.constant 9 : i32
        %get3A_2171 = arith.index_cast %get3A_2170 : i32 to index
        %get3A_2172 = arith.index_cast %mul3A_2162 : i32 to index
        %get3A_2173 = tpu.vector_load %arg9[%get3A_2171, %get3A_2172] {strides = array<i32>} : memref<32x1000xf32, #tpu.memory_space<vmem>>, vector<16xf32>,
        %lt3A_2174 = arith.cmpf olt, %get3A_2173, %scan3A_2153 : vector<16xf32>
        %select_n3A_2175 = arith.select %lt3A_2174, %get3A_2173, %scan3A_2153 : vector<16xi1>, vector<16xf32>
        %select_n3A_2176 = arith.select %lt3A_2174, %scan3A_2160, %scan3A_2157 : vector<16xi1>, vector<16xi32>
        %get3A_2177 = arith.constant 10 : i32
        %get3A_2178 = arith.index_cast %get3A_2177 : i32 to index
        %get3A_2179 = arith.index_cast %mul3A_2162 : i32 to index
        %get3A_2180 = tpu.vector_load %arg9[%get3A_2178, %get3A_2179] {strides = array<i32>} : memref<32x1000xf32, #tpu.memory_space<vmem>>, vector<16xf32>,
        %lt3A_2181 = arith.cmpf olt, %get3A_2180, %scan3A_2154 : vector<16xf32>
        %select_n3A_2182 = arith.select %lt3A_2181, %get3A_2180, %scan3A_2154 : vector<16xi1>, vector<16xf32>
        %select_n3A_2183 = arith.select %lt3A_2181, %scan3A_2160, %scan3A_2158 : vector<16xi1>, vector<16xi32>
        %get3A_2184 = arith.constant 11 : i32
        %get3A_2185 = arith.index_cast %get3A_2184 : i32 to index
        %get3A_2186 = arith.index_cast %mul3A_2162 : i32 to index
        %get3A_2187 = tpu.vector_load %arg9[%get3A_2185, %get3A_2186] {strides = array<i32>} : memref<32x1000xf32, #tpu.memory_space<vmem>>, vector<16xf32>,
        %lt3A_2188 = arith.cmpf olt, %get3A_2187, %scan3A_2155 : vector<16xf32>
        %select_n3A_2189 = arith.select %lt3A_2188, %get3A_2187, %scan3A_2155 : vector<16xi1>, vector<16xf32>
        %select_n3A_2190 = arith.select %lt3A_2188, %scan3A_2160, %scan3A_2159 : vector<16xi1>, vector<16xi32>
        %add3A_2191 = arith.constant 16 : i32
        %add3A_2192 = vector.broadcast %add3A_2191 : i32 to vector<16xi32>
        %add3A_2193 = arith.addi %scan3A_2160, %add3A_2192 : vector<16xi32>
        %scan3A_2194 = arith.constant 1 : i32
        %scan3A_2195 = arith.addi %scan3A_2151, %scan3A_2194 : i32
        %mul3A_2196 = arith.constant 16 : i32
        %mul3A_2197 = arith.muli %scan3A_2195, %mul3A_2196 : i32
        %get3A_2198 = arith.constant 8 : i32
        %get3A_2199 = arith.index_cast %get3A_2198 : i32 to index
        %get3A_2200 = arith.index_cast %mul3A_2197 : i32 to index
        %get3A_2201 = tpu.vector_load %arg9[%get3A_2199, %get3A_2200] {strides = array<i32>} : memref<32x1000xf32, #tpu.memory_space<vmem>>, vector<16xf32>,
        %lt3A_2202 = arith.cmpf olt, %get3A_2201, %select_n3A_2168 : vector<16xf32>
        %select_n3A_2203 = arith.select %lt3A_2202, %get3A_2201, %select_n3A_2168 : vector<16xi1>, vector<16xf32>
        %select_n3A_2204 = arith.select %lt3A_2202, %add3A_2193, %select_n3A_2169 : vector<16xi1>, vector<16xi32>
        %get3A_2205 = arith.constant 9 : i32
        %get3A_2206 = arith.index_cast %get3A_2205 : i32 to index
        %get3A_2207 = arith.index_cast %mul3A_2197 : i32 to index
        %get3A_2208 = tpu.vector_load %arg9[%get3A_2206, %get3A_2207] {strides = array<i32>} : memref<32x1000xf32, #tpu.memory_space<vmem>>, vector<16xf32>,
        %lt3A_2209 = arith.cmpf olt, %get3A_2208, %select_n3A_2175 : vector<16xf32>
        %select_n3A_2210 = arith.select %lt3A_2209, %get3A_2208, %select_n3A_2175 : vector<16xi1>, vector<16xf32>
        %select_n3A_2211 = arith.select %lt3A_2209, %add3A_2193, %select_n3A_2176 : vector<16xi1>, vector<16xi32>
        %get3A_2212 = arith.constant 10 : i32
        %get3A_2213 = arith.index_cast %get3A_2212 : i32 to index
        %get3A_2214 = arith.index_cast %mul3A_2197 : i32 to index
        %get3A_2215 = tpu.vector_load %arg9[%get3A_2213, %get3A_2214] {strides = array<i32>} : memref<32x1000xf32, #tpu.memory_space<vmem>>, vector<16xf32>,
        %lt3A_2216 = arith.cmpf olt, %get3A_2215, %select_n3A_2182 : vector<16xf32>
        %select_n3A_2217 = arith.select %lt3A_2216, %get3A_2215, %select_n3A_2182 : vector<16xi1>, vector<16xf32>
        %select_n3A_2218 = arith.select %lt3A_2216, %add3A_2193, %select_n3A_2183 : vector<16xi1>, vector<16xi32>
        %get3A_2219 = arith.constant 11 : i32
        %get3A_2220 = arith.index_cast %get3A_2219 : i32 to index
        %get3A_2221 = arith.index_cast %mul3A_2197 : i32 to index
        %get3A_2222 = tpu.vector_load %arg9[%get3A_2220, %get3A_2221] {strides = array<i32>} : memref<32x1000xf32, #tpu.memory_space<vmem>>, vector<16xf32>,
        %lt3A_2223 = arith.cmpf olt, %get3A_2222, %select_n3A_2189 : vector<16xf32>
        %select_n3A_2224 = arith.select %lt3A_2223, %get3A_2222, %select_n3A_2189 : vector<16xi1>, vector<16xf32>
        %select_n3A_2225 = arith.select %lt3A_2223, %add3A_2193, %select_n3A_2190 : vector<16xi1>, vector<16xi32>
        %add3A_2226 = arith.constant 16 : i32
        %add3A_2227 = vector.broadcast %add3A_2226 : i32 to vector<16xi32>
        %add3A_2228 = arith.addi %add3A_2193, %add3A_2227 : vector<16xi32>
        scf.yield %select_n3A_2203, %select_n3A_2210, %select_n3A_2217, %select_n3A_2224, %select_n3A_2204, %select_n3A_2211, %select_n3A_2218, %select_n3A_2225, %add3A_2228 : vector<16xf32>, vector<16xf32>, vector<16xf32>, vector<16xf32>, vector<16xi32>, vector<16xi32>, vector<16xi32>, vector<16xi32>, vector<16xi32>
      }
      %scan3A_1331 = arith.constant 62 : i32
      %get3A_1332 = arith.constant 8 : i32
      %get3A_1333 = arith.index_cast %get3A_1332 : i32 to index
      %get3A_1334 = arith.constant 984 : index
      %get3A_1335 = tpu.vector_load %arg9[%get3A_1333, %get3A_1334] {strides = array<i32>} : memref<32x1000xf32, #tpu.memory_space<vmem>>, vector<16xf32>,
      %lt3A_1336 = arith.cmpf olt, %get3A_1335, %scan3A_1330#0 : vector<16xf32>
      %select_n3A_1337 = arith.select %lt3A_1336, %get3A_1335, %scan3A_1330#0 : vector<16xi1>, vector<16xf32>
      %select_n3A_1338 = arith.select %lt3A_1336, %add3A_239, %scan3A_1330#4 : vector<16xi1>, vector<16xi32>
      %add3A_1339 = arith.constant 136 : i32
      %add3A_1340 = vector.broadcast %add3A_1339 : i32 to vector<16xi32>
      %add3A_1341 = arith.addi %iota3A, %add3A_1340 : vector<16xi32>
      tpu.vector_store_idx %arg11[%add3A_1341], %select_n3A_1337 : memref<272xf32, #tpu.memory_space<vmem>>[vector<16xi32>], vector<16xf32>,
      %add3A_1342 = arith.constant 136 : i32
      %add3A_1343 = vector.broadcast %add3A_1342 : i32 to vector<16xi32>
      %add3A_1344 = arith.addi %iota3A, %add3A_1343 : vector<16xi32>
      tpu.vector_store_idx %arg12[%add3A_1344], %select_n3A_1338 : memref<272xi32, #tpu.memory_space<vmem>>[vector<16xi32>], vector<16xi32>,
      %get3A_1345 = arith.constant 9 : i32
      %get3A_1346 = arith.index_cast %get3A_1345 : i32 to index
      %get3A_1347 = arith.constant 984 : index
      %get3A_1348 = tpu.vector_load %arg9[%get3A_1346, %get3A_1347] {strides = array<i32>} : memref<32x1000xf32, #tpu.memory_space<vmem>>, vector<16xf32>,
      %lt3A_1349 = arith.cmpf olt, %get3A_1348, %scan3A_1330#1 : vector<16xf32>
      %select_n3A_1350 = arith.select %lt3A_1349, %get3A_1348, %scan3A_1330#1 : vector<16xi1>, vector<16xf32>
      %select_n3A_1351 = arith.select %lt3A_1349, %add3A_239, %scan3A_1330#5 : vector<16xi1>, vector<16xi32>
      %add3A_1352 = arith.constant 153 : i32
      %add3A_1353 = vector.broadcast %add3A_1352 : i32 to vector<16xi32>
      %add3A_1354 = arith.addi %iota3A, %add3A_1353 : vector<16xi32>
      tpu.vector_store_idx %arg11[%add3A_1354], %select_n3A_1350 : memref<272xf32, #tpu.memory_space<vmem>>[vector<16xi32>], vector<16xf32>,
      %add3A_1355 = arith.constant 153 : i32
      %add3A_1356 = vector.broadcast %add3A_1355 : i32 to vector<16xi32>
      %add3A_1357 = arith.addi %iota3A, %add3A_1356 : vector<16xi32>
      tpu.vector_store_idx %arg12[%add3A_1357], %select_n3A_1351 : memref<272xi32, #tpu.memory_space<vmem>>[vector<16xi32>], vector<16xi32>,
      %get3A_1358 = arith.constant 10 : i32
      %get3A_1359 = arith.index_cast %get3A_1358 : i32 to index
      %get3A_1360 = arith.constant 984 : index
      %get3A_1361 = tpu.vector_load %arg9[%get3A_1359, %get3A_1360] {strides = array<i32>} : memref<32x1000xf32, #tpu.memory_space<vmem>>, vector<16xf32>,
      %lt3A_1362 = arith.cmpf olt, %get3A_1361, %scan3A_1330#2 : vector<16xf32>
      %select_n3A_1363 = arith.select %lt3A_1362, %get3A_1361, %scan3A_1330#2 : vector<16xi1>, vector<16xf32>
      %select_n3A_1364 = arith.select %lt3A_1362, %add3A_239, %scan3A_1330#6 : vector<16xi1>, vector<16xi32>
      %add3A_1365 = arith.constant 170 : i32
      %add3A_1366 = vector.broadcast %add3A_1365 : i32 to vector<16xi32>
      %add3A_1367 = arith.addi %iota3A, %add3A_1366 : vector<16xi32>
      tpu.vector_store_idx %arg11[%add3A_1367], %select_n3A_1363 : memref<272xf32, #tpu.memory_space<vmem>>[vector<16xi32>], vector<16xf32>,
      %add3A_1368 = arith.constant 170 : i32
      %add3A_1369 = vector.broadcast %add3A_1368 : i32 to vector<16xi32>
      %add3A_1370 = arith.addi %iota3A, %add3A_1369 : vector<16xi32>
      tpu.vector_store_idx %arg12[%add3A_1370], %select_n3A_1364 : memref<272xi32, #tpu.memory_space<vmem>>[vector<16xi32>], vector<16xi32>,
      %get3A_1371 = arith.constant 11 : i32
      %get3A_1372 = arith.index_cast %get3A_1371 : i32 to index
      %get3A_1373 = arith.constant 984 : index
      %get3A_1374 = tpu.vector_load %arg9[%get3A_1372, %get3A_1373] {strides = array<i32>} : memref<32x1000xf32, #tpu.memory_space<vmem>>, vector<16xf32>,
      %lt3A_1375 = arith.cmpf olt, %get3A_1374, %scan3A_1330#3 : vector<16xf32>
      %select_n3A_1376 = arith.select %lt3A_1375, %get3A_1374, %scan3A_1330#3 : vector<16xi1>, vector<16xf32>
      %select_n3A_1377 = arith.select %lt3A_1375, %add3A_239, %scan3A_1330#7 : vector<16xi1>, vector<16xi32>
      %add3A_1378 = arith.constant 187 : i32
      %add3A_1379 = vector.broadcast %add3A_1378 : i32 to vector<16xi32>
      %add3A_1380 = arith.addi %iota3A, %add3A_1379 : vector<16xi32>
      tpu.vector_store_idx %arg11[%add3A_1380], %select_n3A_1376 : memref<272xf32, #tpu.memory_space<vmem>>[vector<16xi32>], vector<16xf32>,
      %add3A_1381 = arith.constant 187 : i32
      %add3A_1382 = vector.broadcast %add3A_1381 : i32 to vector<16xi32>
      %add3A_1383 = arith.addi %iota3A, %add3A_1382 : vector<16xi32>
      tpu.vector_store_idx %arg12[%add3A_1383], %select_n3A_1377 : memref<272xi32, #tpu.memory_space<vmem>>[vector<16xi32>], vector<16xi32>,
      %scan3A_1384 = arith.constant 0 : i32
      %scan3A_1385 = arith.constant 62 : i32
      %scan3A_1386 = arith.addi %scan3A_1384, %scan3A_1385 : i32
      %scan3A_1387 = arith.constant 2 : i32
      %scan3A_1388:9 = scf.for %scan3A_2151 = %scan3A_1384 to %scan3A_1386 step %scan3A_1387 iter_args(%scan3A_2152 = %broadcast_in_dim3A_236, %scan3A_2153 = %broadcast_in_dim3A_236, %scan3A_2154 = %broadcast_in_dim3A_236, %scan3A_2155 = %broadcast_in_dim3A_236, %scan3A_2156 = %iota3A, %scan3A_2157 = %iota3A, %scan3A_2158 = %iota3A, %scan3A_2159 = %iota3A, %scan3A_2160 = %iota3A) -> (vector<16xf32>, vector<16xf32>, vector<16xf32>, vector<16xf32>, vector<16xi32>, vector<16xi32>, vector<16xi32>, vector<16xi32>, vector<16xi32>)  : i32 {
        %mul3A_2161 = arith.constant 16 : i32
        %mul3A_2162 = arith.muli %scan3A_2151, %mul3A_2161 : i32
        %get3A_2163 = arith.constant 12 : i32
        %get3A_2164 = arith.index_cast %get3A_2163 : i32 to index
        %get3A_2165 = arith.index_cast %mul3A_2162 : i32 to index
        %get3A_2166 = tpu.vector_load %arg9[%get3A_2164, %get3A_2165] {strides = array<i32>} : memref<32x1000xf32, #tpu.memory_space<vmem>>, vector<16xf32>,
        %lt3A_2167 = arith.cmpf olt, %get3A_2166, %scan3A_2152 : vector<16xf32>
        %select_n3A_2168 = arith.select %lt3A_2167, %get3A_2166, %scan3A_2152 : vector<16xi1>, vector<16xf32>
        %select_n3A_2169 = arith.select %lt3A_2167, %scan3A_2160, %scan3A_2156 : vector<16xi1>, vector<16xi32>
        %get3A_2170 = arith.constant 13 : i32
        %get3A_2171 = arith.index_cast %get3A_2170 : i32 to index
        %get3A_2172 = arith.index_cast %mul3A_2162 : i32 to index
        %get3A_2173 = tpu.vector_load %arg9[%get3A_2171, %get3A_2172] {strides = array<i32>} : memref<32x1000xf32, #tpu.memory_space<vmem>>, vector<16xf32>,
        %lt3A_2174 = arith.cmpf olt, %get3A_2173, %scan3A_2153 : vector<16xf32>
        %select_n3A_2175 = arith.select %lt3A_2174, %get3A_2173, %scan3A_2153 : vector<16xi1>, vector<16xf32>
        %select_n3A_2176 = arith.select %lt3A_2174, %scan3A_2160, %scan3A_2157 : vector<16xi1>, vector<16xi32>
        %get3A_2177 = arith.constant 14 : i32
        %get3A_2178 = arith.index_cast %get3A_2177 : i32 to index
        %get3A_2179 = arith.index_cast %mul3A_2162 : i32 to index
        %get3A_2180 = tpu.vector_load %arg9[%get3A_2178, %get3A_2179] {strides = array<i32>} : memref<32x1000xf32, #tpu.memory_space<vmem>>, vector<16xf32>,
        %lt3A_2181 = arith.cmpf olt, %get3A_2180, %scan3A_2154 : vector<16xf32>
        %select_n3A_2182 = arith.select %lt3A_2181, %get3A_2180, %scan3A_2154 : vector<16xi1>, vector<16xf32>
        %select_n3A_2183 = arith.select %lt3A_2181, %scan3A_2160, %scan3A_2158 : vector<16xi1>, vector<16xi32>
        %get3A_2184 = arith.constant 15 : i32
        %get3A_2185 = arith.index_cast %get3A_2184 : i32 to index
        %get3A_2186 = arith.index_cast %mul3A_2162 : i32 to index
        %get3A_2187 = tpu.vector_load %arg9[%get3A_2185, %get3A_2186] {strides = array<i32>} : memref<32x1000xf32, #tpu.memory_space<vmem>>, vector<16xf32>,
        %lt3A_2188 = arith.cmpf olt, %get3A_2187, %scan3A_2155 : vector<16xf32>
        %select_n3A_2189 = arith.select %lt3A_2188, %get3A_2187, %scan3A_2155 : vector<16xi1>, vector<16xf32>
        %select_n3A_2190 = arith.select %lt3A_2188, %scan3A_2160, %scan3A_2159 : vector<16xi1>, vector<16xi32>
        %add3A_2191 = arith.constant 16 : i32
        %add3A_2192 = vector.broadcast %add3A_2191 : i32 to vector<16xi32>
        %add3A_2193 = arith.addi %scan3A_2160, %add3A_2192 : vector<16xi32>
        %scan3A_2194 = arith.constant 1 : i32
        %scan3A_2195 = arith.addi %scan3A_2151, %scan3A_2194 : i32
        %mul3A_2196 = arith.constant 16 : i32
        %mul3A_2197 = arith.muli %scan3A_2195, %mul3A_2196 : i32
        %get3A_2198 = arith.constant 12 : i32
        %get3A_2199 = arith.index_cast %get3A_2198 : i32 to index
        %get3A_2200 = arith.index_cast %mul3A_2197 : i32 to index
        %get3A_2201 = tpu.vector_load %arg9[%get3A_2199, %get3A_2200] {strides = array<i32>} : memref<32x1000xf32, #tpu.memory_space<vmem>>, vector<16xf32>,
        %lt3A_2202 = arith.cmpf olt, %get3A_2201, %select_n3A_2168 : vector<16xf32>
        %select_n3A_2203 = arith.select %lt3A_2202, %get3A_2201, %select_n3A_2168 : vector<16xi1>, vector<16xf32>
        %select_n3A_2204 = arith.select %lt3A_2202, %add3A_2193, %select_n3A_2169 : vector<16xi1>, vector<16xi32>
        %get3A_2205 = arith.constant 13 : i32
        %get3A_2206 = arith.index_cast %get3A_2205 : i32 to index
        %get3A_2207 = arith.index_cast %mul3A_2197 : i32 to index
        %get3A_2208 = tpu.vector_load %arg9[%get3A_2206, %get3A_2207] {strides = array<i32>} : memref<32x1000xf32, #tpu.memory_space<vmem>>, vector<16xf32>,
        %lt3A_2209 = arith.cmpf olt, %get3A_2208, %select_n3A_2175 : vector<16xf32>
        %select_n3A_2210 = arith.select %lt3A_2209, %get3A_2208, %select_n3A_2175 : vector<16xi1>, vector<16xf32>
        %select_n3A_2211 = arith.select %lt3A_2209, %add3A_2193, %select_n3A_2176 : vector<16xi1>, vector<16xi32>
        %get3A_2212 = arith.constant 14 : i32
        %get3A_2213 = arith.index_cast %get3A_2212 : i32 to index
        %get3A_2214 = arith.index_cast %mul3A_2197 : i32 to index
        %get3A_2215 = tpu.vector_load %arg9[%get3A_2213, %get3A_2214] {strides = array<i32>} : memref<32x1000xf32, #tpu.memory_space<vmem>>, vector<16xf32>,
        %lt3A_2216 = arith.cmpf olt, %get3A_2215, %select_n3A_2182 : vector<16xf32>
        %select_n3A_2217 = arith.select %lt3A_2216, %get3A_2215, %select_n3A_2182 : vector<16xi1>, vector<16xf32>
        %select_n3A_2218 = arith.select %lt3A_2216, %add3A_2193, %select_n3A_2183 : vector<16xi1>, vector<16xi32>
        %get3A_2219 = arith.constant 15 : i32
        %get3A_2220 = arith.index_cast %get3A_2219 : i32 to index
        %get3A_2221 = arith.index_cast %mul3A_2197 : i32 to index
        %get3A_2222 = tpu.vector_load %arg9[%get3A_2220, %get3A_2221] {strides = array<i32>} : memref<32x1000xf32, #tpu.memory_space<vmem>>, vector<16xf32>,
        %lt3A_2223 = arith.cmpf olt, %get3A_2222, %select_n3A_2189 : vector<16xf32>
        %select_n3A_2224 = arith.select %lt3A_2223, %get3A_2222, %select_n3A_2189 : vector<16xi1>, vector<16xf32>
        %select_n3A_2225 = arith.select %lt3A_2223, %add3A_2193, %select_n3A_2190 : vector<16xi1>, vector<16xi32>
        %add3A_2226 = arith.constant 16 : i32
        %add3A_2227 = vector.broadcast %add3A_2226 : i32 to vector<16xi32>
        %add3A_2228 = arith.addi %add3A_2193, %add3A_2227 : vector<16xi32>
        scf.yield %select_n3A_2203, %select_n3A_2210, %select_n3A_2217, %select_n3A_2224, %select_n3A_2204, %select_n3A_2211, %select_n3A_2218, %select_n3A_2225, %add3A_2228 : vector<16xf32>, vector<16xf32>, vector<16xf32>, vector<16xf32>, vector<16xi32>, vector<16xi32>, vector<16xi32>, vector<16xi32>, vector<16xi32>
      }
      %scan3A_1389 = arith.constant 62 : i32
      %get3A_1390 = arith.constant 12 : i32
      %get3A_1391 = arith.index_cast %get3A_1390 : i32 to index
      %get3A_1392 = arith.constant 984 : index
      %get3A_1393 = tpu.vector_load %arg9[%get3A_1391, %get3A_1392] {strides = array<i32>} : memref<32x1000xf32, #tpu.memory_space<vmem>>, vector<16xf32>,
      %lt3A_1394 = arith.cmpf olt, %get3A_1393, %scan3A_1388#0 : vector<16xf32>
      %select_n3A_1395 = arith.select %lt3A_1394, %get3A_1393, %scan3A_1388#0 : vector<16xi1>, vector<16xf32>
      %select_n3A_1396 = arith.select %lt3A_1394, %add3A_239, %scan3A_1388#4 : vector<16xi1>, vector<16xi32>
      %add3A_1397 = arith.constant 204 : i32
      %add3A_1398 = vector.broadcast %add3A_1397 : i32 to vector<16xi32>
      %add3A_1399 = arith.addi %iota3A, %add3A_1398 : vector<16xi32>
      tpu.vector_store_idx %arg11[%add3A_1399], %select_n3A_1395 : memref<272xf32, #tpu.memory_space<vmem>>[vector<16xi32>], vector<16xf32>,
      %add3A_1400 = arith.constant 204 : i32
      %add3A_1401 = vector.broadcast %add3A_1400 : i32 to vector<16xi32>
      %add3A_1402 = arith.addi %iota3A, %add3A_1401 : vector<16xi32>
      tpu.vector_store_idx %arg12[%add3A_1402], %select_n3A_1396 : memref<272xi32, #tpu.memory_space<vmem>>[vector<16xi32>], vector<16xi32>,
      %get3A_1403 = arith.constant 13 : i32
      %get3A_1404 = arith.index_cast %get3A_1403 : i32 to index
      %get3A_1405 = arith.constant 984 : index
      %get3A_1406 = tpu.vector_load %arg9[%get3A_1404, %get3A_1405] {strides = array<i32>} : memref<32x1000xf32, #tpu.memory_space<vmem>>, vector<16xf32>,
      %lt3A_1407 = arith.cmpf olt, %get3A_1406, %scan3A_1388#1 : vector<16xf32>
      %select_n3A_1408 = arith.select %lt3A_1407, %get3A_1406, %scan3A_1388#1 : vector<16xi1>, vector<16xf32>
      %select_n3A_1409 = arith.select %lt3A_1407, %add3A_239, %scan3A_1388#5 : vector<16xi1>, vector<16xi32>
      %add3A_1410 = arith.constant 221 : i32
      %add3A_1411 = vector.broadcast %add3A_1410 : i32 to vector<16xi32>
      %add3A_1412 = arith.addi %iota3A, %add3A_1411 : vector<16xi32>
      tpu.vector_store_idx %arg11[%add3A_1412], %select_n3A_1408 : memref<272xf32, #tpu.memory_space<vmem>>[vector<16xi32>], vector<16xf32>,
      %add3A_1413 = arith.constant 221 : i32
      %add3A_1414 = vector.broadcast %add3A_1413 : i32 to vector<16xi32>
      %add3A_1415 = arith.addi %iota3A, %add3A_1414 : vector<16xi32>
      tpu.vector_store_idx %arg12[%add3A_1415], %select_n3A_1409 : memref<272xi32, #tpu.memory_space<vmem>>[vector<16xi32>], vector<16xi32>,
      %get3A_1416 = arith.constant 14 : i32
      %get3A_1417 = arith.index_cast %get3A_1416 : i32 to index
      %get3A_1418 = arith.constant 984 : index
      %get3A_1419 = tpu.vector_load %arg9[%get3A_1417, %get3A_1418] {strides = array<i32>} : memref<32x1000xf32, #tpu.memory_space<vmem>>, vector<16xf32>,
      %lt3A_1420 = arith.cmpf olt, %get3A_1419, %scan3A_1388#2 : vector<16xf32>
      %select_n3A_1421 = arith.select %lt3A_1420, %get3A_1419, %scan3A_1388#2 : vector<16xi1>, vector<16xf32>
      %select_n3A_1422 = arith.select %lt3A_1420, %add3A_239, %scan3A_1388#6 : vector<16xi1>, vector<16xi32>
      %add3A_1423 = arith.constant 238 : i32
      %add3A_1424 = vector.broadcast %add3A_1423 : i32 to vector<16xi32>
      %add3A_1425 = arith.addi %iota3A, %add3A_1424 : vector<16xi32>
      tpu.vector_store_idx %arg11[%add3A_1425], %select_n3A_1421 : memref<272xf32, #tpu.memory_space<vmem>>[vector<16xi32>], vector<16xf32>,
      %add3A_1426 = arith.constant 238 : i32
      %add3A_1427 = vector.broadcast %add3A_1426 : i32 to vector<16xi32>
      %add3A_1428 = arith.addi %iota3A, %add3A_1427 : vector<16xi32>
      tpu.vector_store_idx %arg12[%add3A_1428], %select_n3A_1422 : memref<272xi32, #tpu.memory_space<vmem>>[vector<16xi32>], vector<16xi32>,
      %get3A_1429 = arith.constant 15 : i32
      %get3A_1430 = arith.index_cast %get3A_1429 : i32 to index
      %get3A_1431 = arith.constant 984 : index
      %get3A_1432 = tpu.vector_load %arg9[%get3A_1430, %get3A_1431] {strides = array<i32>} : memref<32x1000xf32, #tpu.memory_space<vmem>>, vector<16xf32>,
      %lt3A_1433 = arith.cmpf olt, %get3A_1432, %scan3A_1388#3 : vector<16xf32>
      %select_n3A_1434 = arith.select %lt3A_1433, %get3A_1432, %scan3A_1388#3 : vector<16xi1>, vector<16xf32>
      %select_n3A_1435 = arith.select %lt3A_1433, %add3A_239, %scan3A_1388#7 : vector<16xi1>, vector<16xi32>
      %add3A_1436 = arith.constant 255 : i32
      %add3A_1437 = vector.broadcast %add3A_1436 : i32 to vector<16xi32>
      %add3A_1438 = arith.addi %iota3A, %add3A_1437 : vector<16xi32>
      tpu.vector_store_idx %arg11[%add3A_1438], %select_n3A_1434 : memref<272xf32, #tpu.memory_space<vmem>>[vector<16xi32>], vector<16xf32>,
      %add3A_1439 = arith.constant 255 : i32
      %add3A_1440 = vector.broadcast %add3A_1439 : i32 to vector<16xi32>
      %add3A_1441 = arith.addi %iota3A, %add3A_1440 : vector<16xi32>
      tpu.vector_store_idx %arg12[%add3A_1441], %select_n3A_1435 : memref<272xi32, #tpu.memory_space<vmem>>[vector<16xi32>], vector<16xi32>,
      %gather3A_1442 = tpu.vector_load_idx %arg11[%mul3A_234] : memref<272xf32, #tpu.memory_space<vmem>>[vector<16xi32>], vector<16xf32>,
      %gather3A_1443 = tpu.vector_load_idx %arg12[%mul3A_234] : memref<272xi32, #tpu.memory_space<vmem>>[vector<16xi32>], vector<16xi32>,
      %add3A_1444 = arith.constant 1 : i32
      %add3A_1445 = vector.broadcast %add3A_1444 : i32 to vector<16xi32>
      %add3A_1446 = arith.addi %mul3A_234, %add3A_1445 : vector<16xi32>
      %gather3A_1447 = tpu.vector_load_idx %arg11[%add3A_1446] : memref<272xf32, #tpu.memory_space<vmem>>[vector<16xi32>], vector<16xf32>,
      %add3A_1448 = arith.constant 1 : i32
      %add3A_1449 = vector.broadcast %add3A_1448 : i32 to vector<16xi32>
      %add3A_1450 = arith.addi %mul3A_234, %add3A_1449 : vector<16xi32>
      %gather3A_1451 = tpu.vector_load_idx %arg12[%add3A_1450] : memref<272xi32, #tpu.memory_space<vmem>>[vector<16xi32>], vector<16xi32>,
      %lt3A_1452 = arith.cmpf olt, %gather3A_1447, %gather3A_1442 : vector<16xf32>
      %eq3A_1453 = arith.cmpf oeq, %gather3A_1447, %gather3A_1442 : vector<16xf32>
      %lt3A_1454 = arith.cmpi slt, %gather3A_1451, %gather3A_1443 : vector<16xi32>
      %and3A_1455 = arith.andi %eq3A_1453, %lt3A_1454 : vector<16xi1>
      %or3A_1456 = arith.ori %lt3A_1452, %and3A_1455 : vector<16xi1>
      %select_n3A_1457 = arith.select %or3A_1456, %gather3A_1447, %gather3A_1442 : vector<16xi1>, vector<16xf32>
      %select_n3A_1458 = arith.select %or3A_1456, %gather3A_1451, %gather3A_1443 : vector<16xi1>, vector<16xi32>
      %add3A_1459 = arith.constant 2 : i32
      %add3A_1460 = vector.broadcast %add3A_1459 : i32 to vector<16xi32>
      %add3A_1461 = arith.addi %mul3A_234, %add3A_1460 : vector<16xi32>
      %gather3A_1462 = tpu.vector_load_idx %arg11[%add3A_1461] : memref<272xf32, #tpu.memory_space<vmem>>[vector<16xi32>], vector<16xf32>,
      %add3A_1463 = arith.constant 2 : i32
      %add3A_1464 = vector.broadcast %add3A_1463 : i32 to vector<16xi32>
      %add3A_1465 = arith.addi %mul3A_234, %add3A_1464 : vector<16xi32>
      %gather3A_1466 = tpu.vector_load_idx %arg12[%add3A_1465] : memref<272xi32, #tpu.memory_space<vmem>>[vector<16xi32>], vector<16xi32>,
      %lt3A_1467 = arith.cmpf olt, %gather3A_1462, %select_n3A_1457 : vector<16xf32>
      %eq3A_1468 = arith.cmpf oeq, %gather3A_1462, %select_n3A_1457 : vector<16xf32>
      %lt3A_1469 = arith.cmpi slt, %gather3A_1466, %select_n3A_1458 : vector<16xi32>
      %and3A_1470 = arith.andi %eq3A_1468, %lt3A_1469 : vector<16xi1>
      %or3A_1471 = arith.ori %lt3A_1467, %and3A_1470 : vector<16xi1>
      %select_n3A_1472 = arith.select %or3A_1471, %gather3A_1462, %select_n3A_1457 : vector<16xi1>, vector<16xf32>
      %select_n3A_1473 = arith.select %or3A_1471, %gather3A_1466, %select_n3A_1458 : vector<16xi1>, vector<16xi32>
      %add3A_1474 = arith.constant 3 : i32
      %add3A_1475 = vector.broadcast %add3A_1474 : i32 to vector<16xi32>
      %add3A_1476 = arith.addi %mul3A_234, %add3A_1475 : vector<16xi32>
      %gather3A_1477 = tpu.vector_load_idx %arg11[%add3A_1476] : memref<272xf32, #tpu.memory_space<vmem>>[vector<16xi32>], vector<16xf32>,
      %add3A_1478 = arith.constant 3 : i32
      %add3A_1479 = vector.broadcast %add3A_1478 : i32 to vector<16xi32>
      %add3A_1480 = arith.addi %mul3A_234, %add3A_1479 : vector<16xi32>
      %gather3A_1481 = tpu.vector_load_idx %arg12[%add3A_1480] : memref<272xi32, #tpu.memory_space<vmem>>[vector<16xi32>], vector<16xi32>,
      %lt3A_1482 = arith.cmpf olt, %gather3A_1477, %select_n3A_1472 : vector<16xf32>
      %eq3A_1483 = arith.cmpf oeq, %gather3A_1477, %select_n3A_1472 : vector<16xf32>
      %lt3A_1484 = arith.cmpi slt, %gather3A_1481, %select_n3A_1473 : vector<16xi32>
      %and3A_1485 = arith.andi %eq3A_1483, %lt3A_1484 : vector<16xi1>
      %or3A_1486 = arith.ori %lt3A_1482, %and3A_1485 : vector<16xi1>
      %select_n3A_1487 = arith.select %or3A_1486, %gather3A_1477, %select_n3A_1472 : vector<16xi1>, vector<16xf32>
      %select_n3A_1488 = arith.select %or3A_1486, %gather3A_1481, %select_n3A_1473 : vector<16xi1>, vector<16xi32>
      %add3A_1489 = arith.constant 4 : i32
      %add3A_1490 = vector.broadcast %add3A_1489 : i32 to vector<16xi32>
      %add3A_1491 = arith.addi %mul3A_234, %add3A_1490 : vector<16xi32>
      %gather3A_1492 = tpu.vector_load_idx %arg11[%add3A_1491] : memref<272xf32, #tpu.memory_space<vmem>>[vector<16xi32>], vector<16xf32>,
      %add3A_1493 = arith.constant 4 : i32
      %add3A_1494 = vector.broadcast %add3A_1493 : i32 to vector<16xi32>
      %add3A_1495 = arith.addi %mul3A_234, %add3A_1494 : vector<16xi32>
      %gather3A_1496 = tpu.vector_load_idx %arg12[%add3A_1495] : memref<272xi32, #tpu.memory_space<vmem>>[vector<16xi32>], vector<16xi32>,
      %lt3A_1497 = arith.cmpf olt, %gather3A_1492, %select_n3A_1487 : vector<16xf32>
      %eq3A_1498 = arith.cmpf oeq, %gather3A_1492, %select_n3A_1487 : vector<16xf32>
      %lt3A_1499 = arith.cmpi slt, %gather3A_1496, %select_n3A_1488 : vector<16xi32>
      %and3A_1500 = arith.andi %eq3A_1498, %lt3A_1499 : vector<16xi1>
      %or3A_1501 = arith.ori %lt3A_1497, %and3A_1500 : vector<16xi1>
      %select_n3A_1502 = arith.select %or3A_1501, %gather3A_1492, %select_n3A_1487 : vector<16xi1>, vector<16xf32>
      %select_n3A_1503 = arith.select %or3A_1501, %gather3A_1496, %select_n3A_1488 : vector<16xi1>, vector<16xi32>
      %add3A_1504 = arith.constant 5 : i32
      %add3A_1505 = vector.broadcast %add3A_1504 : i32 to vector<16xi32>
      %add3A_1506 = arith.addi %mul3A_234, %add3A_1505 : vector<16xi32>
      %gather3A_1507 = tpu.vector_load_idx %arg11[%add3A_1506] : memref<272xf32, #tpu.memory_space<vmem>>[vector<16xi32>], vector<16xf32>,
      %add3A_1508 = arith.constant 5 : i32
      %add3A_1509 = vector.broadcast %add3A_1508 : i32 to vector<16xi32>
      %add3A_1510 = arith.addi %mul3A_234, %add3A_1509 : vector<16xi32>
      %gather3A_1511 = tpu.vector_load_idx %arg12[%add3A_1510] : memref<272xi32, #tpu.memory_space<vmem>>[vector<16xi32>], vector<16xi32>,
      %lt3A_1512 = arith.cmpf olt, %gather3A_1507, %select_n3A_1502 : vector<16xf32>
      %eq3A_1513 = arith.cmpf oeq, %gather3A_1507, %select_n3A_1502 : vector<16xf32>
      %lt3A_1514 = arith.cmpi slt, %gather3A_1511, %select_n3A_1503 : vector<16xi32>
      %and3A_1515 = arith.andi %eq3A_1513, %lt3A_1514 : vector<16xi1>
      %or3A_1516 = arith.ori %lt3A_1512, %and3A_1515 : vector<16xi1>
      %select_n3A_1517 = arith.select %or3A_1516, %gather3A_1507, %select_n3A_1502 : vector<16xi1>, vector<16xf32>
      %select_n3A_1518 = arith.select %or3A_1516, %gather3A_1511, %select_n3A_1503 : vector<16xi1>, vector<16xi32>
      %add3A_1519 = arith.constant 6 : i32
      %add3A_1520 = vector.broadcast %add3A_1519 : i32 to vector<16xi32>
      %add3A_1521 = arith.addi %mul3A_234, %add3A_1520 : vector<16xi32>
      %gather3A_1522 = tpu.vector_load_idx %arg11[%add3A_1521] : memref<272xf32, #tpu.memory_space<vmem>>[vector<16xi32>], vector<16xf32>,
      %add3A_1523 = arith.constant 6 : i32
      %add3A_1524 = vector.broadcast %add3A_1523 : i32 to vector<16xi32>
      %add3A_1525 = arith.addi %mul3A_234, %add3A_1524 : vector<16xi32>
      %gather3A_1526 = tpu.vector_load_idx %arg12[%add3A_1525] : memref<272xi32, #tpu.memory_space<vmem>>[vector<16xi32>], vector<16xi32>,
      %lt3A_1527 = arith.cmpf olt, %gather3A_1522, %select_n3A_1517 : vector<16xf32>
      %eq3A_1528 = arith.cmpf oeq, %gather3A_1522, %select_n3A_1517 : vector<16xf32>
      %lt3A_1529 = arith.cmpi slt, %gather3A_1526, %select_n3A_1518 : vector<16xi32>
      %and3A_1530 = arith.andi %eq3A_1528, %lt3A_1529 : vector<16xi1>
      %or3A_1531 = arith.ori %lt3A_1527, %and3A_1530 : vector<16xi1>
      %select_n3A_1532 = arith.select %or3A_1531, %gather3A_1522, %select_n3A_1517 : vector<16xi1>, vector<16xf32>
      %select_n3A_1533 = arith.select %or3A_1531, %gather3A_1526, %select_n3A_1518 : vector<16xi1>, vector<16xi32>
      %add3A_1534 = arith.constant 7 : i32
      %add3A_1535 = vector.broadcast %add3A_1534 : i32 to vector<16xi32>
      %add3A_1536 = arith.addi %mul3A_234, %add3A_1535 : vector<16xi32>
      %gather3A_1537 = tpu.vector_load_idx %arg11[%add3A_1536] : memref<272xf32, #tpu.memory_space<vmem>>[vector<16xi32>], vector<16xf32>,
      %add3A_1538 = arith.constant 7 : i32
      %add3A_1539 = vector.broadcast %add3A_1538 : i32 to vector<16xi32>
      %add3A_1540 = arith.addi %mul3A_234, %add3A_1539 : vector<16xi32>
      %gather3A_1541 = tpu.vector_load_idx %arg12[%add3A_1540] : memref<272xi32, #tpu.memory_space<vmem>>[vector<16xi32>], vector<16xi32>,
      %lt3A_1542 = arith.cmpf olt, %gather3A_1537, %select_n3A_1532 : vector<16xf32>
      %eq3A_1543 = arith.cmpf oeq, %gather3A_1537, %select_n3A_1532 : vector<16xf32>
      %lt3A_1544 = arith.cmpi slt, %gather3A_1541, %select_n3A_1533 : vector<16xi32>
      %and3A_1545 = arith.andi %eq3A_1543, %lt3A_1544 : vector<16xi1>
      %or3A_1546 = arith.ori %lt3A_1542, %and3A_1545 : vector<16xi1>
      %select_n3A_1547 = arith.select %or3A_1546, %gather3A_1537, %select_n3A_1532 : vector<16xi1>, vector<16xf32>
      %select_n3A_1548 = arith.select %or3A_1546, %gather3A_1541, %select_n3A_1533 : vector<16xi1>, vector<16xi32>
      %add3A_1549 = arith.constant 8 : i32
      %add3A_1550 = vector.broadcast %add3A_1549 : i32 to vector<16xi32>
      %add3A_1551 = arith.addi %mul3A_234, %add3A_1550 : vector<16xi32>
      %gather3A_1552 = tpu.vector_load_idx %arg11[%add3A_1551] : memref<272xf32, #tpu.memory_space<vmem>>[vector<16xi32>], vector<16xf32>,
      %add3A_1553 = arith.constant 8 : i32
      %add3A_1554 = vector.broadcast %add3A_1553 : i32 to vector<16xi32>
      %add3A_1555 = arith.addi %mul3A_234, %add3A_1554 : vector<16xi32>
      %gather3A_1556 = tpu.vector_load_idx %arg12[%add3A_1555] : memref<272xi32, #tpu.memory_space<vmem>>[vector<16xi32>], vector<16xi32>,
      %lt3A_1557 = arith.cmpf olt, %gather3A_1552, %select_n3A_1547 : vector<16xf32>
      %eq3A_1558 = arith.cmpf oeq, %gather3A_1552, %select_n3A_1547 : vector<16xf32>
      %lt3A_1559 = arith.cmpi slt, %gather3A_1556, %select_n3A_1548 : vector<16xi32>
      %and3A_1560 = arith.andi %eq3A_1558, %lt3A_1559 : vector<16xi1>
      %or3A_1561 = arith.ori %lt3A_1557, %and3A_1560 : vector<16xi1>
      %select_n3A_1562 = arith.select %or3A_1561, %gather3A_1552, %select_n3A_1547 : vector<16xi1>, vector<16xf32>
      %select_n3A_1563 = arith.select %or3A_1561, %gather3A_1556, %select_n3A_1548 : vector<16xi1>, vector<16xi32>
      %add3A_1564 = arith.constant 9 : i32
      %add3A_1565 = vector.broadcast %add3A_1564 : i32 to vector<16xi32>
      %add3A_1566 = arith.addi %mul3A_234, %add3A_1565 : vector<16xi32>
      %gather3A_1567 = tpu.vector_load_idx %arg11[%add3A_1566] : memref<272xf32, #tpu.memory_space<vmem>>[vector<16xi32>], vector<16xf32>,
      %add3A_1568 = arith.constant 9 : i32
      %add3A_1569 = vector.broadcast %add3A_1568 : i32 to vector<16xi32>
      %add3A_1570 = arith.addi %mul3A_234, %add3A_1569 : vector<16xi32>
      %gather3A_1571 = tpu.vector_load_idx %arg12[%add3A_1570] : memref<272xi32, #tpu.memory_space<vmem>>[vector<16xi32>], vector<16xi32>,
      %lt3A_1572 = arith.cmpf olt, %gather3A_1567, %select_n3A_1562 : vector<16xf32>
      %eq3A_1573 = arith.cmpf oeq, %gather3A_1567, %select_n3A_1562 : vector<16xf32>
      %lt3A_1574 = arith.cmpi slt, %gather3A_1571, %select_n3A_1563 : vector<16xi32>
      %and3A_1575 = arith.andi %eq3A_1573, %lt3A_1574 : vector<16xi1>
      %or3A_1576 = arith.ori %lt3A_1572, %and3A_1575 : vector<16xi1>
      %select_n3A_1577 = arith.select %or3A_1576, %gather3A_1567, %select_n3A_1562 : vector<16xi1>, vector<16xf32>
      %select_n3A_1578 = arith.select %or3A_1576, %gather3A_1571, %select_n3A_1563 : vector<16xi1>, vector<16xi32>
      %add3A_1579 = arith.constant 10 : i32
      %add3A_1580 = vector.broadcast %add3A_1579 : i32 to vector<16xi32>
      %add3A_1581 = arith.addi %mul3A_234, %add3A_1580 : vector<16xi32>
      %gather3A_1582 = tpu.vector_load_idx %arg11[%add3A_1581] : memref<272xf32, #tpu.memory_space<vmem>>[vector<16xi32>], vector<16xf32>,
      %add3A_1583 = arith.constant 10 : i32
      %add3A_1584 = vector.broadcast %add3A_1583 : i32 to vector<16xi32>
      %add3A_1585 = arith.addi %mul3A_234, %add3A_1584 : vector<16xi32>
      %gather3A_1586 = tpu.vector_load_idx %arg12[%add3A_1585] : memref<272xi32, #tpu.memory_space<vmem>>[vector<16xi32>], vector<16xi32>,
      %lt3A_1587 = arith.cmpf olt, %gather3A_1582, %select_n3A_1577 : vector<16xf32>
      %eq3A_1588 = arith.cmpf oeq, %gather3A_1582, %select_n3A_1577 : vector<16xf32>
      %lt3A_1589 = arith.cmpi slt, %gather3A_1586, %select_n3A_1578 : vector<16xi32>
      %and3A_1590 = arith.andi %eq3A_1588, %lt3A_1589 : vector<16xi1>
      %or3A_1591 = arith.ori %lt3A_1587, %and3A_1590 : vector<16xi1>
      %select_n3A_1592 = arith.select %or3A_1591, %gather3A_1582, %select_n3A_1577 : vector<16xi1>, vector<16xf32>
      %select_n3A_1593 = arith.select %or3A_1591, %gather3A_1586, %select_n3A_1578 : vector<16xi1>, vector<16xi32>
      %add3A_1594 = arith.constant 11 : i32
      %add3A_1595 = vector.broadcast %add3A_1594 : i32 to vector<16xi32>
      %add3A_1596 = arith.addi %mul3A_234, %add3A_1595 : vector<16xi32>
      %gather3A_1597 = tpu.vector_load_idx %arg11[%add3A_1596] : memref<272xf32, #tpu.memory_space<vmem>>[vector<16xi32>], vector<16xf32>,
      %add3A_1598 = arith.constant 11 : i32
      %add3A_1599 = vector.broadcast %add3A_1598 : i32 to vector<16xi32>
      %add3A_1600 = arith.addi %mul3A_234, %add3A_1599 : vector<16xi32>
      %gather3A_1601 = tpu.vector_load_idx %arg12[%add3A_1600] : memref<272xi32, #tpu.memory_space<vmem>>[vector<16xi32>], vector<16xi32>,
      %lt3A_1602 = arith.cmpf olt, %gather3A_1597, %select_n3A_1592 : vector<16xf32>
      %eq3A_1603 = arith.cmpf oeq, %gather3A_1597, %select_n3A_1592 : vector<16xf32>
      %lt3A_1604 = arith.cmpi slt, %gather3A_1601, %select_n3A_1593 : vector<16xi32>
      %and3A_1605 = arith.andi %eq3A_1603, %lt3A_1604 : vector<16xi1>
      %or3A_1606 = arith.ori %lt3A_1602, %and3A_1605 : vector<16xi1>
      %select_n3A_1607 = arith.select %or3A_1606, %gather3A_1597, %select_n3A_1592 : vector<16xi1>, vector<16xf32>
      %select_n3A_1608 = arith.select %or3A_1606, %gather3A_1601, %select_n3A_1593 : vector<16xi1>, vector<16xi32>
      %add3A_1609 = arith.constant 12 : i32
      %add3A_1610 = vector.broadcast %add3A_1609 : i32 to vector<16xi32>
      %add3A_1611 = arith.addi %mul3A_234, %add3A_1610 : vector<16xi32>
      %gather3A_1612 = tpu.vector_load_idx %arg11[%add3A_1611] : memref<272xf32, #tpu.memory_space<vmem>>[vector<16xi32>], vector<16xf32>,
      %add3A_1613 = arith.constant 12 : i32
      %add3A_1614 = vector.broadcast %add3A_1613 : i32 to vector<16xi32>
      %add3A_1615 = arith.addi %mul3A_234, %add3A_1614 : vector<16xi32>
      %gather3A_1616 = tpu.vector_load_idx %arg12[%add3A_1615] : memref<272xi32, #tpu.memory_space<vmem>>[vector<16xi32>], vector<16xi32>,
      %lt3A_1617 = arith.cmpf olt, %gather3A_1612, %select_n3A_1607 : vector<16xf32>
      %eq3A_1618 = arith.cmpf oeq, %gather3A_1612, %select_n3A_1607 : vector<16xf32>
      %lt3A_1619 = arith.cmpi slt, %gather3A_1616, %select_n3A_1608 : vector<16xi32>
      %and3A_1620 = arith.andi %eq3A_1618, %lt3A_1619 : vector<16xi1>
      %or3A_1621 = arith.ori %lt3A_1617, %and3A_1620 : vector<16xi1>
      %select_n3A_1622 = arith.select %or3A_1621, %gather3A_1612, %select_n3A_1607 : vector<16xi1>, vector<16xf32>
      %select_n3A_1623 = arith.select %or3A_1621, %gather3A_1616, %select_n3A_1608 : vector<16xi1>, vector<16xi32>
      %add3A_1624 = arith.constant 13 : i32
      %add3A_1625 = vector.broadcast %add3A_1624 : i32 to vector<16xi32>
      %add3A_1626 = arith.addi %mul3A_234, %add3A_1625 : vector<16xi32>
      %gather3A_1627 = tpu.vector_load_idx %arg11[%add3A_1626] : memref<272xf32, #tpu.memory_space<vmem>>[vector<16xi32>], vector<16xf32>,
      %add3A_1628 = arith.constant 13 : i32
      %add3A_1629 = vector.broadcast %add3A_1628 : i32 to vector<16xi32>
      %add3A_1630 = arith.addi %mul3A_234, %add3A_1629 : vector<16xi32>
      %gather3A_1631 = tpu.vector_load_idx %arg12[%add3A_1630] : memref<272xi32, #tpu.memory_space<vmem>>[vector<16xi32>], vector<16xi32>,
      %lt3A_1632 = arith.cmpf olt, %gather3A_1627, %select_n3A_1622 : vector<16xf32>
      %eq3A_1633 = arith.cmpf oeq, %gather3A_1627, %select_n3A_1622 : vector<16xf32>
      %lt3A_1634 = arith.cmpi slt, %gather3A_1631, %select_n3A_1623 : vector<16xi32>
      %and3A_1635 = arith.andi %eq3A_1633, %lt3A_1634 : vector<16xi1>
      %or3A_1636 = arith.ori %lt3A_1632, %and3A_1635 : vector<16xi1>
      %select_n3A_1637 = arith.select %or3A_1636, %gather3A_1627, %select_n3A_1622 : vector<16xi1>, vector<16xf32>
      %select_n3A_1638 = arith.select %or3A_1636, %gather3A_1631, %select_n3A_1623 : vector<16xi1>, vector<16xi32>
      %add3A_1639 = arith.constant 14 : i32
      %add3A_1640 = vector.broadcast %add3A_1639 : i32 to vector<16xi32>
      %add3A_1641 = arith.addi %mul3A_234, %add3A_1640 : vector<16xi32>
      %gather3A_1642 = tpu.vector_load_idx %arg11[%add3A_1641] : memref<272xf32, #tpu.memory_space<vmem>>[vector<16xi32>], vector<16xf32>,
      %add3A_1643 = arith.constant 14 : i32
      %add3A_1644 = vector.broadcast %add3A_1643 : i32 to vector<16xi32>
      %add3A_1645 = arith.addi %mul3A_234, %add3A_1644 : vector<16xi32>
      %gather3A_1646 = tpu.vector_load_idx %arg12[%add3A_1645] : memref<272xi32, #tpu.memory_space<vmem>>[vector<16xi32>], vector<16xi32>,
      %lt3A_1647 = arith.cmpf olt, %gather3A_1642, %select_n3A_1637 : vector<16xf32>
      %eq3A_1648 = arith.cmpf oeq, %gather3A_1642, %select_n3A_1637 : vector<16xf32>
      %lt3A_1649 = arith.cmpi slt, %gather3A_1646, %select_n3A_1638 : vector<16xi32>
      %and3A_1650 = arith.andi %eq3A_1648, %lt3A_1649 : vector<16xi1>
      %or3A_1651 = arith.ori %lt3A_1647, %and3A_1650 : vector<16xi1>
      %select_n3A_1652 = arith.select %or3A_1651, %gather3A_1642, %select_n3A_1637 : vector<16xi1>, vector<16xf32>
      %select_n3A_1653 = arith.select %or3A_1651, %gather3A_1646, %select_n3A_1638 : vector<16xi1>, vector<16xi32>
      %add3A_1654 = arith.constant 15 : i32
      %add3A_1655 = vector.broadcast %add3A_1654 : i32 to vector<16xi32>
      %add3A_1656 = arith.addi %mul3A_234, %add3A_1655 : vector<16xi32>
      %gather3A_1657 = tpu.vector_load_idx %arg11[%add3A_1656] : memref<272xf32, #tpu.memory_space<vmem>>[vector<16xi32>], vector<16xf32>,
      %add3A_1658 = arith.constant 15 : i32
      %add3A_1659 = vector.broadcast %add3A_1658 : i32 to vector<16xi32>
      %add3A_1660 = arith.addi %mul3A_234, %add3A_1659 : vector<16xi32>
      %gather3A_1661 = tpu.vector_load_idx %arg12[%add3A_1660] : memref<272xi32, #tpu.memory_space<vmem>>[vector<16xi32>], vector<16xi32>,
      %lt3A_1662 = arith.cmpf olt, %gather3A_1657, %select_n3A_1652 : vector<16xf32>
      %eq3A_1663 = arith.cmpf oeq, %gather3A_1657, %select_n3A_1652 : vector<16xf32>
      %lt3A_1664 = arith.cmpi slt, %gather3A_1661, %select_n3A_1653 : vector<16xi32>
      %and3A_1665 = arith.andi %eq3A_1663, %lt3A_1664 : vector<16xi1>
      %or3A_1666 = arith.ori %lt3A_1662, %and3A_1665 : vector<16xi1>
      %select_n3A_1667 = arith.select %or3A_1666, %gather3A_1657, %select_n3A_1652 : vector<16xi1>, vector<16xf32>
      %select_n3A_1668 = arith.select %or3A_1666, %gather3A_1661, %select_n3A_1653 : vector<16xi1>, vector<16xi32>
      %gather3A_1669 = tpu.vector_load_idx %arg6[%select_n3A_1668] : memref<1024xi32, #tpu.memory_space<vmem>>[vector<16xi32>], vector<16xi32>,
      %lt3A_1670 = arith.cmpf olt, %select_n3A_1667, %get3A_1 : vector<16xf32>
      %select_n3A_1671 = arith.select %lt3A_1670, %gather3A_1669, %add3A_231 : vector<16xi1>, vector<16xi32>
      %mul3A_1672 = arith.constant 32 : i32
      %mul3A_1673 = arith.muli %add3A_1209, %mul3A_1672 : i32
      %add3A_1674 = arith.constant 0 : i32
      %add3A_1675 = arith.addi %mul3A_1673, %add3A_1674 : i32
      %swap3A_1676 = arith.index_cast %add3A_1675 : i32 to index
      %swap3A_1677 = tpu.vector_load %arg10[%swap3A_1676] {strides = array<i32>} : memref<512xi32, #tpu.memory_space<vmem>>, vector<16xi32>,
      tpu.vector_store %arg10[%swap3A_1676], %select_n3A_1671 {strides = array<i32>} : memref<512xi32, #tpu.memory_space<vmem>>, vector<16xi32>,
      %scan3A_1678 = arith.constant 0 : i32
      %scan3A_1679 = arith.constant 62 : i32
      %scan3A_1680 = arith.addi %scan3A_1678, %scan3A_1679 : i32
      %scan3A_1681 = arith.constant 2 : i32
      %scan3A_1682:9 = scf.for %scan3A_2151 = %scan3A_1678 to %scan3A_1680 step %scan3A_1681 iter_args(%scan3A_2152 = %broadcast_in_dim3A_236, %scan3A_2153 = %broadcast_in_dim3A_236, %scan3A_2154 = %broadcast_in_dim3A_236, %scan3A_2155 = %broadcast_in_dim3A_236, %scan3A_2156 = %iota3A, %scan3A_2157 = %iota3A, %scan3A_2158 = %iota3A, %scan3A_2159 = %iota3A, %scan3A_2160 = %iota3A) -> (vector<16xf32>, vector<16xf32>, vector<16xf32>, vector<16xf32>, vector<16xi32>, vector<16xi32>, vector<16xi32>, vector<16xi32>, vector<16xi32>)  : i32 {
        %mul3A_2161 = arith.constant 16 : i32
        %mul3A_2162 = arith.muli %scan3A_2151, %mul3A_2161 : i32
        %get3A_2163 = arith.constant 16 : i32
        %get3A_2164 = arith.index_cast %get3A_2163 : i32 to index
        %get3A_2165 = arith.index_cast %mul3A_2162 : i32 to index
        %get3A_2166 = tpu.vector_load %arg9[%get3A_2164, %get3A_2165] {strides = array<i32>} : memref<32x1000xf32, #tpu.memory_space<vmem>>, vector<16xf32>,
        %lt3A_2167 = arith.cmpf olt, %get3A_2166, %scan3A_2152 : vector<16xf32>
        %select_n3A_2168 = arith.select %lt3A_2167, %get3A_2166, %scan3A_2152 : vector<16xi1>, vector<16xf32>
        %select_n3A_2169 = arith.select %lt3A_2167, %scan3A_2160, %scan3A_2156 : vector<16xi1>, vector<16xi32>
        %get3A_2170 = arith.constant 17 : i32
        %get3A_2171 = arith.index_cast %get3A_2170 : i32 to index
        %get3A_2172 = arith.index_cast %mul3A_2162 : i32 to index
        %get3A_2173 = tpu.vector_load %arg9[%get3A_2171, %get3A_2172] {strides = array<i32>} : memref<32x1000xf32, #tpu.memory_space<vmem>>, vector<16xf32>,
        %lt3A_2174 = arith.cmpf olt, %get3A_2173, %scan3A_2153 : vector<16xf32>
        %select_n3A_2175 = arith.select %lt3A_2174, %get3A_2173, %scan3A_2153 : vector<16xi1>, vector<16xf32>
        %select_n3A_2176 = arith.select %lt3A_2174, %scan3A_2160, %scan3A_2157 : vector<16xi1>, vector<16xi32>
        %get3A_2177 = arith.constant 18 : i32
        %get3A_2178 = arith.index_cast %get3A_2177 : i32 to index
        %get3A_2179 = arith.index_cast %mul3A_2162 : i32 to index
        %get3A_2180 = tpu.vector_load %arg9[%get3A_2178, %get3A_2179] {strides = array<i32>} : memref<32x1000xf32, #tpu.memory_space<vmem>>, vector<16xf32>,
        %lt3A_2181 = arith.cmpf olt, %get3A_2180, %scan3A_2154 : vector<16xf32>
        %select_n3A_2182 = arith.select %lt3A_2181, %get3A_2180, %scan3A_2154 : vector<16xi1>, vector<16xf32>
        %select_n3A_2183 = arith.select %lt3A_2181, %scan3A_2160, %scan3A_2158 : vector<16xi1>, vector<16xi32>
        %get3A_2184 = arith.constant 19 : i32
        %get3A_2185 = arith.index_cast %get3A_2184 : i32 to index
        %get3A_2186 = arith.index_cast %mul3A_2162 : i32 to index
        %get3A_2187 = tpu.vector_load %arg9[%get3A_2185, %get3A_2186] {strides = array<i32>} : memref<32x1000xf32, #tpu.memory_space<vmem>>, vector<16xf32>,
        %lt3A_2188 = arith.cmpf olt, %get3A_2187, %scan3A_2155 : vector<16xf32>
        %select_n3A_2189 = arith.select %lt3A_2188, %get3A_2187, %scan3A_2155 : vector<16xi1>, vector<16xf32>
        %select_n3A_2190 = arith.select %lt3A_2188, %scan3A_2160, %scan3A_2159 : vector<16xi1>, vector<16xi32>
        %add3A_2191 = arith.constant 16 : i32
        %add3A_2192 = vector.broadcast %add3A_2191 : i32 to vector<16xi32>
        %add3A_2193 = arith.addi %scan3A_2160, %add3A_2192 : vector<16xi32>
        %scan3A_2194 = arith.constant 1 : i32
        %scan3A_2195 = arith.addi %scan3A_2151, %scan3A_2194 : i32
        %mul3A_2196 = arith.constant 16 : i32
        %mul3A_2197 = arith.muli %scan3A_2195, %mul3A_2196 : i32
        %get3A_2198 = arith.constant 16 : i32
        %get3A_2199 = arith.index_cast %get3A_2198 : i32 to index
        %get3A_2200 = arith.index_cast %mul3A_2197 : i32 to index
        %get3A_2201 = tpu.vector_load %arg9[%get3A_2199, %get3A_2200] {strides = array<i32>} : memref<32x1000xf32, #tpu.memory_space<vmem>>, vector<16xf32>,
        %lt3A_2202 = arith.cmpf olt, %get3A_2201, %select_n3A_2168 : vector<16xf32>
        %select_n3A_2203 = arith.select %lt3A_2202, %get3A_2201, %select_n3A_2168 : vector<16xi1>, vector<16xf32>
        %select_n3A_2204 = arith.select %lt3A_2202, %add3A_2193, %select_n3A_2169 : vector<16xi1>, vector<16xi32>
        %get3A_2205 = arith.constant 17 : i32
        %get3A_2206 = arith.index_cast %get3A_2205 : i32 to index
        %get3A_2207 = arith.index_cast %mul3A_2197 : i32 to index
        %get3A_2208 = tpu.vector_load %arg9[%get3A_2206, %get3A_2207] {strides = array<i32>} : memref<32x1000xf32, #tpu.memory_space<vmem>>, vector<16xf32>,
        %lt3A_2209 = arith.cmpf olt, %get3A_2208, %select_n3A_2175 : vector<16xf32>
        %select_n3A_2210 = arith.select %lt3A_2209, %get3A_2208, %select_n3A_2175 : vector<16xi1>, vector<16xf32>
        %select_n3A_2211 = arith.select %lt3A_2209, %add3A_2193, %select_n3A_2176 : vector<16xi1>, vector<16xi32>
        %get3A_2212 = arith.constant 18 : i32
        %get3A_2213 = arith.index_cast %get3A_2212 : i32 to index
        %get3A_2214 = arith.index_cast %mul3A_2197 : i32 to index
        %get3A_2215 = tpu.vector_load %arg9[%get3A_2213, %get3A_2214] {strides = array<i32>} : memref<32x1000xf32, #tpu.memory_space<vmem>>, vector<16xf32>,
        %lt3A_2216 = arith.cmpf olt, %get3A_2215, %select_n3A_2182 : vector<16xf32>
        %select_n3A_2217 = arith.select %lt3A_2216, %get3A_2215, %select_n3A_2182 : vector<16xi1>, vector<16xf32>
        %select_n3A_2218 = arith.select %lt3A_2216, %add3A_2193, %select_n3A_2183 : vector<16xi1>, vector<16xi32>
        %get3A_2219 = arith.constant 19 : i32
        %get3A_2220 = arith.index_cast %get3A_2219 : i32 to index
        %get3A_2221 = arith.index_cast %mul3A_2197 : i32 to index
        %get3A_2222 = tpu.vector_load %arg9[%get3A_2220, %get3A_2221] {strides = array<i32>} : memref<32x1000xf32, #tpu.memory_space<vmem>>, vector<16xf32>,
        %lt3A_2223 = arith.cmpf olt, %get3A_2222, %select_n3A_2189 : vector<16xf32>
        %select_n3A_2224 = arith.select %lt3A_2223, %get3A_2222, %select_n3A_2189 : vector<16xi1>, vector<16xf32>
        %select_n3A_2225 = arith.select %lt3A_2223, %add3A_2193, %select_n3A_2190 : vector<16xi1>, vector<16xi32>
        %add3A_2226 = arith.constant 16 : i32
        %add3A_2227 = vector.broadcast %add3A_2226 : i32 to vector<16xi32>
        %add3A_2228 = arith.addi %add3A_2193, %add3A_2227 : vector<16xi32>
        scf.yield %select_n3A_2203, %select_n3A_2210, %select_n3A_2217, %select_n3A_2224, %select_n3A_2204, %select_n3A_2211, %select_n3A_2218, %select_n3A_2225, %add3A_2228 : vector<16xf32>, vector<16xf32>, vector<16xf32>, vector<16xf32>, vector<16xi32>, vector<16xi32>, vector<16xi32>, vector<16xi32>, vector<16xi32>
      }
      %scan3A_1683 = arith.constant 62 : i32
      %get3A_1684 = arith.constant 16 : i32
      %get3A_1685 = arith.index_cast %get3A_1684 : i32 to index
      %get3A_1686 = arith.constant 984 : index
      %get3A_1687 = tpu.vector_load %arg9[%get3A_1685, %get3A_1686] {strides = array<i32>} : memref<32x1000xf32, #tpu.memory_space<vmem>>, vector<16xf32>,
      %lt3A_1688 = arith.cmpf olt, %get3A_1687, %scan3A_1682#0 : vector<16xf32>
      %select_n3A_1689 = arith.select %lt3A_1688, %get3A_1687, %scan3A_1682#0 : vector<16xi1>, vector<16xf32>
      %select_n3A_1690 = arith.select %lt3A_1688, %add3A_239, %scan3A_1682#4 : vector<16xi1>, vector<16xi32>
      %add3A_1691 = arith.constant 0 : i32
      %add3A_1692 = vector.broadcast %add3A_1691 : i32 to vector<16xi32>
      %add3A_1693 = arith.addi %iota3A, %add3A_1692 : vector<16xi32>
      tpu.vector_store_idx %arg11[%add3A_1693], %select_n3A_1689 : memref<272xf32, #tpu.memory_space<vmem>>[vector<16xi32>], vector<16xf32>,
      %add3A_1694 = arith.constant 0 : i32
      %add3A_1695 = vector.broadcast %add3A_1694 : i32 to vector<16xi32>
      %add3A_1696 = arith.addi %iota3A, %add3A_1695 : vector<16xi32>
      tpu.vector_store_idx %arg12[%add3A_1696], %select_n3A_1690 : memref<272xi32, #tpu.memory_space<vmem>>[vector<16xi32>], vector<16xi32>,
      %get3A_1697 = arith.constant 17 : i32
      %get3A_1698 = arith.index_cast %get3A_1697 : i32 to index
      %get3A_1699 = arith.constant 984 : index
      %get3A_1700 = tpu.vector_load %arg9[%get3A_1698, %get3A_1699] {strides = array<i32>} : memref<32x1000xf32, #tpu.memory_space<vmem>>, vector<16xf32>,
      %lt3A_1701 = arith.cmpf olt, %get3A_1700, %scan3A_1682#1 : vector<16xf32>
      %select_n3A_1702 = arith.select %lt3A_1701, %get3A_1700, %scan3A_1682#1 : vector<16xi1>, vector<16xf32>
      %select_n3A_1703 = arith.select %lt3A_1701, %add3A_239, %scan3A_1682#5 : vector<16xi1>, vector<16xi32>
      %add3A_1704 = arith.constant 17 : i32
      %add3A_1705 = vector.broadcast %add3A_1704 : i32 to vector<16xi32>
      %add3A_1706 = arith.addi %iota3A, %add3A_1705 : vector<16xi32>
      tpu.vector_store_idx %arg11[%add3A_1706], %select_n3A_1702 : memref<272xf32, #tpu.memory_space<vmem>>[vector<16xi32>], vector<16xf32>,
      %add3A_1707 = arith.constant 17 : i32
      %add3A_1708 = vector.broadcast %add3A_1707 : i32 to vector<16xi32>
      %add3A_1709 = arith.addi %iota3A, %add3A_1708 : vector<16xi32>
      tpu.vector_store_idx %arg12[%add3A_1709], %select_n3A_1703 : memref<272xi32, #tpu.memory_space<vmem>>[vector<16xi32>], vector<16xi32>,
      %get3A_1710 = arith.constant 18 : i32
      %get3A_1711 = arith.index_cast %get3A_1710 : i32 to index
      %get3A_1712 = arith.constant 984 : index
      %get3A_1713 = tpu.vector_load %arg9[%get3A_1711, %get3A_1712] {strides = array<i32>} : memref<32x1000xf32, #tpu.memory_space<vmem>>, vector<16xf32>,
      %lt3A_1714 = arith.cmpf olt, %get3A_1713, %scan3A_1682#2 : vector<16xf32>
      %select_n3A_1715 = arith.select %lt3A_1714, %get3A_1713, %scan3A_1682#2 : vector<16xi1>, vector<16xf32>
      %select_n3A_1716 = arith.select %lt3A_1714, %add3A_239, %scan3A_1682#6 : vector<16xi1>, vector<16xi32>
      %add3A_1717 = arith.constant 34 : i32
      %add3A_1718 = vector.broadcast %add3A_1717 : i32 to vector<16xi32>
      %add3A_1719 = arith.addi %iota3A, %add3A_1718 : vector<16xi32>
      tpu.vector_store_idx %arg11[%add3A_1719], %select_n3A_1715 : memref<272xf32, #tpu.memory_space<vmem>>[vector<16xi32>], vector<16xf32>,
      %add3A_1720 = arith.constant 34 : i32
      %add3A_1721 = vector.broadcast %add3A_1720 : i32 to vector<16xi32>
      %add3A_1722 = arith.addi %iota3A, %add3A_1721 : vector<16xi32>
      tpu.vector_store_idx %arg12[%add3A_1722], %select_n3A_1716 : memref<272xi32, #tpu.memory_space<vmem>>[vector<16xi32>], vector<16xi32>,
      %get3A_1723 = arith.constant 19 : i32
      %get3A_1724 = arith.index_cast %get3A_1723 : i32 to index
      %get3A_1725 = arith.constant 984 : index
      %get3A_1726 = tpu.vector_load %arg9[%get3A_1724, %get3A_1725] {strides = array<i32>} : memref<32x1000xf32, #tpu.memory_space<vmem>>, vector<16xf32>,
      %lt3A_1727 = arith.cmpf olt, %get3A_1726, %scan3A_1682#3 : vector<16xf32>
      %select_n3A_1728 = arith.select %lt3A_1727, %get3A_1726, %scan3A_1682#3 : vector<16xi1>, vector<16xf32>
      %select_n3A_1729 = arith.select %lt3A_1727, %add3A_239, %scan3A_1682#7 : vector<16xi1>, vector<16xi32>
      %add3A_1730 = arith.constant 51 : i32
      %add3A_1731 = vector.broadcast %add3A_1730 : i32 to vector<16xi32>
      %add3A_1732 = arith.addi %iota3A, %add3A_1731 : vector<16xi32>
      tpu.vector_store_idx %arg11[%add3A_1732], %select_n3A_1728 : memref<272xf32, #tpu.memory_space<vmem>>[vector<16xi32>], vector<16xf32>,
      %add3A_1733 = arith.constant 51 : i32
      %add3A_1734 = vector.broadcast %add3A_1733 : i32 to vector<16xi32>
      %add3A_1735 = arith.addi %iota3A, %add3A_1734 : vector<16xi32>
      tpu.vector_store_idx %arg12[%add3A_1735], %select_n3A_1729 : memref<272xi32, #tpu.memory_space<vmem>>[vector<16xi32>], vector<16xi32>,
      %scan3A_1736 = arith.constant 0 : i32
      %scan3A_1737 = arith.constant 62 : i32
      %scan3A_1738 = arith.addi %scan3A_1736, %scan3A_1737 : i32
      %scan3A_1739 = arith.constant 2 : i32
      %scan3A_1740:9 = scf.for %scan3A_2151 = %scan3A_1736 to %scan3A_1738 step %scan3A_1739 iter_args(%scan3A_2152 = %broadcast_in_dim3A_236, %scan3A_2153 = %broadcast_in_dim3A_236, %scan3A_2154 = %broadcast_in_dim3A_236, %scan3A_2155 = %broadcast_in_dim3A_236, %scan3A_2156 = %iota3A, %scan3A_2157 = %iota3A, %scan3A_2158 = %iota3A, %scan3A_2159 = %iota3A, %scan3A_2160 = %iota3A) -> (vector<16xf32>, vector<16xf32>, vector<16xf32>, vector<16xf32>, vector<16xi32>, vector<16xi32>, vector<16xi32>, vector<16xi32>, vector<16xi32>)  : i32 {
        %mul3A_2161 = arith.constant 16 : i32
        %mul3A_2162 = arith.muli %scan3A_2151, %mul3A_2161 : i32
        %get3A_2163 = arith.constant 20 : i32
        %get3A_2164 = arith.index_cast %get3A_2163 : i32 to index
        %get3A_2165 = arith.index_cast %mul3A_2162 : i32 to index
        %get3A_2166 = tpu.vector_load %arg9[%get3A_2164, %get3A_2165] {strides = array<i32>} : memref<32x1000xf32, #tpu.memory_space<vmem>>, vector<16xf32>,
        %lt3A_2167 = arith.cmpf olt, %get3A_2166, %scan3A_2152 : vector<16xf32>
        %select_n3A_2168 = arith.select %lt3A_2167, %get3A_2166, %scan3A_2152 : vector<16xi1>, vector<16xf32>
        %select_n3A_2169 = arith.select %lt3A_2167, %scan3A_2160, %scan3A_2156 : vector<16xi1>, vector<16xi32>
        %get3A_2170 = arith.constant 21 : i32
        %get3A_2171 = arith.index_cast %get3A_2170 : i32 to index
        %get3A_2172 = arith.index_cast %mul3A_2162 : i32 to index
        %get3A_2173 = tpu.vector_load %arg9[%get3A_2171, %get3A_2172] {strides = array<i32>} : memref<32x1000xf32, #tpu.memory_space<vmem>>, vector<16xf32>,
        %lt3A_2174 = arith.cmpf olt, %get3A_2173, %scan3A_2153 : vector<16xf32>
        %select_n3A_2175 = arith.select %lt3A_2174, %get3A_2173, %scan3A_2153 : vector<16xi1>, vector<16xf32>
        %select_n3A_2176 = arith.select %lt3A_2174, %scan3A_2160, %scan3A_2157 : vector<16xi1>, vector<16xi32>
        %get3A_2177 = arith.constant 22 : i32
        %get3A_2178 = arith.index_cast %get3A_2177 : i32 to index
        %get3A_2179 = arith.index_cast %mul3A_2162 : i32 to index
        %get3A_2180 = tpu.vector_load %arg9[%get3A_2178, %get3A_2179] {strides = array<i32>} : memref<32x1000xf32, #tpu.memory_space<vmem>>, vector<16xf32>,
        %lt3A_2181 = arith.cmpf olt, %get3A_2180, %scan3A_2154 : vector<16xf32>
        %select_n3A_2182 = arith.select %lt3A_2181, %get3A_2180, %scan3A_2154 : vector<16xi1>, vector<16xf32>
        %select_n3A_2183 = arith.select %lt3A_2181, %scan3A_2160, %scan3A_2158 : vector<16xi1>, vector<16xi32>
        %get3A_2184 = arith.constant 23 : i32
        %get3A_2185 = arith.index_cast %get3A_2184 : i32 to index
        %get3A_2186 = arith.index_cast %mul3A_2162 : i32 to index
        %get3A_2187 = tpu.vector_load %arg9[%get3A_2185, %get3A_2186] {strides = array<i32>} : memref<32x1000xf32, #tpu.memory_space<vmem>>, vector<16xf32>,
        %lt3A_2188 = arith.cmpf olt, %get3A_2187, %scan3A_2155 : vector<16xf32>
        %select_n3A_2189 = arith.select %lt3A_2188, %get3A_2187, %scan3A_2155 : vector<16xi1>, vector<16xf32>
        %select_n3A_2190 = arith.select %lt3A_2188, %scan3A_2160, %scan3A_2159 : vector<16xi1>, vector<16xi32>
        %add3A_2191 = arith.constant 16 : i32
        %add3A_2192 = vector.broadcast %add3A_2191 : i32 to vector<16xi32>
        %add3A_2193 = arith.addi %scan3A_2160, %add3A_2192 : vector<16xi32>
        %scan3A_2194 = arith.constant 1 : i32
        %scan3A_2195 = arith.addi %scan3A_2151, %scan3A_2194 : i32
        %mul3A_2196 = arith.constant 16 : i32
        %mul3A_2197 = arith.muli %scan3A_2195, %mul3A_2196 : i32
        %get3A_2198 = arith.constant 20 : i32
        %get3A_2199 = arith.index_cast %get3A_2198 : i32 to index
        %get3A_2200 = arith.index_cast %mul3A_2197 : i32 to index
        %get3A_2201 = tpu.vector_load %arg9[%get3A_2199, %get3A_2200] {strides = array<i32>} : memref<32x1000xf32, #tpu.memory_space<vmem>>, vector<16xf32>,
        %lt3A_2202 = arith.cmpf olt, %get3A_2201, %select_n3A_2168 : vector<16xf32>
        %select_n3A_2203 = arith.select %lt3A_2202, %get3A_2201, %select_n3A_2168 : vector<16xi1>, vector<16xf32>
        %select_n3A_2204 = arith.select %lt3A_2202, %add3A_2193, %select_n3A_2169 : vector<16xi1>, vector<16xi32>
        %get3A_2205 = arith.constant 21 : i32
        %get3A_2206 = arith.index_cast %get3A_2205 : i32 to index
        %get3A_2207 = arith.index_cast %mul3A_2197 : i32 to index
        %get3A_2208 = tpu.vector_load %arg9[%get3A_2206, %get3A_2207] {strides = array<i32>} : memref<32x1000xf32, #tpu.memory_space<vmem>>, vector<16xf32>,
        %lt3A_2209 = arith.cmpf olt, %get3A_2208, %select_n3A_2175 : vector<16xf32>
        %select_n3A_2210 = arith.select %lt3A_2209, %get3A_2208, %select_n3A_2175 : vector<16xi1>, vector<16xf32>
        %select_n3A_2211 = arith.select %lt3A_2209, %add3A_2193, %select_n3A_2176 : vector<16xi1>, vector<16xi32>
        %get3A_2212 = arith.constant 22 : i32
        %get3A_2213 = arith.index_cast %get3A_2212 : i32 to index
        %get3A_2214 = arith.index_cast %mul3A_2197 : i32 to index
        %get3A_2215 = tpu.vector_load %arg9[%get3A_2213, %get3A_2214] {strides = array<i32>} : memref<32x1000xf32, #tpu.memory_space<vmem>>, vector<16xf32>,
        %lt3A_2216 = arith.cmpf olt, %get3A_2215, %select_n3A_2182 : vector<16xf32>
        %select_n3A_2217 = arith.select %lt3A_2216, %get3A_2215, %select_n3A_2182 : vector<16xi1>, vector<16xf32>
        %select_n3A_2218 = arith.select %lt3A_2216, %add3A_2193, %select_n3A_2183 : vector<16xi1>, vector<16xi32>
        %get3A_2219 = arith.constant 23 : i32
        %get3A_2220 = arith.index_cast %get3A_2219 : i32 to index
        %get3A_2221 = arith.index_cast %mul3A_2197 : i32 to index
        %get3A_2222 = tpu.vector_load %arg9[%get3A_2220, %get3A_2221] {strides = array<i32>} : memref<32x1000xf32, #tpu.memory_space<vmem>>, vector<16xf32>,
        %lt3A_2223 = arith.cmpf olt, %get3A_2222, %select_n3A_2189 : vector<16xf32>
        %select_n3A_2224 = arith.select %lt3A_2223, %get3A_2222, %select_n3A_2189 : vector<16xi1>, vector<16xf32>
        %select_n3A_2225 = arith.select %lt3A_2223, %add3A_2193, %select_n3A_2190 : vector<16xi1>, vector<16xi32>
        %add3A_2226 = arith.constant 16 : i32
        %add3A_2227 = vector.broadcast %add3A_2226 : i32 to vector<16xi32>
        %add3A_2228 = arith.addi %add3A_2193, %add3A_2227 : vector<16xi32>
        scf.yield %select_n3A_2203, %select_n3A_2210, %select_n3A_2217, %select_n3A_2224, %select_n3A_2204, %select_n3A_2211, %select_n3A_2218, %select_n3A_2225, %add3A_2228 : vector<16xf32>, vector<16xf32>, vector<16xf32>, vector<16xf32>, vector<16xi32>, vector<16xi32>, vector<16xi32>, vector<16xi32>, vector<16xi32>
      }
      %scan3A_1741 = arith.constant 62 : i32
      %get3A_1742 = arith.constant 20 : i32
      %get3A_1743 = arith.index_cast %get3A_1742 : i32 to index
      %get3A_1744 = arith.constant 984 : index
      %get3A_1745 = tpu.vector_load %arg9[%get3A_1743, %get3A_1744] {strides = array<i32>} : memref<32x1000xf32, #tpu.memory_space<vmem>>, vector<16xf32>,
      %lt3A_1746 = arith.cmpf olt, %get3A_1745, %scan3A_1740#0 : vector<16xf32>
      %select_n3A_1747 = arith.select %lt3A_1746, %get3A_1745, %scan3A_1740#0 : vector<16xi1>, vector<16xf32>
      %select_n3A_1748 = arith.select %lt3A_1746, %add3A_239, %scan3A_1740#4 : vector<16xi1>, vector<16xi32>
      %add3A_1749 = arith.constant 68 : i32
      %add3A_1750 = vector.broadcast %add3A_1749 : i32 to vector<16xi32>
      %add3A_1751 = arith.addi %iota3A, %add3A_1750 : vector<16xi32>
      tpu.vector_store_idx %arg11[%add3A_1751], %select_n3A_1747 : memref<272xf32, #tpu.memory_space<vmem>>[vector<16xi32>], vector<16xf32>,
      %add3A_1752 = arith.constant 68 : i32
      %add3A_1753 = vector.broadcast %add3A_1752 : i32 to vector<16xi32>
      %add3A_1754 = arith.addi %iota3A, %add3A_1753 : vector<16xi32>
      tpu.vector_store_idx %arg12[%add3A_1754], %select_n3A_1748 : memref<272xi32, #tpu.memory_space<vmem>>[vector<16xi32>], vector<16xi32>,
      %get3A_1755 = arith.constant 21 : i32
      %get3A_1756 = arith.index_cast %get3A_1755 : i32 to index
      %get3A_1757 = arith.constant 984 : index
      %get3A_1758 = tpu.vector_load %arg9[%get3A_1756, %get3A_1757] {strides = array<i32>} : memref<32x1000xf32, #tpu.memory_space<vmem>>, vector<16xf32>,
      %lt3A_1759 = arith.cmpf olt, %get3A_1758, %scan3A_1740#1 : vector<16xf32>
      %select_n3A_1760 = arith.select %lt3A_1759, %get3A_1758, %scan3A_1740#1 : vector<16xi1>, vector<16xf32>
      %select_n3A_1761 = arith.select %lt3A_1759, %add3A_239, %scan3A_1740#5 : vector<16xi1>, vector<16xi32>
      %add3A_1762 = arith.constant 85 : i32
      %add3A_1763 = vector.broadcast %add3A_1762 : i32 to vector<16xi32>
      %add3A_1764 = arith.addi %iota3A, %add3A_1763 : vector<16xi32>
      tpu.vector_store_idx %arg11[%add3A_1764], %select_n3A_1760 : memref<272xf32, #tpu.memory_space<vmem>>[vector<16xi32>], vector<16xf32>,
      %add3A_1765 = arith.constant 85 : i32
      %add3A_1766 = vector.broadcast %add3A_1765 : i32 to vector<16xi32>
      %add3A_1767 = arith.addi %iota3A, %add3A_1766 : vector<16xi32>
      tpu.vector_store_idx %arg12[%add3A_1767], %select_n3A_1761 : memref<272xi32, #tpu.memory_space<vmem>>[vector<16xi32>], vector<16xi32>,
      %get3A_1768 = arith.constant 22 : i32
      %get3A_1769 = arith.index_cast %get3A_1768 : i32 to index
      %get3A_1770 = arith.constant 984 : index
      %get3A_1771 = tpu.vector_load %arg9[%get3A_1769, %get3A_1770] {strides = array<i32>} : memref<32x1000xf32, #tpu.memory_space<vmem>>, vector<16xf32>,
      %lt3A_1772 = arith.cmpf olt, %get3A_1771, %scan3A_1740#2 : vector<16xf32>
      %select_n3A_1773 = arith.select %lt3A_1772, %get3A_1771, %scan3A_1740#2 : vector<16xi1>, vector<16xf32>
      %select_n3A_1774 = arith.select %lt3A_1772, %add3A_239, %scan3A_1740#6 : vector<16xi1>, vector<16xi32>
      %add3A_1775 = arith.constant 102 : i32
      %add3A_1776 = vector.broadcast %add3A_1775 : i32 to vector<16xi32>
      %add3A_1777 = arith.addi %iota3A, %add3A_1776 : vector<16xi32>
      tpu.vector_store_idx %arg11[%add3A_1777], %select_n3A_1773 : memref<272xf32, #tpu.memory_space<vmem>>[vector<16xi32>], vector<16xf32>,
      %add3A_1778 = arith.constant 102 : i32
      %add3A_1779 = vector.broadcast %add3A_1778 : i32 to vector<16xi32>
      %add3A_1780 = arith.addi %iota3A, %add3A_1779 : vector<16xi32>
      tpu.vector_store_idx %arg12[%add3A_1780], %select_n3A_1774 : memref<272xi32, #tpu.memory_space<vmem>>[vector<16xi32>], vector<16xi32>,
      %get3A_1781 = arith.constant 23 : i32
      %get3A_1782 = arith.index_cast %get3A_1781 : i32 to index
      %get3A_1783 = arith.constant 984 : index
      %get3A_1784 = tpu.vector_load %arg9[%get3A_1782, %get3A_1783] {strides = array<i32>} : memref<32x1000xf32, #tpu.memory_space<vmem>>, vector<16xf32>,
      %lt3A_1785 = arith.cmpf olt, %get3A_1784, %scan3A_1740#3 : vector<16xf32>
      %select_n3A_1786 = arith.select %lt3A_1785, %get3A_1784, %scan3A_1740#3 : vector<16xi1>, vector<16xf32>
      %select_n3A_1787 = arith.select %lt3A_1785, %add3A_239, %scan3A_1740#7 : vector<16xi1>, vector<16xi32>
      %add3A_1788 = arith.constant 119 : i32
      %add3A_1789 = vector.broadcast %add3A_1788 : i32 to vector<16xi32>
      %add3A_1790 = arith.addi %iota3A, %add3A_1789 : vector<16xi32>
      tpu.vector_store_idx %arg11[%add3A_1790], %select_n3A_1786 : memref<272xf32, #tpu.memory_space<vmem>>[vector<16xi32>], vector<16xf32>,
      %add3A_1791 = arith.constant 119 : i32
      %add3A_1792 = vector.broadcast %add3A_1791 : i32 to vector<16xi32>
      %add3A_1793 = arith.addi %iota3A, %add3A_1792 : vector<16xi32>
      tpu.vector_store_idx %arg12[%add3A_1793], %select_n3A_1787 : memref<272xi32, #tpu.memory_space<vmem>>[vector<16xi32>], vector<16xi32>,
      %scan3A_1794 = arith.constant 0 : i32
      %scan3A_1795 = arith.constant 62 : i32
      %scan3A_1796 = arith.addi %scan3A_1794, %scan3A_1795 : i32
      %scan3A_1797 = arith.constant 2 : i32
      %scan3A_1798:9 = scf.for %scan3A_2151 = %scan3A_1794 to %scan3A_1796 step %scan3A_1797 iter_args(%scan3A_2152 = %broadcast_in_dim3A_236, %scan3A_2153 = %broadcast_in_dim3A_236, %scan3A_2154 = %broadcast_in_dim3A_236, %scan3A_2155 = %broadcast_in_dim3A_236, %scan3A_2156 = %iota3A, %scan3A_2157 = %iota3A, %scan3A_2158 = %iota3A, %scan3A_2159 = %iota3A, %scan3A_2160 = %iota3A) -> (vector<16xf32>, vector<16xf32>, vector<16xf32>, vector<16xf32>, vector<16xi32>, vector<16xi32>, vector<16xi32>, vector<16xi32>, vector<16xi32>)  : i32 {
        %mul3A_2161 = arith.constant 16 : i32
        %mul3A_2162 = arith.muli %scan3A_2151, %mul3A_2161 : i32
        %get3A_2163 = arith.constant 24 : i32
        %get3A_2164 = arith.index_cast %get3A_2163 : i32 to index
        %get3A_2165 = arith.index_cast %mul3A_2162 : i32 to index
        %get3A_2166 = tpu.vector_load %arg9[%get3A_2164, %get3A_2165] {strides = array<i32>} : memref<32x1000xf32, #tpu.memory_space<vmem>>, vector<16xf32>,
        %lt3A_2167 = arith.cmpf olt, %get3A_2166, %scan3A_2152 : vector<16xf32>
        %select_n3A_2168 = arith.select %lt3A_2167, %get3A_2166, %scan3A_2152 : vector<16xi1>, vector<16xf32>
        %select_n3A_2169 = arith.select %lt3A_2167, %scan3A_2160, %scan3A_2156 : vector<16xi1>, vector<16xi32>
        %get3A_2170 = arith.constant 25 : i32
        %get3A_2171 = arith.index_cast %get3A_2170 : i32 to index
        %get3A_2172 = arith.index_cast %mul3A_2162 : i32 to index
        %get3A_2173 = tpu.vector_load %arg9[%get3A_2171, %get3A_2172] {strides = array<i32>} : memref<32x1000xf32, #tpu.memory_space<vmem>>, vector<16xf32>,
        %lt3A_2174 = arith.cmpf olt, %get3A_2173, %scan3A_2153 : vector<16xf32>
        %select_n3A_2175 = arith.select %lt3A_2174, %get3A_2173, %scan3A_2153 : vector<16xi1>, vector<16xf32>
        %select_n3A_2176 = arith.select %lt3A_2174, %scan3A_2160, %scan3A_2157 : vector<16xi1>, vector<16xi32>
        %get3A_2177 = arith.constant 26 : i32
        %get3A_2178 = arith.index_cast %get3A_2177 : i32 to index
        %get3A_2179 = arith.index_cast %mul3A_2162 : i32 to index
        %get3A_2180 = tpu.vector_load %arg9[%get3A_2178, %get3A_2179] {strides = array<i32>} : memref<32x1000xf32, #tpu.memory_space<vmem>>, vector<16xf32>,
        %lt3A_2181 = arith.cmpf olt, %get3A_2180, %scan3A_2154 : vector<16xf32>
        %select_n3A_2182 = arith.select %lt3A_2181, %get3A_2180, %scan3A_2154 : vector<16xi1>, vector<16xf32>
        %select_n3A_2183 = arith.select %lt3A_2181, %scan3A_2160, %scan3A_2158 : vector<16xi1>, vector<16xi32>
        %get3A_2184 = arith.constant 27 : i32
        %get3A_2185 = arith.index_cast %get3A_2184 : i32 to index
        %get3A_2186 = arith.index_cast %mul3A_2162 : i32 to index
        %get3A_2187 = tpu.vector_load %arg9[%get3A_2185, %get3A_2186] {strides = array<i32>} : memref<32x1000xf32, #tpu.memory_space<vmem>>, vector<16xf32>,
        %lt3A_2188 = arith.cmpf olt, %get3A_2187, %scan3A_2155 : vector<16xf32>
        %select_n3A_2189 = arith.select %lt3A_2188, %get3A_2187, %scan3A_2155 : vector<16xi1>, vector<16xf32>
        %select_n3A_2190 = arith.select %lt3A_2188, %scan3A_2160, %scan3A_2159 : vector<16xi1>, vector<16xi32>
        %add3A_2191 = arith.constant 16 : i32
        %add3A_2192 = vector.broadcast %add3A_2191 : i32 to vector<16xi32>
        %add3A_2193 = arith.addi %scan3A_2160, %add3A_2192 : vector<16xi32>
        %scan3A_2194 = arith.constant 1 : i32
        %scan3A_2195 = arith.addi %scan3A_2151, %scan3A_2194 : i32
        %mul3A_2196 = arith.constant 16 : i32
        %mul3A_2197 = arith.muli %scan3A_2195, %mul3A_2196 : i32
        %get3A_2198 = arith.constant 24 : i32
        %get3A_2199 = arith.index_cast %get3A_2198 : i32 to index
        %get3A_2200 = arith.index_cast %mul3A_2197 : i32 to index
        %get3A_2201 = tpu.vector_load %arg9[%get3A_2199, %get3A_2200] {strides = array<i32>} : memref<32x1000xf32, #tpu.memory_space<vmem>>, vector<16xf32>,
        %lt3A_2202 = arith.cmpf olt, %get3A_2201, %select_n3A_2168 : vector<16xf32>
        %select_n3A_2203 = arith.select %lt3A_2202, %get3A_2201, %select_n3A_2168 : vector<16xi1>, vector<16xf32>
        %select_n3A_2204 = arith.select %lt3A_2202, %add3A_2193, %select_n3A_2169 : vector<16xi1>, vector<16xi32>
        %get3A_2205 = arith.constant 25 : i32
        %get3A_2206 = arith.index_cast %get3A_2205 : i32 to index
        %get3A_2207 = arith.index_cast %mul3A_2197 : i32 to index
        %get3A_2208 = tpu.vector_load %arg9[%get3A_2206, %get3A_2207] {strides = array<i32>} : memref<32x1000xf32, #tpu.memory_space<vmem>>, vector<16xf32>,
        %lt3A_2209 = arith.cmpf olt, %get3A_2208, %select_n3A_2175 : vector<16xf32>
        %select_n3A_2210 = arith.select %lt3A_2209, %get3A_2208, %select_n3A_2175 : vector<16xi1>, vector<16xf32>
        %select_n3A_2211 = arith.select %lt3A_2209, %add3A_2193, %select_n3A_2176 : vector<16xi1>, vector<16xi32>
        %get3A_2212 = arith.constant 26 : i32
        %get3A_2213 = arith.index_cast %get3A_2212 : i32 to index
        %get3A_2214 = arith.index_cast %mul3A_2197 : i32 to index
        %get3A_2215 = tpu.vector_load %arg9[%get3A_2213, %get3A_2214] {strides = array<i32>} : memref<32x1000xf32, #tpu.memory_space<vmem>>, vector<16xf32>,
        %lt3A_2216 = arith.cmpf olt, %get3A_2215, %select_n3A_2182 : vector<16xf32>
        %select_n3A_2217 = arith.select %lt3A_2216, %get3A_2215, %select_n3A_2182 : vector<16xi1>, vector<16xf32>
        %select_n3A_2218 = arith.select %lt3A_2216, %add3A_2193, %select_n3A_2183 : vector<16xi1>, vector<16xi32>
        %get3A_2219 = arith.constant 27 : i32
        %get3A_2220 = arith.index_cast %get3A_2219 : i32 to index
        %get3A_2221 = arith.index_cast %mul3A_2197 : i32 to index
        %get3A_2222 = tpu.vector_load %arg9[%get3A_2220, %get3A_2221] {strides = array<i32>} : memref<32x1000xf32, #tpu.memory_space<vmem>>, vector<16xf32>,
        %lt3A_2223 = arith.cmpf olt, %get3A_2222, %select_n3A_2189 : vector<16xf32>
        %select_n3A_2224 = arith.select %lt3A_2223, %get3A_2222, %select_n3A_2189 : vector<16xi1>, vector<16xf32>
        %select_n3A_2225 = arith.select %lt3A_2223, %add3A_2193, %select_n3A_2190 : vector<16xi1>, vector<16xi32>
        %add3A_2226 = arith.constant 16 : i32
        %add3A_2227 = vector.broadcast %add3A_2226 : i32 to vector<16xi32>
        %add3A_2228 = arith.addi %add3A_2193, %add3A_2227 : vector<16xi32>
        scf.yield %select_n3A_2203, %select_n3A_2210, %select_n3A_2217, %select_n3A_2224, %select_n3A_2204, %select_n3A_2211, %select_n3A_2218, %select_n3A_2225, %add3A_2228 : vector<16xf32>, vector<16xf32>, vector<16xf32>, vector<16xf32>, vector<16xi32>, vector<16xi32>, vector<16xi32>, vector<16xi32>, vector<16xi32>
      }
      %scan3A_1799 = arith.constant 62 : i32
      %get3A_1800 = arith.constant 24 : i32
      %get3A_1801 = arith.index_cast %get3A_1800 : i32 to index
      %get3A_1802 = arith.constant 984 : index
      %get3A_1803 = tpu.vector_load %arg9[%get3A_1801, %get3A_1802] {strides = array<i32>} : memref<32x1000xf32, #tpu.memory_space<vmem>>, vector<16xf32>,
      %lt3A_1804 = arith.cmpf olt, %get3A_1803, %scan3A_1798#0 : vector<16xf32>
      %select_n3A_1805 = arith.select %lt3A_1804, %get3A_1803, %scan3A_1798#0 : vector<16xi1>, vector<16xf32>
      %select_n3A_1806 = arith.select %lt3A_1804, %add3A_239, %scan3A_1798#4 : vector<16xi1>, vector<16xi32>
      %add3A_1807 = arith.constant 136 : i32
      %add3A_1808 = vector.broadcast %add3A_1807 : i32 to vector<16xi32>
      %add3A_1809 = arith.addi %iota3A, %add3A_1808 : vector<16xi32>
      tpu.vector_store_idx %arg11[%add3A_1809], %select_n3A_1805 : memref<272xf32, #tpu.memory_space<vmem>>[vector<16xi32>], vector<16xf32>,
      %add3A_1810 = arith.constant 136 : i32
      %add3A_1811 = vector.broadcast %add3A_1810 : i32 to vector<16xi32>
      %add3A_1812 = arith.addi %iota3A, %add3A_1811 : vector<16xi32>
      tpu.vector_store_idx %arg12[%add3A_1812], %select_n3A_1806 : memref<272xi32, #tpu.memory_space<vmem>>[vector<16xi32>], vector<16xi32>,
      %get3A_1813 = arith.constant 25 : i32
      %get3A_1814 = arith.index_cast %get3A_1813 : i32 to index
      %get3A_1815 = arith.constant 984 : index
      %get3A_1816 = tpu.vector_load %arg9[%get3A_1814, %get3A_1815] {strides = array<i32>} : memref<32x1000xf32, #tpu.memory_space<vmem>>, vector<16xf32>,
      %lt3A_1817 = arith.cmpf olt, %get3A_1816, %scan3A_1798#1 : vector<16xf32>
      %select_n3A_1818 = arith.select %lt3A_1817, %get3A_1816, %scan3A_1798#1 : vector<16xi1>, vector<16xf32>
      %select_n3A_1819 = arith.select %lt3A_1817, %add3A_239, %scan3A_1798#5 : vector<16xi1>, vector<16xi32>
      %add3A_1820 = arith.constant 153 : i32
      %add3A_1821 = vector.broadcast %add3A_1820 : i32 to vector<16xi32>
      %add3A_1822 = arith.addi %iota3A, %add3A_1821 : vector<16xi32>
      tpu.vector_store_idx %arg11[%add3A_1822], %select_n3A_1818 : memref<272xf32, #tpu.memory_space<vmem>>[vector<16xi32>], vector<16xf32>,
      %add3A_1823 = arith.constant 153 : i32
      %add3A_1824 = vector.broadcast %add3A_1823 : i32 to vector<16xi32>
      %add3A_1825 = arith.addi %iota3A, %add3A_1824 : vector<16xi32>
      tpu.vector_store_idx %arg12[%add3A_1825], %select_n3A_1819 : memref<272xi32, #tpu.memory_space<vmem>>[vector<16xi32>], vector<16xi32>,
      %get3A_1826 = arith.constant 26 : i32
      %get3A_1827 = arith.index_cast %get3A_1826 : i32 to index
      %get3A_1828 = arith.constant 984 : index
      %get3A_1829 = tpu.vector_load %arg9[%get3A_1827, %get3A_1828] {strides = array<i32>} : memref<32x1000xf32, #tpu.memory_space<vmem>>, vector<16xf32>,
      %lt3A_1830 = arith.cmpf olt, %get3A_1829, %scan3A_1798#2 : vector<16xf32>
      %select_n3A_1831 = arith.select %lt3A_1830, %get3A_1829, %scan3A_1798#2 : vector<16xi1>, vector<16xf32>
      %select_n3A_1832 = arith.select %lt3A_1830, %add3A_239, %scan3A_1798#6 : vector<16xi1>, vector<16xi32>
      %add3A_1833 = arith.constant 170 : i32
      %add3A_1834 = vector.broadcast %add3A_1833 : i32 to vector<16xi32>
      %add3A_1835 = arith.addi %iota3A, %add3A_1834 : vector<16xi32>
      tpu.vector_store_idx %arg11[%add3A_1835], %select_n3A_1831 : memref<272xf32, #tpu.memory_space<vmem>>[vector<16xi32>], vector<16xf32>,
      %add3A_1836 = arith.constant 170 : i32
      %add3A_1837 = vector.broadcast %add3A_1836 : i32 to vector<16xi32>
      %add3A_1838 = arith.addi %iota3A, %add3A_1837 : vector<16xi32>
      tpu.vector_store_idx %arg12[%add3A_1838], %select_n3A_1832 : memref<272xi32, #tpu.memory_space<vmem>>[vector<16xi32>], vector<16xi32>,
      %get3A_1839 = arith.constant 27 : i32
      %get3A_1840 = arith.index_cast %get3A_1839 : i32 to index
      %get3A_1841 = arith.constant 984 : index
      %get3A_1842 = tpu.vector_load %arg9[%get3A_1840, %get3A_1841] {strides = array<i32>} : memref<32x1000xf32, #tpu.memory_space<vmem>>, vector<16xf32>,
      %lt3A_1843 = arith.cmpf olt, %get3A_1842, %scan3A_1798#3 : vector<16xf32>
      %select_n3A_1844 = arith.select %lt3A_1843, %get3A_1842, %scan3A_1798#3 : vector<16xi1>, vector<16xf32>
      %select_n3A_1845 = arith.select %lt3A_1843, %add3A_239, %scan3A_1798#7 : vector<16xi1>, vector<16xi32>
      %add3A_1846 = arith.constant 187 : i32
      %add3A_1847 = vector.broadcast %add3A_1846 : i32 to vector<16xi32>
      %add3A_1848 = arith.addi %iota3A, %add3A_1847 : vector<16xi32>
      tpu.vector_store_idx %arg11[%add3A_1848], %select_n3A_1844 : memref<272xf32, #tpu.memory_space<vmem>>[vector<16xi32>], vector<16xf32>,
      %add3A_1849 = arith.constant 187 : i32
      %add3A_1850 = vector.broadcast %add3A_1849 : i32 to vector<16xi32>
      %add3A_1851 = arith.addi %iota3A, %add3A_1850 : vector<16xi32>
      tpu.vector_store_idx %arg12[%add3A_1851], %select_n3A_1845 : memref<272xi32, #tpu.memory_space<vmem>>[vector<16xi32>], vector<16xi32>,
      %scan3A_1852 = arith.constant 0 : i32
      %scan3A_1853 = arith.constant 62 : i32
      %scan3A_1854 = arith.addi %scan3A_1852, %scan3A_1853 : i32
      %scan3A_1855 = arith.constant 2 : i32
      %scan3A_1856:9 = scf.for %scan3A_2151 = %scan3A_1852 to %scan3A_1854 step %scan3A_1855 iter_args(%scan3A_2152 = %broadcast_in_dim3A_236, %scan3A_2153 = %broadcast_in_dim3A_236, %scan3A_2154 = %broadcast_in_dim3A_236, %scan3A_2155 = %broadcast_in_dim3A_236, %scan3A_2156 = %iota3A, %scan3A_2157 = %iota3A, %scan3A_2158 = %iota3A, %scan3A_2159 = %iota3A, %scan3A_2160 = %iota3A) -> (vector<16xf32>, vector<16xf32>, vector<16xf32>, vector<16xf32>, vector<16xi32>, vector<16xi32>, vector<16xi32>, vector<16xi32>, vector<16xi32>)  : i32 {
        %mul3A_2161 = arith.constant 16 : i32
        %mul3A_2162 = arith.muli %scan3A_2151, %mul3A_2161 : i32
        %get3A_2163 = arith.constant 28 : i32
        %get3A_2164 = arith.index_cast %get3A_2163 : i32 to index
        %get3A_2165 = arith.index_cast %mul3A_2162 : i32 to index
        %get3A_2166 = tpu.vector_load %arg9[%get3A_2164, %get3A_2165] {strides = array<i32>} : memref<32x1000xf32, #tpu.memory_space<vmem>>, vector<16xf32>,
        %lt3A_2167 = arith.cmpf olt, %get3A_2166, %scan3A_2152 : vector<16xf32>
        %select_n3A_2168 = arith.select %lt3A_2167, %get3A_2166, %scan3A_2152 : vector<16xi1>, vector<16xf32>
        %select_n3A_2169 = arith.select %lt3A_2167, %scan3A_2160, %scan3A_2156 : vector<16xi1>, vector<16xi32>
        %get3A_2170 = arith.constant 29 : i32
        %get3A_2171 = arith.index_cast %get3A_2170 : i32 to index
        %get3A_2172 = arith.index_cast %mul3A_2162 : i32 to index
        %get3A_2173 = tpu.vector_load %arg9[%get3A_2171, %get3A_2172] {strides = array<i32>} : memref<32x1000xf32, #tpu.memory_space<vmem>>, vector<16xf32>,
        %lt3A_2174 = arith.cmpf olt, %get3A_2173, %scan3A_2153 : vector<16xf32>
        %select_n3A_2175 = arith.select %lt3A_2174, %get3A_2173, %scan3A_2153 : vector<16xi1>, vector<16xf32>
        %select_n3A_2176 = arith.select %lt3A_2174, %scan3A_2160, %scan3A_2157 : vector<16xi1>, vector<16xi32>
        %get3A_2177 = arith.constant 30 : i32
        %get3A_2178 = arith.index_cast %get3A_2177 : i32 to index
        %get3A_2179 = arith.index_cast %mul3A_2162 : i32 to index
        %get3A_2180 = tpu.vector_load %arg9[%get3A_2178, %get3A_2179] {strides = array<i32>} : memref<32x1000xf32, #tpu.memory_space<vmem>>, vector<16xf32>,
        %lt3A_2181 = arith.cmpf olt, %get3A_2180, %scan3A_2154 : vector<16xf32>
        %select_n3A_2182 = arith.select %lt3A_2181, %get3A_2180, %scan3A_2154 : vector<16xi1>, vector<16xf32>
        %select_n3A_2183 = arith.select %lt3A_2181, %scan3A_2160, %scan3A_2158 : vector<16xi1>, vector<16xi32>
        %get3A_2184 = arith.constant 31 : i32
        %get3A_2185 = arith.index_cast %get3A_2184 : i32 to index
        %get3A_2186 = arith.index_cast %mul3A_2162 : i32 to index
        %get3A_2187 = tpu.vector_load %arg9[%get3A_2185, %get3A_2186] {strides = array<i32>} : memref<32x1000xf32, #tpu.memory_space<vmem>>, vector<16xf32>,
        %lt3A_2188 = arith.cmpf olt, %get3A_2187, %scan3A_2155 : vector<16xf32>
        %select_n3A_2189 = arith.select %lt3A_2188, %get3A_2187, %scan3A_2155 : vector<16xi1>, vector<16xf32>
        %select_n3A_2190 = arith.select %lt3A_2188, %scan3A_2160, %scan3A_2159 : vector<16xi1>, vector<16xi32>
        %add3A_2191 = arith.constant 16 : i32
        %add3A_2192 = vector.broadcast %add3A_2191 : i32 to vector<16xi32>
        %add3A_2193 = arith.addi %scan3A_2160, %add3A_2192 : vector<16xi32>
        %scan3A_2194 = arith.constant 1 : i32
        %scan3A_2195 = arith.addi %scan3A_2151, %scan3A_2194 : i32
        %mul3A_2196 = arith.constant 16 : i32
        %mul3A_2197 = arith.muli %scan3A_2195, %mul3A_2196 : i32
        %get3A_2198 = arith.constant 28 : i32
        %get3A_2199 = arith.index_cast %get3A_2198 : i32 to index
        %get3A_2200 = arith.index_cast %mul3A_2197 : i32 to index
        %get3A_2201 = tpu.vector_load %arg9[%get3A_2199, %get3A_2200] {strides = array<i32>} : memref<32x1000xf32, #tpu.memory_space<vmem>>, vector<16xf32>,
        %lt3A_2202 = arith.cmpf olt, %get3A_2201, %select_n3A_2168 : vector<16xf32>
        %select_n3A_2203 = arith.select %lt3A_2202, %get3A_2201, %select_n3A_2168 : vector<16xi1>, vector<16xf32>
        %select_n3A_2204 = arith.select %lt3A_2202, %add3A_2193, %select_n3A_2169 : vector<16xi1>, vector<16xi32>
        %get3A_2205 = arith.constant 29 : i32
        %get3A_2206 = arith.index_cast %get3A_2205 : i32 to index
        %get3A_2207 = arith.index_cast %mul3A_2197 : i32 to index
        %get3A_2208 = tpu.vector_load %arg9[%get3A_2206, %get3A_2207] {strides = array<i32>} : memref<32x1000xf32, #tpu.memory_space<vmem>>, vector<16xf32>,
        %lt3A_2209 = arith.cmpf olt, %get3A_2208, %select_n3A_2175 : vector<16xf32>
        %select_n3A_2210 = arith.select %lt3A_2209, %get3A_2208, %select_n3A_2175 : vector<16xi1>, vector<16xf32>
        %select_n3A_2211 = arith.select %lt3A_2209, %add3A_2193, %select_n3A_2176 : vector<16xi1>, vector<16xi32>
        %get3A_2212 = arith.constant 30 : i32
        %get3A_2213 = arith.index_cast %get3A_2212 : i32 to index
        %get3A_2214 = arith.index_cast %mul3A_2197 : i32 to index
        %get3A_2215 = tpu.vector_load %arg9[%get3A_2213, %get3A_2214] {strides = array<i32>} : memref<32x1000xf32, #tpu.memory_space<vmem>>, vector<16xf32>,
        %lt3A_2216 = arith.cmpf olt, %get3A_2215, %select_n3A_2182 : vector<16xf32>
        %select_n3A_2217 = arith.select %lt3A_2216, %get3A_2215, %select_n3A_2182 : vector<16xi1>, vector<16xf32>
        %select_n3A_2218 = arith.select %lt3A_2216, %add3A_2193, %select_n3A_2183 : vector<16xi1>, vector<16xi32>
        %get3A_2219 = arith.constant 31 : i32
        %get3A_2220 = arith.index_cast %get3A_2219 : i32 to index
        %get3A_2221 = arith.index_cast %mul3A_2197 : i32 to index
        %get3A_2222 = tpu.vector_load %arg9[%get3A_2220, %get3A_2221] {strides = array<i32>} : memref<32x1000xf32, #tpu.memory_space<vmem>>, vector<16xf32>,
        %lt3A_2223 = arith.cmpf olt, %get3A_2222, %select_n3A_2189 : vector<16xf32>
        %select_n3A_2224 = arith.select %lt3A_2223, %get3A_2222, %select_n3A_2189 : vector<16xi1>, vector<16xf32>
        %select_n3A_2225 = arith.select %lt3A_2223, %add3A_2193, %select_n3A_2190 : vector<16xi1>, vector<16xi32>
        %add3A_2226 = arith.constant 16 : i32
        %add3A_2227 = vector.broadcast %add3A_2226 : i32 to vector<16xi32>
        %add3A_2228 = arith.addi %add3A_2193, %add3A_2227 : vector<16xi32>
        scf.yield %select_n3A_2203, %select_n3A_2210, %select_n3A_2217, %select_n3A_2224, %select_n3A_2204, %select_n3A_2211, %select_n3A_2218, %select_n3A_2225, %add3A_2228 : vector<16xf32>, vector<16xf32>, vector<16xf32>, vector<16xf32>, vector<16xi32>, vector<16xi32>, vector<16xi32>, vector<16xi32>, vector<16xi32>
      }
      %scan3A_1857 = arith.constant 62 : i32
      %get3A_1858 = arith.constant 28 : i32
      %get3A_1859 = arith.index_cast %get3A_1858 : i32 to index
      %get3A_1860 = arith.constant 984 : index
      %get3A_1861 = tpu.vector_load %arg9[%get3A_1859, %get3A_1860] {strides = array<i32>} : memref<32x1000xf32, #tpu.memory_space<vmem>>, vector<16xf32>,
      %lt3A_1862 = arith.cmpf olt, %get3A_1861, %scan3A_1856#0 : vector<16xf32>
      %select_n3A_1863 = arith.select %lt3A_1862, %get3A_1861, %scan3A_1856#0 : vector<16xi1>, vector<16xf32>
      %select_n3A_1864 = arith.select %lt3A_1862, %add3A_239, %scan3A_1856#4 : vector<16xi1>, vector<16xi32>
      %add3A_1865 = arith.constant 204 : i32
      %add3A_1866 = vector.broadcast %add3A_1865 : i32 to vector<16xi32>
      %add3A_1867 = arith.addi %iota3A, %add3A_1866 : vector<16xi32>
      tpu.vector_store_idx %arg11[%add3A_1867], %select_n3A_1863 : memref<272xf32, #tpu.memory_space<vmem>>[vector<16xi32>], vector<16xf32>,
      %add3A_1868 = arith.constant 204 : i32
      %add3A_1869 = vector.broadcast %add3A_1868 : i32 to vector<16xi32>
      %add3A_1870 = arith.addi %iota3A, %add3A_1869 : vector<16xi32>
      tpu.vector_store_idx %arg12[%add3A_1870], %select_n3A_1864 : memref<272xi32, #tpu.memory_space<vmem>>[vector<16xi32>], vector<16xi32>,
      %get3A_1871 = arith.constant 29 : i32
      %get3A_1872 = arith.index_cast %get3A_1871 : i32 to index
      %get3A_1873 = arith.constant 984 : index
      %get3A_1874 = tpu.vector_load %arg9[%get3A_1872, %get3A_1873] {strides = array<i32>} : memref<32x1000xf32, #tpu.memory_space<vmem>>, vector<16xf32>,
      %lt3A_1875 = arith.cmpf olt, %get3A_1874, %scan3A_1856#1 : vector<16xf32>
      %select_n3A_1876 = arith.select %lt3A_1875, %get3A_1874, %scan3A_1856#1 : vector<16xi1>, vector<16xf32>
      %select_n3A_1877 = arith.select %lt3A_1875, %add3A_239, %scan3A_1856#5 : vector<16xi1>, vector<16xi32>
      %add3A_1878 = arith.constant 221 : i32
      %add3A_1879 = vector.broadcast %add3A_1878 : i32 to vector<16xi32>
      %add3A_1880 = arith.addi %iota3A, %add3A_1879 : vector<16xi32>
      tpu.vector_store_idx %arg11[%add3A_1880], %select_n3A_1876 : memref<272xf32, #tpu.memory_space<vmem>>[vector<16xi32>], vector<16xf32>,
      %add3A_1881 = arith.constant 221 : i32
      %add3A_1882 = vector.broadcast %add3A_1881 : i32 to vector<16xi32>
      %add3A_1883 = arith.addi %iota3A, %add3A_1882 : vector<16xi32>
      tpu.vector_store_idx %arg12[%add3A_1883], %select_n3A_1877 : memref<272xi32, #tpu.memory_space<vmem>>[vector<16xi32>], vector<16xi32>,
      %get3A_1884 = arith.constant 30 : i32
      %get3A_1885 = arith.index_cast %get3A_1884 : i32 to index
      %get3A_1886 = arith.constant 984 : index
      %get3A_1887 = tpu.vector_load %arg9[%get3A_1885, %get3A_1886] {strides = array<i32>} : memref<32x1000xf32, #tpu.memory_space<vmem>>, vector<16xf32>,
      %lt3A_1888 = arith.cmpf olt, %get3A_1887, %scan3A_1856#2 : vector<16xf32>
      %select_n3A_1889 = arith.select %lt3A_1888, %get3A_1887, %scan3A_1856#2 : vector<16xi1>, vector<16xf32>
      %select_n3A_1890 = arith.select %lt3A_1888, %add3A_239, %scan3A_1856#6 : vector<16xi1>, vector<16xi32>
      %add3A_1891 = arith.constant 238 : i32
      %add3A_1892 = vector.broadcast %add3A_1891 : i32 to vector<16xi32>
      %add3A_1893 = arith.addi %iota3A, %add3A_1892 : vector<16xi32>
      tpu.vector_store_idx %arg11[%add3A_1893], %select_n3A_1889 : memref<272xf32, #tpu.memory_space<vmem>>[vector<16xi32>], vector<16xf32>,
      %add3A_1894 = arith.constant 238 : i32
      %add3A_1895 = vector.broadcast %add3A_1894 : i32 to vector<16xi32>
      %add3A_1896 = arith.addi %iota3A, %add3A_1895 : vector<16xi32>
      tpu.vector_store_idx %arg12[%add3A_1896], %select_n3A_1890 : memref<272xi32, #tpu.memory_space<vmem>>[vector<16xi32>], vector<16xi32>,
      %get3A_1897 = arith.constant 31 : i32
      %get3A_1898 = arith.index_cast %get3A_1897 : i32 to index
      %get3A_1899 = arith.constant 984 : index
      %get3A_1900 = tpu.vector_load %arg9[%get3A_1898, %get3A_1899] {strides = array<i32>} : memref<32x1000xf32, #tpu.memory_space<vmem>>, vector<16xf32>,
      %lt3A_1901 = arith.cmpf olt, %get3A_1900, %scan3A_1856#3 : vector<16xf32>
      %select_n3A_1902 = arith.select %lt3A_1901, %get3A_1900, %scan3A_1856#3 : vector<16xi1>, vector<16xf32>
      %select_n3A_1903 = arith.select %lt3A_1901, %add3A_239, %scan3A_1856#7 : vector<16xi1>, vector<16xi32>
      %add3A_1904 = arith.constant 255 : i32
      %add3A_1905 = vector.broadcast %add3A_1904 : i32 to vector<16xi32>
      %add3A_1906 = arith.addi %iota3A, %add3A_1905 : vector<16xi32>
      tpu.vector_store_idx %arg11[%add3A_1906], %select_n3A_1902 : memref<272xf32, #tpu.memory_space<vmem>>[vector<16xi32>], vector<16xf32>,
      %add3A_1907 = arith.constant 255 : i32
      %add3A_1908 = vector.broadcast %add3A_1907 : i32 to vector<16xi32>
      %add3A_1909 = arith.addi %iota3A, %add3A_1908 : vector<16xi32>
      tpu.vector_store_idx %arg12[%add3A_1909], %select_n3A_1903 : memref<272xi32, #tpu.memory_space<vmem>>[vector<16xi32>], vector<16xi32>,
      %gather3A_1910 = tpu.vector_load_idx %arg11[%mul3A_234] : memref<272xf32, #tpu.memory_space<vmem>>[vector<16xi32>], vector<16xf32>,
      %gather3A_1911 = tpu.vector_load_idx %arg12[%mul3A_234] : memref<272xi32, #tpu.memory_space<vmem>>[vector<16xi32>], vector<16xi32>,
      %add3A_1912 = arith.constant 1 : i32
      %add3A_1913 = vector.broadcast %add3A_1912 : i32 to vector<16xi32>
      %add3A_1914 = arith.addi %mul3A_234, %add3A_1913 : vector<16xi32>
      %gather3A_1915 = tpu.vector_load_idx %arg11[%add3A_1914] : memref<272xf32, #tpu.memory_space<vmem>>[vector<16xi32>], vector<16xf32>,
      %add3A_1916 = arith.constant 1 : i32
      %add3A_1917 = vector.broadcast %add3A_1916 : i32 to vector<16xi32>
      %add3A_1918 = arith.addi %mul3A_234, %add3A_1917 : vector<16xi32>
      %gather3A_1919 = tpu.vector_load_idx %arg12[%add3A_1918] : memref<272xi32, #tpu.memory_space<vmem>>[vector<16xi32>], vector<16xi32>,
      %lt3A_1920 = arith.cmpf olt, %gather3A_1915, %gather3A_1910 : vector<16xf32>
      %eq3A_1921 = arith.cmpf oeq, %gather3A_1915, %gather3A_1910 : vector<16xf32>
      %lt3A_1922 = arith.cmpi slt, %gather3A_1919, %gather3A_1911 : vector<16xi32>
      %and3A_1923 = arith.andi %eq3A_1921, %lt3A_1922 : vector<16xi1>
      %or3A_1924 = arith.ori %lt3A_1920, %and3A_1923 : vector<16xi1>
      %select_n3A_1925 = arith.select %or3A_1924, %gather3A_1915, %gather3A_1910 : vector<16xi1>, vector<16xf32>
      %select_n3A_1926 = arith.select %or3A_1924, %gather3A_1919, %gather3A_1911 : vector<16xi1>, vector<16xi32>
      %add3A_1927 = arith.constant 2 : i32
      %add3A_1928 = vector.broadcast %add3A_1927 : i32 to vector<16xi32>
      %add3A_1929 = arith.addi %mul3A_234, %add3A_1928 : vector<16xi32>
      %gather3A_1930 = tpu.vector_load_idx %arg11[%add3A_1929] : memref<272xf32, #tpu.memory_space<vmem>>[vector<16xi32>], vector<16xf32>,
      %add3A_1931 = arith.constant 2 : i32
      %add3A_1932 = vector.broadcast %add3A_1931 : i32 to vector<16xi32>
      %add3A_1933 = arith.addi %mul3A_234, %add3A_1932 : vector<16xi32>
      %gather3A_1934 = tpu.vector_load_idx %arg12[%add3A_1933] : memref<272xi32, #tpu.memory_space<vmem>>[vector<16xi32>], vector<16xi32>,
      %lt3A_1935 = arith.cmpf olt, %gather3A_1930, %select_n3A_1925 : vector<16xf32>
      %eq3A_1936 = arith.cmpf oeq, %gather3A_1930, %select_n3A_1925 : vector<16xf32>
      %lt3A_1937 = arith.cmpi slt, %gather3A_1934, %select_n3A_1926 : vector<16xi32>
      %and3A_1938 = arith.andi %eq3A_1936, %lt3A_1937 : vector<16xi1>
      %or3A_1939 = arith.ori %lt3A_1935, %and3A_1938 : vector<16xi1>
      %select_n3A_1940 = arith.select %or3A_1939, %gather3A_1930, %select_n3A_1925 : vector<16xi1>, vector<16xf32>
      %select_n3A_1941 = arith.select %or3A_1939, %gather3A_1934, %select_n3A_1926 : vector<16xi1>, vector<16xi32>
      %add3A_1942 = arith.constant 3 : i32
      %add3A_1943 = vector.broadcast %add3A_1942 : i32 to vector<16xi32>
      %add3A_1944 = arith.addi %mul3A_234, %add3A_1943 : vector<16xi32>
      %gather3A_1945 = tpu.vector_load_idx %arg11[%add3A_1944] : memref<272xf32, #tpu.memory_space<vmem>>[vector<16xi32>], vector<16xf32>,
      %add3A_1946 = arith.constant 3 : i32
      %add3A_1947 = vector.broadcast %add3A_1946 : i32 to vector<16xi32>
      %add3A_1948 = arith.addi %mul3A_234, %add3A_1947 : vector<16xi32>
      %gather3A_1949 = tpu.vector_load_idx %arg12[%add3A_1948] : memref<272xi32, #tpu.memory_space<vmem>>[vector<16xi32>], vector<16xi32>,
      %lt3A_1950 = arith.cmpf olt, %gather3A_1945, %select_n3A_1940 : vector<16xf32>
      %eq3A_1951 = arith.cmpf oeq, %gather3A_1945, %select_n3A_1940 : vector<16xf32>
      %lt3A_1952 = arith.cmpi slt, %gather3A_1949, %select_n3A_1941 : vector<16xi32>
      %and3A_1953 = arith.andi %eq3A_1951, %lt3A_1952 : vector<16xi1>
      %or3A_1954 = arith.ori %lt3A_1950, %and3A_1953 : vector<16xi1>
      %select_n3A_1955 = arith.select %or3A_1954, %gather3A_1945, %select_n3A_1940 : vector<16xi1>, vector<16xf32>
      %select_n3A_1956 = arith.select %or3A_1954, %gather3A_1949, %select_n3A_1941 : vector<16xi1>, vector<16xi32>
      %add3A_1957 = arith.constant 4 : i32
      %add3A_1958 = vector.broadcast %add3A_1957 : i32 to vector<16xi32>
      %add3A_1959 = arith.addi %mul3A_234, %add3A_1958 : vector<16xi32>
      %gather3A_1960 = tpu.vector_load_idx %arg11[%add3A_1959] : memref<272xf32, #tpu.memory_space<vmem>>[vector<16xi32>], vector<16xf32>,
      %add3A_1961 = arith.constant 4 : i32
      %add3A_1962 = vector.broadcast %add3A_1961 : i32 to vector<16xi32>
      %add3A_1963 = arith.addi %mul3A_234, %add3A_1962 : vector<16xi32>
      %gather3A_1964 = tpu.vector_load_idx %arg12[%add3A_1963] : memref<272xi32, #tpu.memory_space<vmem>>[vector<16xi32>], vector<16xi32>,
      %lt3A_1965 = arith.cmpf olt, %gather3A_1960, %select_n3A_1955 : vector<16xf32>
      %eq3A_1966 = arith.cmpf oeq, %gather3A_1960, %select_n3A_1955 : vector<16xf32>
      %lt3A_1967 = arith.cmpi slt, %gather3A_1964, %select_n3A_1956 : vector<16xi32>
      %and3A_1968 = arith.andi %eq3A_1966, %lt3A_1967 : vector<16xi1>
      %or3A_1969 = arith.ori %lt3A_1965, %and3A_1968 : vector<16xi1>
      %select_n3A_1970 = arith.select %or3A_1969, %gather3A_1960, %select_n3A_1955 : vector<16xi1>, vector<16xf32>
      %select_n3A_1971 = arith.select %or3A_1969, %gather3A_1964, %select_n3A_1956 : vector<16xi1>, vector<16xi32>
      %add3A_1972 = arith.constant 5 : i32
      %add3A_1973 = vector.broadcast %add3A_1972 : i32 to vector<16xi32>
      %add3A_1974 = arith.addi %mul3A_234, %add3A_1973 : vector<16xi32>
      %gather3A_1975 = tpu.vector_load_idx %arg11[%add3A_1974] : memref<272xf32, #tpu.memory_space<vmem>>[vector<16xi32>], vector<16xf32>,
      %add3A_1976 = arith.constant 5 : i32
      %add3A_1977 = vector.broadcast %add3A_1976 : i32 to vector<16xi32>
      %add3A_1978 = arith.addi %mul3A_234, %add3A_1977 : vector<16xi32>
      %gather3A_1979 = tpu.vector_load_idx %arg12[%add3A_1978] : memref<272xi32, #tpu.memory_space<vmem>>[vector<16xi32>], vector<16xi32>,
      %lt3A_1980 = arith.cmpf olt, %gather3A_1975, %select_n3A_1970 : vector<16xf32>
      %eq3A_1981 = arith.cmpf oeq, %gather3A_1975, %select_n3A_1970 : vector<16xf32>
      %lt3A_1982 = arith.cmpi slt, %gather3A_1979, %select_n3A_1971 : vector<16xi32>
      %and3A_1983 = arith.andi %eq3A_1981, %lt3A_1982 : vector<16xi1>
      %or3A_1984 = arith.ori %lt3A_1980, %and3A_1983 : vector<16xi1>
      %select_n3A_1985 = arith.select %or3A_1984, %gather3A_1975, %select_n3A_1970 : vector<16xi1>, vector<16xf32>
      %select_n3A_1986 = arith.select %or3A_1984, %gather3A_1979, %select_n3A_1971 : vector<16xi1>, vector<16xi32>
      %add3A_1987 = arith.constant 6 : i32
      %add3A_1988 = vector.broadcast %add3A_1987 : i32 to vector<16xi32>
      %add3A_1989 = arith.addi %mul3A_234, %add3A_1988 : vector<16xi32>
      %gather3A_1990 = tpu.vector_load_idx %arg11[%add3A_1989] : memref<272xf32, #tpu.memory_space<vmem>>[vector<16xi32>], vector<16xf32>,
      %add3A_1991 = arith.constant 6 : i32
      %add3A_1992 = vector.broadcast %add3A_1991 : i32 to vector<16xi32>
      %add3A_1993 = arith.addi %mul3A_234, %add3A_1992 : vector<16xi32>
      %gather3A_1994 = tpu.vector_load_idx %arg12[%add3A_1993] : memref<272xi32, #tpu.memory_space<vmem>>[vector<16xi32>], vector<16xi32>,
      %lt3A_1995 = arith.cmpf olt, %gather3A_1990, %select_n3A_1985 : vector<16xf32>
      %eq3A_1996 = arith.cmpf oeq, %gather3A_1990, %select_n3A_1985 : vector<16xf32>
      %lt3A_1997 = arith.cmpi slt, %gather3A_1994, %select_n3A_1986 : vector<16xi32>
      %and3A_1998 = arith.andi %eq3A_1996, %lt3A_1997 : vector<16xi1>
      %or3A_1999 = arith.ori %lt3A_1995, %and3A_1998 : vector<16xi1>
      %select_n3A_2000 = arith.select %or3A_1999, %gather3A_1990, %select_n3A_1985 : vector<16xi1>, vector<16xf32>
      %select_n3A_2001 = arith.select %or3A_1999, %gather3A_1994, %select_n3A_1986 : vector<16xi1>, vector<16xi32>
      %add3A_2002 = arith.constant 7 : i32
      %add3A_2003 = vector.broadcast %add3A_2002 : i32 to vector<16xi32>
      %add3A_2004 = arith.addi %mul3A_234, %add3A_2003 : vector<16xi32>
      %gather3A_2005 = tpu.vector_load_idx %arg11[%add3A_2004] : memref<272xf32, #tpu.memory_space<vmem>>[vector<16xi32>], vector<16xf32>,
      %add3A_2006 = arith.constant 7 : i32
      %add3A_2007 = vector.broadcast %add3A_2006 : i32 to vector<16xi32>
      %add3A_2008 = arith.addi %mul3A_234, %add3A_2007 : vector<16xi32>
      %gather3A_2009 = tpu.vector_load_idx %arg12[%add3A_2008] : memref<272xi32, #tpu.memory_space<vmem>>[vector<16xi32>], vector<16xi32>,
      %lt3A_2010 = arith.cmpf olt, %gather3A_2005, %select_n3A_2000 : vector<16xf32>
      %eq3A_2011 = arith.cmpf oeq, %gather3A_2005, %select_n3A_2000 : vector<16xf32>
      %lt3A_2012 = arith.cmpi slt, %gather3A_2009, %select_n3A_2001 : vector<16xi32>
      %and3A_2013 = arith.andi %eq3A_2011, %lt3A_2012 : vector<16xi1>
      %or3A_2014 = arith.ori %lt3A_2010, %and3A_2013 : vector<16xi1>
      %select_n3A_2015 = arith.select %or3A_2014, %gather3A_2005, %select_n3A_2000 : vector<16xi1>, vector<16xf32>
      %select_n3A_2016 = arith.select %or3A_2014, %gather3A_2009, %select_n3A_2001 : vector<16xi1>, vector<16xi32>
      %add3A_2017 = arith.constant 8 : i32
      %add3A_2018 = vector.broadcast %add3A_2017 : i32 to vector<16xi32>
      %add3A_2019 = arith.addi %mul3A_234, %add3A_2018 : vector<16xi32>
      %gather3A_2020 = tpu.vector_load_idx %arg11[%add3A_2019] : memref<272xf32, #tpu.memory_space<vmem>>[vector<16xi32>], vector<16xf32>,
      %add3A_2021 = arith.constant 8 : i32
      %add3A_2022 = vector.broadcast %add3A_2021 : i32 to vector<16xi32>
      %add3A_2023 = arith.addi %mul3A_234, %add3A_2022 : vector<16xi32>
      %gather3A_2024 = tpu.vector_load_idx %arg12[%add3A_2023] : memref<272xi32, #tpu.memory_space<vmem>>[vector<16xi32>], vector<16xi32>,
      %lt3A_2025 = arith.cmpf olt, %gather3A_2020, %select_n3A_2015 : vector<16xf32>
      %eq3A_2026 = arith.cmpf oeq, %gather3A_2020, %select_n3A_2015 : vector<16xf32>
      %lt3A_2027 = arith.cmpi slt, %gather3A_2024, %select_n3A_2016 : vector<16xi32>
      %and3A_2028 = arith.andi %eq3A_2026, %lt3A_2027 : vector<16xi1>
      %or3A_2029 = arith.ori %lt3A_2025, %and3A_2028 : vector<16xi1>
      %select_n3A_2030 = arith.select %or3A_2029, %gather3A_2020, %select_n3A_2015 : vector<16xi1>, vector<16xf32>
      %select_n3A_2031 = arith.select %or3A_2029, %gather3A_2024, %select_n3A_2016 : vector<16xi1>, vector<16xi32>
      %add3A_2032 = arith.constant 9 : i32
      %add3A_2033 = vector.broadcast %add3A_2032 : i32 to vector<16xi32>
      %add3A_2034 = arith.addi %mul3A_234, %add3A_2033 : vector<16xi32>
      %gather3A_2035 = tpu.vector_load_idx %arg11[%add3A_2034] : memref<272xf32, #tpu.memory_space<vmem>>[vector<16xi32>], vector<16xf32>,
      %add3A_2036 = arith.constant 9 : i32
      %add3A_2037 = vector.broadcast %add3A_2036 : i32 to vector<16xi32>
      %add3A_2038 = arith.addi %mul3A_234, %add3A_2037 : vector<16xi32>
      %gather3A_2039 = tpu.vector_load_idx %arg12[%add3A_2038] : memref<272xi32, #tpu.memory_space<vmem>>[vector<16xi32>], vector<16xi32>,
      %lt3A_2040 = arith.cmpf olt, %gather3A_2035, %select_n3A_2030 : vector<16xf32>
      %eq3A_2041 = arith.cmpf oeq, %gather3A_2035, %select_n3A_2030 : vector<16xf32>
      %lt3A_2042 = arith.cmpi slt, %gather3A_2039, %select_n3A_2031 : vector<16xi32>
      %and3A_2043 = arith.andi %eq3A_2041, %lt3A_2042 : vector<16xi1>
      %or3A_2044 = arith.ori %lt3A_2040, %and3A_2043 : vector<16xi1>
      %select_n3A_2045 = arith.select %or3A_2044, %gather3A_2035, %select_n3A_2030 : vector<16xi1>, vector<16xf32>
      %select_n3A_2046 = arith.select %or3A_2044, %gather3A_2039, %select_n3A_2031 : vector<16xi1>, vector<16xi32>
      %add3A_2047 = arith.constant 10 : i32
      %add3A_2048 = vector.broadcast %add3A_2047 : i32 to vector<16xi32>
      %add3A_2049 = arith.addi %mul3A_234, %add3A_2048 : vector<16xi32>
      %gather3A_2050 = tpu.vector_load_idx %arg11[%add3A_2049] : memref<272xf32, #tpu.memory_space<vmem>>[vector<16xi32>], vector<16xf32>,
      %add3A_2051 = arith.constant 10 : i32
      %add3A_2052 = vector.broadcast %add3A_2051 : i32 to vector<16xi32>
      %add3A_2053 = arith.addi %mul3A_234, %add3A_2052 : vector<16xi32>
      %gather3A_2054 = tpu.vector_load_idx %arg12[%add3A_2053] : memref<272xi32, #tpu.memory_space<vmem>>[vector<16xi32>], vector<16xi32>,
      %lt3A_2055 = arith.cmpf olt, %gather3A_2050, %select_n3A_2045 : vector<16xf32>
      %eq3A_2056 = arith.cmpf oeq, %gather3A_2050, %select_n3A_2045 : vector<16xf32>
      %lt3A_2057 = arith.cmpi slt, %gather3A_2054, %select_n3A_2046 : vector<16xi32>
      %and3A_2058 = arith.andi %eq3A_2056, %lt3A_2057 : vector<16xi1>
      %or3A_2059 = arith.ori %lt3A_2055, %and3A_2058 : vector<16xi1>
      %select_n3A_2060 = arith.select %or3A_2059, %gather3A_2050, %select_n3A_2045 : vector<16xi1>, vector<16xf32>
      %select_n3A_2061 = arith.select %or3A_2059, %gather3A_2054, %select_n3A_2046 : vector<16xi1>, vector<16xi32>
      %add3A_2062 = arith.constant 11 : i32
      %add3A_2063 = vector.broadcast %add3A_2062 : i32 to vector<16xi32>
      %add3A_2064 = arith.addi %mul3A_234, %add3A_2063 : vector<16xi32>
      %gather3A_2065 = tpu.vector_load_idx %arg11[%add3A_2064] : memref<272xf32, #tpu.memory_space<vmem>>[vector<16xi32>], vector<16xf32>,
      %add3A_2066 = arith.constant 11 : i32
      %add3A_2067 = vector.broadcast %add3A_2066 : i32 to vector<16xi32>
      %add3A_2068 = arith.addi %mul3A_234, %add3A_2067 : vector<16xi32>
      %gather3A_2069 = tpu.vector_load_idx %arg12[%add3A_2068] : memref<272xi32, #tpu.memory_space<vmem>>[vector<16xi32>], vector<16xi32>,
      %lt3A_2070 = arith.cmpf olt, %gather3A_2065, %select_n3A_2060 : vector<16xf32>
      %eq3A_2071 = arith.cmpf oeq, %gather3A_2065, %select_n3A_2060 : vector<16xf32>
      %lt3A_2072 = arith.cmpi slt, %gather3A_2069, %select_n3A_2061 : vector<16xi32>
      %and3A_2073 = arith.andi %eq3A_2071, %lt3A_2072 : vector<16xi1>
      %or3A_2074 = arith.ori %lt3A_2070, %and3A_2073 : vector<16xi1>
      %select_n3A_2075 = arith.select %or3A_2074, %gather3A_2065, %select_n3A_2060 : vector<16xi1>, vector<16xf32>
      %select_n3A_2076 = arith.select %or3A_2074, %gather3A_2069, %select_n3A_2061 : vector<16xi1>, vector<16xi32>
      %add3A_2077 = arith.constant 12 : i32
      %add3A_2078 = vector.broadcast %add3A_2077 : i32 to vector<16xi32>
      %add3A_2079 = arith.addi %mul3A_234, %add3A_2078 : vector<16xi32>
      %gather3A_2080 = tpu.vector_load_idx %arg11[%add3A_2079] : memref<272xf32, #tpu.memory_space<vmem>>[vector<16xi32>], vector<16xf32>,
      %add3A_2081 = arith.constant 12 : i32
      %add3A_2082 = vector.broadcast %add3A_2081 : i32 to vector<16xi32>
      %add3A_2083 = arith.addi %mul3A_234, %add3A_2082 : vector<16xi32>
      %gather3A_2084 = tpu.vector_load_idx %arg12[%add3A_2083] : memref<272xi32, #tpu.memory_space<vmem>>[vector<16xi32>], vector<16xi32>,
      %lt3A_2085 = arith.cmpf olt, %gather3A_2080, %select_n3A_2075 : vector<16xf32>
      %eq3A_2086 = arith.cmpf oeq, %gather3A_2080, %select_n3A_2075 : vector<16xf32>
      %lt3A_2087 = arith.cmpi slt, %gather3A_2084, %select_n3A_2076 : vector<16xi32>
      %and3A_2088 = arith.andi %eq3A_2086, %lt3A_2087 : vector<16xi1>
      %or3A_2089 = arith.ori %lt3A_2085, %and3A_2088 : vector<16xi1>
      %select_n3A_2090 = arith.select %or3A_2089, %gather3A_2080, %select_n3A_2075 : vector<16xi1>, vector<16xf32>
      %select_n3A_2091 = arith.select %or3A_2089, %gather3A_2084, %select_n3A_2076 : vector<16xi1>, vector<16xi32>
      %add3A_2092 = arith.constant 13 : i32
      %add3A_2093 = vector.broadcast %add3A_2092 : i32 to vector<16xi32>
      %add3A_2094 = arith.addi %mul3A_234, %add3A_2093 : vector<16xi32>
      %gather3A_2095 = tpu.vector_load_idx %arg11[%add3A_2094] : memref<272xf32, #tpu.memory_space<vmem>>[vector<16xi32>], vector<16xf32>,
      %add3A_2096 = arith.constant 13 : i32
      %add3A_2097 = vector.broadcast %add3A_2096 : i32 to vector<16xi32>
      %add3A_2098 = arith.addi %mul3A_234, %add3A_2097 : vector<16xi32>
      %gather3A_2099 = tpu.vector_load_idx %arg12[%add3A_2098] : memref<272xi32, #tpu.memory_space<vmem>>[vector<16xi32>], vector<16xi32>,
      %lt3A_2100 = arith.cmpf olt, %gather3A_2095, %select_n3A_2090 : vector<16xf32>
      %eq3A_2101 = arith.cmpf oeq, %gather3A_2095, %select_n3A_2090 : vector<16xf32>
      %lt3A_2102 = arith.cmpi slt, %gather3A_2099, %select_n3A_2091 : vector<16xi32>
      %and3A_2103 = arith.andi %eq3A_2101, %lt3A_2102 : vector<16xi1>
      %or3A_2104 = arith.ori %lt3A_2100, %and3A_2103 : vector<16xi1>
      %select_n3A_2105 = arith.select %or3A_2104, %gather3A_2095, %select_n3A_2090 : vector<16xi1>, vector<16xf32>
      %select_n3A_2106 = arith.select %or3A_2104, %gather3A_2099, %select_n3A_2091 : vector<16xi1>, vector<16xi32>
      %add3A_2107 = arith.constant 14 : i32
      %add3A_2108 = vector.broadcast %add3A_2107 : i32 to vector<16xi32>
      %add3A_2109 = arith.addi %mul3A_234, %add3A_2108 : vector<16xi32>
      %gather3A_2110 = tpu.vector_load_idx %arg11[%add3A_2109] : memref<272xf32, #tpu.memory_space<vmem>>[vector<16xi32>], vector<16xf32>,
      %add3A_2111 = arith.constant 14 : i32
      %add3A_2112 = vector.broadcast %add3A_2111 : i32 to vector<16xi32>
      %add3A_2113 = arith.addi %mul3A_234, %add3A_2112 : vector<16xi32>
      %gather3A_2114 = tpu.vector_load_idx %arg12[%add3A_2113] : memref<272xi32, #tpu.memory_space<vmem>>[vector<16xi32>], vector<16xi32>,
      %lt3A_2115 = arith.cmpf olt, %gather3A_2110, %select_n3A_2105 : vector<16xf32>
      %eq3A_2116 = arith.cmpf oeq, %gather3A_2110, %select_n3A_2105 : vector<16xf32>
      %lt3A_2117 = arith.cmpi slt, %gather3A_2114, %select_n3A_2106 : vector<16xi32>
      %and3A_2118 = arith.andi %eq3A_2116, %lt3A_2117 : vector<16xi1>
      %or3A_2119 = arith.ori %lt3A_2115, %and3A_2118 : vector<16xi1>
      %select_n3A_2120 = arith.select %or3A_2119, %gather3A_2110, %select_n3A_2105 : vector<16xi1>, vector<16xf32>
      %select_n3A_2121 = arith.select %or3A_2119, %gather3A_2114, %select_n3A_2106 : vector<16xi1>, vector<16xi32>
      %add3A_2122 = arith.constant 15 : i32
      %add3A_2123 = vector.broadcast %add3A_2122 : i32 to vector<16xi32>
      %add3A_2124 = arith.addi %mul3A_234, %add3A_2123 : vector<16xi32>
      %gather3A_2125 = tpu.vector_load_idx %arg11[%add3A_2124] : memref<272xf32, #tpu.memory_space<vmem>>[vector<16xi32>], vector<16xf32>,
      %add3A_2126 = arith.constant 15 : i32
      %add3A_2127 = vector.broadcast %add3A_2126 : i32 to vector<16xi32>
      %add3A_2128 = arith.addi %mul3A_234, %add3A_2127 : vector<16xi32>
      %gather3A_2129 = tpu.vector_load_idx %arg12[%add3A_2128] : memref<272xi32, #tpu.memory_space<vmem>>[vector<16xi32>], vector<16xi32>,
      %lt3A_2130 = arith.cmpf olt, %gather3A_2125, %select_n3A_2120 : vector<16xf32>
      %eq3A_2131 = arith.cmpf oeq, %gather3A_2125, %select_n3A_2120 : vector<16xf32>
      %lt3A_2132 = arith.cmpi slt, %gather3A_2129, %select_n3A_2121 : vector<16xi32>
      %and3A_2133 = arith.andi %eq3A_2131, %lt3A_2132 : vector<16xi1>
      %or3A_2134 = arith.ori %lt3A_2130, %and3A_2133 : vector<16xi1>
      %select_n3A_2135 = arith.select %or3A_2134, %gather3A_2125, %select_n3A_2120 : vector<16xi1>, vector<16xf32>
      %select_n3A_2136 = arith.select %or3A_2134, %gather3A_2129, %select_n3A_2121 : vector<16xi1>, vector<16xi32>
      %gather3A_2137 = tpu.vector_load_idx %arg6[%select_n3A_2136] : memref<1024xi32, #tpu.memory_space<vmem>>[vector<16xi32>], vector<16xi32>,
      %lt3A_2138 = arith.cmpf olt, %select_n3A_2135, %get3A_1 : vector<16xf32>
      %select_n3A_2139 = arith.select %lt3A_2138, %gather3A_2137, %add3A_231 : vector<16xi1>, vector<16xi32>
      %mul3A_2140 = arith.constant 32 : i32
      %mul3A_2141 = arith.muli %add3A_1209, %mul3A_2140 : i32
      %add3A_2142 = arith.constant 16 : i32
      %add3A_2143 = arith.addi %mul3A_2141, %add3A_2142 : i32
      %swap3A_2144 = arith.index_cast %add3A_2143 : i32 to index
      %swap3A_2145 = tpu.vector_load %arg10[%swap3A_2144] {strides = array<i32>} : memref<512xi32, #tpu.memory_space<vmem>>, vector<16xi32>,
      tpu.vector_store %arg10[%swap3A_2144], %select_n3A_2139 {strides = array<i32>} : memref<512xi32, #tpu.memory_space<vmem>>, vector<16xi32>,
      %lt3A_2146 = arith.constant 7 : i32
      %lt3A_2147 = arith.cmpi slt, %scan3A_260, %lt3A_2146 : i32
      %convert_element_type3A_2148 = arith.extui %lt3A_2147 : i1 to i32
      %cond3A_2149 = arith.constant 0 : i32
      %cond3A_2150 = arith.cmpi ne, %convert_element_type3A_2148, %cond3A_2149 : i32
      scf.if %cond3A_2150 {
        %add3A_2151 = arith.constant 3 : i32
        %add3A_2152 = arith.addi %mul3A_262, %add3A_2151 : i32
        %mul3A_2153 = arith.constant 32 : i32
        %mul3A_2154 = arith.muli %add3A_2152, %mul3A_2153 : i32
        %add3A_2155 = arith.addi %mul3A_241, %mul3A_2154 : i32
        %dma_start3A_2156 = arith.constant 0 : i32
        %dma_start3A_2157 = tpu.memref_slice %arg2[%add3A_2155, %dma_start3A_2156] : memref<16384x1000xf32, #tpu.memory_space<hbm>> -> memref<32x1000xf32, #tpu.memory_space<hbm>>
        %dma_start3A_2158 = arith.constant 0 : i32
        %dma_start3A_2159 = tpu.memref_slice %arg2[%add3A_2155, %dma_start3A_2158] : memref<16384x1000xf32, #tpu.memory_space<hbm>> -> memref<32x1000xf32, #tpu.memory_space<hbm>>
        tpu.enqueue_dma source(%dma_start3A_2159 : memref<32x1000xf32, #tpu.memory_space<hbm>>) target(%arg9 : memref<32x1000xf32, #tpu.memory_space<vmem>>) target_semaphore(%arg14 : memref<!tpu.dma_semaphore, #tpu.memory_space<semaphore_mem>>)
      } else {
      }
    }
    %scan3A_257 = arith.constant 8 : i32
    %mul3A_258 = arith.constant 512 : i32
    %mul3A_259 = arith.muli %add3A, %mul3A_258 : i32
    "tpu.region"() ({
      %run_scoped3A = tpu.sem_alloc : memref<!tpu.dma_semaphore, #tpu.memory_space<semaphore_mem>>
      %dma_start3A_260 = tpu.memref_slice %arg5[%mul3A_259] : memref<16384xi32, #tpu.memory_space<hbm>> -> memref<512xi32, #tpu.memory_space<hbm>>
      %dma_start3A_261 = tpu.memref_slice %arg5[%mul3A_259] : memref<16384xi32, #tpu.memory_space<hbm>> -> memref<512xi32, #tpu.memory_space<hbm>>
      tpu.enqueue_dma source(%arg10 : memref<512xi32, #tpu.memory_space<vmem>>) target(%dma_start3A_261 : memref<512xi32, #tpu.memory_space<hbm>>) target_semaphore(%run_scoped3A : memref<!tpu.dma_semaphore, #tpu.memory_space<semaphore_mem>>)
      %dma_wait3A = tpu.memref_slice %arg5[%mul3A_259] : memref<16384xi32, #tpu.memory_space<hbm>> -> memref<512xi32, #tpu.memory_space<hbm>>
      %dma_wait3A_262 = tpu.memref_slice %arg5[%mul3A_259] : memref<16384xi32, #tpu.memory_space<hbm>> -> memref<512xi32, #tpu.memory_space<hbm>>
      tpu.wait_dma2 semaphore(%run_scoped3A : memref<!tpu.dma_semaphore, #tpu.memory_space<semaphore_mem>>) src(%arg10 : memref<512xi32, #tpu.memory_space<vmem>>) dst(%dma_wait3A_262 : memref<512xi32, #tpu.memory_space<hbm>>)
      tpu.yield
    }) : () -> ()
    return
  }
}

</mosaic_0001>

<sc_bundles>
// kernel: kernel.3.cloned.1.call-start
scs
__scs_entry_jumppad:
0x0: {  	(pc) =	sbr.rel $0x88, $3  }
0x1: {  	(tag) =	ssettag $0x0;
	lr =	simm.s32 $0x1  }
0x2: {  	[smem:$0x3F9E] =	sst lr;
	_ =	strace $0xD0000000  }
0x3: {  	_ = 	snop  }
0x4: {  	_ = 	snop  }
0x5: {  	_ = 	snop  }
0x6: {  	_ = 	snop  }
0x7: {  	_ = 	snop  }
__scs_overlays_trampoline_lowered:
0x8: {  	[smem:$0x3FAD] =	sst s0  }
0x9: {  	[smem:$0x3FAE] =	sst s1  }
0xa: {  	[smem:$0x3FAF] =	sst s2  }
0xb: {  	[smem:$0x3FB0] =	sst s3  }
0xc: {  	[smem:$0x3FB1] =	sst s4  }
0xd: {  	[smem:$0x3FB2] =	sst s5  }
0xe: {  	[smem:$0x3FB3] =	sst s6  }
0xf: {  	[smem:$0x3FB4] =	sst s7  }
0x10: {  	[smem:$0x3FB5] =	sst s8  }
0x11: {  	[smem:$0x3FB6] =	sst s9;
	s0 =	simm.s32 @!p0 $0x0  }
0x12: {  	s1 =	sld [smem:$0x3F9C];
	s0 =	simm.s32 @p0 $0x1  }
0x13: {  	[smem:$0x3FB7] =	sst s0;
	s0 =	simm.s32 @!p1 $0x0  }
0x14: {  	s2 =	sld [smem:$0x3F9B];
	s0 =	simm.s32 @p1 $0x1  }
0x15: {  	[smem:$0x3FB8] =	sst s0;
	s0 =	simm.s32 @!p2 $0x0  }
0x16: {  	s3 =	sld [smem:$0x3FDB];
	s0 =	simm.s32 @p2 $0x1  }
0x17: {  	s4 =	simm.s32 $0x1BF5;
	[smem:$0x3FBA] =	sst s0  }
0x18: {  	s0 =	sld [smem:$0x3F9D];
	_ =	swait.ge [sflag:s4], $0x0  }
0x19: {  	s7 =	sld [smem:$0x3F9E]  }
0x1a: {  	s8 =	sadd.s32 $0xFFFFE003, lr  }
0x1b: {  	s9 =	sadd.s32 $0xFFFFFEF7, lr;
	s5 =	simm.s32 $0xFFFFFFFF;
	p2 =	slt.u32 s8, $0xFFFFF086  }
0x1c: {  	p1 =	slt.u32 s9, $0xF7A;
	s5 =	simm.s32 @!p2 $0x0  }
0x1d: {  	s5 =	simm.s32 @p1 $0x1;
	p0 =	seq.s32 s7, s2  }
0x1e: {  	s7 =	smul.u32 @!p0 $0xF7A, s2;
	p2 =	seq.s32 @!p0 s5, $0x0  }
0x1f: {  	s9 =	smul.u32 $0xF7A, s1;
	s8 =	simm.s32 @!p0 $0x1BF5;
	p2 =	por !p2, p0  }
0x20: {  	[sflag:s8] =	ssyncset.s32 @!p0 $0xFFFFF086;
	s6 =	sadd.s32 @!p0 s3, s7;
	s7 =	simm.s32 @!p0 $0x108  }
0x21: {  	s3 =	sadd.s32 s3, s9;
	s6 =	sadd.s32 @!p0 $0x88, s6;
	s7 =	simm.s32 @p2 $0x1082  }
0x22: {  	[simem:s7], [sflag:s8] =	dma.local @!p0 [hbm:s6], $0xF7A  }
0x23: {  	s9 =	sor.u32 $0xD0000000, s2;
	s6 =	simm.s32 $0x108;
	_ =	swait.ge @!p0 [sflag:s8], $0x0  }
0x24: {  	s3 =	sadd.s32 $0x88, s3;
	s6 =	simm.s32 @!p1 $0x1082;
	[sflag:s4] =	ssyncset.s32 $0xFFFFF086  }
0x25: {  	[simem:s6], [sflag:s4] =	dma.local [hbm:s3], $0xF7A  }
0x26: {  	[smem:$0x3F9E] =	sst s1;
	(tag) =	ssettag s2;
	_ =	strace s9  }
0x27: {  	s1 =	sld [smem:$0x3FAE]  }
0x28: {  	s2 =	sld [smem:$0x3FAF]  }
0x29: {  	s4 =	sld [smem:$0x3FB1]  }
0x2a: {  	p0 =	seq.s32 s5, $0x0;
	s5 =	sld [smem:$0x3FB2]  }
0x2b: {  	s6 =	sld [smem:$0x3FB3]  }
0x2c: {  	s7 =	sld [smem:$0x3FB4]  }
0x2d: {  	s3 =	simm.s32 $0x108;
	s8 =	sld [smem:$0x3FB5]  }
0x2e: {  	s3 =	simm.s32 @!p0 $0x1082;
	s9 =	sld [smem:$0x3FB6]  }
0x2f: {  	lr =	sadd.s32 s0, s3;
	s0 =	sld [smem:$0x3FAD]  }
0x30: {  	s3 =	sld [smem:$0x3FB0]  }
0x31: {  	[smem:$0x3FB9] =	sst s10  }
0x32: {  	s10 =	sld [smem:$0x3FB7];
	_ =	sdelay $0x3  }
0x33: {  	p0 =	seq.s32 s10, $0x1;
	s10 =	sld [smem:$0x3FB9];
	_ =	sdelay $0x3  }
0x34: {  	[smem:$0x3FB9] =	sst s10  }
0x35: {  	s10 =	sld [smem:$0x3FB8];
	_ =	sdelay $0x3  }
0x36: {  	p1 =	seq.s32 s10, $0x1;
	s10 =	sld [smem:$0x3FB9];
	_ =	sdelay $0x3  }
0x37: {  	[smem:$0x3FB9] =	sst s10  }
0x38: {  	s10 =	sld [smem:$0x3FBA]  }
0x39: {  	_ = 	snop;
	(pc) =	sbr.ind lr, $3  }
0x3a: {  	_ = 	snop  }
0x3b: {  	_ = 	snop  }
0x3c: {  	p2 =	seq.s32 s10, $0x1;
	s10 =	sld [smem:$0x3FB9]  }
0x3d: {  	_ =	shalt  }
0x3e: {  	_ =	shalt  }
0x3f: {  	_ =	shalt  }
0x40: {  	_ =	shalt  }
0x41: {  	_ =	shalt  }
0x42: {  	_ =	shalt  }
0x43: {  	_ =	shalt  }
0x44: {  	_ =	shalt  }
0x45: {  	_ =	shalt  }
0x46: {  	_ =	shalt  }
0x47: {  	_ =	shalt  }
0x48: {  	_ =	shalt  }
0x49: {  	_ =	shalt  }
0x4a: {  	_ =	shalt  }
0x4b: {  	_ =	shalt  }
0x4c: {  	_ =	shalt  }
0x4d: {  	_ =	shalt  }
0x4e: {  	_ =	shalt  }
0x4f: {  	_ =	shalt  }
0x50: {  	_ =	shalt  }
0x51: {  	_ =	shalt  }
0x52: {  	_ =	shalt  }
0x53: {  	_ =	shalt  }
0x54: {  	_ =	shalt  }
0x55: {  	_ =	shalt  }
0x56: {  	_ =	shalt  }
0x57: {  	_ =	shalt  }
0x58: {  	_ =	shalt  }
0x59: {  	_ =	shalt  }
0x5a: {  	_ =	shalt  }
0x5b: {  	_ =	shalt  }
0x5c: {  	_ =	shalt  }
0x5d: {  	_ =	shalt  }
0x5e: {  	_ =	shalt  }
0x5f: {  	_ =	shalt  }
0x60: {  	_ =	shalt  }
0x61: {  	_ =	shalt  }
0x62: {  	_ =	shalt  }
0x63: {  	_ =	shalt  }
0x64: {  	_ =	shalt  }
0x65: {  	_ =	shalt  }
0x66: {  	_ =	shalt  }
0x67: {  	_ =	shalt  }
0x68: {  	_ =	shalt  }
0x69: {  	_ =	shalt  }
0x6a: {  	_ =	shalt  }
0x6b: {  	_ =	shalt  }
0x6c: {  	_ =	shalt  }
0x6d: {  	_ =	shalt  }
0x6e: {  	_ =	shalt  }
0x6f: {  	_ =	shalt  }
0x70: {  	_ =	shalt  }
0x71: {  	_ =	shalt  }
0x72: {  	_ =	shalt  }
0x73: {  	_ =	shalt  }
0x74: {  	_ =	shalt  }
0x75: {  	_ =	shalt  }
0x76: {  	_ =	shalt  }
0x77: {  	_ =	shalt  }
0x78: {  	_ =	shalt  }
0x79: {  	_ =	shalt  }
0x7a: {  	_ =	shalt  }
0x7b: {  	_ =	shalt  }
0x7c: {  	_ =	shalt  }
0x7d: {  	_ =	shalt  }
0x7e: {  	_ =	shalt  }
0x7f: {  	_ =	shalt  }
0x80: {  	_ =	shalt  }
0x81: {  	_ =	shalt  }
0x82: {  	_ =	shalt  }
0x83: {  	_ =	shalt  }
0x84: {  	_ =	shalt  }
0x85: {  	_ =	shalt  }
0x86: {  	_ =	shalt  }
0x87: {  	_ =	shalt  }
.Lfunc_end0:
.L_simem_size_0:
called_computation_lowered:
.L_overlay_start_0:
0x88: {  	s2 =	sld [smem:$0x3FD9]  }
0x89: {  	s3 =	sld [smem:$0x3FFE];
	_ =	sdelay $0x1  }
0x8a: {  	s1 =	srdreg.scid  }
0x8b: {  	s0 =	sand.u32 $0x1, s1  }
0x8c: {  	s17 =	sshll.u32 s0, $0xA;
	s2 =	sadd.s32 s3, s2  }
0x8d: {  	s2 =	sadd.s32 s2, s17  }
0x8e: {  	[smem:$0x3FC5] =	sst s2  }
0x8f: {  	_ = 	snop  }
0x90: {  	s2 =	sld [smem:$0x3FD0];
	(tm) =	ssettm $0x1  }
0x91: {  	s18 =	sld [smem:$0x3FFB];
	_ =	sdelay $0x3  }
0x92: {  	_ =	strace s18  }
0x93: {  	s3 =	sld [smem:$0x3FFC];
	_ =	sdelay $0x3  }
0x94: {  	_ =	strace s3  }
0x95: {  	s3 =	sld [smem:$0x3FFD];
	_ =	sdelay $0x3  }
0x96: {  	_ =	strace s3  }
0x97: {  	_ =	strace $0x8FFFFFFF  }
0x98: {  	s19 =	sld [smem:$0x3FDB];
	_ =	sdelay $0x1  }
0x99: {  	s4 =	simm.s32 $_scs_section_size  }
0x9a: {  	s5 =	simm.s32 $_size__tile_overlayer_lowered;
	s6 =	simm.s32 $_tile_overlayer_lowered  }
0x9b: {  	s22 =	simm.s32 $0x1BFF;
	s21 =	sshll.u32 s6, $0x1;
	s3 =	sadd.s32 s4, s19  }
0x9c: {  	s7 =	simm.s32 $0x0;
	s20 =	sshll.u32 s5, $0x1;
	s5 =	sadd.s32 s21, s3  }
0x9d: {  	[timem:s7], [sflag:s22] =	dma.local [hbm:s5], s20  }
0x9e: {  	_ =	swait.ge [sflag:s22], s20  }
0x9f: {  	s4 =	ssub.s32 $0x0, s20;
	[sflag:s22] =	ssyncset.done $0x0  }
0xa0: {  	[sflag:s22] =	ssyncadd.s32 s4;
	_ =	sdelay $0x1  }
0xa1: {  	s23 =	simm.s32 $0x1B8B  }
0xa2: {  	_ =	swait.ge [sflag:s23], $0x1  }
0xa3: {  	[sflag:s23] =	ssyncset.done $0x0  }
0xa4: {  	s25 =	simm.s32 $0x1B8E;
	s24 =	sld [smem:$0x3FFE];
	[sflag:s23] =	ssyncadd.s32 $0xFFFFFFFF  }
0xa5: {  	s26 =	simm.s32 $execute0_lowered;
	[smem:$0x3FD2] =	sst s25  }
0xa6: {  	s5 =	sshll.u32 s26, $0x1;
	_ =	strace $0x80000046;
	[dreg:$0x1] =	wrdreg $0xFFFFFFFF  }
0xa7: {  	s28 =	simm.s32 $_size_execute0_lowered;
	s3 =	sadd.s32 s3, s5;
	[dreg:$0x0] =	wrdreg $0x0  }
0xa8: {  	s5 =	sshll.u32 s28, $0x1;
	[dreg:$0x2] =	wrdreg s3  }
0xa9: {  	[dreg:$0x3] =	wrdreg s5  }
0xaa: {  	[dreg:$0x4] =	wrdreg $0xC0  }
0xab: {  	_ =	task [dreg:s7], $0x5FFFF  }
0xac: {  	[dreg:$0x1] =	wrdreg $0xFFFFFFFF  }
0xad: {  	[dreg:$0x0] =	wrdreg $0x60  }
0xae: {  	[dreg:$0x2] =	wrdreg s24  }
0xaf: {  	[dreg:$0x3] =	wrdreg s2  }
0xb0: {  	[dreg:$0x4] =	wrdreg $0x9  }
0xb1: {  	_ =	task.clear_ibuf [dreg:s7], $0x5FFFF;
	_ =	strace $0x90000046  }
0xb2: {  	s29 =	simm.s32 $0x9;
	_ =	strace $0x80000048  }
0xb3: {  	_ =	swait.ge [sflag:s29], $0x1  }
0xb4: {  	[sflag:s29] =	ssyncadd.s32 $0xFFFFFFFF  }
0xb5: {  	_ =	strace $0x90000048  }
0xb6: {  	_ =	sfence  }
0xb7: {  	s30 =	sld [smem:$0x0];
	_ =	sdelay $0x2  }
0xb8: {  	s31 =	sshll.u32 s1, $0xD;
	s1 =	sshrl.u32 s1, $0x2  }
0xb9: {  	s3 =	sand.u32 $0x4000, s31;
	s1 =	sadd.s32 s1, s30  }
0xba: {  	s0 =	sor.u32 s3, s0;
	s1 =	sshll.u32 s1, $0x11  }
0xbb: {  	s0 =	sor.u32 s1, s0  }
0xbc: {  	s0 =	sadd.s32 $0x8F2B, s0  }
0xbd: {  	[sflag:s0] =	ssyncadd.remote.s32 $0x1  }
0xbe: {  	_ =	sfence.sel $0xFFFF  }
0xbf: {  	[dreg:$0x0] =	wrdreg $0xFFFFFFFF;
	(pc) =	sbr.abs _section_cstart, $3  }
0xc0: {  	[dreg:$0x1] =	wrdreg $0xFFFFFFFF  }
0xc1: {  	_ =	task.clear_ibuf [dreg:s7], $0x2FFFF;
	_ =	strace $0x9FFFFFFF  }
0xc2: {  	(tm) =	ssettm $0x7FFFFFFF  }
0xc3: {  	_ =	shalt  }
tec
execute0_lowered:
.L_overlay_start_1:
0x0: {  	(tag) =	ssettag $0x1  }
0x1: {  	s6 =	rddreg [dreg:$0x0]  }
0x2: {  	s10 =	rddreg [dreg:$0x1];
	v0 =	vimm.s32 $0xFEDCBA98;
	s3 =	srdreg.scid  }
0x3: {  	s2 =	simm.s32 $0x0;
	s0 =	stileid.u32;
	v1 =	vimm.s32 $0x76543210;
	v2 =	vimm.s32 $0x3210FEDC;
	s13 =	simm.s32 $0x400  }
0x4: {  	v3 =	vimm.s32 $0xBA987654;
	v4 =	vimm.s32 $0x10FEDCBA;
	s14 =	simm.s32 $0x480;
	s15 =	simm.s32 $0x8480;
	s16 =	simm.s32 $0x1  }
0x5: {  	v5 =	vimm.s32 $0x98765432;
	v6 =	vimm.s32 $0xFEDCBA9;
	s17 =	simm.s32 $0x10680;
	s18 =	simm.s32 $0x10800;
	s19 =	simm.s32 $0x2  }
0x6: {  	v7 =	vimm.s32 $0x87654321;
	s20 =	simm.s32 $0x10480;
	s21 =	simm.s32 $0x0;
	v0 =	vunpack.c.l.s4.s8 v0;
	s5 =	sand.u32 $0x1, s3;
	v1 =	vunpack.c.l.s4.s8 v1  }
0x7: {  	[smem:$0x7FF] =	sst s2;
	s31 =	sshll.u32 s0, $0xA;
	s3 =	sadd.s32 $0x600, s6;
	v2 =	vunpack.c.l.s4.s8 v2;
	v3 =	vunpack.c.l.s4.s8 v3;
	v4 =	vunpack.c.l.s4.s8 v4  }
0x8: {  	v5 =	vunpack.c.l.s4.s8 v5;
	v6 =	vunpack.c.l.s4.s8 v6;
	v7 =	vunpack.c.l.s4.s8 v7;
	s4 =	sshll.u32 s5, $0x9;
	_ =	strace $0x80000047;
	s8 =	ssub.s32 $0x2, s5  }
.Ltmp0:
0x9: {  	v0 =	vunpack.c.0.s8.s32 v0;
	s11 =	sor.u32 s4, s31;
	v1 =	vunpack.c.0.s8.s32 v1;
	s9 =	sshrl.u32 s8, $0x1;
	v2 =	vunpack.c.0.s8.s32 v2;
	(pc) =	sbr.rel .LBB2_1-.Ltmp0, $4  }
0xa: {  	s4 =	sadd.s32 $0x400, s6;
	v3 =	vunpack.c.0.s8.s32 v3;
	v4 =	vunpack.c.0.s8.s32 v4;
	v5 =	vunpack.c.0.s8.s32 v5;
	s7 =	sshll.u32 s11, $0x7;
	s12 =	ssub.s32 s8, s9  }
0xb: {  	v6 =	vunpack.c.0.s8.s32 v6;
	v7 =	vunpack.c.0.s8.s32 v7;
	s8 =	sor.u32 $0x40, s11;
	s9 =	sor.u32 $0x60, s11;
	s11 =	sshrl.u32 s11, $0x3;
	v0 =	vand.u32 $0xF, v0  }
0xc: {  	s6 =	sadd.s32 $0x200600, s6;
	s5 =	sadd.s32 s3, s7;
	s10 =	sadd.s32 s10, s11;
	v0 =	vcombine.low v0, v1;
	v1 =	vcombine.low v3, v2  }
0xd: {  	s11 =	smax.u32 s12, $0x1;
	s12 =	simm.s32 $0x3;
	s7 =	sadd.s32 $0x1000, s5;
	v2 =	vcombine.low v5, v4;
	v3 =	vcombine.low v7, v6;
	v4 =	vlaneseq.u32  }
.LBB2_36:
0xe: {  	s21 =	sadd.s32 $0x1, s21  }
0xf: {  	p0 =	sne.s32 s21, s11  }
.Ltmp1:
0x10: {  	_ = 	snop;
	(pc) =	sbr.rel @!p0 .LBB2_37-.Ltmp1, $4  }
0x11: {  	[hbm4b:s10+s2] =	stream.linear.scatter [tilespmem:s20], [sflag:$0x3], $0x200, $0x38;
	[tilespmem:$0x10980] =	vst v63  }
0x12: {  	_ =	swait.ge [sflag:s12], $0x200  }
0x13: {  	[sflag:s12] =	ssyncset.done $0x0  }
0x14: {  	[sflag:s12] =	ssyncadd.s32 $0xFFFFFE00  }
.LBB2_1:
0x15: {  	[tilespmem:s2], [sflag:$0x3] =	stream.linear.gather [hbm4b:s4+s2], $0x400, $0x38;
	[tilespmem:$0x10980] =	vst v63  }
0x16: {  	_ =	swait.ge [sflag:s12], $0x400  }
0x17: {  	[sflag:s12] =	ssyncset.done $0x0  }
0x18: {  	[sflag:s12] =	ssyncadd.s32 $0xFFFFFC00  }
0x19: {  	[tilespmem:s13], [sflag:$0x3] =	stream.linear.gather [hbm4b:s6+s2], $0x80, $0x38;
	[tilespmem:$0x10980] =	vst v63  }
0x1a: {  	_ =	swait.ge [sflag:s12], $0x80  }
0x1b: {  	[sflag:s12] =	ssyncset.done $0x0  }
0x1c: {  	[sflag:s12] =	ssyncadd.s32 $0xFFFFFF80  }
0x1d: {  	v5 =	vld [tilespmem:$0x0]  }
0x1e: {  	v6 =	vld [tilespmem:$0x10];
	_ =	sdelay $0x1  }
0x1f: {  	v7 =	vld [tilespmem:$0x20];
	_ =	sdelay $0x1  }
0x20: {  	v8 =	vld [tilespmem:$0x30]  }
0x21: {  	vm0 =	vgt.s32 v5, v6  }
0x22: {  	v5 =	vsel vm0, v5, v6;
	v6 =	vld [tilespmem:$0x40]  }
0x23: {  	vm0 =	vgt.s32 v5, v7  }
0x24: {  	v5 =	vsel vm0, v5, v7;
	v7 =	vld [tilespmem:$0x50]  }
0x25: {  	vm0 =	vgt.s32 v5, v8  }
0x26: {  	v5 =	vsel vm0, v5, v8;
	v8 =	vld [tilespmem:$0x60]  }
0x27: {  	vm0 =	vgt.s32 v5, v6  }
0x28: {  	v5 =	vsel vm0, v5, v6;
	v6 =	vld [tilespmem:$0x70]  }
0x29: {  	vm0 =	vgt.s32 v5, v7  }
0x2a: {  	v5 =	vsel vm0, v5, v7;
	v7 =	vld [tilespmem:$0x80]  }
0x2b: {  	vm0 =	vgt.s32 v5, v8  }
0x2c: {  	v5 =	vsel vm0, v5, v8;
	v8 =	vld [tilespmem:$0x90]  }
0x2d: {  	vm0 =	vgt.s32 v5, v6  }
0x2e: {  	v5 =	vsel vm0, v5, v6;
	v6 =	vld [tilespmem:$0xA0]  }
0x2f: {  	vm0 =	vgt.s32 v5, v7  }
0x30: {  	v5 =	vsel vm0, v5, v7;
	v7 =	vld [tilespmem:$0xB0]  }
0x31: {  	vm0 =	vgt.s32 v5, v8  }
0x32: {  	v5 =	vsel vm0, v5, v8;
	v8 =	vld [tilespmem:$0xC0]  }
0x33: {  	vm0 =	vgt.s32 v5, v6  }
0x34: {  	v5 =	vsel vm0, v5, v6;
	v6 =	vld [tilespmem:$0xD0]  }
0x35: {  	vm0 =	vgt.s32 v5, v7  }
0x36: {  	v5 =	vsel vm0, v5, v7;
	v7 =	vld [tilespmem:$0xE0]  }
0x37: {  	vm0 =	vgt.s32 v5, v8  }
0x38: {  	v5 =	vsel vm0, v5, v8;
	v8 =	vld [tilespmem:$0xF0]  }
0x39: {  	vm0 =	vgt.s32 v5, v6  }
0x3a: {  	v5 =	vsel vm0, v5, v6;
	v6 =	vld [tilespmem:$0x100]  }
0x3b: {  	vm0 =	vgt.s32 v5, v7  }
0x3c: {  	v5 =	vsel vm0, v5, v7;
	v7 =	vld [tilespmem:$0x110]  }
0x3d: {  	vm0 =	vgt.s32 v5, v8  }
0x3e: {  	v5 =	vsel vm0, v5, v8;
	v8 =	vld [tilespmem:$0x120]  }
0x3f: {  	vm0 =	vgt.s32 v5, v6  }
0x40: {  	v5 =	vsel vm0, v5, v6;
	v6 =	vld [tilespmem:$0x130]  }
0x41: {  	vm0 =	vgt.s32 v5, v7  }
0x42: {  	v5 =	vsel vm0, v5, v7;
	v7 =	vld [tilespmem:$0x140]  }
0x43: {  	vm0 =	vgt.s32 v5, v8  }
0x44: {  	v5 =	vsel vm0, v5, v8;
	v8 =	vld [tilespmem:$0x150]  }
0x45: {  	vm0 =	vgt.s32 v5, v6  }
0x46: {  	v5 =	vsel vm0, v5, v6;
	v6 =	vld [tilespmem:$0x160]  }
0x47: {  	vm0 =	vgt.s32 v5, v7  }
0x48: {  	v5 =	vsel vm0, v5, v7;
	v7 =	vld [tilespmem:$0x170]  }
0x49: {  	vm0 =	vgt.s32 v5, v8  }
0x4a: {  	v5 =	vsel vm0, v5, v8;
	v8 =	vld [tilespmem:$0x180]  }
0x4b: {  	vm0 =	vgt.s32 v5, v6  }
0x4c: {  	v5 =	vsel vm0, v5, v6;
	v6 =	vld [tilespmem:$0x190]  }
0x4d: {  	vm0 =	vgt.s32 v5, v7  }
0x4e: {  	v5 =	vsel vm0, v5, v7;
	v7 =	vld [tilespmem:$0x1A0]  }
0x4f: {  	vm0 =	vgt.s32 v5, v8  }
0x50: {  	v5 =	vsel vm0, v5, v8;
	v8 =	vld [tilespmem:$0x1B0]  }
0x51: {  	vm0 =	vgt.s32 v5, v6  }
0x52: {  	v5 =	vsel vm0, v5, v6;
	v6 =	vld [tilespmem:$0x1C0]  }
0x53: {  	vm0 =	vgt.s32 v5, v7  }
0x54: {  	v5 =	vsel vm0, v5, v7;
	v7 =	vld [tilespmem:$0x1D0]  }
0x55: {  	vm0 =	vgt.s32 v5, v8  }
0x56: {  	v5 =	vsel vm0, v5, v8;
	v8 =	vld [tilespmem:$0x1E0]  }
0x57: {  	vm0 =	vgt.s32 v5, v6  }
0x58: {  	v5 =	vsel vm0, v5, v6;
	v6 =	vld [tilespmem:$0x1F0]  }
0x59: {  	vm0 =	vgt.s32 v5, v7  }
0x5a: {  	v5 =	vsel vm0, v5, v7;
	v7 =	vld [tilespmem:$0x200]  }
0x5b: {  	vm0 =	vgt.s32 v5, v8  }
0x5c: {  	v5 =	vsel vm0, v5, v8;
	v8 =	vld [tilespmem:$0x210]  }
0x5d: {  	vm0 =	vgt.s32 v5, v6  }
0x5e: {  	v5 =	vsel vm0, v5, v6;
	v6 =	vld [tilespmem:$0x220]  }
0x5f: {  	vm0 =	vgt.s32 v5, v7  }
0x60: {  	v5 =	vsel vm0, v5, v7;
	v7 =	vld [tilespmem:$0x230]  }
0x61: {  	vm0 =	vgt.s32 v5, v8  }
0x62: {  	v5 =	vsel vm0, v5, v8;
	v8 =	vld [tilespmem:$0x240]  }
0x63: {  	vm0 =	vgt.s32 v5, v6  }
0x64: {  	v5 =	vsel vm0, v5, v6;
	v6 =	vld [tilespmem:$0x250]  }
0x65: {  	vm0 =	vgt.s32 v5, v7  }
0x66: {  	v5 =	vsel vm0, v5, v7;
	v7 =	vld [tilespmem:$0x260]  }
0x67: {  	vm0 =	vgt.s32 v5, v8  }
0x68: {  	v5 =	vsel vm0, v5, v8;
	v8 =	vld [tilespmem:$0x270]  }
0x69: {  	vm0 =	vgt.s32 v5, v6  }
0x6a: {  	v5 =	vsel vm0, v5, v6;
	v6 =	vld [tilespmem:$0x280]  }
0x6b: {  	vm0 =	vgt.s32 v5, v7  }
0x6c: {  	v5 =	vsel vm0, v5, v7;
	v7 =	vld [tilespmem:$0x290]  }
0x6d: {  	vm0 =	vgt.s32 v5, v8  }
0x6e: {  	v5 =	vsel vm0, v5, v8;
	v8 =	vld [tilespmem:$0x2A0]  }
0x6f: {  	vm0 =	vgt.s32 v5, v6  }
0x70: {  	v5 =	vsel vm0, v5, v6;
	v6 =	vld [tilespmem:$0x2B0]  }
0x71: {  	vm0 =	vgt.s32 v5, v7  }
0x72: {  	v5 =	vsel vm0, v5, v7;
	v7 =	vld [tilespmem:$0x2C0]  }
0x73: {  	vm0 =	vgt.s32 v5, v8  }
0x74: {  	v5 =	vsel vm0, v5, v8;
	v8 =	vld [tilespmem:$0x2D0]  }
0x75: {  	vm0 =	vgt.s32 v5, v6  }
0x76: {  	v5 =	vsel vm0, v5, v6;
	v6 =	vld [tilespmem:$0x2E0]  }
0x77: {  	vm0 =	vgt.s32 v5, v7  }
0x78: {  	v5 =	vsel vm0, v5, v7;
	v7 =	vld [tilespmem:$0x2F0]  }
0x79: {  	vm0 =	vgt.s32 v5, v8  }
0x7a: {  	v5 =	vsel vm0, v5, v8;
	v8 =	vld [tilespmem:$0x300]  }
0x7b: {  	vm0 =	vgt.s32 v5, v6  }
0x7c: {  	v5 =	vsel vm0, v5, v6;
	v6 =	vld [tilespmem:$0x310]  }
0x7d: {  	vm0 =	vgt.s32 v5, v7  }
0x7e: {  	v5 =	vsel vm0, v5, v7;
	v7 =	vld [tilespmem:$0x320]  }
0x7f: {  	vm0 =	vgt.s32 v5, v8  }
0x80: {  	v5 =	vsel vm0, v5, v8;
	v8 =	vld [tilespmem:$0x330]  }
0x81: {  	vm0 =	vgt.s32 v5, v6  }
0x82: {  	v5 =	vsel vm0, v5, v6;
	v6 =	vld [tilespmem:$0x340]  }
0x83: {  	vm0 =	vgt.s32 v5, v7  }
0x84: {  	v5 =	vsel vm0, v5, v7;
	v7 =	vld [tilespmem:$0x350]  }
0x85: {  	vm0 =	vgt.s32 v5, v8  }
0x86: {  	v5 =	vsel vm0, v5, v8;
	v8 =	vld [tilespmem:$0x360]  }
0x87: {  	vm0 =	vgt.s32 v5, v6  }
0x88: {  	v5 =	vsel vm0, v5, v6;
	v6 =	vld [tilespmem:$0x370]  }
0x89: {  	vm0 =	vgt.s32 v5, v7  }
0x8a: {  	v5 =	vsel vm0, v5, v7;
	v7 =	vld [tilespmem:$0x380]  }
0x8b: {  	vm0 =	vgt.s32 v5, v8  }
0x8c: {  	v5 =	vsel vm0, v5, v8;
	v8 =	vld [tilespmem:$0x390]  }
0x8d: {  	vm0 =	vgt.s32 v5, v6  }
0x8e: {  	v5 =	vsel vm0, v5, v6;
	v6 =	vld [tilespmem:$0x3A0]  }
0x8f: {  	vm0 =	vgt.s32 v5, v7  }
0x90: {  	v5 =	vsel vm0, v5, v7;
	v7 =	vld [tilespmem:$0x3B0]  }
0x91: {  	vm0 =	vgt.s32 v5, v8  }
0x92: {  	v5 =	vsel vm0, v5, v8;
	v8 =	vld [tilespmem:$0x3C0]  }
0x93: {  	vm0 =	vgt.s32 v5, v6  }
0x94: {  	v5 =	vsel vm0, v5, v6;
	v6 =	vld [tilespmem:$0x3D0]  }
0x95: {  	vm0 =	vgt.s32 v5, v7  }
0x96: {  	v5 =	vsel vm0, v5, v7;
	v7 =	vld [tilespmem:$0x3E0]  }
0x97: {  	vm0 =	vgt.s32 v5, v8  }
0x98: {  	v5 =	vsel vm0, v5, v8;
	v8 =	vld [tilespmem:$0x3F0]  }
0x99: {  	vm0 =	vgt.s32 v5, v6  }
0x9a: {  	v5 =	vsel vm0, v5, v6  }
0x9b: {  	vm0 =	vgt.s32 v5, v7  }
0x9c: {  	v5 =	vsel vm0, v5, v7  }
0x9d: {  	vm0 =	vgt.s32 v5, v8  }
0x9e: {  	v5 =	vsel vm0, v5, v8  }
0x9f: {  	v6 =	vperm.xlane v5, v0;
	_ =	sdelay $0x1  }
0xa0: {  	vm0 =	vgt.s32 v5, v6  }
0xa1: {  	v5 =	vsel vm0, v5, v6  }
0xa2: {  	v6 =	vperm.xlane v5, v1;
	_ =	sdelay $0x1  }
0xa3: {  	vm0 =	vgt.s32 v5, v6  }
0xa4: {  	v6 =	vsel vm0, v5, v6  }
0xa5: {  	v7 =	vperm.xlane v6, v2;
	_ =	sdelay $0x1  }
0xa6: {  	vm0 =	vgt.s32 v6, v7  }
0xa7: {  	v6 =	vsel vm0, v6, v7  }
0xa8: {  	v7 =	vperm.xlane v6, v3;
	_ =	sdelay $0x1  }
0xa9: {  	v5 =	vld [tilespmem:$0x400];
	[tilespmem:s14], [sflag:$0x1] =	stream.linear.gather [hbm4b:s5+s2], $0x8000, $0x38;
	vm0 =	vgt.s32 v6, v7  }
0xaa: {  	s22 =	simm.s32 $0x0;
	v6 =	vsel vm0, v6, v7  }
0xab: {  	[tilespmem:s15], [sflag:$0x2] =	stream.linear.gather [hbm4b:s7+s2], $0x8000, $0x38;
	v6 =	vadd.s32 $0x1, v6;
	[tilespmem:$0x10980] =	vst v63  }
.LBB2_2:
0xac: {  	_ =	swait.ge [sflag:s16], $0x8000;
	s23 =	simm.s32 $0x0  }
0xad: {  	[sflag:s16] =	ssyncset.done $0x0;
	s24 =	sand.u32 $0x60, s23;
	s23 =	sand.u32 $0x1C00, s23  }
0xae: {  	[sflag:s16] =	ssyncadd.s32 $0xFFFF8000;
	s23 =	sor.u32 s24, s23  }
0xaf: {  	v7 =	vld [tilespmem:s23+$0x480]  }
0xb0: {  	v10 =	vld [tilespmem:s23+$0x500]  }
0xb1: {  	v11 =	vld [tilespmem:s23+$0x580]  }
0xb2: {  	v15 =	vld [tilespmem:s23+$0x600]  }
0xb3: {  	v8 =	vld [tilespmem:s23+$0x490];
	_ =	sdelay $0x1  }
0xb4: {  	v12 =	vimm.f32 $+Inf;
	s31 =	simm.s32 $0x100;
	s25 =	simm.s32 $0x20;
	v9 =	vld [tilespmem:s23+$0x510]  }
0xb5: {  	v17 =	vlaneseq.u32;
	s25 =	sand.u32 $0x60, s25;
	s24 =	sand.u32 $0x1C00, s31;
	v16 =	vld [tilespmem:s23+$0x590];
	vm0 =	vlt.f32 v7, v12;
	vm1 =	vlt.f32 v10, v12  }
0xb6: {  	v18 =	vld [tilespmem:s23+$0x610];
	s23 =	sor.u32 s25, s24;
	vm2 =	vlt.f32 v11, v12;
	vm3 =	vlt.f32 v15, v12;
	v13 =	vsel vm0, v7, v12  }
0xb7: {  	v14 =	vld [tilespmem:s23+$0x490];
	v19 =	vsel vm0, v17, v17;
	v7 =	vadd.s32 $0x10, v17;
	vm0 =	vlt.f32 v8, v13  }
0xb8: {  	v23 =	vld [tilespmem:s23+$0x480];
	v24 =	vsel vm1, v17, v17;
	v21 =	vsel vm0, v8, v13;
	v8 =	vsel vm1, v10, v12  }
0xb9: {  	v20 =	vsel vm0, v7, v19;
	v19 =	vld [tilespmem:s23+$0x510];
	v10 =	vsel vm2, v11, v12;
	vm0 =	vlt.f32 v9, v8  }
0xba: {  	v11 =	vsel vm3, v15, v12;
	v15 =	vld [tilespmem:s23+$0x500];
	v22 =	vsel vm0, v9, v8;
	v8 =	vsel vm2, v17, v17  }
0xbb: {  	v13 =	vadd.s32 $0x20, v17;
	v12 =	vld [tilespmem:s23+$0x580];
	vm4 =	vlt.f32 v16, v10;
	vm5 =	vlt.f32 v18, v11  }
0xbc: {  	v16 =	vsel vm4, v16, v10;
	v9 =	vsel vm5, v18, v11;
	v10 =	vld [tilespmem:s23+$0x600];
	v11 =	vsel vm3, v17, v17  }
0xbd: {  	s26 =	simm.s32 $0x40;
	s24 =	simm.s32 $0x2;
	s25 =	simm.s32 $0x200;
	vm1 =	vlt.f32 v23, v21;
	v17 =	vld [tilespmem:s23+$0x590];
	v18 =	vsel vm4, v7, v8;
	v11 =	vsel vm5, v7, v11;
	v8 =	vmovc v13  }
.LBB2_3:
0xbe: {  	s28 =	sand.u32 $0x60, s26;
	s29 =	sand.u32 $0x1C00, s25;
	v21 =	vsel vm1, v23, v21;
	v20 =	vsel vm1, v13, v20;
	v25 =	vld [tilespmem:s23+$0x610];
	v24 =	vsel vm0, v7, v24;
	v26 =	vmovc v19  }
0xbf: {  	v7 =	vadd.s32 $0x10, v13;
	s23 =	sor.u32 s28, s29;
	vm0 =	vlt.f32 v14, v21  }
0xc0: {  	v13 =	vadd.s32 $0x20, v13;
	s24 =	sadd.s32 $0x2, s24;
	v21 =	vsel vm0, v14, v21;
	v14 =	vld [tilespmem:s23+$0x490];
	v20 =	vsel vm0, v7, v20  }
0xc1: {  	vm1 =	vlt.f32 v15, v22;
	p0 =	slt.u32 s24, $0x3C;
	vm2 =	vlt.f32 v12, v16;
	v23 =	vld [tilespmem:s23+$0x480];
	vm3 =	vlt.f32 v10, v9  }
.Ltmp2:
0xc2: {  	v22 =	vsel vm1, v15, v22;
	v16 =	vsel vm2, v12, v16;
	v19 =	vld [tilespmem:s23+$0x510];
	v9 =	vsel vm3, v10, v9;
	(pc) =	sbr.rel @p0 .LBB2_3-.Ltmp2, $4  }
0xc3: {  	vm0 =	vlt.f32 v26, v22;
	vm4 =	vlt.f32 v17, v16;
	v15 =	vld [tilespmem:s23+$0x500];
	vm5 =	vlt.f32 v25, v9  }
0xc4: {  	v22 =	vsel vm0, v26, v22;
	v16 =	vsel vm4, v17, v16;
	v12 =	vld [tilespmem:s23+$0x580];
	v9 =	vsel vm5, v25, v9  }
0xc5: {  	v24 =	vsel vm1, v8, v24;
	v18 =	vsel vm2, v8, v18;
	v11 =	vsel vm3, v8, v11;
	v8 =	vmovc v13;
	v10 =	vld [tilespmem:s23+$0x600]  }
0xc6: {  	s25 =	sadd.s32 $0x100, s25;
	s26 =	sadd.s32 $0x20, s26;
	v18 =	vsel vm4, v7, v18;
	v11 =	vsel vm5, v7, v11;
	vm1 =	vlt.f32 v23, v21;
	v17 =	vld [tilespmem:s23+$0x590]  }
0xc7: {  	v25 =	vld [tilespmem:$0x20D8];
	_ =	sdelay $0x1  }
0xc8: {  	v21 =	vsel vm1, v23, v21;
	v26 =	vlaneseq.u32  }
0xc9: {  	vm2 =	vlt.f32 v14, v21  }
0xca: {  	v14 =	vsel vm2, v14, v21  }
0xcb: {  	v20 =	vsel vm1, v13, v20;
	v13 =	vadd.s32 $0x10, v13;
	vm1 =	vlt.f32 v25, v14  }
0xcc: {  	v23 =	vadd.s32 $0x3D8, v26;
	v20 =	vsel vm2, v13, v20;
	v14 =	vsel vm1, v25, v14  }
0xcd: {  	v21 =	vld [tilespmem:s23+$0x610];
	[tilespmem:v26+s17+$0x0] =	vst.idx.msk $0xffff, v14;
	v14 =	vsel vm1, v23, v20  }
0xce: {  	[tilespmem:v26+s18+$0x0] =	vst.idx.msk $0xffff, v14  }
0xcf: {  	v14 =	vld [tilespmem:$0x2158]  }
0xd0: {  	vm1 =	vlt.f32 v15, v22  }
0xd1: {  	v20 =	vadd.s32 $0x11, v26;
	v15 =	vsel vm1, v15, v22  }
0xd2: {  	vm2 =	vlt.f32 v19, v15  }
0xd3: {  	v7 =	vsel vm0, v7, v24;
	v15 =	vsel vm2, v19, v15  }
0xd4: {  	v7 =	vsel vm1, v8, v7;
	vm0 =	vlt.f32 v14, v15  }
0xd5: {  	v7 =	vsel vm2, v13, v7;
	v14 =	vsel vm0, v14, v15  }
0xd6: {  	v7 =	vsel vm0, v23, v7;
	[tilespmem:v20+s17+$0x0] =	vst.idx.msk $0xffff, v14  }
0xd7: {  	[tilespmem:v20+s18+$0x0] =	vst.idx.msk $0xffff, v7  }
0xd8: {  	v7 =	vld [tilespmem:$0x21D8]  }
0xd9: {  	vm0 =	vlt.f32 v12, v16  }
0xda: {  	v12 =	vsel vm0, v12, v16;
	v14 =	vadd.s32 $0x22, v26  }
0xdb: {  	vm1 =	vlt.f32 v17, v12  }
0xdc: {  	v12 =	vsel vm1, v17, v12  }
0xdd: {  	v15 =	vsel vm0, v8, v18;
	vm0 =	vlt.f32 v7, v12  }
0xde: {  	v15 =	vsel vm1, v13, v15;
	v7 =	vsel vm0, v7, v12  }
0xdf: {  	v12 =	vsel vm0, v23, v15;
	[tilespmem:v14+s17+$0x0] =	vst.idx.msk $0xffff, v7  }
0xe0: {  	[tilespmem:v14+s18+$0x0] =	vst.idx.msk $0xffff, v12  }
0xe1: {  	v7 =	vld [tilespmem:$0x2258]  }
0xe2: {  	vm0 =	vlt.f32 v10, v9  }
0xe3: {  	v9 =	vsel vm0, v10, v9;
	v10 =	vadd.s32 $0x33, v26  }
0xe4: {  	vm1 =	vlt.f32 v21, v9  }
0xe5: {  	v9 =	vsel vm1, v21, v9  }
0xe6: {  	v8 =	vsel vm0, v8, v11;
	vm0 =	vlt.f32 v7, v9  }
0xe7: {  	s26 =	simm.s32 $0x0;
	v8 =	vsel vm1, v13, v8;
	v7 =	vsel vm0, v7, v9  }
0xe8: {  	s24 =	sand.u32 $0x60, s26;
	s25 =	sand.u32 $0x1C00, s26;
	v8 =	vsel vm0, v23, v8;
	[tilespmem:v10+s17+$0x0] =	vst.idx.msk $0xffff, v7  }
0xe9: {  	s29 =	sand.u32 $0x3, s26;
	s24 =	sor.u32 s24, s25;
	[tilespmem:v10+s18+$0x0] =	vst.idx.msk $0xffff, v8  }
0xea: {  	s25 =	sshll.u32 s29, $0x5;
	s23 =	sor.u32 s26, s26;
	v7 =	vld [tilespmem:s24+$0x680]  }
0xeb: {  	s30 =	sadd.s32 $0x0, s25;
	s23 =	sor.u32 $0x380, s23;
	v12 =	vld [tilespmem:s24+$0x700]  }
0xec: {  	s25 =	sor.u32 $0x300, s30;
	v13 =	vld [tilespmem:s23+$0x480]  }
0xed: {  	v16 =	vld [tilespmem:s25+$0x480];
	_ =	sdelay $0x1  }
0xee: {  	s31 =	sadd.s32 $0x10, s30;
	v8 =	vld [tilespmem:s24+$0x690]  }
0xef: {  	s0 =	simm.s32 $0x100;
	s1 =	simm.s32 $0x20;
	v14 =	vimm.f32 $+Inf;
	v9 =	vld [tilespmem:s24+$0x710];
	s24 =	sor.u32 $0x300, s31  }
0xf0: {  	s28 =	sand.u32 $0x1C00, s0;
	s26 =	sand.u32 $0x60, s1;
	s23 =	sor.u32 $0x380, s31;
	v19 =	vld [tilespmem:s24+$0x480];
	vm0 =	vlt.f32 v7, v14;
	vm1 =	vlt.f32 v12, v14  }
0xf1: {  	s26 =	sor.u32 s26, s28;
	v20 =	vld [tilespmem:s23+$0x480];
	s23 =	simm.s32 $0x1;
	vm2 =	vlt.f32 v16, v14;
	vm3 =	vlt.f32 v13, v14;
	v10 =	vsel vm0, v7, v14  }
0xf2: {  	v11 =	vld [tilespmem:s26+$0x690];
	s28 =	sand.u32 $0x3, s23;
	v15 =	vsel vm0, v26, v26;
	v7 =	vadd.s32 $0x10, v26;
	v12 =	vsel vm1, v12, v14  }
0xf3: {  	v22 =	vld [tilespmem:s26+$0x680];
	s28 =	sshll.u32 s28, $0x5;
	v16 =	vsel vm2, v16, v14;
	v13 =	vsel vm3, v13, v14;
	vm0 =	vlt.f32 v8, v10  }
0xf4: {  	v18 =	vld [tilespmem:s26+$0x710];
	s29 =	sadd.s32 $0x100, s28;
	v17 =	vsel vm0, v8, v10;
	v15 =	vsel vm0, v7, v15;
	vm0 =	vlt.f32 v9, v12  }
0xf5: {  	s24 =	sor.u32 s0, s1;
	s30 =	sor.u32 $0x300, s29;
	v14 =	vld [tilespmem:s26+$0x700];
	v24 =	vsel vm1, v26, v26;
	v23 =	vsel vm0, v9, v12;
	v9 =	vsel vm2, v26, v26  }
0xf6: {  	s24 =	sor.u32 $0x380, s24;
	s25 =	sadd.s32 $0x10, s29;
	v21 =	vld [tilespmem:s30+$0x480];
	vm4 =	vlt.f32 v19, v16;
	vm5 =	vlt.f32 v20, v13;
	v10 =	vadd.s32 $0x20, v26  }
0xf7: {  	s31 =	sor.u32 $0x300, s25;
	s28 =	sor.u32 $0x380, s25;
	v8 =	vld [tilespmem:s24+$0x480];
	v16 =	vsel vm4, v19, v16;
	v12 =	vsel vm5, v20, v13;
	v13 =	vsel vm3, v26, v26  }
0xf8: {  	s25 =	simm.s32 $0x200;
	s26 =	simm.s32 $0x40;
	s24 =	simm.s32 $0x2;
	v19 =	vld [tilespmem:s31+$0x480];
	vm1 =	vlt.f32 v22, v17;
	v20 =	vsel vm4, v7, v9;
	v13 =	vsel vm5, v7, v13;
	v9 =	vmovc v10  }
.LBB2_5:
0xf9: {  	s29 =	sand.u32 $0x60, s26;
	s30 =	sand.u32 $0x1C00, s25;
	v17 =	vsel vm1, v22, v17;
	v15 =	vsel vm1, v10, v15;
	v25 =	vld [tilespmem:s28+$0x480];
	v24 =	vsel vm0, v7, v24;
	v26 =	vmovc v18  }
0xfa: {  	v7 =	vadd.s32 $0x10, v10;
	s28 =	sor.u32 s29, s30;
	vm0 =	vlt.f32 v11, v17  }
0xfb: {  	v10 =	vadd.s32 $0x20, v10;
	s23 =	sadd.s32 $0x1, s23;
	s24 =	sadd.s32 $0x2, s24;
	v17 =	vsel vm0, v11, v17;
	v11 =	vld [tilespmem:s28+$0x690];
	v15 =	vsel vm0, v7, v15  }
0xfc: {  	s29 =	sand.u32 $0x3, s23;
	vm1 =	vlt.f32 v14, v23;
	p0 =	slt.u32 s24, $0x3C;
	vm3 =	vlt.f32 v8, v12;
	v22 =	vld [tilespmem:s28+$0x680];
	vm2 =	vlt.f32 v21, v16  }
.Ltmp3:
0xfd: {  	s30 =	sor.u32 s25, s26;
	s29 =	sshll.u32 s29, $0x5;
	v23 =	vsel vm1, v14, v23;
	v12 =	vsel vm3, v8, v12;
	v18 =	vld [tilespmem:s28+$0x710];
	v16 =	vsel vm2, v21, v16;
	(pc) =	sbr.rel @p0 .LBB2_5-.Ltmp3, $4  }
0xfe: {  	vm0 =	vlt.f32 v26, v23;
	v14 =	vld [tilespmem:s28+$0x700];
	s28 =	sadd.s32 s29, s25;
	s29 =	sor.u32 $0x380, s30;
	vm4 =	vlt.f32 v19, v16;
	vm5 =	vlt.f32 v25, v12  }
0xff: {  	v23 =	vsel vm0, v26, v23;
	s30 =	sor.u32 $0x300, s28;
	v8 =	vld [tilespmem:s29+$0x480];
	s28 =	sadd.s32 $0x10, s28;
	v16 =	vsel vm4, v19, v16;
	v12 =	vsel vm5, v25, v12  }
0x100: {  	v24 =	vsel vm1, v9, v24;
	v13 =	vsel vm3, v9, v13;
	v20 =	vsel vm2, v9, v20;
	v9 =	vmovc v10;
	v21 =	vld [tilespmem:s30+$0x480];
	s29 =	sor.u32 $0x300, s28  }
0x101: {  	s26 =	sadd.s32 $0x20, s26;
	s25 =	sadd.s32 $0x100, s25;
	v20 =	vsel vm4, v7, v20;
	v13 =	vsel vm5, v7, v13;
	s28 =	sor.u32 $0x380, s28;
	vm1 =	vlt.f32 v22, v17;
	v19 =	vld [tilespmem:s29+$0x480]  }
0x102: {  	v25 =	vld [tilespmem:$0x22D8]  }
0x103: {  	v26 =	vlaneseq.u32  }
0x104: {  	v17 =	vsel vm1, v22, v17;
	v22 =	vadd.s32 $0x44, v26  }
0x105: {  	vm2 =	vlt.f32 v11, v17  }
0x106: {  	v11 =	vsel vm2, v11, v17  }
0x107: {  	v15 =	vsel vm1, v10, v15;
	v10 =	vadd.s32 $0x10, v10;
	vm1 =	vlt.f32 v25, v11  }
0x108: {  	v15 =	vsel vm2, v10, v15;
	v11 =	vsel vm1, v25, v11;
	v25 =	vadd.s32 $0x3D8, v26  }
0x109: {  	v17 =	vld [tilespmem:s28+$0x480];
	[tilespmem:v22+s17+$0x0] =	vst.idx.msk $0xffff, v11;
	v11 =	vsel vm1, v25, v15  }
0x10a: {  	[tilespmem:v22+s18+$0x0] =	vst.idx.msk $0xffff, v11  }
0x10b: {  	v11 =	vld [tilespmem:$0x2358]  }
0x10c: {  	vm1 =	vlt.f32 v14, v23  }
0x10d: {  	v15 =	vadd.s32 $0x55, v26;
	v14 =	vsel vm1, v14, v23  }
0x10e: {  	vm2 =	vlt.f32 v18, v14  }
0x10f: {  	v7 =	vsel vm0, v7, v24;
	v14 =	vsel vm2, v18, v14  }
0x110: {  	v7 =	vsel vm1, v9, v7;
	vm0 =	vlt.f32 v11, v14  }
0x111: {  	v7 =	vsel vm2, v10, v7;
	v11 =	vsel vm0, v11, v14  }
0x112: {  	v7 =	vsel vm0, v25, v7;
	[tilespmem:v15+s17+$0x0] =	vst.idx.msk $0xffff, v11  }
0x113: {  	[tilespmem:v15+s18+$0x0] =	vst.idx.msk $0xffff, v7  }
0x114: {  	v7 =	vld [tilespmem:$0x23D8]  }
0x115: {  	vm0 =	vlt.f32 v21, v16  }
0x116: {  	v14 =	vadd.s32 $0x66, v26;
	v11 =	vsel vm0, v21, v16  }
0x117: {  	vm1 =	vlt.f32 v19, v11  }
0x118: {  	v11 =	vsel vm1, v19, v11  }
0x119: {  	v15 =	vsel vm0, v9, v20;
	vm0 =	vlt.f32 v7, v11  }
0x11a: {  	v15 =	vsel vm1, v10, v15;
	v7 =	vsel vm0, v7, v11  }
0x11b: {  	v11 =	vsel vm0, v25, v15;
	[tilespmem:v14+s17+$0x0] =	vst.idx.msk $0xffff, v7  }
0x11c: {  	[tilespmem:v14+s18+$0x0] =	vst.idx.msk $0xffff, v11  }
0x11d: {  	v7 =	vld [tilespmem:$0x2458]  }
0x11e: {  	vm0 =	vlt.f32 v8, v12  }
0x11f: {  	v8 =	vsel vm0, v8, v12;
	v11 =	vadd.s32 $0x77, v26  }
0x120: {  	vm1 =	vlt.f32 v17, v8  }
0x121: {  	v8 =	vsel vm1, v17, v8  }
0x122: {  	s23 =	simm.s32 $0x0;
	v9 =	vsel vm0, v9, v13;
	vm0 =	vlt.f32 v7, v8  }
0x123: {  	s24 =	sand.u32 $0x60, s23;
	s23 =	sand.u32 $0x1C00, s23;
	v9 =	vsel vm1, v10, v9;
	v7 =	vsel vm0, v7, v8  }
0x124: {  	s25 =	sadd.s32 $0x2480, s23;
	s26 =	sor.u32 $0x10, s24;
	v8 =	vsel vm0, v25, v9;
	[tilespmem:v11+s17+$0x0] =	vst.idx.msk $0xffff, v7  }
0x125: {  	s28 =	sor.u32 s26, s25;
	[tilespmem:v11+s18+$0x0] =	vst.idx.msk $0xffff, v8  }
0x126: {  	s29 =	sadd.s32 $0x2500, s23;
	s25 =	sor.u32 s24, s25;
	v8 =	vld [tilespmem:s28+$0x0]  }
0x127: {  	s30 =	sor.u32 s26, s29;
	v7 =	vld [tilespmem:s25+$0x0];
	s28 =	sor.u32 s24, s29;
	s29 =	sadd.s32 $0x2580, s23  }
0x128: {  	s23 =	sadd.s32 $0x2600, s23;
	v10 =	vld [tilespmem:s28+$0x0];
	s31 =	sor.u32 s24, s29  }
0x129: {  	s24 =	sor.u32 s24, s23;
	v12 =	vld [tilespmem:s31+$0x0]  }
0x12a: {  	v15 =	vld [tilespmem:s24+$0x0]  }
0x12b: {  	s1 =	simm.s32 $0x100;
	v14 =	vimm.f32 $+Inf  }
0x12c: {  	v9 =	vld [tilespmem:s30+$0x0];
	s25 =	sand.u32 $0x1C00, s1;
	s0 =	sor.u32 s26, s29;
	s28 =	simm.s32 $0x20;
	vm0 =	vlt.f32 v7, v14  }
0x12d: {  	s26 =	sor.u32 s26, s23;
	s30 =	sadd.s32 $0x2480, s25;
	s29 =	sand.u32 $0x60, s28;
	v16 =	vld [tilespmem:s0+$0x0];
	v11 =	vsel vm0, v7, v14  }
0x12e: {  	v22 =	vld [tilespmem:s26+$0x0];
	s23 =	sor.u32 $0x10, s29;
	s26 =	sor.u32 s29, s30;
	v17 =	vsel vm0, v26, v26;
	v7 =	vadd.s32 $0x10, v26;
	vm3 =	vlt.f32 v10, v14  }
0x12f: {  	s28 =	sadd.s32 $0x2500, s25;
	s31 =	sor.u32 s23, s30;
	v21 =	vld [tilespmem:s26+$0x0];
	vm0 =	vlt.f32 v8, v11;
	vm4 =	vlt.f32 v12, v14;
	vm5 =	vlt.f32 v15, v14  }
0x130: {  	s0 =	sor.u32 s23, s28;
	v13 =	vld [tilespmem:s31+$0x0];
	v24 =	vsel vm3, v26, v26;
	v19 =	vsel vm0, v8, v11;
	v17 =	vsel vm0, v7, v17  }
0x131: {  	s1 =	sor.u32 s29, s28;
	s30 =	sadd.s32 $0x2580, s25;
	v18 =	vld [tilespmem:s0+$0x0];
	v11 =	vadd.s32 $0x20, v26;
	v8 =	vsel vm3, v10, v14;
	v10 =	vsel vm4, v12, v14  }
0x132: {  	s28 =	sadd.s32 $0x2600, s25;
	s31 =	sor.u32 s29, s30;
	v12 =	vsel vm5, v15, v14;
	v14 =	vld [tilespmem:s1+$0x0];
	v23 =	vsel vm4, v26, v26;
	vm2 =	vlt.f32 v9, v8  }
0x133: {  	s24 =	simm.s32 $0x2;
	s25 =	sor.u32 s29, s28;
	v15 =	vld [tilespmem:s31+$0x0];
	vm1 =	vlt.f32 v16, v10;
	vm0 =	vlt.f32 v22, v12;
	v20 =	vsel vm2, v9, v8  }
0x134: {  	s26 =	simm.s32 $0x40;
	s29 =	sor.u32 s23, s30;
	v16 =	vsel vm1, v16, v10;
	v10 =	vsel vm0, v22, v12;
	v12 =	vld [tilespmem:s25+$0x0];
	s25 =	simm.s32 $0x200;
	v22 =	vsel vm5, v26, v26;
	v8 =	vmovc v11  }
.LBB2_7:
0x135: {  	s30 =	sand.u32 $0x60, s26;
	s31 =	sand.u32 $0x1C00, s25;
	vm3 =	vlt.f32 v21, v19;
	v9 =	vld [tilespmem:s29+$0x0];
	s28 =	sor.u32 s23, s28;
	v23 =	vsel vm1, v7, v23;
	v22 =	vsel vm0, v7, v22  }
0x136: {  	v24 =	vsel vm2, v7, v24;
	s29 =	sadd.s32 $0x2480, s31;
	s23 =	sor.u32 $0x10, s30;
	v19 =	vsel vm3, v21, v19;
	v17 =	vsel vm3, v11, v17;
	v25 =	vld [tilespmem:s28+$0x0];
	v26 =	vmovc v18  }
0x137: {  	v7 =	vadd.s32 $0x10, v11;
	s24 =	sadd.s32 $0x2, s24;
	s28 =	sor.u32 s23, s29;
	vm0 =	vlt.f32 v13, v19  }
0x138: {  	s0 =	sadd.s32 $0x2500, s31;
	v11 =	vadd.s32 $0x20, v11;
	p0 =	slt.u32 s24, $0x3C;
	s29 =	sor.u32 s30, s29;
	v19 =	vsel vm0, v13, v19;
	v13 =	vld [tilespmem:s28+$0x0];
	v17 =	vsel vm0, v7, v17  }
.Ltmp4:
0x139: {  	vm3 =	vlt.f32 v14, v20;
	s28 =	sor.u32 s23, s0;
	vm4 =	vlt.f32 v15, v16;
	v21 =	vld [tilespmem:s29+$0x0];
	vm5 =	vlt.f32 v12, v10;
	(pc) =	sbr.rel @p0 .LBB2_7-.Ltmp4, $4  }
0x13a: {  	s0 =	sor.u32 s30, s0;
	v20 =	vsel vm3, v14, v20;
	s29 =	sadd.s32 $0x2580, s31;
	v16 =	vsel vm4, v15, v16;
	v18 =	vld [tilespmem:s28+$0x0];
	v10 =	vsel vm5, v12, v10  }
0x13b: {  	vm2 =	vlt.f32 v26, v20;
	s28 =	sadd.s32 $0x2600, s31;
	vm1 =	vlt.f32 v9, v16;
	v14 =	vld [tilespmem:s0+$0x0];
	s0 =	sor.u32 s30, s29;
	vm0 =	vlt.f32 v25, v10  }
0x13c: {  	v20 =	vsel vm2, v26, v20;
	v16 =	vsel vm1, v9, v16;
	v15 =	vld [tilespmem:s0+$0x0];
	s0 =	sor.u32 s30, s28;
	v10 =	vsel vm0, v25, v10  }
0x13d: {  	s25 =	sadd.s32 $0x100, s25;
	s26 =	sadd.s32 $0x20, s26;
	v24 =	vsel vm3, v8, v24;
	v23 =	vsel vm4, v8, v23;
	v22 =	vsel vm5, v8, v22;
	v8 =	vmovc v11;
	s29 =	sor.u32 s23, s29;
	v12 =	vld [tilespmem:s0+$0x0]  }
0x13e: {  	v25 =	vld [tilespmem:$0x40D8]  }
0x13f: {  	vm3 =	vlt.f32 v21, v19;
	v9 =	vlaneseq.u32  }
0x140: {  	v19 =	vsel vm3, v21, v19;
	v21 =	vadd.s32 $0x88, v9  }
0x141: {  	vm4 =	vlt.f32 v13, v19  }
0x142: {  	v13 =	vsel vm4, v13, v19  }
0x143: {  	s0 =	sor.u32 s23, s28;
	v17 =	vsel vm3, v11, v17;
	v11 =	vadd.s32 $0x10, v11;
	vm3 =	vlt.f32 v25, v13  }
0x144: {  	v26 =	vld [tilespmem:s0+$0x0];
	v17 =	vsel vm4, v11, v17;
	v13 =	vsel vm3, v25, v13;
	v25 =	vadd.s32 $0x3D8, v9  }
0x145: {  	v19 =	vld [tilespmem:s29+$0x0];
	[tilespmem:v21+s17+$0x0] =	vst.idx.msk $0xffff, v13;
	v13 =	vsel vm3, v25, v17  }
0x146: {  	[tilespmem:v21+s18+$0x0] =	vst.idx.msk $0xffff, v13  }
0x147: {  	v13 =	vld [tilespmem:$0x4158]  }
0x148: {  	vm3 =	vlt.f32 v14, v20  }
0x149: {  	v17 =	vadd.s32 $0x99, v9;
	v14 =	vsel vm3, v14, v20  }
0x14a: {  	vm14 =	vlt.f32 v18, v14  }
0x14b: {  	v20 =	vsel vm2, v7, v24;
	v14 =	vsel vm14, v18, v14  }
0x14c: {  	v18 =	vsel vm3, v8, v20;
	vm2 =	vlt.f32 v13, v14  }
0x14d: {  	v18 =	vsel vm14, v11, v18;
	v13 =	vsel vm2, v13, v14  }
0x14e: {  	v14 =	vsel vm2, v25, v18;
	[tilespmem:v17+s17+$0x0] =	vst.idx.msk $0xffff, v13  }
0x14f: {  	[tilespmem:v17+s18+$0x0] =	vst.idx.msk $0xffff, v14  }
0x150: {  	v13 =	vld [tilespmem:$0x41D8]  }
0x151: {  	vm2 =	vlt.f32 v15, v16  }
0x152: {  	v14 =	vsel vm2, v15, v16;
	v15 =	vadd.s32 $0xAA, v9  }
0x153: {  	vm3 =	vlt.f32 v19, v14  }
0x154: {  	v16 =	vsel vm1, v7, v23;
	v14 =	vsel vm3, v19, v14  }
0x155: {  	v16 =	vsel vm2, v8, v16;
	vm1 =	vlt.f32 v13, v14  }
0x156: {  	v16 =	vsel vm3, v11, v16;
	v13 =	vsel vm1, v13, v14  }
0x157: {  	v14 =	vsel vm1, v25, v16;
	[tilespmem:v15+s17+$0x0] =	vst.idx.msk $0xffff, v13  }
0x158: {  	[tilespmem:v15+s18+$0x0] =	vst.idx.msk $0xffff, v14  }
0x159: {  	v13 =	vld [tilespmem:$0x4258]  }
0x15a: {  	vm1 =	vlt.f32 v12, v10  }
0x15b: {  	v10 =	vsel vm1, v12, v10;
	v12 =	vadd.s32 $0xBB, v9  }
0x15c: {  	vm2 =	vlt.f32 v26, v10  }
0x15d: {  	v7 =	vsel vm0, v7, v22;
	v10 =	vsel vm2, v26, v10  }
0x15e: {  	s31 =	simm.s32 $0x0;
	v7 =	vsel vm1, v8, v7;
	vm0 =	vlt.f32 v13, v10  }
0x15f: {  	s1 =	sand.u32 $0x60, s31;
	s0 =	sand.u32 $0x1C00, s31;
	v7 =	vsel vm2, v11, v7;
	v8 =	vsel vm0, v13, v10  }
0x160: {  	s24 =	sadd.s32 $0x2680, s0;
	s25 =	sor.u32 $0x10, s1;
	v7 =	vsel vm0, v25, v7;
	[tilespmem:v12+s17+$0x0] =	vst.idx.msk $0xffff, v8  }
0x161: {  	s26 =	sor.u32 s25, s24;
	[tilespmem:v12+s18+$0x0] =	vst.idx.msk $0xffff, v7  }
0x162: {  	s28 =	sadd.s32 $0x2700, s0;
	s24 =	sor.u32 s1, s24;
	v7 =	vld [tilespmem:s26+$0x0]  }
0x163: {  	s30 =	sor.u32 s1, s28;
	v8 =	vld [tilespmem:s24+$0x0]  }
0x164: {  	s26 =	sor.u32 s25, s28;
	s28 =	sadd.s32 $0x2780, s0;
	v11 =	vld [tilespmem:s30+$0x0]  }
0x165: {  	s0 =	sadd.s32 $0x2800, s0;
	s31 =	sor.u32 s1, s28  }
0x166: {  	s23 =	sor.u32 s1, s0;
	v13 =	vld [tilespmem:s31+$0x0]  }
0x167: {  	s30 =	simm.s32 $0x100;
	v16 =	vld [tilespmem:s23+$0x0]  }
0x168: {  	v15 =	vimm.f32 $+Inf;
	v10 =	vld [tilespmem:s26+$0x0];
	s1 =	sor.u32 s25, s28;
	s24 =	sand.u32 $0x1C00, s30;
	s31 =	simm.s32 $0x20  }
0x169: {  	s0 =	sor.u32 s25, s0;
	v17 =	vld [tilespmem:s1+$0x0];
	s1 =	sadd.s32 $0x2680, s24;
	s26 =	sand.u32 $0x60, s31;
	vm0 =	vlt.f32 v8, v15;
	vm3 =	vlt.f32 v11, v15  }
0x16a: {  	v23 =	vld [tilespmem:s0+$0x0];
	s23 =	sor.u32 $0x10, s26;
	s25 =	sor.u32 s26, s1;
	v12 =	vsel vm0, v8, v15;
	v18 =	vsel vm0, v9, v9;
	v8 =	vadd.s32 $0x10, v9  }
0x16b: {  	s28 =	sadd.s32 $0x2700, s24;
	s30 =	sor.u32 s23, s1;
	v22 =	vld [tilespmem:s25+$0x0];
	v25 =	vsel vm3, v9, v9;
	vm0 =	vlt.f32 v7, v12;
	vm15 =	vlt.f32 v13, v15  }
0x16c: {  	s31 =	sor.u32 s23, s28;
	v14 =	vld [tilespmem:s30+$0x0];
	vm5 =	vlt.f32 v16, v15;
	v20 =	vsel vm0, v7, v12;
	v18 =	vsel vm0, v8, v18  }
0x16d: {  	s29 =	sadd.s32 $0x2780, s24;
	s1 =	sor.u32 s26, s28;
	v19 =	vld [tilespmem:s31+$0x0];
	v12 =	vadd.s32 $0x20, v9;
	v7 =	vsel vm3, v11, v15;
	v11 =	vsel vm15, v13, v15  }
0x16e: {  	s28 =	sadd.s32 $0x2800, s24;
	s30 =	sor.u32 s26, s29;
	v13 =	vsel vm5, v16, v15;
	v15 =	vld [tilespmem:s1+$0x0];
	v24 =	vsel vm15, v9, v9;
	vm2 =	vlt.f32 v10, v7  }
0x16f: {  	s24 =	simm.s32 $0x2;
	s31 =	sor.u32 s26, s28;
	v16 =	vld [tilespmem:s30+$0x0];
	vm1 =	vlt.f32 v17, v11;
	vm0 =	vlt.f32 v23, v13;
	v21 =	vsel vm2, v10, v7  }
0x170: {  	s25 =	simm.s32 $0x200;
	s29 =	sor.u32 s23, s29;
	s26 =	simm.s32 $0x40;
	v17 =	vsel vm1, v17, v11;
	v11 =	vsel vm0, v23, v13;
	v13 =	vld [tilespmem:s31+$0x0];
	v23 =	vsel vm5, v9, v9;
	v10 =	vmovc v12  }
.LBB2_9:
0x171: {  	s0 =	sand.u32 $0x60, s26;
	s30 =	sand.u32 $0x1C00, s25;
	vm3 =	vlt.f32 v22, v20;
	v7 =	vld [tilespmem:s29+$0x0];
	s28 =	sor.u32 s23, s28;
	v9 =	vsel vm1, v8, v24;
	v23 =	vsel vm0, v8, v23  }
0x172: {  	v25 =	vsel vm2, v8, v25;
	s29 =	sadd.s32 $0x2680, s30;
	s23 =	sor.u32 $0x10, s0;
	v20 =	vsel vm3, v22, v20;
	v18 =	vsel vm3, v12, v18;
	v24 =	vld [tilespmem:s28+$0x0];
	v26 =	vmovc v19  }
0x173: {  	v8 =	vadd.s32 $0x10, v12;
	s24 =	sadd.s32 $0x2, s24;
	s28 =	sor.u32 s23, s29;
	vm0 =	vlt.f32 v14, v20  }
0x174: {  	s31 =	sadd.s32 $0x2700, s30;
	v12 =	vadd.s32 $0x20, v12;
	p0 =	slt.u32 s24, $0x3C;
	s29 =	sor.u32 s0, s29;
	v20 =	vsel vm0, v14, v20;
	v14 =	vld [tilespmem:s28+$0x0];
	v18 =	vsel vm0, v8, v18  }
.Ltmp5:
0x175: {  	vm3 =	vlt.f32 v15, v21;
	s28 =	sor.u32 s23, s31;
	vm4 =	vlt.f32 v16, v17;
	v22 =	vld [tilespmem:s29+$0x0];
	vm5 =	vlt.f32 v13, v11;
	(pc) =	sbr.rel @p0 .LBB2_9-.Ltmp5, $4  }
0x176: {  	v21 =	vsel vm3, v15, v21;
	s29 =	sor.u32 s0, s31;
	s31 =	sadd.s32 $0x2780, s30;
	v17 =	vsel vm4, v16, v17;
	v19 =	vld [tilespmem:s28+$0x0];
	v11 =	vsel vm5, v13, v11  }
0x177: {  	vm2 =	vlt.f32 v26, v21;
	s28 =	sadd.s32 $0x2800, s30;
	vm1 =	vlt.f32 v7, v17;
	v15 =	vld [tilespmem:s29+$0x0];
	s29 =	sor.u32 s0, s31;
	vm0 =	vlt.f32 v24, v11  }
0x178: {  	v21 =	vsel vm2, v26, v21;
	s0 =	sor.u32 s0, s28;
	v17 =	vsel vm1, v7, v17;
	v16 =	vld [tilespmem:s29+$0x0];
	v11 =	vsel vm0, v24, v11  }
0x179: {  	s25 =	sadd.s32 $0x100, s25;
	s26 =	sadd.s32 $0x20, s26;
	v25 =	vsel vm3, v10, v25;
	v23 =	vsel vm5, v10, v23;
	s29 =	sor.u32 s23, s31;
	v24 =	vsel vm4, v10, v9;
	v10 =	vmovc v12;
	v13 =	vld [tilespmem:s0+$0x0]  }
0x17a: {  	v9 =	vld [tilespmem:$0x42D8]  }
0x17b: {  	vm3 =	vlt.f32 v22, v20;
	v7 =	vlaneseq.u32  }
0x17c: {  	v20 =	vsel vm3, v22, v20;
	v22 =	vadd.s32 $0xCC, v7  }
0x17d: {  	vm4 =	vlt.f32 v14, v20  }
0x17e: {  	v14 =	vsel vm4, v14, v20  }
0x17f: {  	s0 =	sor.u32 s23, s28;
	v18 =	vsel vm3, v12, v18;
	v12 =	vadd.s32 $0x10, v12;
	vm3 =	vlt.f32 v9, v14  }
0x180: {  	v26 =	vld [tilespmem:s0+$0x0];
	v18 =	vsel vm4, v12, v18;
	v9 =	vsel vm3, v9, v14;
	v14 =	vadd.s32 $0x3D8, v7  }
0x181: {  	v20 =	vld [tilespmem:s29+$0x0];
	[tilespmem:v22+s17+$0x0] =	vst.idx.msk $0xffff, v9;
	v9 =	vsel vm3, v14, v18  }
0x182: {  	[tilespmem:v22+s18+$0x0] =	vst.idx.msk $0xffff, v9  }
0x183: {  	v9 =	vld [tilespmem:$0x4358]  }
0x184: {  	vm3 =	vlt.f32 v15, v21  }
0x185: {  	v18 =	vadd.s32 $0xDD, v7;
	v15 =	vsel vm3, v15, v21  }
0x186: {  	vm14 =	vlt.f32 v19, v15  }
0x187: {  	v21 =	vsel vm2, v8, v25;
	v15 =	vsel vm14, v19, v15  }
0x188: {  	v19 =	vsel vm3, v10, v21;
	vm2 =	vlt.f32 v9, v15  }
0x189: {  	v19 =	vsel vm14, v12, v19;
	v9 =	vsel vm2, v9, v15  }
0x18a: {  	v15 =	vsel vm2, v14, v19;
	[tilespmem:v18+s17+$0x0] =	vst.idx.msk $0xffff, v9  }
0x18b: {  	[tilespmem:v18+s18+$0x0] =	vst.idx.msk $0xffff, v15  }
0x18c: {  	v9 =	vld [tilespmem:$0x43D8]  }
0x18d: {  	vm2 =	vlt.f32 v16, v17  }
0x18e: {  	v15 =	vsel vm2, v16, v17;
	v16 =	vadd.s32 $0xEE, v7  }
0x18f: {  	vm3 =	vlt.f32 v20, v15  }
0x190: {  	v17 =	vsel vm1, v8, v24;
	v15 =	vsel vm3, v20, v15  }
0x191: {  	v17 =	vsel vm2, v10, v17;
	vm1 =	vlt.f32 v9, v15  }
0x192: {  	v17 =	vsel vm3, v12, v17;
	v9 =	vsel vm1, v9, v15  }
0x193: {  	v15 =	vsel vm1, v14, v17;
	[tilespmem:v16+s17+$0x0] =	vst.idx.msk $0xffff, v9  }
0x194: {  	[tilespmem:v16+s18+$0x0] =	vst.idx.msk $0xffff, v15  }
0x195: {  	v15 =	vld [tilespmem:$0x4458]  }
0x196: {  	vm1 =	vlt.f32 v13, v11  }
0x197: {  	v11 =	vsel vm1, v13, v11;
	v13 =	vadd.s32 $0xFF, v7  }
0x198: {  	v9 =	vmul.u32 $0x11, v7;
	vm2 =	vlt.f32 v26, v11  }
0x199: {  	v8 =	vsel vm0, v8, v23;
	v11 =	vsel vm2, v26, v11  }
0x19a: {  	v8 =	vsel vm1, v10, v8;
	vm0 =	vlt.f32 v15, v11  }
0x19b: {  	v8 =	vsel vm2, v12, v8;
	v10 =	vsel vm0, v15, v11;
	v11 =	vadd.s32 $0x1, v9  }
0x19c: {  	v8 =	vsel vm0, v14, v8;
	[tilespmem:v13+s17+$0x0] =	vst.idx.msk $0xffff, v10  }
0x19d: {  	[tilespmem:v13+s18+$0x0] =	vst.idx.msk $0xffff, v8  }
0x19e: {  	v8 =	vld.idx.msk [tilespmem:v9+s17+$0x0], $0xffff  }
0x19f: {  	v12 =	vadd.s32 $0x2, v9;
	v10 =	vld.idx.msk [tilespmem:v9+s18+$0x0], $0xffff  }
0x1a0: {  	v13 =	vld.idx.msk [tilespmem:v11+s17+$0x0], $0xffff  }
0x1a1: {  	v11 =	vld.idx.msk [tilespmem:v11+s18+$0x0], $0xffff;
	_ =	sdelay $0x1  }
0x1a2: {  	v14 =	vadd.s32 $0x3, v9  }
0x1a3: {  	v15 =	vld.idx.msk [tilespmem:v12+s17+$0x0], $0xffff  }
0x1a4: {  	v12 =	vld.idx.msk [tilespmem:v12+s18+$0x0], $0xffff  }
0x1a5: {  	vm0 =	veq.f32 v13, v8;
	vm1 =	vlt.s32 v11, v10  }
0x1a6: {  	v16 =	vadd.s32 $0x4, v9;
	vm2 =	vlt.f32 v13, v8;
	vm0 =	vmand vm0, vm1  }
0x1a7: {  	v17 =	vld.idx.msk [tilespmem:v14+s17+$0x0], $0xffff;
	vm0 =	vmor vm2, vm0  }
0x1a8: {  	v8 =	vsel vm0, v13, v8;
	v10 =	vsel vm0, v11, v10;
	v11 =	vld.idx.msk [tilespmem:v14+s18+$0x0], $0xffff  }
0x1a9: {  	vm0 =	veq.f32 v15, v8;
	vm1 =	vlt.s32 v12, v10  }
0x1aa: {  	v13 =	vadd.s32 $0x5, v9;
	vm2 =	vlt.f32 v15, v8;
	vm0 =	vmand vm0, vm1  }
0x1ab: {  	v14 =	vld.idx.msk [tilespmem:v16+s17+$0x0], $0xffff;
	vm0 =	vmor vm2, vm0  }
0x1ac: {  	v8 =	vsel vm0, v15, v8;
	v10 =	vsel vm0, v12, v10;
	v12 =	vld.idx.msk [tilespmem:v16+s18+$0x0], $0xffff  }
0x1ad: {  	vm0 =	veq.f32 v17, v8;
	vm1 =	vlt.s32 v11, v10  }
0x1ae: {  	v15 =	vadd.s32 $0x6, v9;
	vm2 =	vlt.f32 v17, v8;
	vm0 =	vmand vm0, vm1  }
0x1af: {  	v16 =	vld.idx.msk [tilespmem:v13+s17+$0x0], $0xffff;
	vm0 =	vmor vm2, vm0  }
0x1b0: {  	v8 =	vsel vm0, v17, v8;
	v10 =	vsel vm0, v11, v10;
	v11 =	vld.idx.msk [tilespmem:v13+s18+$0x0], $0xffff  }
0x1b1: {  	vm0 =	veq.f32 v14, v8;
	vm1 =	vlt.s32 v12, v10  }
0x1b2: {  	v13 =	vadd.s32 $0x7, v9;
	vm2 =	vlt.f32 v14, v8;
	vm0 =	vmand vm0, vm1  }
0x1b3: {  	v17 =	vld.idx.msk [tilespmem:v15+s17+$0x0], $0xffff;
	vm0 =	vmor vm2, vm0  }
0x1b4: {  	v8 =	vsel vm0, v14, v8;
	v10 =	vsel vm0, v12, v10;
	v12 =	vld.idx.msk [tilespmem:v15+s18+$0x0], $0xffff  }
0x1b5: {  	vm0 =	veq.f32 v16, v8;
	vm1 =	vlt.s32 v11, v10  }
0x1b6: {  	v14 =	vadd.s32 $0x8, v9;
	vm2 =	vlt.f32 v16, v8;
	vm0 =	vmand vm0, vm1  }
0x1b7: {  	v15 =	vld.idx.msk [tilespmem:v13+s17+$0x0], $0xffff;
	vm0 =	vmor vm2, vm0  }
0x1b8: {  	v8 =	vsel vm0, v16, v8;
	v10 =	vsel vm0, v11, v10;
	v11 =	vld.idx.msk [tilespmem:v13+s18+$0x0], $0xffff  }
0x1b9: {  	vm0 =	veq.f32 v17, v8;
	vm1 =	vlt.s32 v12, v10  }
0x1ba: {  	v13 =	vadd.s32 $0x9, v9;
	vm2 =	vlt.f32 v17, v8;
	vm0 =	vmand vm0, vm1  }
0x1bb: {  	v16 =	vld.idx.msk [tilespmem:v14+s17+$0x0], $0xffff;
	vm0 =	vmor vm2, vm0  }
0x1bc: {  	v8 =	vsel vm0, v17, v8;
	v10 =	vsel vm0, v12, v10;
	v12 =	vld.idx.msk [tilespmem:v14+s18+$0x0], $0xffff  }
0x1bd: {  	vm0 =	veq.f32 v15, v8;
	vm1 =	vlt.s32 v11, v10  }
0x1be: {  	v14 =	vadd.s32 $0xA, v9;
	vm2 =	vlt.f32 v15, v8;
	vm0 =	vmand vm0, vm1  }
0x1bf: {  	v17 =	vld.idx.msk [tilespmem:v13+s17+$0x0], $0xffff;
	vm0 =	vmor vm2, vm0  }
0x1c0: {  	v8 =	vsel vm0, v15, v8;
	v10 =	vsel vm0, v11, v10;
	v11 =	vld.idx.msk [tilespmem:v13+s18+$0x0], $0xffff  }
0x1c1: {  	vm0 =	veq.f32 v16, v8;
	vm1 =	vlt.s32 v12, v10  }
0x1c2: {  	v13 =	vadd.s32 $0xB, v9;
	vm2 =	vlt.f32 v16, v8;
	vm0 =	vmand vm0, vm1  }
0x1c3: {  	v15 =	vld.idx.msk [tilespmem:v14+s17+$0x0], $0xffff;
	vm0 =	vmor vm2, vm0  }
0x1c4: {  	v8 =	vsel vm0, v16, v8;
	v10 =	vsel vm0, v12, v10;
	v12 =	vld.idx.msk [tilespmem:v14+s18+$0x0], $0xffff  }
0x1c5: {  	vm0 =	veq.f32 v17, v8;
	vm1 =	vlt.s32 v11, v10  }
0x1c6: {  	v14 =	vadd.s32 $0xC, v9;
	vm2 =	vlt.f32 v17, v8;
	vm0 =	vmand vm0, vm1  }
0x1c7: {  	v16 =	vld.idx.msk [tilespmem:v13+s17+$0x0], $0xffff;
	vm0 =	vmor vm2, vm0  }
0x1c8: {  	v8 =	vsel vm0, v17, v8;
	v10 =	vsel vm0, v11, v10;
	v11 =	vld.idx.msk [tilespmem:v13+s18+$0x0], $0xffff  }
0x1c9: {  	vm0 =	veq.f32 v15, v8;
	vm1 =	vlt.s32 v12, v10  }
0x1ca: {  	v13 =	vadd.s32 $0xD, v9;
	vm2 =	vlt.f32 v15, v8;
	vm0 =	vmand vm0, vm1  }
0x1cb: {  	v17 =	vld.idx.msk [tilespmem:v14+s17+$0x0], $0xffff;
	vm0 =	vmor vm2, vm0  }
0x1cc: {  	v8 =	vsel vm0, v15, v8;
	v10 =	vsel vm0, v12, v10;
	v12 =	vld.idx.msk [tilespmem:v14+s18+$0x0], $0xffff  }
0x1cd: {  	vm0 =	veq.f32 v16, v8;
	vm1 =	vlt.s32 v11, v10  }
0x1ce: {  	v14 =	vadd.s32 $0xE, v9;
	vm2 =	vlt.f32 v16, v8;
	vm0 =	vmand vm0, vm1  }
0x1cf: {  	v15 =	vld.idx.msk [tilespmem:v13+s17+$0x0], $0xffff;
	vm0 =	vmor vm2, vm0  }
0x1d0: {  	v8 =	vsel vm0, v16, v8;
	v10 =	vsel vm0, v11, v10;
	v11 =	vld.idx.msk [tilespmem:v13+s18+$0x0], $0xffff  }
0x1d1: {  	vm0 =	veq.f32 v17, v8;
	vm1 =	vlt.s32 v12, v10  }
0x1d2: {  	v9 =	vadd.s32 $0xF, v9;
	vm2 =	vlt.f32 v17, v8;
	vm0 =	vmand vm0, vm1  }
0x1d3: {  	v13 =	vld.idx.msk [tilespmem:v14+s17+$0x0], $0xffff;
	vm0 =	vmor vm2, vm0  }
0x1d4: {  	v8 =	vsel vm0, v17, v8;
	v10 =	vsel vm0, v12, v10;
	v12 =	vld.idx.msk [tilespmem:v14+s18+$0x0], $0xffff  }
0x1d5: {  	vm0 =	veq.f32 v15, v8;
	vm1 =	vlt.s32 v11, v10  }
0x1d6: {  	vm2 =	vlt.f32 v15, v8;
	vm0 =	vmand vm0, vm1  }
0x1d7: {  	v14 =	vld.idx.msk [tilespmem:v9+s17+$0x0], $0xffff;
	vm0 =	vmor vm2, vm0  }
0x1d8: {  	v9 =	vld.idx.msk [tilespmem:v9+s18+$0x0], $0xffff;
	v8 =	vsel vm0, v15, v8;
	v10 =	vsel vm0, v11, v10  }
0x1d9: {  	vm0 =	veq.f32 v13, v8;
	vm1 =	vlt.s32 v12, v10  }
0x1da: {  	vm2 =	vlt.f32 v13, v8;
	vm0 =	vmand vm0, vm1  }
0x1db: {  	vm0 =	vmor vm2, vm0  }
0x1dc: {  	v8 =	vsel vm0, v13, v8;
	v10 =	vsel vm0, v12, v10  }
0x1dd: {  	vm0 =	veq.f32 v14, v8;
	vm1 =	vlt.s32 v9, v10  }
0x1de: {  	vm2 =	vlt.f32 v14, v8;
	vm0 =	vmand vm0, vm1  }
0x1df: {  	vm0 =	vmor vm2, vm0  }
0x1e0: {  	v9 =	vsel vm0, v9, v10;
	_ =	sdelay $0x3  }
0x1e1: {  	s26 =	simm.s32 $0x0  }
0x1e2: {  	v9 =	vld.idx.msk [tilespmem:v9+s26+$0x0], $0xffff;
	_ =	sdelay $0x2  }
0x1e3: {  	v8 =	vsel vm0, v14, v8  }
0x1e4: {  	s24 =	sand.u32 $0x60, s26;
	s0 =	sand.u32 $0x1C00, s26;
	vm0 =	vlt.f32 v8, v5  }
0x1e5: {  	s23 =	sshll.u32 s22, $0x6;
	s25 =	sadd.s32 $0x4480, s0;
	s26 =	sor.u32 $0x10, s24;
	v8 =	vsel vm0, v9, v6  }
0x1e6: {  	s28 =	sor.u32 s26, s25;
	[tilespmem:s23+$0x10480] =	vst v8  }
0x1e7: {  	s29 =	sadd.s32 $0x4500, s0;
	s25 =	sor.u32 s24, s25;
	v9 =	vld [tilespmem:s28+$0x0]  }
0x1e8: {  	s31 =	sor.u32 s26, s29;
	v8 =	vld [tilespmem:s25+$0x0];
	s28 =	sor.u32 s24, s29;
	s29 =	sadd.s32 $0x4580, s0  }
0x1e9: {  	s0 =	sadd.s32 $0x4600, s0;
	v12 =	vld [tilespmem:s28+$0x0];
	s1 =	sor.u32 s24, s29  }
0x1ea: {  	s24 =	sor.u32 s24, s0;
	v14 =	vld [tilespmem:s1+$0x0]  }
0x1eb: {  	v16 =	vld [tilespmem:s24+$0x0]  }
0x1ec: {  	v15 =	vimm.f32 $+Inf;
	v10 =	vld [tilespmem:s31+$0x0];
	s31 =	sor.u32 s26, s29;
	s28 =	simm.s32 $0x20;
	s1 =	simm.s32 $0x100  }
0x1ed: {  	s0 =	sor.u32 s26, s0;
	s28 =	sand.u32 $0x60, s28;
	v21 =	vld [tilespmem:s31+$0x0];
	s25 =	sand.u32 $0x1C00, s1;
	vm0 =	vlt.f32 v8, v15  }
0x1ee: {  	v22 =	vld [tilespmem:s0+$0x0];
	s24 =	sor.u32 $0x10, s28;
	s31 =	sadd.s32 $0x4480, s25;
	v11 =	vsel vm0, v8, v15  }
0x1ef: {  	s1 =	sor.u32 s24, s31;
	v17 =	vsel vm0, v7, v7;
	v8 =	vadd.s32 $0x10, v7;
	vm3 =	vlt.f32 v12, v15  }
0x1f0: {  	s29 =	sadd.s32 $0x4500, s25;
	s26 =	sor.u32 s28, s31;
	v13 =	vld [tilespmem:s1+$0x0];
	vm0 =	vlt.f32 v9, v11;
	vm15 =	vlt.f32 v14, v15;
	vm5 =	vlt.f32 v16, v15  }
0x1f1: {  	s31 =	sor.u32 s24, s29;
	v20 =	vld [tilespmem:s26+$0x0];
	v12 =	vsel vm3, v12, v15;
	v9 =	vsel vm0, v9, v11;
	v17 =	vsel vm0, v8, v17  }
0x1f2: {  	s30 =	sadd.s32 $0x4580, s25;
	s1 =	sor.u32 s28, s29;
	v18 =	vld [tilespmem:s31+$0x0];
	v11 =	vadd.s32 $0x20, v7;
	v23 =	vsel vm15, v14, v15;
	v63 =	vsel vm5, v16, v15  }
0x1f3: {  	s26 =	sor.u32 s28, s30;
	s29 =	sadd.s32 $0x4600, s25;
	v14 =	vld [tilespmem:s1+$0x0];
	vm2 =	vlt.f32 v10, v12;
	vm1 =	vlt.f32 v21, v23;
	vm0 =	vlt.f32 v22, v63  }
0x1f4: {  	s25 =	simm.s32 $0x2;
	s31 =	sor.u32 s28, s29;
	v15 =	vld [tilespmem:s26+$0x0];
	v19 =	vsel vm2, v10, v12;
	v16 =	vsel vm1, v21, v23;
	v10 =	vsel vm0, v22, v63  }
0x1f5: {  	s30 =	sor.u32 s24, s30;
	s28 =	simm.s32 $0x40;
	s26 =	simm.s32 $0x200;
	v12 =	vld [tilespmem:s31+$0x0];
	v23 =	vsel vm3, v7, v7;
	v22 =	vsel vm15, v7, v7;
	v21 =	vsel vm5, v7, v7;
	v7 =	vmovc v11  }
.LBB2_11:
0x1f6: {  	s0 =	sand.u32 $0x60, s28;
	s31 =	sand.u32 $0x1C00, s26;
	vm3 =	vlt.f32 v20, v9;
	v24 =	vld [tilespmem:s30+$0x0];
	s29 =	sor.u32 s24, s29;
	v22 =	vsel vm1, v8, v22;
	v21 =	vsel vm0, v8, v21  }
0x1f7: {  	v23 =	vsel vm2, v8, v23;
	s30 =	sadd.s32 $0x4480, s31;
	s24 =	sor.u32 $0x10, s0;
	v9 =	vsel vm3, v20, v9;
	v17 =	vsel vm3, v11, v17;
	v25 =	vld [tilespmem:s29+$0x0];
	v26 =	vmovc v18  }
0x1f8: {  	v8 =	vadd.s32 $0x10, v11;
	s25 =	sadd.s32 $0x2, s25;
	s29 =	sor.u32 s24, s30;
	vm0 =	vlt.f32 v13, v9  }
0x1f9: {  	s1 =	sadd.s32 $0x4500, s31;
	v11 =	vadd.s32 $0x20, v11;
	p0 =	slt.u32 s25, $0x3C;
	s30 =	sor.u32 s0, s30;
	v9 =	vsel vm0, v13, v9;
	v13 =	vld [tilespmem:s29+$0x0];
	v17 =	vsel vm0, v8, v17  }
.Ltmp6:
0x1fa: {  	vm3 =	vlt.f32 v14, v19;
	s29 =	sor.u32 s24, s1;
	vm4 =	vlt.f32 v15, v16;
	v20 =	vld [tilespmem:s30+$0x0];
	vm5 =	vlt.f32 v12, v10;
	(pc) =	sbr.rel @p0 .LBB2_11-.Ltmp6, $4  }
0x1fb: {  	s1 =	sor.u32 s0, s1;
	v19 =	vsel vm3, v14, v19;
	s30 =	sadd.s32 $0x4580, s31;
	v16 =	vsel vm4, v15, v16;
	v18 =	vld [tilespmem:s29+$0x0];
	v10 =	vsel vm5, v12, v10  }
0x1fc: {  	vm2 =	vlt.f32 v26, v19;
	s29 =	sadd.s32 $0x4600, s31;
	vm1 =	vlt.f32 v24, v16;
	v14 =	vld [tilespmem:s1+$0x0];
	s1 =	sor.u32 s0, s30;
	vm0 =	vlt.f32 v25, v10  }
0x1fd: {  	v19 =	vsel vm2, v26, v19;
	s0 =	sor.u32 s0, s29;
	v16 =	vsel vm1, v24, v16;
	v15 =	vld [tilespmem:s1+$0x0];
	v10 =	vsel vm0, v25, v10  }
0x1fe: {  	s26 =	sadd.s32 $0x100, s26;
	s28 =	sadd.s32 $0x20, s28;
	v23 =	vsel vm3, v7, v23;
	v22 =	vsel vm4, v7, v22;
	v21 =	vsel vm5, v7, v21;
	v7 =	vmovc v11;
	s30 =	sor.u32 s24, s30;
	v12 =	vld [tilespmem:s0+$0x0]  }
0x1ff: {  	v24 =	vld [tilespmem:$0x60D8]  }
0x200: {  	vm3 =	vlt.f32 v20, v9  }
0x201: {  	v20 =	vsel vm3, v20, v9;
	v9 =	vlaneseq.u32  }
0x202: {  	vm4 =	vlt.f32 v13, v20  }
0x203: {  	v13 =	vsel vm4, v13, v20  }
0x204: {  	s0 =	sor.u32 s24, s29;
	v17 =	vsel vm3, v11, v17;
	v11 =	vadd.s32 $0x10, v11;
	vm3 =	vlt.f32 v24, v13  }
0x205: {  	v25 =	vld [tilespmem:s0+$0x0];
	v17 =	vsel vm4, v11, v17;
	v13 =	vsel vm3, v24, v13;
	v24 =	vadd.s32 $0x3D8, v9  }
0x206: {  	v20 =	vld [tilespmem:s30+$0x0];
	[tilespmem:v9+s17+$0x0] =	vst.idx.msk $0xffff, v13;
	v13 =	vsel vm3, v24, v17  }
0x207: {  	[tilespmem:v9+s18+$0x0] =	vst.idx.msk $0xffff, v13  }
0x208: {  	v13 =	vld [tilespmem:$0x6158]  }
0x209: {  	vm3 =	vlt.f32 v14, v19  }
0x20a: {  	v17 =	vadd.s32 $0x11, v9;
	v14 =	vsel vm3, v14, v19  }
0x20b: {  	vm14 =	vlt.f32 v18, v14  }
0x20c: {  	v19 =	vsel vm2, v8, v23;
	v14 =	vsel vm14, v18, v14  }
0x20d: {  	v18 =	vsel vm3, v7, v19;
	vm2 =	vlt.f32 v13, v14  }
0x20e: {  	v18 =	vsel vm14, v11, v18;
	v13 =	vsel vm2, v13, v14  }
0x20f: {  	v14 =	vsel vm2, v24, v18;
	[tilespmem:v17+s17+$0x0] =	vst.idx.msk $0xffff, v13  }
0x210: {  	[tilespmem:v17+s18+$0x0] =	vst.idx.msk $0xffff, v14  }
0x211: {  	v13 =	vld [tilespmem:$0x61D8]  }
0x212: {  	vm2 =	vlt.f32 v15, v16  }
0x213: {  	v14 =	vsel vm2, v15, v16;
	v15 =	vadd.s32 $0x22, v9  }
0x214: {  	vm3 =	vlt.f32 v20, v14  }
0x215: {  	v16 =	vsel vm1, v8, v22;
	v14 =	vsel vm3, v20, v14  }
0x216: {  	v16 =	vsel vm2, v7, v16;
	vm1 =	vlt.f32 v13, v14  }
0x217: {  	v16 =	vsel vm3, v11, v16;
	v13 =	vsel vm1, v13, v14  }
0x218: {  	v14 =	vsel vm1, v24, v16;
	[tilespmem:v15+s17+$0x0] =	vst.idx.msk $0xffff, v13  }
0x219: {  	[tilespmem:v15+s18+$0x0] =	vst.idx.msk $0xffff, v14  }
0x21a: {  	v13 =	vld [tilespmem:$0x6258]  }
0x21b: {  	vm1 =	vlt.f32 v12, v10  }
0x21c: {  	v10 =	vsel vm1, v12, v10;
	v12 =	vadd.s32 $0x33, v9  }
0x21d: {  	vm2 =	vlt.f32 v25, v10  }
0x21e: {  	v8 =	vsel vm0, v8, v21;
	v10 =	vsel vm2, v25, v10  }
0x21f: {  	s26 =	simm.s32 $0x0;
	v7 =	vsel vm1, v7, v8;
	vm0 =	vlt.f32 v13, v10  }
0x220: {  	s1 =	sand.u32 $0x60, s26;
	s0 =	sand.u32 $0x1C00, s26;
	v7 =	vsel vm2, v11, v7;
	v8 =	vsel vm0, v13, v10  }
0x221: {  	s31 =	sadd.s32 $0x4680, s0;
	s25 =	sor.u32 $0x10, s1;
	v7 =	vsel vm0, v24, v7;
	[tilespmem:v12+s17+$0x0] =	vst.idx.msk $0xffff, v8  }
0x222: {  	s26 =	sor.u32 s25, s31;
	[tilespmem:v12+s18+$0x0] =	vst.idx.msk $0xffff, v7  }
0x223: {  	s28 =	sadd.s32 $0x4700, s0;
	s24 =	sor.u32 s1, s31;
	v8 =	vld [tilespmem:s26+$0x0]  }
0x224: {  	s31 =	sor.u32 s1, s28;
	v7 =	vld [tilespmem:s24+$0x0]  }
0x225: {  	s26 =	sor.u32 s25, s28;
	s28 =	sadd.s32 $0x4780, s0;
	v12 =	vld [tilespmem:s31+$0x0]  }
0x226: {  	s0 =	sadd.s32 $0x4800, s0;
	v10 =	vld [tilespmem:s26+$0x0];
	s26 =	sor.u32 s1, s28  }
0x227: {  	s1 =	sor.u32 s1, s0;
	v14 =	vld [tilespmem:s26+$0x0]  }
0x228: {  	v16 =	vld [tilespmem:s1+$0x0]  }
0x229: {  	s24 =	simm.s32 $0x100;
	s31 =	simm.s32 $0x20;
	s0 =	sor.u32 s25, s0  }
0x22a: {  	v15 =	vimm.f32 $+Inf;
	s1 =	sor.u32 s25, s28;
	s26 =	sand.u32 $0x60, s31;
	s28 =	sand.u32 $0x1C00, s24;
	v23 =	vld [tilespmem:s0+$0x0]  }
0x22b: {  	v22 =	vld [tilespmem:s1+$0x0];
	s31 =	sadd.s32 $0x4680, s28;
	s24 =	sor.u32 $0x10, s26;
	vm0 =	vlt.f32 v7, v15;
	vm3 =	vlt.f32 v12, v15  }
0x22c: {  	s25 =	sor.u32 s24, s31;
	v11 =	vsel vm0, v7, v15;
	v17 =	vsel vm0, v9, v9;
	v7 =	vadd.s32 $0x10, v9  }
0x22d: {  	s1 =	sor.u32 s26, s31;
	s31 =	sadd.s32 $0x4700, s28;
	v13 =	vld [tilespmem:s25+$0x0];
	vm0 =	vlt.f32 v8, v11;
	vm15 =	vlt.f32 v14, v15;
	vm5 =	vlt.f32 v16, v15  }
0x22e: {  	v21 =	vld [tilespmem:s1+$0x0];
	s1 =	sor.u32 s24, s31;
	v19 =	vsel vm0, v8, v11;
	v17 =	vsel vm0, v7, v17;
	v11 =	vadd.s32 $0x20, v9  }
0x22f: {  	s30 =	sadd.s32 $0x4780, s28;
	s31 =	sor.u32 s26, s31;
	v18 =	vld [tilespmem:s1+$0x0];
	v8 =	vsel vm3, v12, v15;
	v12 =	vsel vm15, v14, v15;
	v24 =	vsel vm5, v16, v15  }
0x230: {  	s29 =	sadd.s32 $0x4800, s28;
	s1 =	sor.u32 s26, s30;
	v14 =	vld [tilespmem:s31+$0x0];
	vm2 =	vlt.f32 v10, v8;
	vm1 =	vlt.f32 v22, v12;
	vm0 =	vlt.f32 v23, v24  }
0x231: {  	s28 =	simm.s32 $0x40;
	v15 =	vld [tilespmem:s1+$0x0];
	s31 =	sor.u32 s26, s29;
	v20 =	vsel vm2, v10, v8;
	v16 =	vsel vm1, v22, v12;
	v10 =	vsel vm0, v23, v24  }
0x232: {  	s25 =	simm.s32 $0x2;
	s30 =	sor.u32 s24, s30;
	s26 =	simm.s32 $0x200;
	v12 =	vld [tilespmem:s31+$0x0];
	v24 =	vsel vm3, v9, v9;
	v23 =	vsel vm15, v9, v9;
	v22 =	vsel vm5, v9, v9;
	v9 =	vmovc v11  }
.LBB2_13:
0x233: {  	s0 =	sand.u32 $0x60, s28;
	s1 =	sand.u32 $0x1C00, s26;
	vm3 =	vlt.f32 v21, v19;
	v8 =	vld [tilespmem:s30+$0x0];
	s29 =	sor.u32 s24, s29;
	v23 =	vsel vm1, v7, v23;
	v22 =	vsel vm0, v7, v22  }
0x234: {  	v24 =	vsel vm2, v7, v24;
	s30 =	sadd.s32 $0x4680, s1;
	s24 =	sor.u32 $0x10, s0;
	v19 =	vsel vm3, v21, v19;
	v17 =	vsel vm3, v11, v17;
	v25 =	vld [tilespmem:s29+$0x0];
	v26 =	vmovc v18  }
0x235: {  	v7 =	vadd.s32 $0x10, v11;
	s25 =	sadd.s32 $0x2, s25;
	s29 =	sor.u32 s24, s30;
	vm0 =	vlt.f32 v13, v19  }
0x236: {  	s31 =	sadd.s32 $0x4700, s1;
	v11 =	vadd.s32 $0x20, v11;
	p0 =	slt.u32 s25, $0x3C;
	s30 =	sor.u32 s0, s30;
	v19 =	vsel vm0, v13, v19;
	v13 =	vld [tilespmem:s29+$0x0];
	v17 =	vsel vm0, v7, v17  }
.Ltmp7:
0x237: {  	vm3 =	vlt.f32 v14, v20;
	s29 =	sor.u32 s24, s31;
	vm4 =	vlt.f32 v15, v16;
	v21 =	vld [tilespmem:s30+$0x0];
	vm5 =	vlt.f32 v12, v10;
	(pc) =	sbr.rel @p0 .LBB2_13-.Ltmp7, $4  }
0x238: {  	v20 =	vsel vm3, v14, v20;
	s30 =	sor.u32 s0, s31;
	s31 =	sadd.s32 $0x4780, s1;
	v16 =	vsel vm4, v15, v16;
	v18 =	vld [tilespmem:s29+$0x0];
	v10 =	vsel vm5, v12, v10  }
0x239: {  	vm2 =	vlt.f32 v26, v20;
	s29 =	sadd.s32 $0x4800, s1;
	vm1 =	vlt.f32 v8, v16;
	v14 =	vld [tilespmem:s30+$0x0];
	s30 =	sor.u32 s0, s31;
	vm0 =	vlt.f32 v25, v10  }
0x23a: {  	v20 =	vsel vm2, v26, v20;
	s0 =	sor.u32 s0, s29;
	v16 =	vsel vm1, v8, v16;
	v15 =	vld [tilespmem:s30+$0x0];
	v10 =	vsel vm0, v25, v10  }
0x23b: {  	s26 =	sadd.s32 $0x100, s26;
	s28 =	sadd.s32 $0x20, s28;
	v24 =	vsel vm3, v9, v24;
	v23 =	vsel vm4, v9, v23;
	v22 =	vsel vm5, v9, v22;
	v9 =	vmovc v11;
	s30 =	sor.u32 s24, s31;
	v12 =	vld [tilespmem:s0+$0x0]  }
0x23c: {  	v25 =	vld [tilespmem:$0x62D8]  }
0x23d: {  	vm3 =	vlt.f32 v21, v19;
	v8 =	vlaneseq.u32  }
0x23e: {  	v19 =	vsel vm3, v21, v19;
	v21 =	vadd.s32 $0x44, v8  }
0x23f: {  	vm4 =	vlt.f32 v13, v19  }
0x240: {  	v13 =	vsel vm4, v13, v19  }
0x241: {  	s0 =	sor.u32 s24, s29;
	v17 =	vsel vm3, v11, v17;
	v11 =	vadd.s32 $0x10, v11;
	vm3 =	vlt.f32 v25, v13  }
0x242: {  	v26 =	vld [tilespmem:s0+$0x0];
	v17 =	vsel vm4, v11, v17;
	v13 =	vsel vm3, v25, v13;
	v25 =	vadd.s32 $0x3D8, v8  }
0x243: {  	v19 =	vld [tilespmem:s30+$0x0];
	[tilespmem:v21+s17+$0x0] =	vst.idx.msk $0xffff, v13;
	v13 =	vsel vm3, v25, v17  }
0x244: {  	[tilespmem:v21+s18+$0x0] =	vst.idx.msk $0xffff, v13  }
0x245: {  	v13 =	vld [tilespmem:$0x6358]  }
0x246: {  	vm3 =	vlt.f32 v14, v20  }
0x247: {  	v17 =	vadd.s32 $0x55, v8;
	v14 =	vsel vm3, v14, v20  }
0x248: {  	vm14 =	vlt.f32 v18, v14  }
0x249: {  	v20 =	vsel vm2, v7, v24;
	v14 =	vsel vm14, v18, v14  }
0x24a: {  	v18 =	vsel vm3, v9, v20;
	vm2 =	vlt.f32 v13, v14  }
0x24b: {  	v18 =	vsel vm14, v11, v18;
	v13 =	vsel vm2, v13, v14  }
0x24c: {  	v14 =	vsel vm2, v25, v18;
	[tilespmem:v17+s17+$0x0] =	vst.idx.msk $0xffff, v13  }
0x24d: {  	[tilespmem:v17+s18+$0x0] =	vst.idx.msk $0xffff, v14  }
0x24e: {  	v13 =	vld [tilespmem:$0x63D8]  }
0x24f: {  	vm2 =	vlt.f32 v15, v16  }
0x250: {  	v14 =	vsel vm2, v15, v16;
	v15 =	vadd.s32 $0x66, v8  }
0x251: {  	vm3 =	vlt.f32 v19, v14  }
0x252: {  	v16 =	vsel vm1, v7, v23;
	v14 =	vsel vm3, v19, v14  }
0x253: {  	v16 =	vsel vm2, v9, v16;
	vm1 =	vlt.f32 v13, v14  }
0x254: {  	v16 =	vsel vm3, v11, v16;
	v13 =	vsel vm1, v13, v14  }
0x255: {  	v14 =	vsel vm1, v25, v16;
	[tilespmem:v15+s17+$0x0] =	vst.idx.msk $0xffff, v13  }
0x256: {  	[tilespmem:v15+s18+$0x0] =	vst.idx.msk $0xffff, v14  }
0x257: {  	v13 =	vld [tilespmem:$0x6458]  }
0x258: {  	vm1 =	vlt.f32 v12, v10  }
0x259: {  	v10 =	vsel vm1, v12, v10;
	v12 =	vadd.s32 $0x77, v8  }
0x25a: {  	vm2 =	vlt.f32 v26, v10  }
0x25b: {  	v7 =	vsel vm0, v7, v22;
	v10 =	vsel vm2, v26, v10  }
0x25c: {  	s26 =	simm.s32 $0x0;
	v7 =	vsel vm1, v9, v7;
	vm0 =	vlt.f32 v13, v10  }
0x25d: {  	s1 =	sand.u32 $0x60, s26;
	s0 =	sand.u32 $0x1C00, s26;
	v7 =	vsel vm2, v11, v7;
	v9 =	vsel vm0, v13, v10  }
0x25e: {  	s31 =	sadd.s32 $0x6480, s0;
	s25 =	sor.u32 $0x10, s1;
	v7 =	vsel vm0, v25, v7;
	[tilespmem:v12+s17+$0x0] =	vst.idx.msk $0xffff, v9  }
0x25f: {  	s26 =	sor.u32 s25, s31;
	[tilespmem:v12+s18+$0x0] =	vst.idx.msk $0xffff, v7  }
0x260: {  	s28 =	sadd.s32 $0x6500, s0;
	s24 =	sor.u32 s1, s31;
	v9 =	vld [tilespmem:s26+$0x0]  }
0x261: {  	s31 =	sor.u32 s1, s28;
	v7 =	vld [tilespmem:s24+$0x0]  }
0x262: {  	s26 =	sor.u32 s25, s28;
	s28 =	sadd.s32 $0x6580, s0;
	v12 =	vld [tilespmem:s31+$0x0]  }
0x263: {  	s0 =	sadd.s32 $0x6600, s0;
	v10 =	vld [tilespmem:s26+$0x0];
	s26 =	sor.u32 s1, s28  }
0x264: {  	s1 =	sor.u32 s1, s0;
	v14 =	vld [tilespmem:s26+$0x0]  }
0x265: {  	v16 =	vld [tilespmem:s1+$0x0]  }
0x266: {  	s24 =	simm.s32 $0x100;
	s31 =	simm.s32 $0x20;
	s0 =	sor.u32 s25, s0  }
0x267: {  	v15 =	vimm.f32 $+Inf;
	s1 =	sor.u32 s25, s28;
	s26 =	sand.u32 $0x60, s31;
	s28 =	sand.u32 $0x1C00, s24;
	v23 =	vld [tilespmem:s0+$0x0]  }
0x268: {  	v22 =	vld [tilespmem:s1+$0x0];
	s31 =	sadd.s32 $0x6480, s28;
	s24 =	sor.u32 $0x10, s26;
	vm0 =	vlt.f32 v7, v15;
	vm3 =	vlt.f32 v12, v15  }
0x269: {  	s25 =	sor.u32 s24, s31;
	v11 =	vsel vm0, v7, v15;
	v17 =	vsel vm0, v8, v8;
	v7 =	vadd.s32 $0x10, v8  }
0x26a: {  	s1 =	sor.u32 s26, s31;
	s31 =	sadd.s32 $0x6500, s28;
	v13 =	vld [tilespmem:s25+$0x0];
	vm0 =	vlt.f32 v9, v11;
	vm15 =	vlt.f32 v14, v15;
	vm5 =	vlt.f32 v16, v15  }
0x26b: {  	v21 =	vld [tilespmem:s1+$0x0];
	s1 =	sor.u32 s24, s31;
	v19 =	vsel vm0, v9, v11;
	v17 =	vsel vm0, v7, v17;
	v11 =	vadd.s32 $0x20, v8  }
0x26c: {  	s30 =	sadd.s32 $0x6580, s28;
	s31 =	sor.u32 s26, s31;
	v18 =	vld [tilespmem:s1+$0x0];
	v9 =	vsel vm3, v12, v15;
	v12 =	vsel vm15, v14, v15;
	v24 =	vsel vm5, v16, v15  }
0x26d: {  	s29 =	sadd.s32 $0x6600, s28;
	s1 =	sor.u32 s26, s30;
	v14 =	vld [tilespmem:s31+$0x0];
	vm2 =	vlt.f32 v10, v9;
	vm1 =	vlt.f32 v22, v12;
	vm0 =	vlt.f32 v23, v24  }
0x26e: {  	s28 =	simm.s32 $0x40;
	v15 =	vld [tilespmem:s1+$0x0];
	s31 =	sor.u32 s26, s29;
	v20 =	vsel vm2, v10, v9;
	v16 =	vsel vm1, v22, v12;
	v10 =	vsel vm0, v23, v24  }
0x26f: {  	s25 =	simm.s32 $0x2;
	s30 =	sor.u32 s24, s30;
	s26 =	simm.s32 $0x200;
	v12 =	vld [tilespmem:s31+$0x0];
	v24 =	vsel vm3, v8, v8;
	v23 =	vsel vm15, v8, v8;
	v22 =	vsel vm5, v8, v8;
	v9 =	vmovc v11  }
.LBB2_15:
0x270: {  	s0 =	sand.u32 $0x60, s28;
	s1 =	sand.u32 $0x1C00, s26;
	vm3 =	vlt.f32 v21, v19;
	v8 =	vld [tilespmem:s30+$0x0];
	s29 =	sor.u32 s24, s29;
	v23 =	vsel vm1, v7, v23;
	v22 =	vsel vm0, v7, v22  }
0x271: {  	v24 =	vsel vm2, v7, v24;
	s30 =	sadd.s32 $0x6480, s1;
	s24 =	sor.u32 $0x10, s0;
	v19 =	vsel vm3, v21, v19;
	v17 =	vsel vm3, v11, v17;
	v25 =	vld [tilespmem:s29+$0x0];
	v26 =	vmovc v18  }
0x272: {  	v7 =	vadd.s32 $0x10, v11;
	s25 =	sadd.s32 $0x2, s25;
	s29 =	sor.u32 s24, s30;
	vm0 =	vlt.f32 v13, v19  }
0x273: {  	s31 =	sadd.s32 $0x6500, s1;
	v11 =	vadd.s32 $0x20, v11;
	p0 =	slt.u32 s25, $0x3C;
	s30 =	sor.u32 s0, s30;
	v19 =	vsel vm0, v13, v19;
	v13 =	vld [tilespmem:s29+$0x0];
	v17 =	vsel vm0, v7, v17  }
.Ltmp8:
0x274: {  	vm3 =	vlt.f32 v14, v20;
	s29 =	sor.u32 s24, s31;
	vm4 =	vlt.f32 v15, v16;
	v21 =	vld [tilespmem:s30+$0x0];
	vm5 =	vlt.f32 v12, v10;
	(pc) =	sbr.rel @p0 .LBB2_15-.Ltmp8, $4  }
0x275: {  	v20 =	vsel vm3, v14, v20;
	s30 =	sor.u32 s0, s31;
	s31 =	sadd.s32 $0x6580, s1;
	v16 =	vsel vm4, v15, v16;
	v18 =	vld [tilespmem:s29+$0x0];
	v10 =	vsel vm5, v12, v10  }
0x276: {  	vm2 =	vlt.f32 v26, v20;
	s29 =	sadd.s32 $0x6600, s1;
	vm1 =	vlt.f32 v8, v16;
	v14 =	vld [tilespmem:s30+$0x0];
	s30 =	sor.u32 s0, s31;
	vm0 =	vlt.f32 v25, v10  }
0x277: {  	v20 =	vsel vm2, v26, v20;
	s0 =	sor.u32 s0, s29;
	v16 =	vsel vm1, v8, v16;
	v15 =	vld [tilespmem:s30+$0x0];
	v10 =	vsel vm0, v25, v10  }
0x278: {  	s26 =	sadd.s32 $0x100, s26;
	s28 =	sadd.s32 $0x20, s28;
	v24 =	vsel vm3, v9, v24;
	v23 =	vsel vm4, v9, v23;
	v22 =	vsel vm5, v9, v22;
	v9 =	vmovc v11;
	s30 =	sor.u32 s24, s31;
	v12 =	vld [tilespmem:s0+$0x0]  }
0x279: {  	v25 =	vld [tilespmem:$0x80D8]  }
0x27a: {  	vm3 =	vlt.f32 v21, v19;
	v8 =	vlaneseq.u32  }
0x27b: {  	v19 =	vsel vm3, v21, v19;
	v21 =	vadd.s32 $0x88, v8  }
0x27c: {  	vm4 =	vlt.f32 v13, v19  }
0x27d: {  	v13 =	vsel vm4, v13, v19  }
0x27e: {  	s0 =	sor.u32 s24, s29;
	v17 =	vsel vm3, v11, v17;
	v11 =	vadd.s32 $0x10, v11;
	vm3 =	vlt.f32 v25, v13  }
0x27f: {  	v26 =	vld [tilespmem:s0+$0x0];
	v17 =	vsel vm4, v11, v17;
	v13 =	vsel vm3, v25, v13;
	v25 =	vadd.s32 $0x3D8, v8  }
0x280: {  	v19 =	vld [tilespmem:s30+$0x0];
	[tilespmem:v21+s17+$0x0] =	vst.idx.msk $0xffff, v13;
	v13 =	vsel vm3, v25, v17  }
0x281: {  	[tilespmem:v21+s18+$0x0] =	vst.idx.msk $0xffff, v13  }
0x282: {  	v13 =	vld [tilespmem:$0x8158]  }
0x283: {  	vm3 =	vlt.f32 v14, v20  }
0x284: {  	v17 =	vadd.s32 $0x99, v8;
	v14 =	vsel vm3, v14, v20  }
0x285: {  	vm14 =	vlt.f32 v18, v14  }
0x286: {  	v20 =	vsel vm2, v7, v24;
	v14 =	vsel vm14, v18, v14  }
0x287: {  	v18 =	vsel vm3, v9, v20;
	vm2 =	vlt.f32 v13, v14  }
0x288: {  	v18 =	vsel vm14, v11, v18;
	v13 =	vsel vm2, v13, v14  }
0x289: {  	v14 =	vsel vm2, v25, v18;
	[tilespmem:v17+s17+$0x0] =	vst.idx.msk $0xffff, v13  }
0x28a: {  	[tilespmem:v17+s18+$0x0] =	vst.idx.msk $0xffff, v14  }
0x28b: {  	v13 =	vld [tilespmem:$0x81D8]  }
0x28c: {  	vm2 =	vlt.f32 v15, v16  }
0x28d: {  	v14 =	vsel vm2, v15, v16;
	v15 =	vadd.s32 $0xAA, v8  }
0x28e: {  	vm3 =	vlt.f32 v19, v14  }
0x28f: {  	v16 =	vsel vm1, v7, v23;
	v14 =	vsel vm3, v19, v14  }
0x290: {  	v16 =	vsel vm2, v9, v16;
	vm1 =	vlt.f32 v13, v14  }
0x291: {  	v16 =	vsel vm3, v11, v16;
	v13 =	vsel vm1, v13, v14  }
0x292: {  	v14 =	vsel vm1, v25, v16;
	[tilespmem:v15+s17+$0x0] =	vst.idx.msk $0xffff, v13  }
0x293: {  	[tilespmem:v15+s18+$0x0] =	vst.idx.msk $0xffff, v14  }
0x294: {  	v13 =	vld [tilespmem:$0x8258]  }
0x295: {  	vm1 =	vlt.f32 v12, v10  }
0x296: {  	v10 =	vsel vm1, v12, v10;
	v12 =	vadd.s32 $0xBB, v8  }
0x297: {  	vm2 =	vlt.f32 v26, v10  }
0x298: {  	v7 =	vsel vm0, v7, v22;
	v10 =	vsel vm2, v26, v10  }
0x299: {  	s26 =	simm.s32 $0x0;
	v7 =	vsel vm1, v9, v7;
	vm0 =	vlt.f32 v13, v10  }
0x29a: {  	s1 =	sand.u32 $0x60, s26;
	s0 =	sand.u32 $0x1C00, s26;
	v7 =	vsel vm2, v11, v7;
	v9 =	vsel vm0, v13, v10  }
0x29b: {  	s31 =	sadd.s32 $0x6680, s0;
	s25 =	sor.u32 $0x10, s1;
	v7 =	vsel vm0, v25, v7;
	[tilespmem:v12+s17+$0x0] =	vst.idx.msk $0xffff, v9  }
0x29c: {  	s26 =	sor.u32 s25, s31;
	[tilespmem:v12+s18+$0x0] =	vst.idx.msk $0xffff, v7  }
0x29d: {  	s28 =	sadd.s32 $0x6700, s0;
	s24 =	sor.u32 s1, s31;
	v7 =	vld [tilespmem:s26+$0x0]  }
0x29e: {  	s31 =	sor.u32 s1, s28;
	v9 =	vld [tilespmem:s24+$0x0]  }
0x29f: {  	s26 =	sor.u32 s25, s28;
	s28 =	sadd.s32 $0x6780, s0;
	v10 =	vld [tilespmem:s31+$0x0]  }
0x2a0: {  	s0 =	sadd.s32 $0x6800, s0;
	v11 =	vld [tilespmem:s26+$0x0];
	s26 =	sor.u32 s1, s28  }
0x2a1: {  	s1 =	sor.u32 s1, s0;
	v12 =	vld [tilespmem:s26+$0x0]  }
0x2a2: {  	s24 =	simm.s32 $0x100;
	s31 =	simm.s32 $0x20;
	v15 =	vld [tilespmem:s1+$0x0]  }
0x2a3: {  	v14 =	vimm.f32 $+Inf;
	s0 =	sor.u32 s25, s0;
	s1 =	sor.u32 s25, s28;
	s28 =	sand.u32 $0x1C00, s24  }
0x2a4: {  	v13 =	vadd.s32 $0x10, v8;
	s26 =	sand.u32 $0x60, s31;
	v22 =	vld [tilespmem:s0+$0x0];
	s31 =	sadd.s32 $0x6680, s28;
	vm0 =	vlt.f32 v9, v14  }
0x2a5: {  	v16 =	vld [tilespmem:s1+$0x0];
	s24 =	sor.u32 $0x10, s26;
	s1 =	sor.u32 s26, s31;
	vm3 =	vlt.f32 v10, v14;
	v17 =	vsel vm0, v9, v14;
	v18 =	vsel vm0, v8, v8  }
0x2a6: {  	s25 =	sor.u32 s24, s31;
	s31 =	sadd.s32 $0x6700, s28;
	v21 =	vld [tilespmem:s1+$0x0];
	v20 =	vsel vm3, v10, v14;
	vm0 =	vlt.f32 v7, v17;
	vm15 =	vlt.f32 v12, v14  }
0x2a7: {  	s1 =	sor.u32 s24, s31;
	v9 =	vld [tilespmem:s25+$0x0];
	vm5 =	vlt.f32 v15, v14;
	vm2 =	vlt.f32 v11, v20;
	v19 =	vsel vm0, v7, v17  }
0x2a8: {  	s30 =	sadd.s32 $0x6780, s28;
	s31 =	sor.u32 s26, s31;
	v17 =	vsel vm0, v13, v18;
	v18 =	vld [tilespmem:s1+$0x0];
	v12 =	vsel vm15, v12, v14;
	v14 =	vsel vm5, v15, v14  }
0x2a9: {  	s29 =	sadd.s32 $0x6800, s28;
	v10 =	vld [tilespmem:s31+$0x0];
	v24 =	vsel vm3, v8, v8;
	v7 =	vadd.s32 $0x20, v8;
	s1 =	sor.u32 s26, s30;
	v20 =	vsel vm2, v11, v20  }
0x2aa: {  	s28 =	simm.s32 $0x40;
	s31 =	sor.u32 s26, s29;
	v23 =	vsel vm15, v8, v8;
	vm1 =	vlt.f32 v16, v12;
	vm0 =	vlt.f32 v22, v14;
	v15 =	vld [tilespmem:s1+$0x0]  }
0x2ab: {  	s25 =	simm.s32 $0x2;
	s30 =	sor.u32 s24, s30;
	s26 =	simm.s32 $0x200;
	v16 =	vsel vm1, v16, v12;
	v11 =	vsel vm0, v22, v14;
	v12 =	vld [tilespmem:s31+$0x0];
	v22 =	vsel vm5, v8, v8;
	v14 =	vmovc v7  }
.LBB2_17:
0x2ac: {  	s0 =	sand.u32 $0x60, s28;
	s1 =	sand.u32 $0x1C00, s26;
	vm3 =	vlt.f32 v21, v19;
	v8 =	vld [tilespmem:s30+$0x0];
	s29 =	sor.u32 s24, s29;
	v23 =	vsel vm1, v13, v23;
	v22 =	vsel vm0, v13, v22  }
0x2ad: {  	v24 =	vsel vm2, v13, v24;
	s30 =	sadd.s32 $0x6680, s1;
	s24 =	sor.u32 $0x10, s0;
	v19 =	vsel vm3, v21, v19;
	v17 =	vsel vm3, v7, v17;
	v25 =	vld [tilespmem:s29+$0x0];
	v26 =	vmovc v18  }
0x2ae: {  	v13 =	vadd.s32 $0x10, v7;
	s25 =	sadd.s32 $0x2, s25;
	s29 =	sor.u32 s24, s30;
	vm0 =	vlt.f32 v9, v19  }
0x2af: {  	s31 =	sadd.s32 $0x6700, s1;
	v7 =	vadd.s32 $0x20, v7;
	p0 =	slt.u32 s25, $0x3C;
	s30 =	sor.u32 s0, s30;
	v19 =	vsel vm0, v9, v19;
	v9 =	vld [tilespmem:s29+$0x0];
	v17 =	vsel vm0, v13, v17  }
.Ltmp9:
0x2b0: {  	vm3 =	vlt.f32 v10, v20;
	s29 =	sor.u32 s24, s31;
	vm4 =	vlt.f32 v15, v16;
	v21 =	vld [tilespmem:s30+$0x0];
	vm5 =	vlt.f32 v12, v11;
	(pc) =	sbr.rel @p0 .LBB2_17-.Ltmp9, $4  }
0x2b1: {  	v20 =	vsel vm3, v10, v20;
	s30 =	sor.u32 s0, s31;
	s31 =	sadd.s32 $0x6780, s1;
	v16 =	vsel vm4, v15, v16;
	v18 =	vld [tilespmem:s29+$0x0];
	v11 =	vsel vm5, v12, v11  }
0x2b2: {  	vm2 =	vlt.f32 v26, v20;
	s29 =	sadd.s32 $0x6800, s1;
	vm1 =	vlt.f32 v8, v16;
	v10 =	vld [tilespmem:s30+$0x0];
	s30 =	sor.u32 s0, s31;
	vm0 =	vlt.f32 v25, v11  }
0x2b3: {  	v20 =	vsel vm2, v26, v20;
	s0 =	sor.u32 s0, s29;
	v16 =	vsel vm1, v8, v16;
	v15 =	vld [tilespmem:s30+$0x0];
	v11 =	vsel vm0, v25, v11  }
0x2b4: {  	s26 =	sadd.s32 $0x100, s26;
	s28 =	sadd.s32 $0x20, s28;
	v24 =	vsel vm3, v14, v24;
	v23 =	vsel vm4, v14, v23;
	v22 =	vsel vm5, v14, v22;
	v14 =	vmovc v7;
	s30 =	sor.u32 s24, s31;
	v12 =	vld [tilespmem:s0+$0x0]  }
0x2b5: {  	v25 =	vld [tilespmem:$0x82D8]  }
0x2b6: {  	vm3 =	vlt.f32 v21, v19  }
0x2b7: {  	v8 =	vadd.s32 $0xCC, v4;
	v19 =	vsel vm3, v21, v19  }
0x2b8: {  	vm4 =	vlt.f32 v9, v19  }
0x2b9: {  	v9 =	vsel vm4, v9, v19  }
0x2ba: {  	s0 =	sor.u32 s24, s29;
	v17 =	vsel vm3, v7, v17;
	v21 =	vadd.s32 $0x10, v7;
	vm3 =	vlt.f32 v25, v9  }
0x2bb: {  	v26 =	vld [tilespmem:s0+$0x0];
	v7 =	vadd.s32 $0x3D8, v4;
	v17 =	vsel vm4, v21, v17;
	v9 =	vsel vm3, v25, v9  }
0x2bc: {  	v19 =	vld [tilespmem:s30+$0x0];
	v17 =	vsel vm3, v7, v17;
	[tilespmem:v8+s17+$0x0] =	vst.idx.msk $0xffff, v9  }
0x2bd: {  	[tilespmem:v8+s18+$0x0] =	vst.idx.msk $0xffff, v17  }
0x2be: {  	v17 =	vld [tilespmem:$0x8358]  }
0x2bf: {  	vm3 =	vlt.f32 v10, v20  }
0x2c0: {  	v10 =	vsel vm3, v10, v20;
	v9 =	vadd.s32 $0xDD, v4  }
0x2c1: {  	vm14 =	vlt.f32 v18, v10  }
0x2c2: {  	v20 =	vsel vm2, v13, v24;
	v10 =	vsel vm14, v18, v10  }
0x2c3: {  	v18 =	vsel vm3, v14, v20;
	vm2 =	vlt.f32 v17, v10  }
0x2c4: {  	v18 =	vsel vm14, v21, v18;
	v10 =	vsel vm2, v17, v10  }
0x2c5: {  	v17 =	vsel vm2, v7, v18;
	[tilespmem:v9+s17+$0x0] =	vst.idx.msk $0xffff, v10  }
0x2c6: {  	[tilespmem:v9+s18+$0x0] =	vst.idx.msk $0xffff, v17  }
0x2c7: {  	v17 =	vld [tilespmem:$0x83D8]  }
0x2c8: {  	vm2 =	vlt.f32 v15, v16  }
0x2c9: {  	v15 =	vsel vm2, v15, v16;
	v10 =	vadd.s32 $0xEE, v4  }
0x2ca: {  	vm3 =	vlt.f32 v19, v15  }
0x2cb: {  	v16 =	vsel vm1, v13, v23;
	v15 =	vsel vm3, v19, v15  }
0x2cc: {  	v16 =	vsel vm2, v14, v16;
	vm1 =	vlt.f32 v17, v15  }
0x2cd: {  	v16 =	vsel vm3, v21, v16;
	v15 =	vsel vm1, v17, v15  }
0x2ce: {  	v16 =	vsel vm1, v7, v16;
	[tilespmem:v10+s17+$0x0] =	vst.idx.msk $0xffff, v15  }
0x2cf: {  	[tilespmem:v10+s18+$0x0] =	vst.idx.msk $0xffff, v16  }
0x2d0: {  	v15 =	vld [tilespmem:$0x8458]  }
0x2d1: {  	vm1 =	vlt.f32 v12, v11  }
0x2d2: {  	v16 =	vsel vm1, v12, v11;
	v11 =	vadd.s32 $0xFF, v4  }
0x2d3: {  	v12 =	vmul.u32 $0x11, v4;
	vm2 =	vlt.f32 v26, v16  }
0x2d4: {  	v13 =	vsel vm0, v13, v22;
	v16 =	vsel vm2, v26, v16  }
0x2d5: {  	v13 =	vsel vm1, v14, v13;
	vm0 =	vlt.f32 v15, v16  }
0x2d6: {  	v13 =	vsel vm2, v21, v13;
	v18 =	vadd.s32 $0x1, v12;
	v14 =	vsel vm0, v15, v16  }
0x2d7: {  	v13 =	vsel vm0, v7, v13;
	[tilespmem:v11+s17+$0x0] =	vst.idx.msk $0xffff, v14  }
0x2d8: {  	[tilespmem:v11+s18+$0x0] =	vst.idx.msk $0xffff, v13  }
0x2d9: {  	v14 =	vld.idx.msk [tilespmem:v12+s17+$0x0], $0xffff  }
0x2da: {  	v23 =	vadd.s32 $0x2, v12;
	v16 =	vld.idx.msk [tilespmem:v12+s18+$0x0], $0xffff  }
0x2db: {  	v17 =	vld.idx.msk [tilespmem:v18+s17+$0x0], $0xffff  }
0x2dc: {  	v19 =	vld.idx.msk [tilespmem:v18+s18+$0x0], $0xffff;
	_ =	sdelay $0x1  }
0x2dd: {  	v15 =	vadd.s32 $0x3, v12  }
0x2de: {  	v20 =	vld.idx.msk [tilespmem:v23+s17+$0x0], $0xffff  }
0x2df: {  	v21 =	vld.idx.msk [tilespmem:v23+s18+$0x0], $0xffff  }
0x2e0: {  	vm0 =	veq.f32 v17, v14;
	vm1 =	vlt.s32 v19, v16  }
0x2e1: {  	v13 =	vadd.s32 $0x4, v12;
	vm2 =	vlt.f32 v17, v14;
	vm0 =	vmand vm0, vm1  }
0x2e2: {  	v22 =	vld.idx.msk [tilespmem:v15+s17+$0x0], $0xffff;
	vm0 =	vmor vm2, vm0  }
0x2e3: {  	v17 =	vsel vm0, v17, v14;
	v16 =	vsel vm0, v19, v16;
	v19 =	vld.idx.msk [tilespmem:v15+s18+$0x0], $0xffff  }
0x2e4: {  	vm0 =	veq.f32 v20, v17;
	vm1 =	vlt.s32 v21, v16  }
0x2e5: {  	v14 =	vadd.s32 $0x5, v12;
	vm2 =	vlt.f32 v20, v17;
	vm0 =	vmand vm0, vm1  }
0x2e6: {  	v24 =	vld.idx.msk [tilespmem:v13+s17+$0x0], $0xffff;
	vm0 =	vmor vm2, vm0  }
0x2e7: {  	v17 =	vsel vm0, v20, v17;
	v20 =	vsel vm0, v21, v16;
	v21 =	vld.idx.msk [tilespmem:v13+s18+$0x0], $0xffff  }
0x2e8: {  	vm0 =	veq.f32 v22, v17;
	vm1 =	vlt.s32 v19, v20  }
0x2e9: {  	v16 =	vadd.s32 $0x6, v12;
	vm2 =	vlt.f32 v22, v17;
	vm0 =	vmand vm0, vm1  }
0x2ea: {  	v25 =	vld.idx.msk [tilespmem:v14+s17+$0x0], $0xffff;
	vm0 =	vmor vm2, vm0  }
0x2eb: {  	v22 =	vsel vm0, v22, v17;
	v19 =	vsel vm0, v19, v20;
	v20 =	vld.idx.msk [tilespmem:v14+s18+$0x0], $0xffff  }
0x2ec: {  	vm0 =	veq.f32 v24, v22;
	vm1 =	vlt.s32 v21, v19  }
0x2ed: {  	v17 =	vadd.s32 $0x7, v12;
	vm2 =	vlt.f32 v24, v22;
	vm0 =	vmand vm0, vm1  }
0x2ee: {  	v26 =	vld.idx.msk [tilespmem:v16+s17+$0x0], $0xffff;
	vm0 =	vmor vm2, vm0  }
0x2ef: {  	v22 =	vsel vm0, v24, v22;
	v21 =	vsel vm0, v21, v19;
	v24 =	vld.idx.msk [tilespmem:v16+s18+$0x0], $0xffff  }
0x2f0: {  	vm0 =	veq.f32 v25, v22;
	vm1 =	vlt.s32 v20, v21  }
0x2f1: {  	v19 =	vadd.s32 $0x8, v12;
	vm2 =	vlt.f32 v25, v22;
	vm0 =	vmand vm0, vm1  }
0x2f2: {  	v27 =	vld.idx.msk [tilespmem:v17+s17+$0x0], $0xffff;
	vm0 =	vmor vm2, vm0  }
0x2f3: {  	v22 =	vsel vm0, v25, v22;
	v21 =	vsel vm0, v20, v21;
	v25 =	vld.idx.msk [tilespmem:v17+s18+$0x0], $0xffff  }
0x2f4: {  	vm0 =	veq.f32 v26, v22;
	vm1 =	vlt.s32 v24, v21  }
0x2f5: {  	v20 =	vadd.s32 $0x9, v12;
	vm2 =	vlt.f32 v26, v22;
	vm0 =	vmand vm0, vm1  }
0x2f6: {  	v28 =	vld.idx.msk [tilespmem:v19+s17+$0x0], $0xffff;
	vm0 =	vmor vm2, vm0  }
0x2f7: {  	v22 =	vsel vm0, v26, v22;
	v24 =	vsel vm0, v24, v21;
	v26 =	vld.idx.msk [tilespmem:v19+s18+$0x0], $0xffff  }
0x2f8: {  	vm0 =	veq.f32 v27, v22;
	vm1 =	vlt.s32 v25, v24  }
0x2f9: {  	v21 =	vadd.s32 $0xA, v12;
	vm2 =	vlt.f32 v27, v22;
	vm0 =	vmand vm0, vm1  }
0x2fa: {  	v29 =	vld.idx.msk [tilespmem:v20+s17+$0x0], $0xffff;
	vm0 =	vmor vm2, vm0  }
0x2fb: {  	v27 =	vsel vm0, v27, v22;
	v24 =	vsel vm0, v25, v24;
	v25 =	vld.idx.msk [tilespmem:v20+s18+$0x0], $0xffff  }
0x2fc: {  	vm0 =	veq.f32 v28, v27;
	vm1 =	vlt.s32 v26, v24  }
0x2fd: {  	v22 =	vadd.s32 $0xB, v12;
	vm2 =	vlt.f32 v28, v27;
	vm0 =	vmand vm0, vm1  }
0x2fe: {  	v30 =	vld.idx.msk [tilespmem:v21+s17+$0x0], $0xffff;
	vm0 =	vmor vm2, vm0  }
0x2ff: {  	v27 =	vsel vm0, v28, v27;
	v26 =	vsel vm0, v26, v24;
	v28 =	vld.idx.msk [tilespmem:v21+s18+$0x0], $0xffff  }
0x300: {  	vm0 =	veq.f32 v29, v27;
	vm1 =	vlt.s32 v25, v26  }
0x301: {  	v24 =	vadd.s32 $0xC, v12;
	vm2 =	vlt.f32 v29, v27;
	vm0 =	vmand vm0, vm1  }
0x302: {  	v31 =	vld.idx.msk [tilespmem:v22+s17+$0x0], $0xffff;
	vm0 =	vmor vm2, vm0  }
0x303: {  	v27 =	vsel vm0, v29, v27;
	v26 =	vsel vm0, v25, v26;
	v29 =	vld.idx.msk [tilespmem:v22+s18+$0x0], $0xffff  }
0x304: {  	vm0 =	veq.f32 v30, v27;
	vm1 =	vlt.s32 v28, v26  }
0x305: {  	v25 =	vadd.s32 $0xD, v12;
	vm2 =	vlt.f32 v30, v27;
	vm0 =	vmand vm0, vm1  }
0x306: {  	v32 =	vld.idx.msk [tilespmem:v24+s17+$0x0], $0xffff;
	vm0 =	vmor vm2, vm0  }
0x307: {  	v27 =	vsel vm0, v30, v27;
	v28 =	vsel vm0, v28, v26;
	v30 =	vld.idx.msk [tilespmem:v24+s18+$0x0], $0xffff  }
0x308: {  	vm0 =	veq.f32 v31, v27;
	vm1 =	vlt.s32 v29, v28  }
0x309: {  	v26 =	vadd.s32 $0xE, v12;
	vm2 =	vlt.f32 v31, v27;
	vm0 =	vmand vm0, vm1  }
0x30a: {  	v33 =	vld.idx.msk [tilespmem:v25+s17+$0x0], $0xffff;
	vm0 =	vmor vm2, vm0  }
0x30b: {  	v31 =	vsel vm0, v31, v27;
	v28 =	vsel vm0, v29, v28;
	v29 =	vld.idx.msk [tilespmem:v25+s18+$0x0], $0xffff  }
0x30c: {  	vm0 =	veq.f32 v32, v31;
	vm1 =	vlt.s32 v30, v28  }
0x30d: {  	v27 =	vadd.s32 $0xF, v12;
	vm2 =	vlt.f32 v32, v31;
	vm0 =	vmand vm0, vm1  }
0x30e: {  	v34 =	vld.idx.msk [tilespmem:v26+s17+$0x0], $0xffff;
	vm0 =	vmor vm2, vm0  }
0x30f: {  	v31 =	vsel vm0, v32, v31;
	v28 =	vsel vm0, v30, v28;
	v30 =	vld.idx.msk [tilespmem:v26+s18+$0x0], $0xffff  }
0x310: {  	vm0 =	veq.f32 v33, v31;
	vm1 =	vlt.s32 v29, v28  }
0x311: {  	vm2 =	vlt.f32 v33, v31;
	vm0 =	vmand vm0, vm1  }
0x312: {  	v58 =	vld.idx.msk [tilespmem:v27+s17+$0x0], $0xffff;
	vm0 =	vmor vm2, vm0  }
0x313: {  	v31 =	vsel vm0, v33, v31;
	v28 =	vsel vm0, v29, v28;
	v29 =	vld.idx.msk [tilespmem:v27+s18+$0x0], $0xffff  }
0x314: {  	vm0 =	veq.f32 v34, v31;
	vm1 =	vlt.s32 v30, v28  }
0x315: {  	vm2 =	vlt.f32 v34, v31;
	vm0 =	vmand vm0, vm1  }
0x316: {  	vm0 =	vmor vm2, vm0  }
0x317: {  	v31 =	vsel vm0, v34, v31;
	v28 =	vsel vm0, v30, v28  }
0x318: {  	vm0 =	veq.f32 v58, v31;
	vm1 =	vlt.s32 v29, v28  }
0x319: {  	vm2 =	vlt.f32 v58, v31;
	vm0 =	vmand vm0, vm1  }
0x31a: {  	vm0 =	vmor vm2, vm0  }
0x31b: {  	v28 =	vsel vm0, v29, v28;
	_ =	sdelay $0x4  }
0x31c: {  	v28 =	vld.idx.msk [tilespmem:v28+s2+$0x0], $0xffff;
	_ =	sdelay $0x2  }
0x31d: {  	p0 =	seq.s32 s22, $0x7;
	v29 =	vsel vm0, v58, v31  }
0x31e: {  	s0 =	sadd.s32 @!p0 s23, s8;
	vm0 =	vlt.f32 v29, v5  }
0x31f: {  	s0 =	sshll.u32 @!p0 s0, $0x7;
	v28 =	vsel vm0, v28, v6  }
0x320: {  	s1 =	simm.s32 @!p0 $0x0;
	s24 =	simm.s32 @!p0 $0x480;
	s0 =	sadd.s32 @!p0 s3, s0;
	[tilespmem:s23+$0x10490] =	vst v28  }
0x321: {  	[tilespmem:s24], [sflag:$0x1] =	stream.linear.gather @!p0 [hbm4b:s0+s1], $0x8000, $0x38;
	[tilespmem:$0x10980] =	vst v63  }
0x322: {  	s26 =	simm.s32 $0x0;
	_ =	swait.ge [sflag:s19], $0x8000  }
0x323: {  	s29 =	sand.u32 $0x60, s26;
	s0 =	sand.u32 $0x1C00, s26;
	[sflag:s19] =	ssyncset.done $0x0  }
0x324: {  	s0 =	sor.u32 s29, s0;
	[sflag:s19] =	ssyncadd.s32 $0xFFFF8000  }
0x325: {  	v29 =	vld [tilespmem:s0+$0x8490]  }
0x326: {  	v28 =	vld [tilespmem:s0+$0x8480]  }
0x327: {  	v31 =	vld [tilespmem:s0+$0x8500]  }
0x328: {  	v59 =	vld [tilespmem:s0+$0x8580]  }
0x329: {  	v36 =	vld [tilespmem:s0+$0x8600];
	_ =	sdelay $0x1  }
0x32a: {  	v60 =	vimm.f32 $+Inf;
	s31 =	simm.s32 $0x20;
	v38 =	vlaneseq.u32;
	s30 =	simm.s32 $0x100;
	v30 =	vld [tilespmem:s0+$0x8510]  }
0x32b: {  	v34 =	vadd.s32 $0x20, v38;
	s24 =	sand.u32 $0x60, s31;
	s1 =	sand.u32 $0x1C00, s30;
	v37 =	vld [tilespmem:s0+$0x8590];
	vm0 =	vlt.f32 v28, v60  }
0x32c: {  	s24 =	sor.u32 s24, s1;
	v39 =	vld [tilespmem:s0+$0x8610];
	vm1 =	vlt.f32 v31, v60;
	vm2 =	vlt.f32 v59, v60;
	v61 =	vsel vm0, v28, v60  }
0x32d: {  	v35 =	vld [tilespmem:s24+$0x8490];
	vm3 =	vlt.f32 v36, v60;
	v40 =	vsel vm0, v38, v38;
	vm0 =	vlt.f32 v29, v61  }
0x32e: {  	v44 =	vld [tilespmem:s24+$0x8480];
	v28 =	vadd.s32 $0x10, v38;
	v42 =	vsel vm0, v29, v61;
	v29 =	vsel vm1, v31, v60  }
0x32f: {  	v62 =	vsel vm3, v36, v60;
	v41 =	vsel vm0, v28, v40;
	v40 =	vld [tilespmem:s24+$0x8510];
	vm0 =	vlt.f32 v30, v29  }
0x330: {  	v33 =	vld [tilespmem:s24+$0x8580];
	v31 =	vsel vm2, v59, v60;
	v43 =	vsel vm0, v30, v29;
	v29 =	vsel vm2, v38, v38  }
0x331: {  	v36 =	vld [tilespmem:s24+$0x8500];
	v63 =	vsel vm3, v38, v38;
	vm5 =	vlt.f32 v39, v62;
	vm15 =	vlt.f32 v37, v31  }
0x332: {  	v45 =	vsel vm1, v38, v38;
	v32 =	vsel vm5, v28, v63;
	v37 =	vsel vm15, v37, v31;
	v31 =	vld [tilespmem:s24+$0x8600]  }
0x333: {  	s25 =	simm.s32 $0x2;
	s28 =	simm.s32 $0x40;
	s26 =	simm.s32 $0x200;
	vm1 =	vlt.f32 v44, v42;
	v30 =	vsel vm5, v39, v62;
	v38 =	vld [tilespmem:s24+$0x8590];
	v39 =	vsel vm15, v28, v29;
	v29 =	vmovc v34  }
.LBB2_19:
0x334: {  	s0 =	sand.u32 $0x60, s28;
	s1 =	sand.u32 $0x1C00, s26;
	v42 =	vsel vm1, v44, v42;
	v41 =	vsel vm1, v34, v41;
	v46 =	vld [tilespmem:s24+$0x8610];
	v45 =	vsel vm0, v28, v45;
	v47 =	vmovc v40  }
0x335: {  	v28 =	vadd.s32 $0x10, v34;
	s24 =	sor.u32 s0, s1;
	vm0 =	vlt.f32 v35, v42  }
0x336: {  	v34 =	vadd.s32 $0x20, v34;
	s25 =	sadd.s32 $0x2, s25;
	v42 =	vsel vm0, v35, v42;
	v35 =	vld [tilespmem:s24+$0x8490];
	v41 =	vsel vm0, v28, v41  }
0x337: {  	vm1 =	vlt.f32 v36, v43;
	p1 =	slt.u32 s25, $0x3C;
	vm2 =	vlt.f32 v33, v37;
	v44 =	vld [tilespmem:s24+$0x8480];
	vm3 =	vlt.f32 v31, v30  }
.Ltmp10:
0x338: {  	v43 =	vsel vm1, v36, v43;
	v37 =	vsel vm2, v33, v37;
	v40 =	vld [tilespmem:s24+$0x8510];
	v30 =	vsel vm3, v31, v30;
	(pc) =	sbr.rel @p1 .LBB2_19-.Ltmp10, $4  }
0x339: {  	vm0 =	vlt.f32 v47, v43;
	vm4 =	vlt.f32 v38, v37;
	v36 =	vld [tilespmem:s24+$0x8500];
	vm5 =	vlt.f32 v46, v30  }
0x33a: {  	v43 =	vsel vm0, v47, v43;
	v37 =	vsel vm4, v38, v37;
	v33 =	vld [tilespmem:s24+$0x8580];
	v30 =	vsel vm5, v46, v30  }
0x33b: {  	v45 =	vsel vm1, v29, v45;
	v39 =	vsel vm2, v29, v39;
	v32 =	vsel vm3, v29, v32;
	v29 =	vmovc v34;
	v31 =	vld [tilespmem:s24+$0x8600]  }
0x33c: {  	s26 =	sadd.s32 $0x100, s26;
	s28 =	sadd.s32 $0x20, s28;
	v39 =	vsel vm4, v28, v39;
	v32 =	vsel vm5, v28, v32;
	vm1 =	vlt.f32 v44, v42;
	v38 =	vld [tilespmem:s24+$0x8590]  }
0x33d: {  	v46 =	vld [tilespmem:$0xA0D8];
	_ =	sdelay $0x1  }
0x33e: {  	v42 =	vsel vm1, v44, v42;
	v47 =	vlaneseq.u32  }
0x33f: {  	vm2 =	vlt.f32 v35, v42  }
0x340: {  	v35 =	vsel vm2, v35, v42  }
0x341: {  	v41 =	vsel vm1, v34, v41;
	v50 =	vadd.s32 $0x10, v34;
	vm1 =	vlt.f32 v46, v35  }
0x342: {  	v52 =	vadd.s32 $0x3D8, v47;
	v41 =	vsel vm2, v50, v41;
	v35 =	vsel vm1, v46, v35  }
0x343: {  	v51 =	vld [tilespmem:s24+$0x8610];
	v53 =	vsel vm1, v52, v41;
	[tilespmem:v47+s17+$0x0] =	vst.idx.msk $0xffff, v35  }
0x344: {  	[tilespmem:v47+s18+$0x0] =	vst.idx.msk $0xffff, v53  }
0x345: {  	v35 =	vld [tilespmem:$0xA158]  }
0x346: {  	vm1 =	vlt.f32 v36, v43  }
0x347: {  	v54 =	vadd.s32 $0x11, v47;
	v36 =	vsel vm1, v36, v43  }
0x348: {  	vm2 =	vlt.f32 v40, v36  }
0x349: {  	v28 =	vsel vm0, v28, v45;
	v36 =	vsel vm2, v40, v36  }
0x34a: {  	v28 =	vsel vm1, v29, v28;
	vm0 =	vlt.f32 v35, v36  }
0x34b: {  	v28 =	vsel vm2, v50, v28;
	v35 =	vsel vm0, v35, v36  }
0x34c: {  	v28 =	vsel vm0, v52, v28;
	[tilespmem:v54+s17+$0x0] =	vst.idx.msk $0xffff, v35  }
0x34d: {  	[tilespmem:v54+s18+$0x0] =	vst.idx.msk $0xffff, v28  }
0x34e: {  	v28 =	vld [tilespmem:$0xA1D8]  }
0x34f: {  	vm0 =	vlt.f32 v33, v37  }
0x350: {  	v55 =	vadd.s32 $0x22, v47;
	v33 =	vsel vm0, v33, v37  }
0x351: {  	vm1 =	vlt.f32 v38, v33  }
0x352: {  	v33 =	vsel vm1, v38, v33  }
0x353: {  	v56 =	vsel vm0, v29, v39;
	vm0 =	vlt.f32 v28, v33  }
0x354: {  	v36 =	vsel vm1, v50, v56;
	v28 =	vsel vm0, v28, v33  }
0x355: {  	v57 =	vsel vm0, v52, v36;
	[tilespmem:v55+s17+$0x0] =	vst.idx.msk $0xffff, v28  }
0x356: {  	[tilespmem:v55+s18+$0x0] =	vst.idx.msk $0xffff, v57  }
0x357: {  	v28 =	vld [tilespmem:$0xA258]  }
0x358: {  	vm0 =	vlt.f32 v31, v30  }
0x359: {  	v30 =	vsel vm0, v31, v30;
	v31 =	vadd.s32 $0x33, v47  }
0x35a: {  	vm1 =	vlt.f32 v51, v30  }
0x35b: {  	v30 =	vsel vm1, v51, v30  }
0x35c: {  	v29 =	vsel vm0, v29, v32;
	vm0 =	vlt.f32 v28, v30  }
0x35d: {  	s0 =	simm.s32 $0x0;
	v29 =	vsel vm1, v50, v29;
	v28 =	vsel vm0, v28, v30  }
0x35e: {  	s1 =	sand.u32 $0x60, s0;
	s31 =	sand.u32 $0x1C00, s0;
	v29 =	vsel vm0, v52, v29;
	[tilespmem:v31+s17+$0x0] =	vst.idx.msk $0xffff, v28  }
0x35f: {  	s1 =	sor.u32 s1, s31;
	[tilespmem:v31+s18+$0x0] =	vst.idx.msk $0xffff, v29  }
0x360: {  	s25 =	sand.u32 $0x3, s0;
	v29 =	vld [tilespmem:s1+$0x8690]  }
0x361: {  	s0 =	sor.u32 s0, s0;
	s24 =	sshll.u32 s25, $0x5;
	v28 =	vld [tilespmem:s1+$0x8680]  }
0x362: {  	s0 =	sor.u32 $0x380, s0;
	s26 =	sadd.s32 $0x0, s24;
	v33 =	vld [tilespmem:s1+$0x8700]  }
0x363: {  	s24 =	sor.u32 $0x300, s26;
	v58 =	vld [tilespmem:s0+$0x8480]  }
0x364: {  	s30 =	sadd.s32 $0x10, s26;
	v60 =	vld [tilespmem:s24+$0x8480]  }
0x365: {  	v30 =	vld [tilespmem:s1+$0x8710];
	s1 =	sor.u32 $0x300, s30  }
0x366: {  	s25 =	simm.s32 $0x20;
	v61 =	vld [tilespmem:s1+$0x8480];
	s1 =	simm.s32 $0x100  }
0x367: {  	v59 =	vimm.f32 $+Inf;
	s31 =	sand.u32 $0x60, s25;
	s0 =	sor.u32 $0x380, s30;
	s26 =	sand.u32 $0x1C00, s1  }
0x368: {  	v41 =	vld [tilespmem:s0+$0x8480];
	s30 =	sor.u32 s31, s26;
	vm0 =	vlt.f32 v28, v59;
	vm1 =	vlt.f32 v33, v59  }
0x369: {  	s24 =	simm.s32 $0x1;
	v32 =	vld [tilespmem:s30+$0x8690];
	vm2 =	vlt.f32 v60, v59;
	vm3 =	vlt.f32 v58, v59;
	v31 =	vsel vm0, v28, v59  }
0x36a: {  	s31 =	sand.u32 $0x3, s24;
	v43 =	vld [tilespmem:s30+$0x8680];
	v62 =	vsel vm0, v47, v47;
	v28 =	vadd.s32 $0x10, v47;
	v33 =	vsel vm1, v33, v59  }
0x36b: {  	s26 =	sshll.u32 s31, $0x5;
	v39 =	vld [tilespmem:s30+$0x8710];
	v37 =	vsel vm2, v60, v59;
	v34 =	vsel vm3, v58, v59;
	vm0 =	vlt.f32 v29, v31  }
0x36c: {  	v35 =	vld [tilespmem:s30+$0x8700];
	s30 =	sadd.s32 $0x100, s26;
	v38 =	vsel vm0, v29, v31;
	v36 =	vsel vm0, v28, v62;
	vm0 =	vlt.f32 v30, v33  }
0x36d: {  	s1 =	sor.u32 s1, s25;
	s26 =	sor.u32 $0x300, s30;
	v45 =	vsel vm1, v47, v47;
	v44 =	vsel vm0, v30, v33;
	v30 =	vsel vm2, v47, v47  }
0x36e: {  	s1 =	sor.u32 $0x380, s1;
	s0 =	sadd.s32 $0x10, s30;
	v63 =	vsel vm3, v47, v47;
	vm4 =	vlt.f32 v61, v37;
	vm5 =	vlt.f32 v41, v34;
	v42 =	vld [tilespmem:s26+$0x8480]  }
0x36f: {  	s28 =	simm.s32 $0x40;
	s31 =	sor.u32 $0x300, s0;
	v31 =	vadd.s32 $0x20, v47;
	v29 =	vld [tilespmem:s1+$0x8480];
	v37 =	vsel vm4, v61, v37;
	v33 =	vsel vm5, v41, v34  }
0x370: {  	s25 =	simm.s32 $0x2;
	s29 =	sor.u32 $0x380, s0;
	s26 =	simm.s32 $0x200;
	v40 =	vld [tilespmem:s31+$0x8480];
	vm1 =	vlt.f32 v43, v38;
	v34 =	vsel vm5, v28, v63;
	v41 =	vsel vm4, v28, v30;
	v30 =	vmovc v31  }
.LBB2_21:
0x371: {  	s0 =	sand.u32 $0x60, s28;
	s1 =	sand.u32 $0x1C00, s26;
	v38 =	vsel vm1, v43, v38;
	v36 =	vsel vm1, v31, v36;
	v46 =	vld [tilespmem:s29+$0x8480];
	v45 =	vsel vm0, v28, v45;
	v47 =	vmovc v39  }
0x372: {  	v28 =	vadd.s32 $0x10, v31;
	s0 =	sor.u32 s0, s1;
	vm0 =	vlt.f32 v32, v38  }
0x373: {  	v31 =	vadd.s32 $0x20, v31;
	s24 =	sadd.s32 $0x1, s24;
	s25 =	sadd.s32 $0x2, s25;
	v38 =	vsel vm0, v32, v38;
	v32 =	vld [tilespmem:s0+$0x8690];
	v36 =	vsel vm0, v28, v36  }
0x374: {  	s1 =	sand.u32 $0x3, s24;
	vm1 =	vlt.f32 v35, v44;
	p1 =	slt.u32 s25, $0x3C;
	vm3 =	vlt.f32 v29, v33;
	v43 =	vld [tilespmem:s0+$0x8680];
	vm2 =	vlt.f32 v42, v37  }
.Ltmp11:
0x375: {  	s29 =	sor.u32 s26, s28;
	s1 =	sshll.u32 s1, $0x5;
	v44 =	vsel vm1, v35, v44;
	v33 =	vsel vm3, v29, v33;
	v39 =	vld [tilespmem:s0+$0x8710];
	v37 =	vsel vm2, v42, v37;
	(pc) =	sbr.rel @p1 .LBB2_21-.Ltmp11, $4  }
0x376: {  	vm0 =	vlt.f32 v47, v44;
	v35 =	vld [tilespmem:s0+$0x8700];
	s0 =	sadd.s32 s1, s26;
	s1 =	sor.u32 $0x380, s29;
	vm4 =	vlt.f32 v40, v37;
	vm5 =	vlt.f32 v46, v33  }
0x377: {  	v44 =	vsel vm0, v47, v44;
	s29 =	sor.u32 $0x300, s0;
	v29 =	vld [tilespmem:s1+$0x8480];
	s0 =	sadd.s32 $0x10, s0;
	v37 =	vsel vm4, v40, v37;
	v33 =	vsel vm5, v46, v33  }
0x378: {  	v45 =	vsel vm1, v30, v45;
	v34 =	vsel vm3, v30, v34;
	v41 =	vsel vm2, v30, v41;
	v30 =	vmovc v31;
	v42 =	vld [tilespmem:s29+$0x8480];
	s1 =	sor.u32 $0x300, s0  }
0x379: {  	s28 =	sadd.s32 $0x20, s28;
	s26 =	sadd.s32 $0x100, s26;
	v41 =	vsel vm4, v28, v41;
	v34 =	vsel vm5, v28, v34;
	s29 =	sor.u32 $0x380, s0;
	vm1 =	vlt.f32 v43, v38;
	v40 =	vld [tilespmem:s1+$0x8480]  }
0x37a: {  	v46 =	vld [tilespmem:$0xA2D8]  }
0x37b: {  	v47 =	vlaneseq.u32  }
0x37c: {  	v38 =	vsel vm1, v43, v38;
	v63 =	vadd.s32 $0x44, v47  }
0x37d: {  	vm2 =	vlt.f32 v32, v38  }
0x37e: {  	v32 =	vsel vm2, v32, v38  }
0x37f: {  	v36 =	vsel vm1, v31, v36;
	v31 =	vadd.s32 $0x10, v31;
	vm1 =	vlt.f32 v46, v32  }
0x380: {  	v49 =	vadd.s32 $0x3D8, v47;
	v36 =	vsel vm2, v31, v36;
	v32 =	vsel vm1, v46, v32  }
0x381: {  	v48 =	vld [tilespmem:s29+$0x8480];
	v50 =	vsel vm1, v49, v36;
	[tilespmem:v63+s17+$0x0] =	vst.idx.msk $0xffff, v32  }
0x382: {  	[tilespmem:v63+s18+$0x0] =	vst.idx.msk $0xffff, v50  }
0x383: {  	v32 =	vld [tilespmem:$0xA358]  }
0x384: {  	vm1 =	vlt.f32 v35, v44  }
0x385: {  	v51 =	vadd.s32 $0x55, v47;
	v35 =	vsel vm1, v35, v44  }
0x386: {  	vm2 =	vlt.f32 v39, v35  }
0x387: {  	v28 =	vsel vm0, v28, v45;
	v35 =	vsel vm2, v39, v35  }
0x388: {  	v28 =	vsel vm1, v30, v28;
	vm0 =	vlt.f32 v32, v35  }
0x389: {  	v28 =	vsel vm2, v31, v28;
	v32 =	vsel vm0, v32, v35  }
0x38a: {  	v28 =	vsel vm0, v49, v28;
	[tilespmem:v51+s17+$0x0] =	vst.idx.msk $0xffff, v32  }
0x38b: {  	[tilespmem:v51+s18+$0x0] =	vst.idx.msk $0xffff, v28  }
0x38c: {  	v28 =	vld [tilespmem:$0xA3D8]  }
0x38d: {  	vm0 =	vlt.f32 v42, v37  }
0x38e: {  	v53 =	vadd.s32 $0x66, v47;
	v52 =	vsel vm0, v42, v37  }
0x38f: {  	vm1 =	vlt.f32 v40, v52  }
0x390: {  	v32 =	vsel vm1, v40, v52  }
0x391: {  	v54 =	vsel vm0, v30, v41;
	vm0 =	vlt.f32 v28, v32  }
0x392: {  	v36 =	vsel vm1, v31, v54;
	v28 =	vsel vm0, v28, v32  }
0x393: {  	v55 =	vsel vm0, v49, v36;
	[tilespmem:v53+s17+$0x0] =	vst.idx.msk $0xffff, v28  }
0x394: {  	[tilespmem:v53+s18+$0x0] =	vst.idx.msk $0xffff, v55  }
0x395: {  	v28 =	vld [tilespmem:$0xA458]  }
0x396: {  	vm0 =	vlt.f32 v29, v33  }
0x397: {  	v56 =	vadd.s32 $0x77, v47;
	v29 =	vsel vm0, v29, v33  }
0x398: {  	vm1 =	vlt.f32 v48, v29  }
0x399: {  	v29 =	vsel vm1, v48, v29  }
0x39a: {  	s0 =	simm.s32 $0x0;
	v30 =	vsel vm0, v30, v34;
	vm0 =	vlt.f32 v28, v29  }
0x39b: {  	s1 =	sand.u32 $0x60, s0;
	s0 =	sand.u32 $0x1C00, s0;
	v30 =	vsel vm1, v31, v30;
	v28 =	vsel vm0, v28, v29  }
0x39c: {  	s24 =	sadd.s32 $0xA480, s0;
	s25 =	sor.u32 $0x10, s1;
	v29 =	vsel vm0, v49, v30;
	[tilespmem:v56+s17+$0x0] =	vst.idx.msk $0xffff, v28  }
0x39d: {  	s26 =	sor.u32 s25, s24;
	[tilespmem:v56+s18+$0x0] =	vst.idx.msk $0xffff, v29  }
0x39e: {  	s28 =	sadd.s32 $0xA500, s0;
	s24 =	sor.u32 s1, s24;
	v29 =	vld [tilespmem:s26+$0x0]  }
0x39f: {  	s31 =	sor.u32 s1, s28;
	v28 =	vld [tilespmem:s24+$0x0]  }
0x3a0: {  	s26 =	sor.u32 s25, s28;
	s28 =	sadd.s32 $0xA580, s0;
	v31 =	vld [tilespmem:s31+$0x0]  }
0x3a1: {  	s0 =	sadd.s32 $0xA600, s0;
	v30 =	vld [tilespmem:s26+$0x0];
	s26 =	sor.u32 s1, s28  }
0x3a2: {  	s1 =	sor.u32 s1, s0;
	v57 =	vld [tilespmem:s26+$0x0]  }
0x3a3: {  	s24 =	simm.s32 $0x100;
	s31 =	simm.s32 $0x20;
	s0 =	sor.u32 s25, s0;
	v59 =	vld [tilespmem:s1+$0x0]  }
0x3a4: {  	v58 =	vimm.f32 $+Inf;
	s1 =	sor.u32 s25, s28;
	s26 =	sand.u32 $0x60, s31;
	s28 =	sand.u32 $0x1C00, s24  }
0x3a5: {  	v32 =	vadd.s32 $0x20, v47;
	v43 =	vld [tilespmem:s0+$0x0];
	s31 =	sadd.s32 $0xA480, s28;
	s24 =	sor.u32 $0x10, s26;
	vm0 =	vlt.f32 v28, v58  }
0x3a6: {  	v60 =	vld [tilespmem:s1+$0x0];
	s25 =	sor.u32 s24, s31;
	vm3 =	vlt.f32 v31, v58;
	v61 =	vsel vm0, v28, v58;
	v62 =	vsel vm0, v47, v47  }
0x3a7: {  	s1 =	sor.u32 s26, s31;
	s31 =	sadd.s32 $0xA500, s28;
	v34 =	vld [tilespmem:s25+$0x0];
	v28 =	vadd.s32 $0x10, v47;
	v45 =	vsel vm3, v47, v47;
	vm0 =	vlt.f32 v29, v61  }
0x3a8: {  	v42 =	vld [tilespmem:s1+$0x0];
	s1 =	sor.u32 s24, s31;
	vm4 =	vlt.f32 v57, v58;
	vm5 =	vlt.f32 v59, v58;
	v40 =	vsel vm0, v29, v61  }
0x3a9: {  	s30 =	sadd.s32 $0xA580, s28;
	s31 =	sor.u32 s26, s31;
	v39 =	vld [tilespmem:s1+$0x0];
	v38 =	vsel vm0, v28, v62;
	v29 =	vsel vm3, v31, v58;
	v31 =	vsel vm4, v57, v58  }
0x3aa: {  	s29 =	sadd.s32 $0xA600, s28;
	v35 =	vld [tilespmem:s31+$0x0];
	s1 =	sor.u32 s26, s30;
	v63 =	vsel vm5, v59, v58;
	v44 =	vsel vm4, v47, v47;
	vm2 =	vlt.f32 v30, v29  }
0x3ab: {  	s28 =	simm.s32 $0x40;
	s31 =	sor.u32 s26, s29;
	v36 =	vld [tilespmem:s1+$0x0];
	vm1 =	vlt.f32 v60, v31;
	vm0 =	vlt.f32 v43, v63;
	v41 =	vsel vm2, v30, v29  }
0x3ac: {  	s25 =	simm.s32 $0x2;
	s30 =	sor.u32 s24, s30;
	s26 =	simm.s32 $0x200;
	v33 =	vld [tilespmem:s31+$0x0];
	v37 =	vsel vm1, v60, v31;
	v31 =	vsel vm0, v43, v63;
	v43 =	vsel vm5, v47, v47;
	v29 =	vmovc v32  }
.LBB2_23:
0x3ad: {  	s0 =	sand.u32 $0x60, s28;
	s1 =	sand.u32 $0x1C00, s26;
	vm3 =	vlt.f32 v42, v40;
	v30 =	vld [tilespmem:s30+$0x0];
	s29 =	sor.u32 s24, s29;
	v44 =	vsel vm1, v28, v44;
	v43 =	vsel vm0, v28, v43  }
0x3ae: {  	v45 =	vsel vm2, v28, v45;
	s30 =	sadd.s32 $0xA480, s1;
	s24 =	sor.u32 $0x10, s0;
	v40 =	vsel vm3, v42, v40;
	v38 =	vsel vm3, v32, v38;
	v46 =	vld [tilespmem:s29+$0x0];
	v47 =	vmovc v39  }
0x3af: {  	v28 =	vadd.s32 $0x10, v32;
	s25 =	sadd.s32 $0x2, s25;
	s29 =	sor.u32 s24, s30;
	vm0 =	vlt.f32 v34, v40  }
0x3b0: {  	s31 =	sadd.s32 $0xA500, s1;
	v32 =	vadd.s32 $0x20, v32;
	p1 =	slt.u32 s25, $0x3C;
	s30 =	sor.u32 s0, s30;
	v40 =	vsel vm0, v34, v40;
	v34 =	vld [tilespmem:s29+$0x0];
	v38 =	vsel vm0, v28, v38  }
.Ltmp12:
0x3b1: {  	vm3 =	vlt.f32 v35, v41;
	s29 =	sor.u32 s24, s31;
	vm4 =	vlt.f32 v36, v37;
	v42 =	vld [tilespmem:s30+$0x0];
	vm5 =	vlt.f32 v33, v31;
	(pc) =	sbr.rel @p1 .LBB2_23-.Ltmp12, $4  }
0x3b2: {  	v41 =	vsel vm3, v35, v41;
	s30 =	sor.u32 s0, s31;
	s31 =	sadd.s32 $0xA580, s1;
	v37 =	vsel vm4, v36, v37;
	v39 =	vld [tilespmem:s29+$0x0];
	v31 =	vsel vm5, v33, v31  }
0x3b3: {  	vm2 =	vlt.f32 v47, v41;
	s29 =	sadd.s32 $0xA600, s1;
	vm1 =	vlt.f32 v30, v37;
	v35 =	vld [tilespmem:s30+$0x0];
	s30 =	sor.u32 s0, s31;
	vm0 =	vlt.f32 v46, v31  }
0x3b4: {  	v41 =	vsel vm2, v47, v41;
	s0 =	sor.u32 s0, s29;
	v37 =	vsel vm1, v30, v37;
	v36 =	vld [tilespmem:s30+$0x0];
	v31 =	vsel vm0, v46, v31  }
0x3b5: {  	s26 =	sadd.s32 $0x100, s26;
	s28 =	sadd.s32 $0x20, s28;
	v45 =	vsel vm3, v29, v45;
	v44 =	vsel vm4, v29, v44;
	v43 =	vsel vm5, v29, v43;
	v29 =	vmovc v32;
	s30 =	sor.u32 s24, s31;
	v33 =	vld [tilespmem:s0+$0x0]  }
0x3b6: {  	v46 =	vld [tilespmem:$0xC0D8]  }
0x3b7: {  	vm3 =	vlt.f32 v42, v40;
	v30 =	vlaneseq.u32  }
0x3b8: {  	v40 =	vsel vm3, v42, v40;
	v58 =	vadd.s32 $0x88, v30  }
0x3b9: {  	vm4 =	vlt.f32 v34, v40  }
0x3ba: {  	v34 =	vsel vm4, v34, v40  }
0x3bb: {  	v60 =	vadd.s32 $0x10, v32;
	v38 =	vsel vm3, v32, v38;
	vm3 =	vlt.f32 v46, v34  }
0x3bc: {  	v59 =	vld [tilespmem:s30+$0x0];
	s0 =	sor.u32 s24, s29;
	v61 =	vadd.s32 $0x3D8, v30;
	v38 =	vsel vm4, v60, v38;
	v34 =	vsel vm3, v46, v34  }
0x3bd: {  	v47 =	vld [tilespmem:s0+$0x0];
	v62 =	vsel vm3, v61, v38;
	[tilespmem:v58+s17+$0x0] =	vst.idx.msk $0xffff, v34  }
0x3be: {  	[tilespmem:v58+s18+$0x0] =	vst.idx.msk $0xffff, v62  }
0x3bf: {  	v34 =	vld [tilespmem:$0xC158]  }
0x3c0: {  	vm3 =	vlt.f32 v35, v41  }
0x3c1: {  	v63 =	vadd.s32 $0x99, v30;
	v35 =	vsel vm3, v35, v41  }
0x3c2: {  	vm14 =	vlt.f32 v39, v35  }
0x3c3: {  	v45 =	vsel vm2, v28, v45;
	v35 =	vsel vm14, v39, v35  }
0x3c4: {  	v48 =	vsel vm3, v29, v45;
	vm2 =	vlt.f32 v34, v35  }
0x3c5: {  	v39 =	vsel vm14, v60, v48;
	v34 =	vsel vm2, v34, v35  }
0x3c6: {  	v49 =	vsel vm2, v61, v39;
	[tilespmem:v63+s17+$0x0] =	vst.idx.msk $0xffff, v34  }
0x3c7: {  	[tilespmem:v63+s18+$0x0] =	vst.idx.msk $0xffff, v49  }
0x3c8: {  	v34 =	vld [tilespmem:$0xC1D8]  }
0x3c9: {  	vm2 =	vlt.f32 v36, v37  }
0x3ca: {  	v51 =	vadd.s32 $0xAA, v30;
	v50 =	vsel vm2, v36, v37  }
0x3cb: {  	vm3 =	vlt.f32 v59, v50  }
0x3cc: {  	v52 =	vsel vm1, v28, v44;
	v35 =	vsel vm3, v59, v50  }
0x3cd: {  	v37 =	vsel vm2, v29, v52;
	vm1 =	vlt.f32 v34, v35  }
0x3ce: {  	v37 =	vsel vm3, v60, v37;
	v34 =	vsel vm1, v34, v35  }
0x3cf: {  	v53 =	vsel vm1, v61, v37;
	[tilespmem:v51+s17+$0x0] =	vst.idx.msk $0xffff, v34  }
0x3d0: {  	[tilespmem:v51+s18+$0x0] =	vst.idx.msk $0xffff, v53  }
0x3d1: {  	v34 =	vld [tilespmem:$0xC258]  }
0x3d2: {  	vm1 =	vlt.f32 v33, v31  }
0x3d3: {  	v54 =	vadd.s32 $0xBB, v30;
	v31 =	vsel vm1, v33, v31  }
0x3d4: {  	vm2 =	vlt.f32 v47, v31  }
0x3d5: {  	v28 =	vsel vm0, v28, v43;
	v31 =	vsel vm2, v47, v31  }
0x3d6: {  	s26 =	simm.s32 $0x0;
	v28 =	vsel vm1, v29, v28;
	vm0 =	vlt.f32 v34, v31  }
0x3d7: {  	s1 =	sand.u32 $0x60, s26;
	s0 =	sand.u32 $0x1C00, s26;
	v28 =	vsel vm2, v60, v28;
	v29 =	vsel vm0, v34, v31  }
0x3d8: {  	s31 =	sadd.s32 $0xA680, s0;
	s25 =	sor.u32 $0x10, s1;
	v28 =	vsel vm0, v61, v28;
	[tilespmem:v54+s17+$0x0] =	vst.idx.msk $0xffff, v29  }
0x3d9: {  	s26 =	sor.u32 s25, s31;
	[tilespmem:v54+s18+$0x0] =	vst.idx.msk $0xffff, v28  }
0x3da: {  	s28 =	sadd.s32 $0xA700, s0;
	s24 =	sor.u32 s1, s31;
	v28 =	vld [tilespmem:s26+$0x0]  }
0x3db: {  	s31 =	sor.u32 s1, s28;
	v29 =	vld [tilespmem:s24+$0x0]  }
0x3dc: {  	s26 =	sor.u32 s25, s28;
	s28 =	sadd.s32 $0xA780, s0;
	v55 =	vld [tilespmem:s31+$0x0]  }
0x3dd: {  	s0 =	sadd.s32 $0xA800, s0;
	v31 =	vld [tilespmem:s26+$0x0];
	s26 =	sor.u32 s1, s28  }
0x3de: {  	s1 =	sor.u32 s1, s0;
	v56 =	vld [tilespmem:s26+$0x0]  }
0x3df: {  	s24 =	simm.s32 $0x100;
	s31 =	simm.s32 $0x20;
	s0 =	sor.u32 s25, s0;
	v58 =	vld [tilespmem:s1+$0x0]  }
0x3e0: {  	v57 =	vimm.f32 $+Inf;
	s1 =	sor.u32 s25, s28;
	s26 =	sand.u32 $0x60, s31;
	s28 =	sand.u32 $0x1C00, s24  }
0x3e1: {  	v33 =	vadd.s32 $0x20, v30;
	v60 =	vld [tilespmem:s0+$0x0];
	s31 =	sadd.s32 $0xA680, s28;
	s24 =	sor.u32 $0x10, s26;
	vm0 =	vlt.f32 v29, v57  }
0x3e2: {  	v38 =	vld [tilespmem:s1+$0x0];
	s25 =	sor.u32 s24, s31;
	vm3 =	vlt.f32 v55, v57;
	v59 =	vsel vm0, v29, v57;
	v61 =	vsel vm0, v30, v30  }
0x3e3: {  	s1 =	sor.u32 s26, s31;
	s31 =	sadd.s32 $0xA700, s28;
	v35 =	vld [tilespmem:s25+$0x0];
	v29 =	vadd.s32 $0x10, v30;
	v46 =	vsel vm3, v30, v30;
	vm0 =	vlt.f32 v28, v59  }
0x3e4: {  	v43 =	vld [tilespmem:s1+$0x0];
	s1 =	sor.u32 s24, s31;
	vm15 =	vlt.f32 v56, v57;
	vm5 =	vlt.f32 v58, v57;
	v41 =	vsel vm0, v28, v59  }
0x3e5: {  	s30 =	sadd.s32 $0xA780, s28;
	s31 =	sor.u32 s26, s31;
	v40 =	vld [tilespmem:s1+$0x0];
	v39 =	vsel vm0, v29, v61;
	v28 =	vsel vm3, v55, v57;
	v62 =	vsel vm15, v56, v57  }
0x3e6: {  	s29 =	sadd.s32 $0xA800, s28;
	v36 =	vld [tilespmem:s31+$0x0];
	s1 =	sor.u32 s26, s30;
	v63 =	vsel vm5, v58, v57;
	v45 =	vsel vm15, v30, v30;
	v44 =	vsel vm5, v30, v30  }
0x3e7: {  	s28 =	simm.s32 $0x40;
	s31 =	sor.u32 s26, s29;
	v37 =	vld [tilespmem:s1+$0x0];
	vm2 =	vlt.f32 v31, v28;
	vm1 =	vlt.f32 v38, v62;
	vm0 =	vlt.f32 v60, v63  }
0x3e8: {  	s25 =	simm.s32 $0x2;
	s30 =	sor.u32 s24, s30;
	s26 =	simm.s32 $0x200;
	v34 =	vld [tilespmem:s31+$0x0];
	v42 =	vsel vm2, v31, v28;
	v38 =	vsel vm1, v38, v62;
	v32 =	vsel vm0, v60, v63;
	v31 =	vmovc v33  }
.LBB2_25:
0x3e9: {  	s0 =	sand.u32 $0x60, s28;
	s1 =	sand.u32 $0x1C00, s26;
	vm3 =	vlt.f32 v43, v41;
	v28 =	vld [tilespmem:s30+$0x0];
	s29 =	sor.u32 s24, s29;
	v30 =	vsel vm1, v29, v45;
	v44 =	vsel vm0, v29, v44  }
0x3ea: {  	v46 =	vsel vm2, v29, v46;
	s30 =	sadd.s32 $0xA680, s1;
	s24 =	sor.u32 $0x10, s0;
	v41 =	vsel vm3, v43, v41;
	v39 =	vsel vm3, v33, v39;
	v45 =	vld [tilespmem:s29+$0x0];
	v47 =	vmovc v40  }
0x3eb: {  	v29 =	vadd.s32 $0x10, v33;
	s25 =	sadd.s32 $0x2, s25;
	s29 =	sor.u32 s24, s30;
	vm0 =	vlt.f32 v35, v41  }
0x3ec: {  	s31 =	sadd.s32 $0xA700, s1;
	v33 =	vadd.s32 $0x20, v33;
	p1 =	slt.u32 s25, $0x3C;
	s30 =	sor.u32 s0, s30;
	v41 =	vsel vm0, v35, v41;
	v35 =	vld [tilespmem:s29+$0x0];
	v39 =	vsel vm0, v29, v39  }
.Ltmp13:
0x3ed: {  	vm3 =	vlt.f32 v36, v42;
	s29 =	sor.u32 s24, s31;
	vm4 =	vlt.f32 v37, v38;
	v43 =	vld [tilespmem:s30+$0x0];
	vm5 =	vlt.f32 v34, v32;
	(pc) =	sbr.rel @p1 .LBB2_25-.Ltmp13, $4  }
0x3ee: {  	v42 =	vsel vm3, v36, v42;
	s30 =	sor.u32 s0, s31;
	s31 =	sadd.s32 $0xA780, s1;
	v38 =	vsel vm4, v37, v38;
	v40 =	vld [tilespmem:s29+$0x0];
	v32 =	vsel vm5, v34, v32  }
0x3ef: {  	vm2 =	vlt.f32 v47, v42;
	s29 =	sadd.s32 $0xA800, s1;
	vm1 =	vlt.f32 v28, v38;
	v36 =	vld [tilespmem:s30+$0x0];
	s30 =	sor.u32 s0, s31;
	vm0 =	vlt.f32 v45, v32  }
0x3f0: {  	v42 =	vsel vm2, v47, v42;
	s0 =	sor.u32 s0, s29;
	v38 =	vsel vm1, v28, v38;
	v37 =	vld [tilespmem:s30+$0x0];
	v32 =	vsel vm0, v45, v32  }
0x3f1: {  	s26 =	sadd.s32 $0x100, s26;
	s28 =	sadd.s32 $0x20, s28;
	v46 =	vsel vm3, v31, v46;
	v44 =	vsel vm5, v31, v44;
	s30 =	sor.u32 s24, s31;
	v45 =	vsel vm4, v31, v30;
	v31 =	vmovc v33;
	v34 =	vld [tilespmem:s0+$0x0]  }
0x3f2: {  	v30 =	vld [tilespmem:$0xC2D8]  }
0x3f3: {  	vm3 =	vlt.f32 v43, v41;
	v28 =	vlaneseq.u32  }
0x3f4: {  	v41 =	vsel vm3, v43, v41;
	v52 =	vadd.s32 $0xCC, v28  }
0x3f5: {  	vm4 =	vlt.f32 v35, v41  }
0x3f6: {  	v35 =	vsel vm4, v35, v41  }
0x3f7: {  	v54 =	vadd.s32 $0x10, v33;
	v39 =	vsel vm3, v33, v39;
	vm3 =	vlt.f32 v30, v35  }
0x3f8: {  	v53 =	vld [tilespmem:s30+$0x0];
	s0 =	sor.u32 s24, s29;
	v55 =	vadd.s32 $0x3D8, v28;
	v39 =	vsel vm4, v54, v39;
	v30 =	vsel vm3, v30, v35  }
0x3f9: {  	v47 =	vld [tilespmem:s0+$0x0];
	[tilespmem:v52+s17+$0x0] =	vst.idx.msk $0xffff, v30;
	v30 =	vsel vm3, v55, v39  }
0x3fa: {  	[tilespmem:v52+s18+$0x0] =	vst.idx.msk $0xffff, v30  }
0x3fb: {  	v30 =	vld [tilespmem:$0xC358]  }
0x3fc: {  	vm3 =	vlt.f32 v36, v42  }
0x3fd: {  	v56 =	vadd.s32 $0xDD, v28;
	v36 =	vsel vm3, v36, v42  }
0x3fe: {  	vm14 =	vlt.f32 v40, v36  }
0x3ff: {  	v57 =	vsel vm2, v29, v46;
	v36 =	vsel vm14, v40, v36  }
0x400: {  	v58 =	vsel vm3, v31, v57;
	vm2 =	vlt.f32 v30, v36  }
0x401: {  	v40 =	vsel vm14, v54, v58;
	v30 =	vsel vm2, v30, v36  }
0x402: {  	v59 =	vsel vm2, v55, v40;
	[tilespmem:v56+s17+$0x0] =	vst.idx.msk $0xffff, v30  }
0x403: {  	[tilespmem:v56+s18+$0x0] =	vst.idx.msk $0xffff, v59  }
0x404: {  	v30 =	vld [tilespmem:$0xC3D8]  }
0x405: {  	vm2 =	vlt.f32 v37, v38  }
0x406: {  	v61 =	vadd.s32 $0xEE, v28;
	v60 =	vsel vm2, v37, v38  }
0x407: {  	vm3 =	vlt.f32 v53, v60  }
0x408: {  	v62 =	vsel vm1, v29, v45;
	v36 =	vsel vm3, v53, v60  }
0x409: {  	v38 =	vsel vm2, v31, v62;
	vm1 =	vlt.f32 v30, v36  }
0x40a: {  	v38 =	vsel vm3, v54, v38;
	v30 =	vsel vm1, v30, v36  }
0x40b: {  	v63 =	vsel vm1, v55, v38;
	[tilespmem:v61+s17+$0x0] =	vst.idx.msk $0xffff, v30  }
0x40c: {  	[tilespmem:v61+s18+$0x0] =	vst.idx.msk $0xffff, v63  }
0x40d: {  	v36 =	vld [tilespmem:$0xC458]  }
0x40e: {  	vm1 =	vlt.f32 v34, v32  }
0x40f: {  	v38 =	vadd.s32 $0xFF, v28;
	v32 =	vsel vm1, v34, v32  }
0x410: {  	v30 =	vmul.u32 $0x11, v28;
	vm2 =	vlt.f32 v47, v32  }
0x411: {  	v29 =	vsel vm0, v29, v44;
	v32 =	vsel vm2, v47, v32  }
0x412: {  	v29 =	vsel vm1, v31, v29;
	vm0 =	vlt.f32 v36, v32  }
0x413: {  	v29 =	vsel vm2, v54, v29;
	v39 =	vadd.s32 $0x1, v30;
	v31 =	vsel vm0, v36, v32  }
0x414: {  	v29 =	vsel vm0, v55, v29;
	[tilespmem:v38+s17+$0x0] =	vst.idx.msk $0xffff, v31  }
0x415: {  	[tilespmem:v38+s18+$0x0] =	vst.idx.msk $0xffff, v29  }
0x416: {  	v29 =	vld.idx.msk [tilespmem:v30+s17+$0x0], $0xffff  }
0x417: {  	v40 =	vadd.s32 $0x2, v30;
	v31 =	vld.idx.msk [tilespmem:v30+s18+$0x0], $0xffff  }
0x418: {  	v34 =	vld.idx.msk [tilespmem:v39+s17+$0x0], $0xffff  }
0x419: {  	v32 =	vld.idx.msk [tilespmem:v39+s18+$0x0], $0xffff;
	_ =	sdelay $0x1  }
0x41a: {  	v41 =	vadd.s32 $0x3, v30  }
0x41b: {  	v42 =	vld.idx.msk [tilespmem:v40+s17+$0x0], $0xffff  }
0x41c: {  	v33 =	vld.idx.msk [tilespmem:v40+s18+$0x0], $0xffff  }
0x41d: {  	vm0 =	veq.f32 v34, v29;
	vm1 =	vlt.s32 v32, v31  }
0x41e: {  	v43 =	vadd.s32 $0x4, v30;
	vm2 =	vlt.f32 v34, v29;
	vm0 =	vmand vm0, vm1  }
0x41f: {  	v44 =	vld.idx.msk [tilespmem:v41+s17+$0x0], $0xffff;
	vm0 =	vmor vm2, vm0  }
0x420: {  	v45 =	vld.idx.msk [tilespmem:v41+s18+$0x0], $0xffff;
	v29 =	vsel vm0, v34, v29;
	v31 =	vsel vm0, v32, v31  }
0x421: {  	vm0 =	veq.f32 v42, v29;
	vm1 =	vlt.s32 v33, v31  }
0x422: {  	v46 =	vadd.s32 $0x5, v30;
	vm2 =	vlt.f32 v42, v29;
	vm0 =	vmand vm0, vm1  }
0x423: {  	v47 =	vld.idx.msk [tilespmem:v43+s17+$0x0], $0xffff;
	vm0 =	vmor vm2, vm0  }
0x424: {  	v48 =	vld.idx.msk [tilespmem:v43+s18+$0x0], $0xffff;
	v29 =	vsel vm0, v42, v29;
	v31 =	vsel vm0, v33, v31  }
0x425: {  	vm0 =	veq.f32 v44, v29;
	vm1 =	vlt.s32 v45, v31  }
0x426: {  	v49 =	vadd.s32 $0x6, v30;
	vm2 =	vlt.f32 v44, v29;
	vm0 =	vmand vm0, vm1  }
0x427: {  	v50 =	vld.idx.msk [tilespmem:v46+s17+$0x0], $0xffff;
	vm0 =	vmor vm2, vm0  }
0x428: {  	v51 =	vld.idx.msk [tilespmem:v46+s18+$0x0], $0xffff;
	v29 =	vsel vm0, v44, v29;
	v31 =	vsel vm0, v45, v31  }
0x429: {  	vm0 =	veq.f32 v47, v29;
	vm1 =	vlt.s32 v48, v31  }
0x42a: {  	v52 =	vadd.s32 $0x7, v30;
	vm2 =	vlt.f32 v47, v29;
	vm0 =	vmand vm0, vm1  }
0x42b: {  	v53 =	vld.idx.msk [tilespmem:v49+s17+$0x0], $0xffff;
	vm0 =	vmor vm2, vm0  }
0x42c: {  	v54 =	vld.idx.msk [tilespmem:v49+s18+$0x0], $0xffff;
	v29 =	vsel vm0, v47, v29;
	v31 =	vsel vm0, v48, v31  }
0x42d: {  	vm0 =	veq.f32 v50, v29;
	vm1 =	vlt.s32 v51, v31  }
0x42e: {  	v55 =	vadd.s32 $0x8, v30;
	vm2 =	vlt.f32 v50, v29;
	vm0 =	vmand vm0, vm1  }
0x42f: {  	v56 =	vld.idx.msk [tilespmem:v52+s17+$0x0], $0xffff;
	vm0 =	vmor vm2, vm0  }
0x430: {  	v57 =	vld.idx.msk [tilespmem:v52+s18+$0x0], $0xffff;
	v29 =	vsel vm0, v50, v29;
	v31 =	vsel vm0, v51, v31  }
0x431: {  	vm0 =	veq.f32 v53, v29;
	vm1 =	vlt.s32 v54, v31  }
0x432: {  	v58 =	vadd.s32 $0x9, v30;
	vm2 =	vlt.f32 v53, v29;
	vm0 =	vmand vm0, vm1  }
0x433: {  	v59 =	vld.idx.msk [tilespmem:v55+s17+$0x0], $0xffff;
	vm0 =	vmor vm2, vm0  }
0x434: {  	v60 =	vld.idx.msk [tilespmem:v55+s18+$0x0], $0xffff;
	v29 =	vsel vm0, v53, v29;
	v31 =	vsel vm0, v54, v31  }
0x435: {  	vm0 =	veq.f32 v56, v29;
	vm1 =	vlt.s32 v57, v31  }
0x436: {  	v61 =	vadd.s32 $0xA, v30;
	vm2 =	vlt.f32 v56, v29;
	vm0 =	vmand vm0, vm1  }
0x437: {  	v62 =	vld.idx.msk [tilespmem:v58+s17+$0x0], $0xffff;
	vm0 =	vmor vm2, vm0  }
0x438: {  	v63 =	vld.idx.msk [tilespmem:v58+s18+$0x0], $0xffff;
	v29 =	vsel vm0, v56, v29;
	v31 =	vsel vm0, v57, v31  }
0x439: {  	vm0 =	veq.f32 v59, v29;
	vm1 =	vlt.s32 v60, v31  }
0x43a: {  	v40 =	vadd.s32 $0xB, v30;
	vm2 =	vlt.f32 v59, v29;
	vm0 =	vmand vm0, vm1  }
0x43b: {  	v41 =	vld.idx.msk [tilespmem:v61+s17+$0x0], $0xffff;
	vm0 =	vmor vm2, vm0  }
0x43c: {  	v42 =	vld.idx.msk [tilespmem:v61+s18+$0x0], $0xffff;
	v29 =	vsel vm0, v59, v29;
	v31 =	vsel vm0, v60, v31  }
0x43d: {  	vm0 =	veq.f32 v62, v29;
	vm1 =	vlt.s32 v63, v31  }
0x43e: {  	v43 =	vadd.s32 $0xC, v30;
	vm2 =	vlt.f32 v62, v29;
	vm0 =	vmand vm0, vm1  }
0x43f: {  	v44 =	vld.idx.msk [tilespmem:v40+s17+$0x0], $0xffff;
	vm0 =	vmor vm2, vm0  }
0x440: {  	v45 =	vld.idx.msk [tilespmem:v40+s18+$0x0], $0xffff;
	v29 =	vsel vm0, v62, v29;
	v31 =	vsel vm0, v63, v31  }
0x441: {  	vm0 =	veq.f32 v41, v29;
	vm1 =	vlt.s32 v42, v31  }
0x442: {  	v46 =	vadd.s32 $0xD, v30;
	vm2 =	vlt.f32 v41, v29;
	vm0 =	vmand vm0, vm1  }
0x443: {  	v47 =	vld.idx.msk [tilespmem:v43+s17+$0x0], $0xffff;
	vm0 =	vmor vm2, vm0  }
0x444: {  	v48 =	vld.idx.msk [tilespmem:v43+s18+$0x0], $0xffff;
	v29 =	vsel vm0, v41, v29;
	v31 =	vsel vm0, v42, v31  }
0x445: {  	vm0 =	veq.f32 v44, v29;
	vm1 =	vlt.s32 v45, v31  }
0x446: {  	v49 =	vadd.s32 $0xE, v30;
	vm2 =	vlt.f32 v44, v29;
	vm0 =	vmand vm0, vm1  }
0x447: {  	v50 =	vld.idx.msk [tilespmem:v46+s17+$0x0], $0xffff;
	vm0 =	vmor vm2, vm0  }
0x448: {  	v51 =	vld.idx.msk [tilespmem:v46+s18+$0x0], $0xffff;
	v29 =	vsel vm0, v44, v29;
	v31 =	vsel vm0, v45, v31  }
0x449: {  	vm0 =	veq.f32 v47, v29;
	vm1 =	vlt.s32 v48, v31  }
0x44a: {  	v30 =	vadd.s32 $0xF, v30;
	vm2 =	vlt.f32 v47, v29;
	vm0 =	vmand vm0, vm1  }
0x44b: {  	v52 =	vld.idx.msk [tilespmem:v49+s17+$0x0], $0xffff;
	vm0 =	vmor vm2, vm0  }
0x44c: {  	v53 =	vld.idx.msk [tilespmem:v49+s18+$0x0], $0xffff;
	v29 =	vsel vm0, v47, v29;
	v31 =	vsel vm0, v48, v31  }
0x44d: {  	vm0 =	veq.f32 v50, v29;
	vm1 =	vlt.s32 v51, v31  }
0x44e: {  	vm2 =	vlt.f32 v50, v29;
	vm0 =	vmand vm0, vm1  }
0x44f: {  	v54 =	vld.idx.msk [tilespmem:v30+s17+$0x0], $0xffff;
	vm0 =	vmor vm2, vm0  }
0x450: {  	v30 =	vld.idx.msk [tilespmem:v30+s18+$0x0], $0xffff;
	v29 =	vsel vm0, v50, v29;
	v31 =	vsel vm0, v51, v31  }
0x451: {  	vm0 =	veq.f32 v52, v29;
	vm1 =	vlt.s32 v53, v31  }
0x452: {  	vm2 =	vlt.f32 v52, v29;
	vm0 =	vmand vm0, vm1  }
0x453: {  	vm0 =	vmor vm2, vm0  }
0x454: {  	v29 =	vsel vm0, v52, v29;
	v31 =	vsel vm0, v53, v31  }
0x455: {  	vm0 =	veq.f32 v54, v29;
	vm1 =	vlt.s32 v30, v31  }
0x456: {  	vm2 =	vlt.f32 v54, v29;
	vm0 =	vmand vm0, vm1  }
0x457: {  	vm0 =	vmor vm2, vm0  }
0x458: {  	v30 =	vsel vm0, v30, v31;
	_ =	sdelay $0x3  }
0x459: {  	s26 =	simm.s32 $0x0  }
0x45a: {  	v30 =	vld.idx.msk [tilespmem:v30+s26+$0x0], $0xffff;
	_ =	sdelay $0x2  }
0x45b: {  	v29 =	vsel vm0, v54, v29  }
0x45c: {  	s1 =	sand.u32 $0x60, s26;
	s0 =	sand.u32 $0x1C00, s26;
	vm0 =	vlt.f32 v29, v5  }
0x45d: {  	s31 =	sadd.s32 $0xC480, s0;
	s25 =	sor.u32 $0x10, s1;
	v29 =	vsel vm0, v30, v6  }
0x45e: {  	s26 =	sor.u32 s25, s31;
	[tilespmem:s23+$0x104A0] =	vst v29  }
0x45f: {  	s28 =	sadd.s32 $0xC500, s0;
	s24 =	sor.u32 s1, s31;
	v30 =	vld [tilespmem:s26+$0x0]  }
0x460: {  	s31 =	sor.u32 s1, s28;
	v29 =	vld [tilespmem:s24+$0x0]  }
0x461: {  	s26 =	sor.u32 s25, s28;
	s28 =	sadd.s32 $0xC580, s0;
	v55 =	vld [tilespmem:s31+$0x0]  }
0x462: {  	s0 =	sadd.s32 $0xC600, s0;
	v31 =	vld [tilespmem:s26+$0x0];
	s26 =	sor.u32 s1, s28  }
0x463: {  	s1 =	sor.u32 s1, s0;
	v56 =	vld [tilespmem:s26+$0x0]  }
0x464: {  	s24 =	simm.s32 $0x100;
	s31 =	simm.s32 $0x20;
	s0 =	sor.u32 s25, s0;
	v58 =	vld [tilespmem:s1+$0x0]  }
0x465: {  	v57 =	vimm.f32 $+Inf;
	s1 =	sor.u32 s25, s28;
	s26 =	sand.u32 $0x60, s31;
	s28 =	sand.u32 $0x1C00, s24  }
0x466: {  	v32 =	vadd.s32 $0x20, v28;
	v43 =	vld [tilespmem:s0+$0x0];
	s31 =	sadd.s32 $0xC480, s28;
	s24 =	sor.u32 $0x10, s26;
	vm0 =	vlt.f32 v29, v57  }
0x467: {  	v59 =	vld [tilespmem:s1+$0x0];
	s25 =	sor.u32 s24, s31;
	vm3 =	vlt.f32 v55, v57;
	v60 =	vsel vm0, v29, v57;
	v61 =	vsel vm0, v28, v28  }
0x468: {  	s1 =	sor.u32 s26, s31;
	s31 =	sadd.s32 $0xC500, s28;
	v34 =	vld [tilespmem:s25+$0x0];
	v29 =	vadd.s32 $0x10, v28;
	v33 =	vsel vm3, v55, v57;
	v44 =	vsel vm3, v28, v28  }
0x469: {  	v41 =	vld [tilespmem:s1+$0x0];
	s1 =	sor.u32 s24, s31;
	vm0 =	vlt.f32 v30, v60;
	vm15 =	vlt.f32 v56, v57;
	vm5 =	vlt.f32 v58, v57  }
0x46a: {  	s30 =	sadd.s32 $0xC580, s28;
	s31 =	sor.u32 s26, s31;
	v39 =	vld [tilespmem:s1+$0x0];
	vm2 =	vlt.f32 v31, v33;
	v30 =	vsel vm0, v30, v60;
	v38 =	vsel vm0, v29, v61  }
0x46b: {  	s29 =	sadd.s32 $0xC600, s28;
	v35 =	vld [tilespmem:s31+$0x0];
	s1 =	sor.u32 s26, s30;
	v62 =	vsel vm15, v56, v57;
	v63 =	vsel vm5, v58, v57;
	v40 =	vsel vm2, v31, v33  }
0x46c: {  	s28 =	simm.s32 $0x40;
	s31 =	sor.u32 s26, s29;
	v36 =	vld [tilespmem:s1+$0x0];
	v42 =	vsel vm5, v28, v28;
	vm1 =	vlt.f32 v59, v62;
	vm0 =	vlt.f32 v43, v63  }
0x46d: {  	s25 =	simm.s32 $0x2;
	s30 =	sor.u32 s24, s30;
	s26 =	simm.s32 $0x200;
	v33 =	vld [tilespmem:s31+$0x0];
	v37 =	vsel vm1, v59, v62;
	v31 =	vsel vm0, v43, v63;
	v43 =	vsel vm15, v28, v28;
	v28 =	vmovc v32  }
.LBB2_27:
0x46e: {  	s0 =	sand.u32 $0x60, s28;
	s1 =	sand.u32 $0x1C00, s26;
	vm3 =	vlt.f32 v41, v30;
	v45 =	vld [tilespmem:s30+$0x0];
	s29 =	sor.u32 s24, s29;
	v43 =	vsel vm1, v29, v43;
	v42 =	vsel vm0, v29, v42  }
0x46f: {  	v44 =	vsel vm2, v29, v44;
	s30 =	sadd.s32 $0xC480, s1;
	s24 =	sor.u32 $0x10, s0;
	v30 =	vsel vm3, v41, v30;
	v38 =	vsel vm3, v32, v38;
	v46 =	vld [tilespmem:s29+$0x0];
	v47 =	vmovc v39  }
0x470: {  	v29 =	vadd.s32 $0x10, v32;
	s25 =	sadd.s32 $0x2, s25;
	s29 =	sor.u32 s24, s30;
	vm0 =	vlt.f32 v34, v30  }
0x471: {  	s31 =	sadd.s32 $0xC500, s1;
	v32 =	vadd.s32 $0x20, v32;
	p1 =	slt.u32 s25, $0x3C;
	s30 =	sor.u32 s0, s30;
	v30 =	vsel vm0, v34, v30;
	v34 =	vld [tilespmem:s29+$0x0];
	v38 =	vsel vm0, v29, v38  }
.Ltmp14:
0x472: {  	vm3 =	vlt.f32 v35, v40;
	s29 =	sor.u32 s24, s31;
	vm4 =	vlt.f32 v36, v37;
	v41 =	vld [tilespmem:s30+$0x0];
	vm5 =	vlt.f32 v33, v31;
	(pc) =	sbr.rel @p1 .LBB2_27-.Ltmp14, $4  }
0x473: {  	v40 =	vsel vm3, v35, v40;
	s30 =	sor.u32 s0, s31;
	s31 =	sadd.s32 $0xC580, s1;
	v37 =	vsel vm4, v36, v37;
	v39 =	vld [tilespmem:s29+$0x0];
	v31 =	vsel vm5, v33, v31  }
0x474: {  	vm2 =	vlt.f32 v47, v40;
	s29 =	sadd.s32 $0xC600, s1;
	vm1 =	vlt.f32 v45, v37;
	v35 =	vld [tilespmem:s30+$0x0];
	s30 =	sor.u32 s0, s31;
	vm0 =	vlt.f32 v46, v31  }
0x475: {  	v40 =	vsel vm2, v47, v40;
	s0 =	sor.u32 s0, s29;
	v37 =	vsel vm1, v45, v37;
	v36 =	vld [tilespmem:s30+$0x0];
	v31 =	vsel vm0, v46, v31  }
0x476: {  	s26 =	sadd.s32 $0x100, s26;
	s28 =	sadd.s32 $0x20, s28;
	v44 =	vsel vm3, v28, v44;
	v43 =	vsel vm4, v28, v43;
	v42 =	vsel vm5, v28, v42;
	v28 =	vmovc v32;
	s30 =	sor.u32 s24, s31;
	v33 =	vld [tilespmem:s0+$0x0]  }
0x477: {  	v45 =	vld [tilespmem:$0xE0D8]  }
0x478: {  	vm3 =	vlt.f32 v41, v30  }
0x479: {  	v41 =	vsel vm3, v41, v30;
	v30 =	vlaneseq.u32  }
0x47a: {  	vm4 =	vlt.f32 v34, v41  }
0x47b: {  	v34 =	vsel vm4, v34, v41  }
0x47c: {  	v62 =	vadd.s32 $0x10, v32;
	v38 =	vsel vm3, v32, v38;
	vm3 =	vlt.f32 v45, v34  }
0x47d: {  	v61 =	vld [tilespmem:s30+$0x0];
	s0 =	sor.u32 s24, s29;
	v63 =	vadd.s32 $0x3D8, v30;
	v38 =	vsel vm4, v62, v38;
	v34 =	vsel vm3, v45, v34  }
0x47e: {  	v46 =	vld [tilespmem:s0+$0x0];
	v38 =	vsel vm3, v63, v38;
	[tilespmem:v30+s17+$0x0] =	vst.idx.msk $0xffff, v34  }
0x47f: {  	[tilespmem:v30+s18+$0x0] =	vst.idx.msk $0xffff, v38  }
0x480: {  	v34 =	vld [tilespmem:$0xE158]  }
0x481: {  	vm3 =	vlt.f32 v35, v40  }
0x482: {  	v47 =	vadd.s32 $0x11, v30;
	v35 =	vsel vm3, v35, v40  }
0x483: {  	vm14 =	vlt.f32 v39, v35  }
0x484: {  	v48 =	vsel vm2, v29, v44;
	v35 =	vsel vm14, v39, v35  }
0x485: {  	v49 =	vsel vm3, v28, v48;
	vm2 =	vlt.f32 v34, v35  }
0x486: {  	v39 =	vsel vm14, v62, v49;
	v34 =	vsel vm2, v34, v35  }
0x487: {  	v50 =	vsel vm2, v63, v39;
	[tilespmem:v47+s17+$0x0] =	vst.idx.msk $0xffff, v34  }
0x488: {  	[tilespmem:v47+s18+$0x0] =	vst.idx.msk $0xffff, v50  }
0x489: {  	v34 =	vld [tilespmem:$0xE1D8]  }
0x48a: {  	vm2 =	vlt.f32 v36, v37  }
0x48b: {  	v52 =	vadd.s32 $0x22, v30;
	v51 =	vsel vm2, v36, v37  }
0x48c: {  	vm3 =	vlt.f32 v61, v51  }
0x48d: {  	v53 =	vsel vm1, v29, v43;
	v35 =	vsel vm3, v61, v51  }
0x48e: {  	v37 =	vsel vm2, v28, v53;
	vm1 =	vlt.f32 v34, v35  }
0x48f: {  	v37 =	vsel vm3, v62, v37;
	v34 =	vsel vm1, v34, v35  }
0x490: {  	v54 =	vsel vm1, v63, v37;
	[tilespmem:v52+s17+$0x0] =	vst.idx.msk $0xffff, v34  }
0x491: {  	[tilespmem:v52+s18+$0x0] =	vst.idx.msk $0xffff, v54  }
0x492: {  	v34 =	vld [tilespmem:$0xE258]  }
0x493: {  	vm1 =	vlt.f32 v33, v31  }
0x494: {  	v55 =	vadd.s32 $0x33, v30;
	v31 =	vsel vm1, v33, v31  }
0x495: {  	vm2 =	vlt.f32 v46, v31  }
0x496: {  	v29 =	vsel vm0, v29, v42;
	v31 =	vsel vm2, v46, v31  }
0x497: {  	s26 =	simm.s32 $0x0;
	v28 =	vsel vm1, v28, v29;
	vm0 =	vlt.f32 v34, v31  }
0x498: {  	s1 =	sand.u32 $0x60, s26;
	s0 =	sand.u32 $0x1C00, s26;
	v28 =	vsel vm2, v62, v28;
	v29 =	vsel vm0, v34, v31  }
0x499: {  	s31 =	sadd.s32 $0xC680, s0;
	s25 =	sor.u32 $0x10, s1;
	v28 =	vsel vm0, v63, v28;
	[tilespmem:v55+s17+$0x0] =	vst.idx.msk $0xffff, v29  }
0x49a: {  	s26 =	sor.u32 s25, s31;
	[tilespmem:v55+s18+$0x0] =	vst.idx.msk $0xffff, v28  }
0x49b: {  	s28 =	sadd.s32 $0xC700, s0;
	s24 =	sor.u32 s1, s31;
	v29 =	vld [tilespmem:s26+$0x0]  }
0x49c: {  	s31 =	sor.u32 s1, s28;
	v28 =	vld [tilespmem:s24+$0x0]  }
0x49d: {  	s26 =	sor.u32 s25, s28;
	s28 =	sadd.s32 $0xC780, s0;
	v33 =	vld [tilespmem:s31+$0x0]  }
0x49e: {  	s0 =	sadd.s32 $0xC800, s0;
	v31 =	vld [tilespmem:s26+$0x0];
	s26 =	sor.u32 s1, s28  }
0x49f: {  	s1 =	sor.u32 s1, s0;
	v35 =	vld [tilespmem:s26+$0x0]  }
0x4a0: {  	s24 =	simm.s32 $0x100;
	s31 =	simm.s32 $0x20;
	s0 =	sor.u32 s25, s0;
	v57 =	vld [tilespmem:s1+$0x0]  }
0x4a1: {  	v56 =	vimm.f32 $+Inf;
	s1 =	sor.u32 s25, s28;
	s26 =	sand.u32 $0x60, s31;
	s28 =	sand.u32 $0x1C00, s24  }
0x4a2: {  	v32 =	vadd.s32 $0x20, v30;
	v60 =	vld [tilespmem:s0+$0x0];
	s31 =	sadd.s32 $0xC680, s28;
	s24 =	sor.u32 $0x10, s26;
	vm0 =	vlt.f32 v28, v56  }
0x4a3: {  	v58 =	vld [tilespmem:s1+$0x0];
	s25 =	sor.u32 s24, s31;
	vm3 =	vlt.f32 v33, v56;
	v59 =	vsel vm0, v28, v56;
	v61 =	vsel vm0, v30, v30  }
0x4a4: {  	s1 =	sor.u32 s26, s31;
	s31 =	sadd.s32 $0xC700, s28;
	v34 =	vld [tilespmem:s25+$0x0];
	v28 =	vadd.s32 $0x10, v30;
	v45 =	vsel vm3, v30, v30;
	vm0 =	vlt.f32 v29, v59  }
0x4a5: {  	s30 =	sadd.s32 $0xC780, s28;
	v42 =	vld [tilespmem:s1+$0x0];
	s1 =	sor.u32 s24, s31;
	vm15 =	vlt.f32 v35, v56;
	vm5 =	vlt.f32 v57, v56;
	v40 =	vsel vm0, v29, v59  }
0x4a6: {  	v39 =	vld [tilespmem:s1+$0x0];
	s1 =	sor.u32 s26, s30;
	v38 =	vsel vm0, v28, v61;
	v29 =	vsel vm3, v33, v56;
	v62 =	vsel vm15, v35, v56  }
0x4a7: {  	s29 =	sadd.s32 $0xC800, s28;
	s31 =	sor.u32 s26, s31;
	v36 =	vld [tilespmem:s1+$0x0];
	v63 =	vsel vm5, v57, v56;
	v44 =	vsel vm15, v30, v30;
	v43 =	vsel vm5, v30, v30  }
0x4a8: {  	s28 =	simm.s32 $0x40;
	v35 =	vld [tilespmem:s31+$0x0];
	s31 =	sor.u32 s26, s29;
	vm2 =	vlt.f32 v31, v29;
	vm1 =	vlt.f32 v58, v62;
	vm0 =	vlt.f32 v60, v63  }
0x4a9: {  	s25 =	simm.s32 $0x2;
	s30 =	sor.u32 s24, s30;
	s26 =	simm.s32 $0x200;
	v30 =	vmovc v32;
	v33 =	vld [tilespmem:s31+$0x0];
	v41 =	vsel vm2, v31, v29;
	v37 =	vsel vm1, v58, v62;
	v31 =	vsel vm0, v60, v63  }
.LBB2_29:
0x4aa: {  	s0 =	sand.u32 $0x60, s28;
	s1 =	sand.u32 $0x1C00, s26;
	vm3 =	vlt.f32 v42, v40;
	v29 =	vld [tilespmem:s30+$0x0];
	s29 =	sor.u32 s24, s29;
	v44 =	vsel vm1, v28, v44;
	v43 =	vsel vm0, v28, v43  }
0x4ab: {  	v45 =	vsel vm2, v28, v45;
	s30 =	sadd.s32 $0xC680, s1;
	s24 =	sor.u32 $0x10, s0;
	v40 =	vsel vm3, v42, v40;
	v38 =	vsel vm3, v32, v38;
	v46 =	vld [tilespmem:s29+$0x0];
	v47 =	vmovc v39  }
0x4ac: {  	v28 =	vadd.s32 $0x10, v32;
	s25 =	sadd.s32 $0x2, s25;
	s29 =	sor.u32 s24, s30;
	vm0 =	vlt.f32 v34, v40  }
0x4ad: {  	s31 =	sadd.s32 $0xC700, s1;
	v32 =	vadd.s32 $0x20, v32;
	p1 =	slt.u32 s25, $0x3C;
	s30 =	sor.u32 s0, s30;
	v40 =	vsel vm0, v34, v40;
	v34 =	vld [tilespmem:s29+$0x0];
	v38 =	vsel vm0, v28, v38  }
.Ltmp15:
0x4ae: {  	vm3 =	vlt.f32 v35, v41;
	s29 =	sor.u32 s24, s31;
	vm4 =	vlt.f32 v36, v37;
	v42 =	vld [tilespmem:s30+$0x0];
	vm5 =	vlt.f32 v33, v31;
	(pc) =	sbr.rel @p1 .LBB2_29-.Ltmp15, $4  }
0x4af: {  	v41 =	vsel vm3, v35, v41;
	s30 =	sor.u32 s0, s31;
	s31 =	sadd.s32 $0xC780, s1;
	v37 =	vsel vm4, v36, v37;
	v39 =	vld [tilespmem:s29+$0x0];
	v31 =	vsel vm5, v33, v31  }
0x4b0: {  	vm2 =	vlt.f32 v47, v41;
	s29 =	sadd.s32 $0xC800, s1;
	vm1 =	vlt.f32 v29, v37;
	v35 =	vld [tilespmem:s30+$0x0];
	s30 =	sor.u32 s0, s31;
	vm0 =	vlt.f32 v46, v31  }
0x4b1: {  	v41 =	vsel vm2, v47, v41;
	s0 =	sor.u32 s0, s29;
	v37 =	vsel vm1, v29, v37;
	v36 =	vld [tilespmem:s30+$0x0];
	v31 =	vsel vm0, v46, v31  }
0x4b2: {  	s26 =	sadd.s32 $0x100, s26;
	s28 =	sadd.s32 $0x20, s28;
	v45 =	vsel vm3, v30, v45;
	v44 =	vsel vm4, v30, v44;
	v43 =	vsel vm5, v30, v43;
	v30 =	vmovc v32;
	s30 =	sor.u32 s24, s31;
	v33 =	vld [tilespmem:s0+$0x0]  }
0x4b3: {  	v46 =	vld [tilespmem:$0xE2D8]  }
0x4b4: {  	vm3 =	vlt.f32 v42, v40;
	v29 =	vlaneseq.u32  }
0x4b5: {  	v40 =	vsel vm3, v42, v40;
	v58 =	vadd.s32 $0x44, v29  }
0x4b6: {  	vm4 =	vlt.f32 v34, v40  }
0x4b7: {  	v34 =	vsel vm4, v34, v40  }
0x4b8: {  	v60 =	vadd.s32 $0x10, v32;
	v38 =	vsel vm3, v32, v38;
	vm3 =	vlt.f32 v46, v34  }
0x4b9: {  	v59 =	vld [tilespmem:s30+$0x0];
	s0 =	sor.u32 s24, s29;
	v61 =	vadd.s32 $0x3D8, v29;
	v38 =	vsel vm4, v60, v38;
	v34 =	vsel vm3, v46, v34  }
0x4ba: {  	v47 =	vld [tilespmem:s0+$0x0];
	v62 =	vsel vm3, v61, v38;
	[tilespmem:v58+s17+$0x0] =	vst.idx.msk $0xffff, v34  }
0x4bb: {  	[tilespmem:v58+s18+$0x0] =	vst.idx.msk $0xffff, v62  }
0x4bc: {  	v34 =	vld [tilespmem:$0xE358]  }
0x4bd: {  	vm3 =	vlt.f32 v35, v41  }
0x4be: {  	v63 =	vadd.s32 $0x55, v29;
	v35 =	vsel vm3, v35, v41  }
0x4bf: {  	vm14 =	vlt.f32 v39, v35  }
0x4c0: {  	v48 =	vsel vm2, v28, v45;
	v35 =	vsel vm14, v39, v35  }
0x4c1: {  	v49 =	vsel vm3, v30, v48;
	vm2 =	vlt.f32 v34, v35  }
0x4c2: {  	v39 =	vsel vm14, v60, v49;
	v34 =	vsel vm2, v34, v35  }
0x4c3: {  	v50 =	vsel vm2, v61, v39;
	[tilespmem:v63+s17+$0x0] =	vst.idx.msk $0xffff, v34  }
0x4c4: {  	[tilespmem:v63+s18+$0x0] =	vst.idx.msk $0xffff, v50  }
0x4c5: {  	v34 =	vld [tilespmem:$0xE3D8]  }
0x4c6: {  	vm2 =	vlt.f32 v36, v37  }
0x4c7: {  	v52 =	vadd.s32 $0x66, v29;
	v51 =	vsel vm2, v36, v37  }
0x4c8: {  	vm3 =	vlt.f32 v59, v51  }
0x4c9: {  	v53 =	vsel vm1, v28, v44;
	v35 =	vsel vm3, v59, v51  }
0x4ca: {  	v37 =	vsel vm2, v30, v53;
	vm1 =	vlt.f32 v34, v35  }
0x4cb: {  	v37 =	vsel vm3, v60, v37;
	v34 =	vsel vm1, v34, v35  }
0x4cc: {  	v54 =	vsel vm1, v61, v37;
	[tilespmem:v52+s17+$0x0] =	vst.idx.msk $0xffff, v34  }
0x4cd: {  	[tilespmem:v52+s18+$0x0] =	vst.idx.msk $0xffff, v54  }
0x4ce: {  	v34 =	vld [tilespmem:$0xE458]  }
0x4cf: {  	vm1 =	vlt.f32 v33, v31  }
0x4d0: {  	v55 =	vadd.s32 $0x77, v29;
	v31 =	vsel vm1, v33, v31  }
0x4d1: {  	vm2 =	vlt.f32 v47, v31  }
0x4d2: {  	v28 =	vsel vm0, v28, v43;
	v31 =	vsel vm2, v47, v31  }
0x4d3: {  	s26 =	simm.s32 $0x0;
	v28 =	vsel vm1, v30, v28;
	vm0 =	vlt.f32 v34, v31  }
0x4d4: {  	s1 =	sand.u32 $0x60, s26;
	s0 =	sand.u32 $0x1C00, s26;
	v28 =	vsel vm2, v60, v28;
	v30 =	vsel vm0, v34, v31  }
0x4d5: {  	s31 =	sadd.s32 $0xE480, s0;
	s25 =	sor.u32 $0x10, s1;
	v28 =	vsel vm0, v61, v28;
	[tilespmem:v55+s17+$0x0] =	vst.idx.msk $0xffff, v30  }
0x4d6: {  	s26 =	sor.u32 s25, s31;
	[tilespmem:v55+s18+$0x0] =	vst.idx.msk $0xffff, v28  }
0x4d7: {  	s28 =	sadd.s32 $0xE500, s0;
	s24 =	sor.u32 s1, s31;
	v30 =	vld [tilespmem:s26+$0x0]  }
0x4d8: {  	s31 =	sor.u32 s1, s28;
	v28 =	vld [tilespmem:s24+$0x0]  }
0x4d9: {  	s26 =	sor.u32 s25, s28;
	s28 =	sadd.s32 $0xE580, s0;
	v33 =	vld [tilespmem:s31+$0x0]  }
0x4da: {  	s0 =	sadd.s32 $0xE600, s0;
	v31 =	vld [tilespmem:s26+$0x0];
	s26 =	sor.u32 s1, s28  }
0x4db: {  	s1 =	sor.u32 s1, s0;
	v35 =	vld [tilespmem:s26+$0x0]  }
0x4dc: {  	s24 =	simm.s32 $0x100;
	s31 =	simm.s32 $0x20;
	s0 =	sor.u32 s25, s0;
	v57 =	vld [tilespmem:s1+$0x0]  }
0x4dd: {  	v56 =	vimm.f32 $+Inf;
	s1 =	sor.u32 s25, s28;
	s26 =	sand.u32 $0x60, s31;
	s28 =	sand.u32 $0x1C00, s24  }
0x4de: {  	v32 =	vadd.s32 $0x20, v29;
	v60 =	vld [tilespmem:s0+$0x0];
	s31 =	sadd.s32 $0xE480, s28;
	s24 =	sor.u32 $0x10, s26;
	vm0 =	vlt.f32 v28, v56  }
0x4df: {  	v58 =	vld [tilespmem:s1+$0x0];
	s25 =	sor.u32 s24, s31;
	vm3 =	vlt.f32 v33, v56;
	v59 =	vsel vm0, v28, v56;
	v61 =	vsel vm0, v29, v29  }
0x4e0: {  	s1 =	sor.u32 s26, s31;
	s31 =	sadd.s32 $0xE500, s28;
	v34 =	vld [tilespmem:s25+$0x0];
	v28 =	vadd.s32 $0x10, v29;
	v45 =	vsel vm3, v29, v29;
	vm0 =	vlt.f32 v30, v59  }
0x4e1: {  	s30 =	sadd.s32 $0xE580, s28;
	v42 =	vld [tilespmem:s1+$0x0];
	s1 =	sor.u32 s24, s31;
	vm15 =	vlt.f32 v35, v56;
	vm5 =	vlt.f32 v57, v56;
	v40 =	vsel vm0, v30, v59  }
0x4e2: {  	v39 =	vld [tilespmem:s1+$0x0];
	s1 =	sor.u32 s26, s30;
	v38 =	vsel vm0, v28, v61;
	v30 =	vsel vm3, v33, v56;
	v62 =	vsel vm15, v35, v56  }
0x4e3: {  	s29 =	sadd.s32 $0xE600, s28;
	s31 =	sor.u32 s26, s31;
	v36 =	vld [tilespmem:s1+$0x0];
	v63 =	vsel vm5, v57, v56;
	v44 =	vsel vm15, v29, v29;
	v43 =	vsel vm5, v29, v29  }
0x4e4: {  	s28 =	simm.s32 $0x40;
	v35 =	vld [tilespmem:s31+$0x0];
	s31 =	sor.u32 s26, s29;
	vm2 =	vlt.f32 v31, v30;
	vm1 =	vlt.f32 v58, v62;
	vm0 =	vlt.f32 v60, v63  }
0x4e5: {  	s25 =	simm.s32 $0x2;
	s30 =	sor.u32 s24, s30;
	s26 =	simm.s32 $0x200;
	v33 =	vld [tilespmem:s31+$0x0];
	v41 =	vsel vm2, v31, v30;
	v37 =	vsel vm1, v58, v62;
	v31 =	vsel vm0, v60, v63;
	v30 =	vmovc v32  }
.LBB2_31:
0x4e6: {  	s0 =	sand.u32 $0x60, s28;
	s1 =	sand.u32 $0x1C00, s26;
	vm3 =	vlt.f32 v42, v40;
	v29 =	vld [tilespmem:s30+$0x0];
	s29 =	sor.u32 s24, s29;
	v44 =	vsel vm1, v28, v44;
	v43 =	vsel vm0, v28, v43  }
0x4e7: {  	v45 =	vsel vm2, v28, v45;
	s30 =	sadd.s32 $0xE480, s1;
	s24 =	sor.u32 $0x10, s0;
	v40 =	vsel vm3, v42, v40;
	v38 =	vsel vm3, v32, v38;
	v46 =	vld [tilespmem:s29+$0x0];
	v47 =	vmovc v39  }
0x4e8: {  	v28 =	vadd.s32 $0x10, v32;
	s25 =	sadd.s32 $0x2, s25;
	s29 =	sor.u32 s24, s30;
	vm0 =	vlt.f32 v34, v40  }
0x4e9: {  	s31 =	sadd.s32 $0xE500, s1;
	v32 =	vadd.s32 $0x20, v32;
	p1 =	slt.u32 s25, $0x3C;
	s30 =	sor.u32 s0, s30;
	v40 =	vsel vm0, v34, v40;
	v34 =	vld [tilespmem:s29+$0x0];
	v38 =	vsel vm0, v28, v38  }
.Ltmp16:
0x4ea: {  	vm3 =	vlt.f32 v35, v41;
	s29 =	sor.u32 s24, s31;
	vm4 =	vlt.f32 v36, v37;
	v42 =	vld [tilespmem:s30+$0x0];
	vm5 =	vlt.f32 v33, v31;
	(pc) =	sbr.rel @p1 .LBB2_31-.Ltmp16, $4  }
0x4eb: {  	v41 =	vsel vm3, v35, v41;
	s30 =	sor.u32 s0, s31;
	s31 =	sadd.s32 $0xE580, s1;
	v37 =	vsel vm4, v36, v37;
	v39 =	vld [tilespmem:s29+$0x0];
	v31 =	vsel vm5, v33, v31  }
0x4ec: {  	vm2 =	vlt.f32 v47, v41;
	s29 =	sadd.s32 $0xE600, s1;
	vm1 =	vlt.f32 v29, v37;
	v35 =	vld [tilespmem:s30+$0x0];
	s30 =	sor.u32 s0, s31;
	vm0 =	vlt.f32 v46, v31  }
0x4ed: {  	v41 =	vsel vm2, v47, v41;
	s0 =	sor.u32 s0, s29;
	v37 =	vsel vm1, v29, v37;
	v36 =	vld [tilespmem:s30+$0x0];
	v31 =	vsel vm0, v46, v31  }
0x4ee: {  	s26 =	sadd.s32 $0x100, s26;
	s28 =	sadd.s32 $0x20, s28;
	v45 =	vsel vm3, v30, v45;
	v44 =	vsel vm4, v30, v44;
	v43 =	vsel vm5, v30, v43;
	v30 =	vmovc v32;
	s30 =	sor.u32 s24, s31;
	v33 =	vld [tilespmem:s0+$0x0]  }
0x4ef: {  	v46 =	vld [tilespmem:$0x100D8]  }
0x4f0: {  	vm3 =	vlt.f32 v42, v40;
	v29 =	vlaneseq.u32  }
0x4f1: {  	v40 =	vsel vm3, v42, v40;
	v58 =	vadd.s32 $0x88, v29  }
0x4f2: {  	vm4 =	vlt.f32 v34, v40  }
0x4f3: {  	v34 =	vsel vm4, v34, v40  }
0x4f4: {  	v60 =	vadd.s32 $0x10, v32;
	v38 =	vsel vm3, v32, v38;
	vm3 =	vlt.f32 v46, v34  }
0x4f5: {  	v59 =	vld [tilespmem:s30+$0x0];
	s0 =	sor.u32 s24, s29;
	v61 =	vadd.s32 $0x3D8, v29;
	v38 =	vsel vm4, v60, v38;
	v34 =	vsel vm3, v46, v34  }
0x4f6: {  	v47 =	vld [tilespmem:s0+$0x0];
	v62 =	vsel vm3, v61, v38;
	[tilespmem:v58+s17+$0x0] =	vst.idx.msk $0xffff, v34  }
0x4f7: {  	[tilespmem:v58+s18+$0x0] =	vst.idx.msk $0xffff, v62  }
0x4f8: {  	v34 =	vld [tilespmem:$0x10158]  }
0x4f9: {  	vm3 =	vlt.f32 v35, v41  }
0x4fa: {  	v63 =	vadd.s32 $0x99, v29;
	v35 =	vsel vm3, v35, v41  }
0x4fb: {  	vm14 =	vlt.f32 v39, v35  }
0x4fc: {  	v48 =	vsel vm2, v28, v45;
	v35 =	vsel vm14, v39, v35  }
0x4fd: {  	v49 =	vsel vm3, v30, v48;
	vm2 =	vlt.f32 v34, v35  }
0x4fe: {  	v39 =	vsel vm14, v60, v49;
	v34 =	vsel vm2, v34, v35  }
0x4ff: {  	v50 =	vsel vm2, v61, v39;
	[tilespmem:v63+s17+$0x0] =	vst.idx.msk $0xffff, v34  }
0x500: {  	[tilespmem:v63+s18+$0x0] =	vst.idx.msk $0xffff, v50  }
0x501: {  	v34 =	vld [tilespmem:$0x101D8]  }
0x502: {  	vm2 =	vlt.f32 v36, v37  }
0x503: {  	v52 =	vadd.s32 $0xAA, v29;
	v51 =	vsel vm2, v36, v37  }
0x504: {  	vm3 =	vlt.f32 v59, v51  }
0x505: {  	v53 =	vsel vm1, v28, v44;
	v35 =	vsel vm3, v59, v51  }
0x506: {  	v37 =	vsel vm2, v30, v53;
	vm1 =	vlt.f32 v34, v35  }
0x507: {  	v37 =	vsel vm3, v60, v37;
	v34 =	vsel vm1, v34, v35  }
0x508: {  	v54 =	vsel vm1, v61, v37;
	[tilespmem:v52+s17+$0x0] =	vst.idx.msk $0xffff, v34  }
0x509: {  	[tilespmem:v52+s18+$0x0] =	vst.idx.msk $0xffff, v54  }
0x50a: {  	v34 =	vld [tilespmem:$0x10258]  }
0x50b: {  	vm1 =	vlt.f32 v33, v31  }
0x50c: {  	v55 =	vadd.s32 $0xBB, v29;
	v31 =	vsel vm1, v33, v31  }
0x50d: {  	vm2 =	vlt.f32 v47, v31  }
0x50e: {  	v28 =	vsel vm0, v28, v43;
	v31 =	vsel vm2, v47, v31  }
0x50f: {  	s26 =	simm.s32 $0x0;
	v28 =	vsel vm1, v30, v28;
	vm0 =	vlt.f32 v34, v31  }
0x510: {  	s1 =	sand.u32 $0x60, s26;
	s0 =	sand.u32 $0x1C00, s26;
	v28 =	vsel vm2, v60, v28;
	v30 =	vsel vm0, v34, v31  }
0x511: {  	s31 =	sadd.s32 $0xE680, s0;
	s25 =	sor.u32 $0x10, s1;
	v28 =	vsel vm0, v61, v28;
	[tilespmem:v55+s17+$0x0] =	vst.idx.msk $0xffff, v30  }
0x512: {  	s26 =	sor.u32 s25, s31;
	[tilespmem:v55+s18+$0x0] =	vst.idx.msk $0xffff, v28  }
0x513: {  	s28 =	sadd.s32 $0xE700, s0;
	s24 =	sor.u32 s1, s31;
	v30 =	vld [tilespmem:s26+$0x0]  }
0x514: {  	s31 =	sor.u32 s1, s28;
	v28 =	vld [tilespmem:s24+$0x0]  }
0x515: {  	s26 =	sor.u32 s25, s28;
	s28 =	sadd.s32 $0xE780, s0;
	v33 =	vld [tilespmem:s31+$0x0]  }
0x516: {  	s0 =	sadd.s32 $0xE800, s0;
	v31 =	vld [tilespmem:s26+$0x0];
	s26 =	sor.u32 s1, s28  }
0x517: {  	s1 =	sor.u32 s1, s0;
	v56 =	vld [tilespmem:s26+$0x0]  }
0x518: {  	s24 =	simm.s32 $0x100;
	s31 =	simm.s32 $0x20;
	s0 =	sor.u32 s25, s0;
	v58 =	vld [tilespmem:s1+$0x0]  }
0x519: {  	v57 =	vimm.f32 $+Inf;
	s1 =	sor.u32 s25, s28;
	s26 =	sand.u32 $0x60, s31;
	s28 =	sand.u32 $0x1C00, s24  }
0x51a: {  	v60 =	vld [tilespmem:s0+$0x0];
	s31 =	sadd.s32 $0xE680, s28;
	s24 =	sor.u32 $0x10, s26;
	vm0 =	vlt.f32 v28, v57;
	vm3 =	vlt.f32 v33, v57  }
0x51b: {  	v42 =	vld [tilespmem:s1+$0x0];
	s25 =	sor.u32 s24, s31;
	v59 =	vsel vm0, v28, v57;
	v61 =	vsel vm0, v29, v29;
	v28 =	vadd.s32 $0x10, v29  }
0x51c: {  	s1 =	sor.u32 s26, s31;
	s31 =	sadd.s32 $0xE700, s28;
	v32 =	vld [tilespmem:s25+$0x0];
	v33 =	vsel vm3, v33, v57;
	v44 =	vsel vm3, v29, v29;
	vm0 =	vlt.f32 v30, v59  }
0x51d: {  	v40 =	vld [tilespmem:s1+$0x0];
	s1 =	sor.u32 s24, s31;
	vm15 =	vlt.f32 v56, v57;
	vm5 =	vlt.f32 v58, v57;
	vm2 =	vlt.f32 v31, v33  }
0x51e: {  	s30 =	sadd.s32 $0xE780, s28;
	s31 =	sor.u32 s26, s31;
	v39 =	vld [tilespmem:s1+$0x0];
	v38 =	vsel vm0, v30, v59;
	v36 =	vsel vm0, v28, v61;
	v30 =	vadd.s32 $0x20, v29  }
0x51f: {  	s29 =	sadd.s32 $0xE800, s28;
	v34 =	vld [tilespmem:s31+$0x0];
	s1 =	sor.u32 s26, s30;
	v62 =	vsel vm15, v56, v57;
	v63 =	vsel vm5, v58, v57;
	v41 =	vsel vm2, v31, v33  }
0x520: {  	s28 =	simm.s32 $0x40;
	s31 =	sor.u32 s26, s29;
	v35 =	vld [tilespmem:s1+$0x0];
	v43 =	vsel vm15, v29, v29;
	vm1 =	vlt.f32 v42, v62;
	vm0 =	vlt.f32 v60, v63  }
0x521: {  	s25 =	simm.s32 $0x2;
	s30 =	sor.u32 s24, s30;
	s26 =	simm.s32 $0x200;
	v33 =	vld [tilespmem:s31+$0x0];
	v37 =	vsel vm1, v42, v62;
	v31 =	vsel vm0, v60, v63;
	v42 =	vsel vm5, v29, v29;
	v29 =	vmovc v30  }
.LBB2_33:
0x522: {  	s0 =	sand.u32 $0x60, s28;
	s1 =	sand.u32 $0x1C00, s26;
	vm3 =	vlt.f32 v40, v38;
	v45 =	vld [tilespmem:s30+$0x0];
	s29 =	sor.u32 s24, s29;
	v43 =	vsel vm1, v28, v43;
	v42 =	vsel vm0, v28, v42  }
0x523: {  	v44 =	vsel vm2, v28, v44;
	s30 =	sadd.s32 $0xE680, s1;
	s24 =	sor.u32 $0x10, s0;
	v38 =	vsel vm3, v40, v38;
	v36 =	vsel vm3, v30, v36;
	v46 =	vld [tilespmem:s29+$0x0];
	v47 =	vmovc v39  }
0x524: {  	v28 =	vadd.s32 $0x10, v30;
	s25 =	sadd.s32 $0x2, s25;
	s29 =	sor.u32 s24, s30;
	vm0 =	vlt.f32 v32, v38  }
0x525: {  	s31 =	sadd.s32 $0xE700, s1;
	v30 =	vadd.s32 $0x20, v30;
	p1 =	slt.u32 s25, $0x3C;
	s30 =	sor.u32 s0, s30;
	v38 =	vsel vm0, v32, v38;
	v32 =	vld [tilespmem:s29+$0x0];
	v36 =	vsel vm0, v28, v36  }
.Ltmp17:
0x526: {  	vm3 =	vlt.f32 v34, v41;
	s29 =	sor.u32 s24, s31;
	vm4 =	vlt.f32 v35, v37;
	v40 =	vld [tilespmem:s30+$0x0];
	vm5 =	vlt.f32 v33, v31;
	(pc) =	sbr.rel @p1 .LBB2_33-.Ltmp17, $4  }
0x527: {  	v41 =	vsel vm3, v34, v41;
	s30 =	sor.u32 s0, s31;
	s31 =	sadd.s32 $0xE780, s1;
	v37 =	vsel vm4, v35, v37;
	v39 =	vld [tilespmem:s29+$0x0];
	v31 =	vsel vm5, v33, v31  }
0x528: {  	vm2 =	vlt.f32 v47, v41;
	s29 =	sadd.s32 $0xE800, s1;
	vm1 =	vlt.f32 v45, v37;
	v34 =	vld [tilespmem:s30+$0x0];
	s30 =	sor.u32 s0, s31;
	vm0 =	vlt.f32 v46, v31  }
0x529: {  	v41 =	vsel vm2, v47, v41;
	s0 =	sor.u32 s0, s29;
	v37 =	vsel vm1, v45, v37;
	v35 =	vld [tilespmem:s30+$0x0];
	v31 =	vsel vm0, v46, v31  }
0x52a: {  	s26 =	sadd.s32 $0x100, s26;
	s28 =	sadd.s32 $0x20, s28;
	v44 =	vsel vm3, v29, v44;
	v43 =	vsel vm4, v29, v43;
	v42 =	vsel vm5, v29, v42;
	v29 =	vmovc v30;
	s30 =	sor.u32 s24, s31;
	v33 =	vld [tilespmem:s0+$0x0]  }
0x52b: {  	v45 =	vld [tilespmem:$0x102D8]  }
0x52c: {  	vm3 =	vlt.f32 v40, v38  }
0x52d: {  	v38 =	vsel vm3, v40, v38  }
0x52e: {  	vm4 =	vlt.f32 v32, v38  }
0x52f: {  	v32 =	vsel vm4, v32, v38  }
0x530: {  	v57 =	vadd.s32 $0x10, v30;
	v36 =	vsel vm3, v30, v36;
	vm9 =	vlt.f32 v45, v32  }
0x531: {  	v56 =	vld [tilespmem:s30+$0x0];
	s0 =	sor.u32 s24, s29;
	v36 =	vsel vm4, v57, v36;
	v32 =	vsel vm9, v45, v32  }
0x532: {  	v58 =	vld [tilespmem:s0+$0x0];
	v36 =	vsel vm9, v7, v36;
	[tilespmem:v8+s17+$0x0] =	vst.idx.msk $0xffff, v32  }
0x533: {  	[tilespmem:v8+s18+$0x0] =	vst.idx.msk $0xffff, v36  }
0x534: {  	v8 =	vld [tilespmem:$0x10358]  }
0x535: {  	vm10 =	vlt.f32 v34, v41  }
0x536: {  	v59 =	vsel vm10, v34, v41  }
0x537: {  	vm11 =	vlt.f32 v39, v59  }
0x538: {  	v60 =	vsel vm2, v28, v44;
	v32 =	vsel vm11, v39, v59  }
0x539: {  	v34 =	vsel vm10, v29, v60;
	vm12 =	vlt.f32 v8, v32  }
0x53a: {  	v34 =	vsel vm11, v57, v34;
	v8 =	vsel vm12, v8, v32  }
0x53b: {  	v61 =	vsel vm12, v7, v34;
	[tilespmem:v9+s17+$0x0] =	vst.idx.msk $0xffff, v8  }
0x53c: {  	[tilespmem:v9+s18+$0x0] =	vst.idx.msk $0xffff, v61  }
0x53d: {  	v8 =	vld [tilespmem:$0x103D8]  }
0x53e: {  	vm13 =	vlt.f32 v35, v37  }
0x53f: {  	v62 =	vsel vm13, v35, v37  }
0x540: {  	vm14 =	vlt.f32 v56, v62  }
0x541: {  	v63 =	vsel vm1, v28, v43;
	v9 =	vsel vm14, v56, v62  }
0x542: {  	v32 =	vsel vm13, v29, v63;
	vm15 =	vlt.f32 v8, v9  }
0x543: {  	v32 =	vsel vm14, v57, v32;
	v8 =	vsel vm15, v8, v9  }
0x544: {  	v32 =	vsel vm15, v7, v32;
	[tilespmem:v10+s17+$0x0] =	vst.idx.msk $0xffff, v8  }
0x545: {  	[tilespmem:v10+s18+$0x0] =	vst.idx.msk $0xffff, v32  }
0x546: {  	v8 =	vld [tilespmem:$0x10458]  }
0x547: {  	vm4 =	vlt.f32 v33, v31  }
0x548: {  	v33 =	vsel vm4, v33, v31  }
0x549: {  	vm5 =	vlt.f32 v58, v33  }
0x54a: {  	v34 =	vsel vm0, v28, v42;
	v9 =	vsel vm5, v58, v33  }
0x54b: {  	v10 =	vsel vm4, v29, v34;
	vm6 =	vlt.f32 v8, v9  }
0x54c: {  	v10 =	vsel vm5, v57, v10;
	v8 =	vsel vm6, v8, v9  }
0x54d: {  	v7 =	vsel vm6, v7, v10;
	[tilespmem:v11+s17+$0x0] =	vst.idx.msk $0xffff, v8  }
0x54e: {  	[tilespmem:v11+s18+$0x0] =	vst.idx.msk $0xffff, v7  }
0x54f: {  	v7 =	vld.idx.msk [tilespmem:v12+s17+$0x0], $0xffff  }
0x550: {  	v8 =	vld.idx.msk [tilespmem:v12+s18+$0x0], $0xffff  }
0x551: {  	v35 =	vld.idx.msk [tilespmem:v18+s17+$0x0], $0xffff  }
0x552: {  	v36 =	vld.idx.msk [tilespmem:v18+s18+$0x0], $0xffff;
	_ =	sdelay $0x2  }
0x553: {  	v11 =	vld.idx.msk [tilespmem:v23+s17+$0x0], $0xffff  }
0x554: {  	v37 =	vld.idx.msk [tilespmem:v23+s18+$0x0], $0xffff  }
0x555: {  	vm7 =	veq.f32 v35, v7;
	vm8 =	vlt.s32 v36, v8  }
0x556: {  	vm9 =	vlt.f32 v35, v7;
	vm0 =	vmand vm7, vm8  }
0x557: {  	v38 =	vld.idx.msk [tilespmem:v15+s17+$0x0], $0xffff;
	vm0 =	vmor vm9, vm0  }
0x558: {  	v39 =	vld.idx.msk [tilespmem:v15+s18+$0x0], $0xffff;
	v7 =	vsel vm0, v35, v7;
	v8 =	vsel vm0, v36, v8  }
0x559: {  	vm10 =	veq.f32 v11, v7;
	vm11 =	vlt.s32 v37, v8  }
0x55a: {  	vm12 =	vlt.f32 v11, v7;
	vm0 =	vmand vm10, vm11  }
0x55b: {  	v40 =	vld.idx.msk [tilespmem:v13+s17+$0x0], $0xffff;
	vm0 =	vmor vm12, vm0  }
0x55c: {  	v41 =	vld.idx.msk [tilespmem:v13+s18+$0x0], $0xffff;
	v7 =	vsel vm0, v11, v7;
	v8 =	vsel vm0, v37, v8  }
0x55d: {  	vm13 =	veq.f32 v38, v7;
	vm14 =	vlt.s32 v39, v8  }
0x55e: {  	vm15 =	vlt.f32 v38, v7;
	vm0 =	vmand vm13, vm14  }
0x55f: {  	v42 =	vld.idx.msk [tilespmem:v14+s17+$0x0], $0xffff;
	vm0 =	vmor vm15, vm0  }
0x560: {  	v43 =	vld.idx.msk [tilespmem:v14+s18+$0x0], $0xffff;
	v7 =	vsel vm0, v38, v7;
	v8 =	vsel vm0, v39, v8  }
0x561: {  	vm4 =	veq.f32 v40, v7;
	vm5 =	vlt.s32 v41, v8  }
0x562: {  	vm6 =	vlt.f32 v40, v7;
	vm0 =	vmand vm4, vm5  }
0x563: {  	v44 =	vld.idx.msk [tilespmem:v16+s17+$0x0], $0xffff;
	vm0 =	vmor vm6, vm0  }
0x564: {  	v45 =	vld.idx.msk [tilespmem:v16+s18+$0x0], $0xffff;
	v7 =	vsel vm0, v40, v7;
	v8 =	vsel vm0, v41, v8  }
0x565: {  	vm7 =	veq.f32 v42, v7;
	vm8 =	vlt.s32 v43, v8  }
0x566: {  	vm9 =	vlt.f32 v42, v7;
	vm0 =	vmand vm7, vm8  }
0x567: {  	v46 =	vld.idx.msk [tilespmem:v17+s17+$0x0], $0xffff;
	vm0 =	vmor vm9, vm0  }
0x568: {  	v47 =	vld.idx.msk [tilespmem:v17+s18+$0x0], $0xffff;
	v7 =	vsel vm0, v42, v7;
	v8 =	vsel vm0, v43, v8  }
0x569: {  	vm10 =	veq.f32 v44, v7;
	vm11 =	vlt.s32 v45, v8  }
0x56a: {  	vm12 =	vlt.f32 v44, v7;
	vm0 =	vmand vm10, vm11  }
0x56b: {  	v48 =	vld.idx.msk [tilespmem:v19+s17+$0x0], $0xffff;
	vm0 =	vmor vm12, vm0  }
0x56c: {  	v49 =	vld.idx.msk [tilespmem:v19+s18+$0x0], $0xffff;
	v7 =	vsel vm0, v44, v7;
	v8 =	vsel vm0, v45, v8  }
0x56d: {  	vm13 =	veq.f32 v46, v7;
	vm14 =	vlt.s32 v47, v8  }
0x56e: {  	vm15 =	vlt.f32 v46, v7;
	vm0 =	vmand vm13, vm14  }
0x56f: {  	v50 =	vld.idx.msk [tilespmem:v20+s17+$0x0], $0xffff;
	vm0 =	vmor vm15, vm0  }
0x570: {  	v51 =	vld.idx.msk [tilespmem:v20+s18+$0x0], $0xffff;
	v7 =	vsel vm0, v46, v7;
	v8 =	vsel vm0, v47, v8  }
0x571: {  	vm4 =	veq.f32 v48, v7;
	vm5 =	vlt.s32 v49, v8  }
0x572: {  	vm6 =	vlt.f32 v48, v7;
	vm0 =	vmand vm4, vm5  }
0x573: {  	v52 =	vld.idx.msk [tilespmem:v21+s17+$0x0], $0xffff;
	vm0 =	vmor vm6, vm0  }
0x574: {  	v53 =	vld.idx.msk [tilespmem:v21+s18+$0x0], $0xffff;
	v7 =	vsel vm0, v48, v7;
	v8 =	vsel vm0, v49, v8  }
0x575: {  	vm7 =	veq.f32 v50, v7;
	vm8 =	vlt.s32 v51, v8  }
0x576: {  	vm9 =	vlt.f32 v50, v7;
	vm0 =	vmand vm7, vm8  }
0x577: {  	v54 =	vld.idx.msk [tilespmem:v22+s17+$0x0], $0xffff;
	vm0 =	vmor vm9, vm0  }
0x578: {  	v55 =	vld.idx.msk [tilespmem:v22+s18+$0x0], $0xffff;
	v7 =	vsel vm0, v50, v7;
	v8 =	vsel vm0, v51, v8  }
0x579: {  	vm10 =	veq.f32 v52, v7;
	vm11 =	vlt.s32 v53, v8  }
0x57a: {  	vm12 =	vlt.f32 v52, v7;
	vm0 =	vmand vm10, vm11  }
0x57b: {  	v56 =	vld.idx.msk [tilespmem:v24+s17+$0x0], $0xffff;
	vm0 =	vmor vm12, vm0  }
0x57c: {  	v57 =	vld.idx.msk [tilespmem:v24+s18+$0x0], $0xffff;
	v7 =	vsel vm0, v52, v7;
	v8 =	vsel vm0, v53, v8  }
0x57d: {  	vm13 =	veq.f32 v54, v7;
	vm14 =	vlt.s32 v55, v8  }
0x57e: {  	vm15 =	vlt.f32 v54, v7;
	vm0 =	vmand vm13, vm14  }
0x57f: {  	v58 =	vld.idx.msk [tilespmem:v25+s17+$0x0], $0xffff;
	vm0 =	vmor vm15, vm0  }
0x580: {  	v59 =	vld.idx.msk [tilespmem:v25+s18+$0x0], $0xffff;
	v7 =	vsel vm0, v54, v7;
	v8 =	vsel vm0, v55, v8  }
0x581: {  	vm4 =	veq.f32 v56, v7;
	vm5 =	vlt.s32 v57, v8  }
0x582: {  	vm6 =	vlt.f32 v56, v7;
	vm0 =	vmand vm4, vm5  }
0x583: {  	v60 =	vld.idx.msk [tilespmem:v26+s17+$0x0], $0xffff;
	vm0 =	vmor vm6, vm0  }
0x584: {  	v61 =	vld.idx.msk [tilespmem:v26+s18+$0x0], $0xffff;
	v7 =	vsel vm0, v56, v7;
	v8 =	vsel vm0, v57, v8  }
0x585: {  	vm7 =	veq.f32 v58, v7;
	vm8 =	vlt.s32 v59, v8  }
0x586: {  	vm9 =	vlt.f32 v58, v7;
	vm0 =	vmand vm7, vm8  }
0x587: {  	v62 =	vld.idx.msk [tilespmem:v27+s17+$0x0], $0xffff;
	vm0 =	vmor vm9, vm0  }
0x588: {  	v63 =	vld.idx.msk [tilespmem:v27+s18+$0x0], $0xffff;
	v7 =	vsel vm0, v58, v7;
	v8 =	vsel vm0, v59, v8  }
0x589: {  	vm10 =	veq.f32 v60, v7;
	vm11 =	vlt.s32 v61, v8  }
0x58a: {  	vm12 =	vlt.f32 v60, v7;
	vm0 =	vmand vm10, vm11  }
0x58b: {  	vm0 =	vmor vm12, vm0  }
0x58c: {  	v7 =	vsel vm0, v60, v7;
	v8 =	vsel vm0, v61, v8  }
0x58d: {  	vm13 =	veq.f32 v62, v7;
	vm14 =	vlt.s32 v63, v8  }
0x58e: {  	vm15 =	vlt.f32 v62, v7;
	vm0 =	vmand vm13, vm14  }
0x58f: {  	vm0 =	vmor vm15, vm0  }
0x590: {  	v8 =	vsel vm0, v63, v8;
	_ =	sdelay $0x4  }
0x591: {  	v8 =	vld.idx.msk [tilespmem:v8+s2+$0x0], $0xffff;
	_ =	sdelay $0x1  }
.Ltmp18:
0x592: {  	_ = 	snop;
	(pc) =	sbr.rel @p0 .LBB2_36-.Ltmp18, $4  }
0x593: {  	v7 =	vsel vm0, v62, v7  }
0x594: {  	vm0 =	vlt.f32 v7, v5  }
0x595: {  	v7 =	vsel vm0, v8, v6  }
0x596: {  	[tilespmem:s23+$0x104B0] =	vst v7  }
.Ltmp19:
0x597: {  	(pc) =	sbr.rel .LBB2_2-.Ltmp19, $4  }
0x598: {  	s0 =	sadd.s32 s23, s9  }
0x599: {  	s0 =	sshll.u32 s0, $0x7  }
0x59a: {  	s22 =	sadd.s32 $0x1, s22;
	s0 =	sadd.s32 s3, s0  }
0x59b: {  	[tilespmem:s15], [sflag:$0x2] =	stream.linear.gather [hbm4b:s0+s2], $0x8000, $0x38;
	[tilespmem:$0x10980] =	vst v63  }
.LBB2_37:
0x59c: {  	_ =	sfence.sel $0x180000  }
0x59d: {  	[bflag:$0x0] =	sbarrier.arrive $0xFFFF  }
0x59e: {  	_ =	strace $0x90000047  }
0x59f: {  	s0 =	stileid.u32;
	[bflag:$0x2] =	sbarrier.arrive $0xFFFF  }
0x5a0: {  	p0 =	sne.s32 s0, $0x0;
	s0 =	rddreg [dreg:$0x2]  }
0x5a1: {  	s0 =	sadd.s32 @!p0 $0x100000, s0  }
0x5a2: {  	[sflag:s0] =	ssyncadd.tile.s32 @!p0 $0x1;
	_ =	shalt  }
.Lfunc_end2:
_tile_overlayer_lowered:
.L_overlay_start_2:
0x5a3: {  	(tag) =	ssettag $0x2  }
0x5a4: {  	s0 =	rddreg [dreg:$0x0];
	s2 =	stileid.u32  }
0x5a5: {  	s1 =	rddreg [dreg:$0x1];
	p0 =	sne.s32 s2, $0x0  }
0x5a6: {  	s3 =	rddreg [dreg:$0x2];
	[bflag:$0x3] =	sbarrier.arrive $0xFFFF;
	s2 =	simm.s32 @!p0 $0x1C03  }
0x5a7: {  	[timem:s3], [sflag:s2] =	dma.local @!p0 [hbm:s0], s1  }
0x5a8: {  	s0 =	simm.s32 @!p0 $0x3  }
0x5a9: {  	_ =	swait.ge @!p0 [sflag:s0], s1  }
0x5aa: {  	s1 =	ssub.s32 @!p0 $0x0, s1;
	[sflag:s0] =	ssyncset.done @!p0 $0x0  }
0x5ab: {  	[sflag:s0] =	ssyncadd.s32 @!p0 s1  }
0x5ac: {  	[bflag:$0x3] =	sbarrier.arrive $0xFFFF  }
0x5ad: {  	_ =	shalt  }

</sc_bundles>
